<compile_context>
chip_gen: v7x
topology: tpu7x:2x2x1
jax: 0.10.2.dev20260603
libtpu: 0.0.44.dev20260713+nightly
codegen_flags: <defaults>
</compile_context>

<pallas_src>
import functools

import jax
import jax.numpy as jnp
import numpy as np
from jax import lax
from jax.experimental import pallas as pl
from jax.experimental.pallas import tpu as pltpu
from jax.experimental.pallas import tpu_sc as plsc

SAMPLE_RATE = 0.2
MAX_CONDITION_NUM = 1000000.0
EPS = 1e-4

NBINS = 4096
NTEC = 32
CAND_CAP = 512
CHUNK = 16384

@functools.cache
def _mesh():
    return plsc.VectorSubcoreMesh(core_axis_name="c", subcore_axis_name="s")


def _wid():
    return lax.axis_index("s") * 2 + lax.axis_index("c")


def _hist_body(per_tec, nchunk, conf_hbm, out_hbm, buf, hist):
    c16 = np.int32(16)
    wid = _wid()
    base = wid * np.int32(per_tec)
    zeros16 = jnp.zeros((16,), jnp.int32)

    def zbody(i, carry):
        hist[pl.ds(i * c16, 16)] = zeros16
        return carry

    lax.fori_loop(0, NBINS * 16 // 16, zbody, 0)

    laneoff = lax.iota(jnp.int32, 16) * np.int32(NBINS)
    ones16 = jnp.ones((16,), jnp.int32)
    scale = jnp.float32(NBINS)

    def chunk_body(ci, carry):
        pltpu.sync_copy(
            conf_hbm.at[pl.ds(base + ci * np.int32(CHUNK), CHUNK)], buf)

        def grp(gi, c2):
            for j in range(4):
                v = buf[pl.ds(gi * np.int32(64) + np.int32(j * 16), 16)]
                bin_ = (v * scale).astype(jnp.int32)
                addr = laneoff + bin_
                plsc.addupdate_scatter(hist, [addr], ones16)
            return c2

        lax.fori_loop(0, CHUNK // 64, grp, 0)
        return carry

    lax.fori_loop(0, nchunk, chunk_body, 0)
    pltpu.sync_copy(hist, out_hbm.at[wid])


def _hist_call(conf_flat, per_tec):
    nchunk = per_tec // CHUNK
    kfn = functools.partial(
        pl.kernel,
        out_type=jax.ShapeDtypeStruct((NTEC, NBINS * 16), jnp.int32),
        mesh=_mesh(),
        scratch_types=[
            pltpu.VMEM((CHUNK,), jnp.float32),
            pltpu.VMEM((NBINS * 16,), jnp.int32),
        ],
        compiler_params=pltpu.CompilerParams(needs_layout_passes=False),
    )(functools.partial(_hist_body, per_tec, nchunk))
    return kfn(conf_flat)


def _thr_body(bsize, k_static, hist_ref, srcm_ref, tgtm_ref, thr_ref):
    h = hist_ref[...]
    h = jnp.sum(h.reshape(NTEC, 16, NBINS), axis=1)
    h8 = jnp.sum(h.reshape(bsize, NTEC // bsize, NBINS), axis=1)

    rc = h8
    s = 1
    while s < NBINS:
        rc = rc + jnp.concatenate(
            [rc[:, s:], jnp.zeros((bsize, s), jnp.int32)], axis=1)
        s *= 2

    srclen = jnp.sum(srcm_ref[...], axis=1)
    tgtlen = jnp.sum(tgtm_ref[...], axis=1)
    entry = jnp.maximum(srclen, tgtlen).astype(jnp.float32) * jnp.float32(
        SAMPLE_RATE)
    k = jnp.minimum(entry.astype(jnp.int32), k_static)

    jidx = lax.broadcasted_iota(jnp.int32, (bsize, NBINS), 1)
    selm = rc >= k[:, None]
    L = jnp.max(jnp.where(selm, jidx, -1), axis=1)
    onehot = jidx == L[:, None]
    nb = jnp.sum(jnp.where(onehot, h8, 0), axis=1)
    rcL = jnp.sum(jnp.where(onehot, rc, 0), axis=1)
    ca = rcL - nb
    need = k - ca

    inv = jnp.float32(1.0 / NBINS)
    u = (L + 1).astype(jnp.float32) * inv
    lo = L.astype(jnp.float32) * inv

    cols = jnp.concatenate(
        [u[:, None], lo[:, None], ca.astype(jnp.float32)[:, None],
         need.astype(jnp.float32)[:, None], k.astype(jnp.float32)[:, None],
         jnp.zeros((bsize, 123), jnp.float32)], axis=1)
    thr_ref[...] = cols


def _thr_call(hists, srcm, tgtm):
    bsize = srcm.shape[0]
    n_total = max(srcm.shape[1], tgtm.shape[1])
    k_static = int(np.int32(np.float32(n_total) * np.float32(SAMPLE_RATE)))
    return pl.pallas_call(
        functools.partial(_thr_body, bsize, k_static),
        out_shape=jax.ShapeDtypeStruct((bsize, 128), jnp.float32),
    )(hists, srcm, tgtm)


def _cand_body(per_tec, nchunk, nm, mcols, tpb, conf_hbm, srcT_hbm, tgtT_hbm,
               thru_hbm, thrlo_hbm, cand_hbm, cidx_hbm, cnt_hbm,
               buf, x0, x1, x2, y0, y1, y2, cv, cix,
               g0, g1, g2, g3, g4, g5, thru_v, thrlo_v, cnt_v):
    c16 = np.int32(16)
    wid = _wid()
    b = wid // np.int32(tpb)
    base = wid * np.int32(per_tec)
    offq = base - b * np.int32(nm)

    cm = np.int32(mcols)
    b3 = b * np.int32(3)
    pltpu.sync_copy(thru_hbm.at[pl.ds(b * c16, 16)], thru_v)
    pltpu.sync_copy(thrlo_hbm.at[pl.ds(b * c16, 16)], thrlo_v)
    pltpu.sync_copy(srcT_hbm.at[pl.ds((b3 + np.int32(0)) * cm, mcols)], x0)
    pltpu.sync_copy(srcT_hbm.at[pl.ds((b3 + np.int32(1)) * cm, mcols)], x1)
    pltpu.sync_copy(srcT_hbm.at[pl.ds((b3 + np.int32(2)) * cm, mcols)], x2)
    pltpu.sync_copy(tgtT_hbm.at[pl.ds((b3 + np.int32(0)) * cm, mcols)], y0)
    pltpu.sync_copy(tgtT_hbm.at[pl.ds((b3 + np.int32(1)) * cm, mcols)], y1)
    pltpu.sync_copy(tgtT_hbm.at[pl.ds((b3 + np.int32(2)) * cm, mcols)], y2)

    negones = jnp.full((16,), -1.0, jnp.float32)
    zeros16 = jnp.zeros((16,), jnp.int32)

    def ibody(i, carry):
        cv[pl.ds(i * c16, 16)] = negones
        cix[pl.ds(i * c16, 16)] = zeros16
        return carry

    lax.fori_loop(0, CAND_CAP // 16, ibody, 0)

    uvec = thru_v[...]
    lovec = thrlo_v[...]
    lanes = lax.iota(jnp.int32, 16)

    def chunk_body(ci, cnt):
        pltpu.sync_copy(
            conf_hbm.at[pl.ds(base + ci * np.int32(CHUNK), CHUNK)], buf)

        def grp(gi, c2):
            for j in range(4):
                off = gi * np.int32(64) + np.int32(j * 16)
                v = buf[pl.ds(off, 16)]
                m = v >= lovec
                csum = plsc.cumsum(m.astype(jnp.int32))
                pos = jnp.minimum(c2 + csum - np.int32(1),
                                  np.int32(CAND_CAP - 1))
                plsc.store_scatter(cv, [pos], v, mask=m)
                iv = (offq + ci * np.int32(CHUNK) + off) + lanes
                plsc.store_scatter(cix, [pos], iv, mask=m)
                nsel = jnp.max(csum)
                c2 = jnp.minimum(c2 + nsel, np.int32(CAND_CAP))
            return c2

        return lax.fori_loop(0, CHUNK // 64, grp, cnt)

    cnt = lax.fori_loop(0, nchunk, chunk_body, 0)

    shift = 0
    mm = mcols - 1
    while (1 << shift) < mcols:
        shift += 1

    def gbody(i, carry):
        ii = cix[pl.ds(i * c16, 16)]
        n_i = lax.shift_right_logical(ii, np.int32(shift))
        m_i = jnp.bitwise_and(ii, np.int32(mm))
        g0[pl.ds(i * c16, 16)] = plsc.load_gather(x0, [n_i])
        g1[pl.ds(i * c16, 16)] = plsc.load_gather(x1, [n_i])
        g2[pl.ds(i * c16, 16)] = plsc.load_gather(x2, [n_i])
        g3[pl.ds(i * c16, 16)] = plsc.load_gather(y0, [m_i])
        g4[pl.ds(i * c16, 16)] = plsc.load_gather(y1, [m_i])
        g5[pl.ds(i * c16, 16)] = plsc.load_gather(y2, [m_i])
        return carry

    lax.fori_loop(0, CAND_CAP // 16, gbody, 0)

    cap = np.int32(CAND_CAP)
    ob = wid * np.int32(7 * CAND_CAP)
    pltpu.sync_copy(g0, cand_hbm.at[pl.ds(ob + np.int32(0) * cap, CAND_CAP)])
    pltpu.sync_copy(g1, cand_hbm.at[pl.ds(ob + np.int32(1) * cap, CAND_CAP)])
    pltpu.sync_copy(g2, cand_hbm.at[pl.ds(ob + np.int32(2) * cap, CAND_CAP)])
    pltpu.sync_copy(g3, cand_hbm.at[pl.ds(ob + np.int32(3) * cap, CAND_CAP)])
    pltpu.sync_copy(g4, cand_hbm.at[pl.ds(ob + np.int32(4) * cap, CAND_CAP)])
    pltpu.sync_copy(g5, cand_hbm.at[pl.ds(ob + np.int32(5) * cap, CAND_CAP)])
    pltpu.sync_copy(cv, cand_hbm.at[pl.ds(ob + np.int32(6) * cap, CAND_CAP)])
    pltpu.sync_copy(cix, cidx_hbm.at[pl.ds(wid * cap, CAND_CAP)])
    cnt_v[...] = jnp.zeros((16,), jnp.int32) + cnt
    pltpu.sync_copy(cnt_v, cnt_hbm.at[pl.ds(wid * c16, 16)])


def _cand_call(conf_flat, srcT, tgtT, thru, thrlo, per_tec, nm, mcols, tpb):
    nchunk = per_tec // CHUNK
    kfn = functools.partial(
        pl.kernel,
        out_type=(
            jax.ShapeDtypeStruct((NTEC * 7 * CAND_CAP,), jnp.float32),
            jax.ShapeDtypeStruct((NTEC * CAND_CAP,), jnp.int32),
            jax.ShapeDtypeStruct((NTEC * 16,), jnp.int32),
        ),
        mesh=_mesh(),
        scratch_types=[
            pltpu.VMEM((CHUNK,), jnp.float32),
            pltpu.VMEM((mcols,), jnp.float32),
            pltpu.VMEM((mcols,), jnp.float32),
            pltpu.VMEM((mcols,), jnp.float32),
            pltpu.VMEM((mcols,), jnp.float32),
            pltpu.VMEM((mcols,), jnp.float32),
            pltpu.VMEM((mcols,), jnp.float32),
            pltpu.VMEM((CAND_CAP,), jnp.float32),
            pltpu.VMEM((CAND_CAP,), jnp.int32),
            pltpu.VMEM((CAND_CAP,), jnp.float32),
            pltpu.VMEM((CAND_CAP,), jnp.float32),
            pltpu.VMEM((CAND_CAP,), jnp.float32),
            pltpu.VMEM((CAND_CAP,), jnp.float32),
            pltpu.VMEM((CAND_CAP,), jnp.float32),
            pltpu.VMEM((CAND_CAP,), jnp.float32),
            pltpu.VMEM((16,), jnp.float32),
            pltpu.VMEM((16,), jnp.float32),
            pltpu.VMEM((16,), jnp.int32),
        ],
        compiler_params=pltpu.CompilerParams(needs_layout_passes=False),
    )(functools.partial(_cand_body, per_tec, nchunk, nm, mcols, tpb))
    return kfn(conf_flat, srcT, tgtT, thru, thrlo)


def _dot3(a, b):
    return a[0] * b[0] + a[1] * b[1] + a[2] * b[2]


def _fin_body(ncand, p_ref, i_ref, thr_ref, out_ref):
    b = pl.program_id(0)

    pts = p_ref[0]
    v = pts[6, :]
    valid = pts[7, :] > 0.5
    ii = i_ref[0, 0]
    need = thr_ref[b, 4].astype(jnp.int32)

    va = v[:, None]
    vb = v[None, :]
    ia = ii[:, None]
    ib = ii[None, :]
    beats = jnp.logical_or(vb > va,
                           jnp.logical_and(vb == va, ib < ia))
    beats = jnp.logical_and(beats, valid[None, :])
    rank = jnp.sum(beats.astype(jnp.int32), axis=1)
    sel = jnp.logical_and(valid, rank < need)
    w = jnp.where(sel, v, 0.0)

    x = [pts[0, :], pts[1, :], pts[2, :]]
    y = [pts[3, :], pts[4, :], pts[5, :]]

    s0 = jnp.sum(w)
    wn = w / (s0 + EPS)
    mx = [jnp.sum(wn * x[c]) for c in range(3)]
    my = [jnp.sum(wn * y[a]) for a in range(3)]
    yc = [((y[a] - my[a]) * valid.astype(jnp.float32)).astype(
        jnp.bfloat16).astype(jnp.float32) for a in range(3)]
    pc = [(wn * (x[c] - mx[c])).astype(
        jnp.bfloat16).astype(jnp.float32) for c in range(3)]
    A = [[jnp.sum(yc[a] * pc[c]) for c in range(3)] for a in range(3)]
    sx = [mx[c] for c in range(3)]
    sy = [my[a] for a in range(3)]

    Bc = [[A[0][c], A[1][c], A[2][c]] for c in range(3)]
    Vc = [[jnp.float32(1.0 * (r == c)) for r in range(3)] for c in range(3)]
    for _ in range(8):
        for (p, q) in ((0, 1), (0, 2), (1, 2)):
            app = _dot3(Bc[p], Bc[p])
            aqq = _dot3(Bc[q], Bc[q])
            apq = _dot3(Bc[p], Bc[q])
            denom = 2.0 * apq
            safe = jnp.where(denom == 0.0, 1.0, denom)
            tau = (aqq - app) / safe
            t = jnp.sign(tau) / (jnp.abs(tau) + jnp.sqrt(1.0 + tau * tau))
            t = jnp.where(denom == 0.0, 0.0, t)
            c_ = lax.rsqrt(1.0 + t * t)
            s_ = t * c_
            for r in range(3):
                bp, bq = Bc[p][r], Bc[q][r]
                Bc[p][r] = c_ * bp - s_ * bq
                Bc[q][r] = s_ * bp + c_ * bq
                vp, vq = Vc[p][r], Vc[q][r]
                Vc[p][r] = c_ * vp - s_ * vq
                Vc[q][r] = s_ * vp + c_ * vq

    sig = [jnp.sqrt(_dot3(Bc[c], Bc[c])) for c in range(3)]
    Uc = [[Bc[c][r] / (sig[c] + 1e-30) for r in range(3)] for c in range(3)]

    R0 = [[sum(Uc[c][r] * Vc[c][rv] for c in range(3)) for rv in range(3)]
          for r in range(3)]
    det = (R0[0][0] * (R0[1][1] * R0[2][2] - R0[1][2] * R0[2][1])
           - R0[0][1] * (R0[1][0] * R0[2][2] - R0[1][2] * R0[2][0])
           + R0[0][2] * (R0[1][0] * R0[2][1] - R0[1][1] * R0[2][0]))

    m0 = jnp.logical_and(sig[0] <= sig[1], sig[0] <= sig[2])
    m1 = jnp.logical_and(jnp.logical_not(m0), sig[1] <= sig[2])
    umin = [jnp.where(m0, Uc[0][r], jnp.where(m1, Uc[1][r], Uc[2][r]))
            for r in range(3)]
    vmin = [jnp.where(m0, Vc[0][r], jnp.where(m1, Vc[1][r], Vc[2][r]))
            for r in range(3)]
    flip = det < 0.0
    R = [[jnp.where(flip, R0[r][rv] - 2.0 * umin[r] * vmin[rv], R0[r][rv])
          for rv in range(3)] for r in range(3)]

    smax = jnp.maximum(sig[0], jnp.maximum(sig[1], sig[2]))
    smin = jnp.minimum(sig[0], jnp.minimum(sig[1], sig[2]))
    cond = smax / smin

    t_vec = [my[r] - (R[r][0] * mx[0] + R[r][1] * mx[1] + R[r][2] * mx[2])
             for r in range(3)]

    flat = [R[0][0], R[0][1], R[0][2],
            R[1][0], R[1][1], R[1][2],
            R[2][0], R[2][1], R[2][2],
            t_vec[0], t_vec[1], t_vec[2], cond,
            jnp.sum(sel.astype(jnp.float32)),
            jnp.sum(valid.astype(jnp.float32)),
            need.astype(jnp.float32),
            s0, sx[0], sy[0], 0.0,
            A[0][0], sig[0], sig[1], sig[2], det]
    vals = jnp.stack(flat)
    out_ref[...] = jnp.concatenate(
        [vals, jnp.zeros((103,), jnp.float32)])[None, None, :]


def _fin_call(P, I, thr):
    bsize = P.shape[0]
    ncand = P.shape[2]
    return pl.pallas_call(
        functools.partial(_fin_body, ncand),
        grid=(bsize,),
        in_specs=[
            pl.BlockSpec((1, 8, ncand), lambda b: (b, 0, 0)),
            pl.BlockSpec((1, 1, ncand), lambda b: (b, 0, 0)),
            pl.BlockSpec(memory_space=pltpu.SMEM),
        ],
        out_specs=pl.BlockSpec((1, 1, 128), lambda b: (b, 0, 0)),
        out_shape=jax.ShapeDtypeStruct((bsize, 1, 128), jnp.float32),
    )(P, I.reshape(bsize, 1, ncand), thr)


def kernel(conf_matrix, src_pcd, tgt_pcd, src_mask, tgt_mask):
    with jax.enable_x64(False):
        return _kernel_impl(conf_matrix, src_pcd, tgt_pcd, src_mask, tgt_mask)


def _kernel_impl(conf_matrix, src_pcd, tgt_pcd, src_mask, tgt_mask):
    conf_matrix = conf_matrix.astype(jnp.float32)
    bsize, n, m = conf_matrix.shape
    nm = n * m
    per_tec = bsize * nm // NTEC

    conf_flat = conf_matrix.reshape(bsize * nm)
    hists = _hist_call(conf_flat, per_tec)

    srcm = src_mask.astype(jnp.int32)
    tgtm = tgt_mask.astype(jnp.int32)
    thr = _thr_call(hists, srcm, tgtm)

    src = src_pcd.astype(jnp.float32)
    tgt = tgt_pcd.astype(jnp.float32)
    thru = jnp.broadcast_to(thr[:, 0:1], (bsize, 16)).reshape(bsize * 16)
    thrlo = jnp.broadcast_to(thr[:, 1:2], (bsize, 16)).reshape(bsize * 16)
    srcT = src.transpose(0, 2, 1).reshape(bsize * 3 * n)
    tgtT = tgt.transpose(0, 2, 1).reshape(bsize * 3 * m)
    tpb = NTEC // bsize
    candf, cidxf, cntsf = _cand_call(conf_flat, srcT, tgtT, thru, thrlo,
                                     per_tec, nm, m, tpb)
    cand = candf.reshape(NTEC, 7, CAND_CAP)
    cidx = cidxf.reshape(NTEC, CAND_CAP)
    cnts = cntsf.reshape(NTEC, 16)
    cnt = cnts[:, 0]
    validm = (jnp.arange(CAND_CAP, dtype=jnp.int32)[None, :]
              < cnt[:, None]).astype(jnp.float32)
    ncand = tpb * CAND_CAP
    pb = cand.reshape(bsize, tpb, 7, CAND_CAP).transpose(0, 2, 1, 3).reshape(
        bsize, 7, ncand)
    vrow = validm.reshape(bsize, tpb, CAND_CAP).reshape(bsize, 1, ncand)
    P = jnp.concatenate([pb, vrow], axis=1)
    I = cidx.reshape(bsize, ncand)

    out = _fin_call(P, I, thr).reshape(bsize, 128)

    R = out[:, 0:9].reshape(bsize, 3, 3)
    t = out[:, 9:12].reshape(bsize, 3, 1)
    condition = out[:, 12]
    solution_mask = condition < MAX_CONDITION_NUM
    eye = jnp.eye(3, dtype=R.dtype)[None]
    zt = jnp.zeros((1, 3, 1), dtype=t.dtype)
    R_forwd = jnp.where(solution_mask[:, None, None], R, eye)
    t_forwd = jnp.where(solution_mask[:, None, None], t, zt)
    return (R, t, R_forwd, t_forwd, condition, solution_mask)

# --- scband reference (transcript-rebuilt; emitter-appended) ---
"""Pipeline reference for scband-soft-procrustes-layer-4105988735896 (READ-ONLY COPY).

The authoritative reference and input builder live on the scoring server;
editing this copy changes nothing except your own understanding.
"""

import jax, jax.numpy as jnp
import numpy as np
jax.config.update("jax_enable_x64", True)

SAMPLE_RATE = 0.2
MAX_CONDITION_NUM = 1000000.0
EPS = 1e-4


def setup_inputs(seed: int = 0) -> dict:
    key = jax.random.key(seed)
    k1, k2, k3 = jax.random.split(key, 3)
    B, N, M = 8, 2048, 2048
    return {
        "conf_matrix": jax.random.uniform(k1, (B, N, M), dtype=jnp.float32),
        "src_pcd": jax.random.normal(k2, (B, N, 3), dtype=jnp.float32),
        "tgt_pcd": jax.random.normal(k3, (B, M, 3), dtype=jnp.float32),
        "src_mask": jnp.ones((B, N), dtype=bool),
        "tgt_mask": jnp.ones((B, M), dtype=bool),
    }


def batch_weighted_procrustes(X, Y, w, eps=EPS):
    bsize = X.shape[0]
    W1 = jnp.abs(w).sum(axis=1, keepdims=True)
    w_norm = w / (W1 + eps)
    mean_X = (w_norm * X).sum(axis=1, keepdims=True)
    mean_Y = (w_norm * Y).sum(axis=1, keepdims=True)
    Sxy = jnp.matmul(jnp.transpose(Y - mean_Y, (0, 2, 1)), w_norm * (X - mean_X))
    Sxy = Sxy.astype(jnp.float64)
    U, D, Vt = jnp.linalg.svd(Sxy, full_matrices=False)
    condition = D.max(axis=1) / D.min(axis=1)
    V = jnp.transpose(Vt, (0, 2, 1))
    UV_det = jnp.linalg.det(U) * jnp.linalg.det(V)
    S = jnp.tile(jnp.eye(3, dtype=jnp.float64)[None], (bsize, 1, 1))
    S = S.at[:, 2, 2].set(UV_det)
    svT = jnp.matmul(S, Vt)
    R = jnp.matmul(U, svT).astype(jnp.float32)
    t = jnp.transpose(mean_Y, (0, 2, 1)) - jnp.matmul(R, jnp.transpose(mean_X, (0, 2, 1)))
    return R, t, condition.astype(jnp.float32)


def reference(conf_matrix, src_pcd, tgt_pcd, src_mask, tgt_mask):
    bsize, N, M = conf_matrix.shape
    src_len = src_mask.sum(axis=1)
    tgt_len = tgt_mask.sum(axis=1)
    entry_max = jnp.maximum(src_len, tgt_len)
    entry_max = (entry_max.astype(jnp.float32) * SAMPLE_RATE).astype(jnp.int32)
    sample_n_points = int(np.int32(np.float32(max(src_mask.shape[1], tgt_mask.shape[1])) * np.float32(SAMPLE_RATE)))
    flat = conf_matrix.reshape(bsize, -1)
    idx_full = jnp.argsort(-flat, axis=1)
    idx = idx_full[:, :sample_n_points]
    w = jnp.take_along_axis(flat, idx, axis=1)
    idx_src = idx // M
    idx_tgt = idx % M
    src_pcd_sampled = jnp.take_along_axis(
        src_pcd, jnp.broadcast_to(idx_src[:, :, None], (bsize, sample_n_points, 3)), axis=1)
    tgt_pcd_sampled = jnp.take_along_axis(
        tgt_pcd, jnp.broadcast_to(idx_tgt[:, :, None], (bsize, sample_n_points, 3)), axis=1)
    w_mask = jnp.arange(sample_n_points)[None, :] < entry_max[:, None]
    w = jnp.where(w_mask, w, 0.0)
    R, t, condition = batch_weighted_procrustes(src_pcd_sampled, tgt_pcd_sampled, w[..., None], EPS)
    solution_mask = condition < MAX_CONDITION_NUM
    eye = jnp.eye(3, dtype=R.dtype)[None]
    zt = jnp.zeros((1, 3, 1), dtype=t.dtype)
    R_forwd = jnp.where(solution_mask[:, None, None], R, eye)
    t_forwd = jnp.where(solution_mask[:, None, None], t, zt)
    return (R, t, R_forwd, t_forwd, condition, solution_mask)

if __name__ == "__main__":
    import jax
    _d = setup_inputs()
    print(jax.jit(kernel)(*tuple(_d.values())))

</pallas_src>

<mosaic_0001>
#map = affine_map<(d0, d1) -> (0)>
module attributes {stable_mosaic.version = 14 : i64} {
  func.func @_cand_body(%arg0: i32, %arg1: i32, %arg2: memref<33554432xf32, #tpu.memory_space<hbm>>, %arg3: memref<49152xf32, #tpu.memory_space<hbm>>, %arg4: memref<49152xf32, #tpu.memory_space<hbm>>, %arg5: memref<128xf32, #tpu.memory_space<hbm>>, %arg6: memref<128xf32, #tpu.memory_space<hbm>>, %arg7: memref<114688xf32, #tpu.memory_space<hbm>>, %arg8: memref<16384xi32, #tpu.memory_space<hbm>>, %arg9: memref<512xi32, #tpu.memory_space<hbm>>, %arg10: memref<16384xf32, #tpu.memory_space<vmem>>, %arg11: memref<2048xf32, #tpu.memory_space<vmem>>, %arg12: memref<2048xf32, #tpu.memory_space<vmem>>, %arg13: memref<2048xf32, #tpu.memory_space<vmem>>, %arg14: memref<2048xf32, #tpu.memory_space<vmem>>, %arg15: memref<2048xf32, #tpu.memory_space<vmem>>, %arg16: memref<2048xf32, #tpu.memory_space<vmem>>, %arg17: memref<512xf32, #tpu.memory_space<vmem>>, %arg18: memref<512xi32, #tpu.memory_space<vmem>>, %arg19: memref<512xf32, #tpu.memory_space<vmem>>, %arg20: memref<512xf32, #tpu.memory_space<vmem>>, %arg21: memref<512xf32, #tpu.memory_space<vmem>>, %arg22: memref<512xf32, #tpu.memory_space<vmem>>, %arg23: memref<512xf32, #tpu.memory_space<vmem>>, %arg24: memref<512xf32, #tpu.memory_space<vmem>>, %arg25: memref<16xf32, #tpu.memory_space<vmem>>, %arg26: memref<16xf32, #tpu.memory_space<vmem>>, %arg27: memref<16xi32, #tpu.memory_space<vmem>>) attributes {dimension_semantics = [#tpu.dimension_semantics<core_parallel>, #tpu.dimension_semantics<subcore_parallel>], iteration_bounds = array<i64: 2, 16>, scalar_prefetch = 0 : i64, scratch_operands = 18 : i64, tpu.core_type = #tpu.core_type<sc_vector_subcore>, window_params = [{transform_indices = #map}, {transform_indices = #map}, {transform_indices = #map}, {transform_indices = #map}, {transform_indices = #map}, {transform_indices = #map}, {transform_indices = #map}, {transform_indices = #map}]} {
    %mul3A = arith.constant 2 : i32
    %mul3A_0 = arith.muli %arg1, %mul3A : i32
    %add3A = arith.addi %mul3A_0, %arg0 : i32
    %jit3A = arith.constant 4 : i32
    %div3A = arith.divsi %add3A, %jit3A : i32
    %sign3A = arith.constant 0 : i32
    %sign3A_1 = arith.cmpi sgt, %add3A, %sign3A : i32
    %sign3A_2 = arith.extui %sign3A_1 : i1 to i32
    %sign3A_3 = arith.constant 0 : i32
    %sign3A_4 = arith.cmpi slt, %add3A, %sign3A_3 : i32
    %sign3A_5 = arith.extui %sign3A_4 : i1 to i32
    %sign3A_6 = arith.subi %sign3A_2, %sign3A_5 : i32
    %sign3A_7 = arith.constant 0 : i32
    %sign3A_8 = arith.cmpi sgt, %jit3A, %sign3A_7 : i32
    %sign3A_9 = arith.extui %sign3A_8 : i1 to i32
    %sign3A_10 = arith.constant 0 : i32
    %sign3A_11 = arith.cmpi slt, %jit3A, %sign3A_10 : i32
    %sign3A_12 = arith.extui %sign3A_11 : i1 to i32
    %sign3A_13 = arith.subi %sign3A_9, %sign3A_12 : i32
    %ne3A = arith.cmpi ne, %sign3A_6, %sign3A_13 : i32
    %rem3A = arith.remsi %add3A, %jit3A : i32
    %ne3A_14 = arith.constant 0 : i32
    %ne3A_15 = arith.cmpi ne, %rem3A, %ne3A_14 : i32
    %and3A = arith.andi %ne3A, %ne3A_15 : i1
    %sub3A = arith.constant 1 : i32
    %sub3A_16 = arith.subi %div3A, %sub3A : i32
    %select_n3A = arith.select %and3A, %sub3A_16, %div3A : i32
    %mul3A_17 = arith.constant 1048576 : i32
    %mul3A_18 = arith.muli %add3A, %mul3A_17 : i32
    %mul3A_19 = arith.constant 4194304 : i32
    %mul3A_20 = arith.muli %select_n3A, %mul3A_19 : i32
    %sub3A_21 = arith.subi %mul3A_18, %mul3A_20 : i32
    %mul3A_22 = arith.constant 3 : i32
    %mul3A_23 = arith.muli %select_n3A, %mul3A_22 : i32
    %mul3A_24 = arith.constant 16 : i32
    %mul3A_25 = arith.muli %select_n3A, %mul3A_24 : i32
    "tpu.region"() ({
      %run_scoped3A = tpu.sem_alloc : memref<!tpu.dma_semaphore, #tpu.memory_space<semaphore_mem>>
      %dma_start3A = tpu.memref_slice %arg5[%mul3A_25] : memref<128xf32, #tpu.memory_space<hbm>> -> memref<16xf32, #tpu.memory_space<hbm>>
      %dma_start3A_101 = tpu.memref_slice %arg5[%mul3A_25] : memref<128xf32, #tpu.memory_space<hbm>> -> memref<16xf32, #tpu.memory_space<hbm>>
      tpu.enqueue_dma source(%dma_start3A_101 : memref<16xf32, #tpu.memory_space<hbm>>) target(%arg25 : memref<16xf32, #tpu.memory_space<vmem>>) target_semaphore(%run_scoped3A : memref<!tpu.dma_semaphore, #tpu.memory_space<semaphore_mem>>)
      %dma_wait3A = tpu.memref_slice %arg5[%mul3A_25] : memref<128xf32, #tpu.memory_space<hbm>> -> memref<16xf32, #tpu.memory_space<hbm>>
      %dma_wait3A_102 = tpu.memref_slice %arg5[%mul3A_25] : memref<128xf32, #tpu.memory_space<hbm>> -> memref<16xf32, #tpu.memory_space<hbm>>
      tpu.wait_dma2 semaphore(%run_scoped3A : memref<!tpu.dma_semaphore, #tpu.memory_space<semaphore_mem>>) src(%dma_wait3A_102 : memref<16xf32, #tpu.memory_space<hbm>>) dst(%arg25 : memref<16xf32, #tpu.memory_space<vmem>>)
      tpu.yield
    }) : () -> ()
    %mul3A_26 = arith.constant 16 : i32
    %mul3A_27 = arith.muli %select_n3A, %mul3A_26 : i32
    "tpu.region"() ({
      %run_scoped3A = tpu.sem_alloc : memref<!tpu.dma_semaphore, #tpu.memory_space<semaphore_mem>>
      %dma_start3A = tpu.memref_slice %arg6[%mul3A_27] : memref<128xf32, #tpu.memory_space<hbm>> -> memref<16xf32, #tpu.memory_space<hbm>>
      %dma_start3A_101 = tpu.memref_slice %arg6[%mul3A_27] : memref<128xf32, #tpu.memory_space<hbm>> -> memref<16xf32, #tpu.memory_space<hbm>>
      tpu.enqueue_dma source(%dma_start3A_101 : memref<16xf32, #tpu.memory_space<hbm>>) target(%arg26 : memref<16xf32, #tpu.memory_space<vmem>>) target_semaphore(%run_scoped3A : memref<!tpu.dma_semaphore, #tpu.memory_space<semaphore_mem>>)
      %dma_wait3A = tpu.memref_slice %arg6[%mul3A_27] : memref<128xf32, #tpu.memory_space<hbm>> -> memref<16xf32, #tpu.memory_space<hbm>>
      %dma_wait3A_102 = tpu.memref_slice %arg6[%mul3A_27] : memref<128xf32, #tpu.memory_space<hbm>> -> memref<16xf32, #tpu.memory_space<hbm>>
      tpu.wait_dma2 semaphore(%run_scoped3A : memref<!tpu.dma_semaphore, #tpu.memory_space<semaphore_mem>>) src(%dma_wait3A_102 : memref<16xf32, #tpu.memory_space<hbm>>) dst(%arg26 : memref<16xf32, #tpu.memory_space<vmem>>)
      tpu.yield
    }) : () -> ()
    %add3A_28 = arith.constant 0 : i32
    %add3A_29 = arith.addi %mul3A_23, %add3A_28 : i32
    %mul3A_30 = arith.constant 2048 : i32
    %mul3A_31 = arith.muli %add3A_29, %mul3A_30 : i32
    "tpu.region"() ({
      %run_scoped3A = tpu.sem_alloc : memref<!tpu.dma_semaphore, #tpu.memory_space<semaphore_mem>>
      %dma_start3A = tpu.memref_slice %arg3[%mul3A_31] : memref<49152xf32, #tpu.memory_space<hbm>> -> memref<2048xf32, #tpu.memory_space<hbm>>
      %dma_start3A_101 = tpu.memref_slice %arg3[%mul3A_31] : memref<49152xf32, #tpu.memory_space<hbm>> -> memref<2048xf32, #tpu.memory_space<hbm>>
      tpu.enqueue_dma source(%dma_start3A_101 : memref<2048xf32, #tpu.memory_space<hbm>>) target(%arg11 : memref<2048xf32, #tpu.memory_space<vmem>>) target_semaphore(%run_scoped3A : memref<!tpu.dma_semaphore, #tpu.memory_space<semaphore_mem>>)
      %dma_wait3A = tpu.memref_slice %arg3[%mul3A_31] : memref<49152xf32, #tpu.memory_space<hbm>> -> memref<2048xf32, #tpu.memory_space<hbm>>
      %dma_wait3A_102 = tpu.memref_slice %arg3[%mul3A_31] : memref<49152xf32, #tpu.memory_space<hbm>> -> memref<2048xf32, #tpu.memory_space<hbm>>
      tpu.wait_dma2 semaphore(%run_scoped3A : memref<!tpu.dma_semaphore, #tpu.memory_space<semaphore_mem>>) src(%dma_wait3A_102 : memref<2048xf32, #tpu.memory_space<hbm>>) dst(%arg11 : memref<2048xf32, #tpu.memory_space<vmem>>)
      tpu.yield
    }) : () -> ()
    %add3A_32 = arith.constant 1 : i32
    %add3A_33 = arith.addi %mul3A_23, %add3A_32 : i32
    %mul3A_34 = arith.constant 2048 : i32
    %mul3A_35 = arith.muli %add3A_33, %mul3A_34 : i32
    "tpu.region"() ({
      %run_scoped3A = tpu.sem_alloc : memref<!tpu.dma_semaphore, #tpu.memory_space<semaphore_mem>>
      %dma_start3A = tpu.memref_slice %arg3[%mul3A_35] : memref<49152xf32, #tpu.memory_space<hbm>> -> memref<2048xf32, #tpu.memory_space<hbm>>
      %dma_start3A_101 = tpu.memref_slice %arg3[%mul3A_35] : memref<49152xf32, #tpu.memory_space<hbm>> -> memref<2048xf32, #tpu.memory_space<hbm>>
      tpu.enqueue_dma source(%dma_start3A_101 : memref<2048xf32, #tpu.memory_space<hbm>>) target(%arg12 : memref<2048xf32, #tpu.memory_space<vmem>>) target_semaphore(%run_scoped3A : memref<!tpu.dma_semaphore, #tpu.memory_space<semaphore_mem>>)
      %dma_wait3A = tpu.memref_slice %arg3[%mul3A_35] : memref<49152xf32, #tpu.memory_space<hbm>> -> memref<2048xf32, #tpu.memory_space<hbm>>
      %dma_wait3A_102 = tpu.memref_slice %arg3[%mul3A_35] : memref<49152xf32, #tpu.memory_space<hbm>> -> memref<2048xf32, #tpu.memory_space<hbm>>
      tpu.wait_dma2 semaphore(%run_scoped3A : memref<!tpu.dma_semaphore, #tpu.memory_space<semaphore_mem>>) src(%dma_wait3A_102 : memref<2048xf32, #tpu.memory_space<hbm>>) dst(%arg12 : memref<2048xf32, #tpu.memory_space<vmem>>)
      tpu.yield
    }) : () -> ()
    %add3A_36 = arith.constant 2 : i32
    %add3A_37 = arith.addi %mul3A_23, %add3A_36 : i32
    %mul3A_38 = arith.constant 2048 : i32
    %mul3A_39 = arith.muli %add3A_37, %mul3A_38 : i32
    "tpu.region"() ({
      %run_scoped3A = tpu.sem_alloc : memref<!tpu.dma_semaphore, #tpu.memory_space<semaphore_mem>>
      %dma_start3A = tpu.memref_slice %arg3[%mul3A_39] : memref<49152xf32, #tpu.memory_space<hbm>> -> memref<2048xf32, #tpu.memory_space<hbm>>
      %dma_start3A_101 = tpu.memref_slice %arg3[%mul3A_39] : memref<49152xf32, #tpu.memory_space<hbm>> -> memref<2048xf32, #tpu.memory_space<hbm>>
      tpu.enqueue_dma source(%dma_start3A_101 : memref<2048xf32, #tpu.memory_space<hbm>>) target(%arg13 : memref<2048xf32, #tpu.memory_space<vmem>>) target_semaphore(%run_scoped3A : memref<!tpu.dma_semaphore, #tpu.memory_space<semaphore_mem>>)
      %dma_wait3A = tpu.memref_slice %arg3[%mul3A_39] : memref<49152xf32, #tpu.memory_space<hbm>> -> memref<2048xf32, #tpu.memory_space<hbm>>
      %dma_wait3A_102 = tpu.memref_slice %arg3[%mul3A_39] : memref<49152xf32, #tpu.memory_space<hbm>> -> memref<2048xf32, #tpu.memory_space<hbm>>
      tpu.wait_dma2 semaphore(%run_scoped3A : memref<!tpu.dma_semaphore, #tpu.memory_space<semaphore_mem>>) src(%dma_wait3A_102 : memref<2048xf32, #tpu.memory_space<hbm>>) dst(%arg13 : memref<2048xf32, #tpu.memory_space<vmem>>)
      tpu.yield
    }) : () -> ()
    %add3A_40 = arith.constant 0 : i32
    %add3A_41 = arith.addi %mul3A_23, %add3A_40 : i32
    %mul3A_42 = arith.constant 2048 : i32
    %mul3A_43 = arith.muli %add3A_41, %mul3A_42 : i32
    "tpu.region"() ({
      %run_scoped3A = tpu.sem_alloc : memref<!tpu.dma_semaphore, #tpu.memory_space<semaphore_mem>>
      %dma_start3A = tpu.memref_slice %arg4[%mul3A_43] : memref<49152xf32, #tpu.memory_space<hbm>> -> memref<2048xf32, #tpu.memory_space<hbm>>
      %dma_start3A_101 = tpu.memref_slice %arg4[%mul3A_43] : memref<49152xf32, #tpu.memory_space<hbm>> -> memref<2048xf32, #tpu.memory_space<hbm>>
      tpu.enqueue_dma source(%dma_start3A_101 : memref<2048xf32, #tpu.memory_space<hbm>>) target(%arg14 : memref<2048xf32, #tpu.memory_space<vmem>>) target_semaphore(%run_scoped3A : memref<!tpu.dma_semaphore, #tpu.memory_space<semaphore_mem>>)
      %dma_wait3A = tpu.memref_slice %arg4[%mul3A_43] : memref<49152xf32, #tpu.memory_space<hbm>> -> memref<2048xf32, #tpu.memory_space<hbm>>
      %dma_wait3A_102 = tpu.memref_slice %arg4[%mul3A_43] : memref<49152xf32, #tpu.memory_space<hbm>> -> memref<2048xf32, #tpu.memory_space<hbm>>
      tpu.wait_dma2 semaphore(%run_scoped3A : memref<!tpu.dma_semaphore, #tpu.memory_space<semaphore_mem>>) src(%dma_wait3A_102 : memref<2048xf32, #tpu.memory_space<hbm>>) dst(%arg14 : memref<2048xf32, #tpu.memory_space<vmem>>)
      tpu.yield
    }) : () -> ()
    %add3A_44 = arith.constant 1 : i32
    %add3A_45 = arith.addi %mul3A_23, %add3A_44 : i32
    %mul3A_46 = arith.constant 2048 : i32
    %mul3A_47 = arith.muli %add3A_45, %mul3A_46 : i32
    "tpu.region"() ({
      %run_scoped3A = tpu.sem_alloc : memref<!tpu.dma_semaphore, #tpu.memory_space<semaphore_mem>>
      %dma_start3A = tpu.memref_slice %arg4[%mul3A_47] : memref<49152xf32, #tpu.memory_space<hbm>> -> memref<2048xf32, #tpu.memory_space<hbm>>
      %dma_start3A_101 = tpu.memref_slice %arg4[%mul3A_47] : memref<49152xf32, #tpu.memory_space<hbm>> -> memref<2048xf32, #tpu.memory_space<hbm>>
      tpu.enqueue_dma source(%dma_start3A_101 : memref<2048xf32, #tpu.memory_space<hbm>>) target(%arg15 : memref<2048xf32, #tpu.memory_space<vmem>>) target_semaphore(%run_scoped3A : memref<!tpu.dma_semaphore, #tpu.memory_space<semaphore_mem>>)
      %dma_wait3A = tpu.memref_slice %arg4[%mul3A_47] : memref<49152xf32, #tpu.memory_space<hbm>> -> memref<2048xf32, #tpu.memory_space<hbm>>
      %dma_wait3A_102 = tpu.memref_slice %arg4[%mul3A_47] : memref<49152xf32, #tpu.memory_space<hbm>> -> memref<2048xf32, #tpu.memory_space<hbm>>
      tpu.wait_dma2 semaphore(%run_scoped3A : memref<!tpu.dma_semaphore, #tpu.memory_space<semaphore_mem>>) src(%dma_wait3A_102 : memref<2048xf32, #tpu.memory_space<hbm>>) dst(%arg15 : memref<2048xf32, #tpu.memory_space<vmem>>)
      tpu.yield
    }) : () -> ()
    %add3A_48 = arith.constant 2 : i32
    %add3A_49 = arith.addi %mul3A_23, %add3A_48 : i32
    %mul3A_50 = arith.constant 2048 : i32
    %mul3A_51 = arith.muli %add3A_49, %mul3A_50 : i32
    "tpu.region"() ({
      %run_scoped3A = tpu.sem_alloc : memref<!tpu.dma_semaphore, #tpu.memory_space<semaphore_mem>>
      %dma_start3A = tpu.memref_slice %arg4[%mul3A_51] : memref<49152xf32, #tpu.memory_space<hbm>> -> memref<2048xf32, #tpu.memory_space<hbm>>
      %dma_start3A_101 = tpu.memref_slice %arg4[%mul3A_51] : memref<49152xf32, #tpu.memory_space<hbm>> -> memref<2048xf32, #tpu.memory_space<hbm>>
      tpu.enqueue_dma source(%dma_start3A_101 : memref<2048xf32, #tpu.memory_space<hbm>>) target(%arg16 : memref<2048xf32, #tpu.memory_space<vmem>>) target_semaphore(%run_scoped3A : memref<!tpu.dma_semaphore, #tpu.memory_space<semaphore_mem>>)
      %dma_wait3A = tpu.memref_slice %arg4[%mul3A_51] : memref<49152xf32, #tpu.memory_space<hbm>> -> memref<2048xf32, #tpu.memory_space<hbm>>
      %dma_wait3A_102 = tpu.memref_slice %arg4[%mul3A_51] : memref<49152xf32, #tpu.memory_space<hbm>> -> memref<2048xf32, #tpu.memory_space<hbm>>
      tpu.wait_dma2 semaphore(%run_scoped3A : memref<!tpu.dma_semaphore, #tpu.memory_space<semaphore_mem>>) src(%dma_wait3A_102 : memref<2048xf32, #tpu.memory_space<hbm>>) dst(%arg16 : memref<2048xf32, #tpu.memory_space<vmem>>)
      tpu.yield
    }) : () -> ()
    %broadcast_in_dim3A = arith.constant -1.000000e+00 : f32
    %broadcast_in_dim3A_52 = vector.broadcast %broadcast_in_dim3A : f32 to vector<16xf32>
    %broadcast_in_dim3A_53 = arith.constant 0 : i32
    %broadcast_in_dim3A_54 = vector.broadcast %broadcast_in_dim3A_53 : i32 to vector<16xi32>
    %scan3A = arith.constant 0 : i32
    %scan3A_55 = arith.constant 0 : i32
    %scan3A_56 = arith.constant 32 : i32
    %scan3A_57 = arith.addi %scan3A_55, %scan3A_56 : i32
    %scan3A_58 = arith.constant 1 : i32
    scf.for %scan3A_101 = %scan3A_55 to %scan3A_57 step %scan3A_58  : i32 {
      %mul3A_102 = arith.constant 16 : i32
      %mul3A_103 = arith.muli %scan3A_101, %mul3A_102 : i32
      %swap3A_104 = arith.index_cast %mul3A_103 : i32 to index
      %swap3A_105 = tpu.vector_load %arg17[%swap3A_104] {strides = array<i32>} : memref<512xf32, #tpu.memory_space<vmem>>, vector<16xf32>,
      tpu.vector_store %arg17[%swap3A_104], %broadcast_in_dim3A_52 {strides = array<i32>} : memref<512xf32, #tpu.memory_space<vmem>>, vector<16xf32>,
      %mul3A_106 = arith.constant 16 : i32
      %mul3A_107 = arith.muli %scan3A_101, %mul3A_106 : i32
      %swap3A_108 = arith.index_cast %mul3A_107 : i32 to index
      %swap3A_109 = tpu.vector_load %arg18[%swap3A_108] {strides = array<i32>} : memref<512xi32, #tpu.memory_space<vmem>>, vector<16xi32>,
      tpu.vector_store %arg18[%swap3A_108], %broadcast_in_dim3A_54 {strides = array<i32>} : memref<512xi32, #tpu.memory_space<vmem>>, vector<16xi32>,
    }
    %scan3A_59 = arith.constant 32 : i32
    %get3A = arith.constant 0 : index
    %get3A_60 = tpu.vector_load %arg25[%get3A] {strides = array<i32>} : memref<16xf32, #tpu.memory_space<vmem>>, vector<16xf32>,
    %get3A_61 = arith.constant 0 : index
    %get3A_62 = tpu.vector_load %arg26[%get3A_61] {strides = array<i32>} : memref<16xf32, #tpu.memory_space<vmem>>, vector<16xf32>,
    %iota3A = tpu.iota {dimensions = array<i32: 0>} : vector<16xi32>
    %scan3A_63 = arith.constant 0 : i32
    %scan3A_64 = arith.constant 0 : i32
    %scan3A_65 = arith.constant 64 : i32
    %scan3A_66 = arith.addi %scan3A_64, %scan3A_65 : i32
    %scan3A_67 = arith.constant 1 : i32
    %scan3A_68 = scf.for %scan3A_101 = %scan3A_64 to %scan3A_66 step %scan3A_67 iter_args(%scan3A_102 = %scan3A_63) -> (i32)  : i32 {
      %mul3A_103 = arith.constant 16384 : i32
      %mul3A_104 = arith.muli %scan3A_101, %mul3A_103 : i32
      %add3A_105 = arith.addi %mul3A_18, %mul3A_104 : i32
      "tpu.region"() ({
        %run_scoped3A = tpu.sem_alloc : memref<!tpu.dma_semaphore, #tpu.memory_space<semaphore_mem>>
        %dma_start3A = tpu.memref_slice %arg2[%add3A_105] : memref<33554432xf32, #tpu.memory_space<hbm>> -> memref<16384xf32, #tpu.memory_space<hbm>>
        %dma_start3A_112 = tpu.memref_slice %arg2[%add3A_105] : memref<33554432xf32, #tpu.memory_space<hbm>> -> memref<16384xf32, #tpu.memory_space<hbm>>
        tpu.enqueue_dma source(%dma_start3A_112 : memref<16384xf32, #tpu.memory_space<hbm>>) target(%arg10 : memref<16384xf32, #tpu.memory_space<vmem>>) target_semaphore(%run_scoped3A : memref<!tpu.dma_semaphore, #tpu.memory_space<semaphore_mem>>)
        %dma_wait3A = tpu.memref_slice %arg2[%add3A_105] : memref<33554432xf32, #tpu.memory_space<hbm>> -> memref<16384xf32, #tpu.memory_space<hbm>>
        %dma_wait3A_113 = tpu.memref_slice %arg2[%add3A_105] : memref<33554432xf32, #tpu.memory_space<hbm>> -> memref<16384xf32, #tpu.memory_space<hbm>>
        tpu.wait_dma2 semaphore(%run_scoped3A : memref<!tpu.dma_semaphore, #tpu.memory_space<semaphore_mem>>) src(%dma_wait3A_113 : memref<16384xf32, #tpu.memory_space<hbm>>) dst(%arg10 : memref<16384xf32, #tpu.memory_space<vmem>>)
        tpu.yield
      }) : () -> ()
      %scan3A_106 = arith.constant 0 : i32
      %scan3A_107 = arith.constant 256 : i32
      %scan3A_108 = arith.addi %scan3A_106, %scan3A_107 : i32
      %scan3A_109 = arith.constant 1 : i32
      %scan3A_110 = scf.for %scan3A_112 = %scan3A_106 to %scan3A_108 step %scan3A_109 iter_args(%scan3A_113 = %scan3A_102) -> (i32)  : i32 {
        %mul3A_114 = arith.constant 64 : i32
        %mul3A_115 = arith.muli %scan3A_112, %mul3A_114 : i32
        %add3A_116 = arith.constant 0 : i32
        %add3A_117 = arith.addi %mul3A_115, %add3A_116 : i32
        %get3A_118 = arith.index_cast %add3A_117 : i32 to index
        %get3A_119 = tpu.vector_load %arg10[%get3A_118] {strides = array<i32>} : memref<16384xf32, #tpu.memory_space<vmem>>, vector<16xf32>,
        %ge3A = arith.cmpf oge, %get3A_119, %get3A_62 : vector<16xf32>
        %convert_element_type3A = arith.extui %ge3A : vector<16xi1> to vector<16xi32>
        %broadcast_in_dim3A_120 = arith.constant true
        %broadcast_in_dim3A_121 = vector.broadcast %broadcast_in_dim3A_120 : i1 to vector<16xi1>
        %masked_cumsum3A = tpu.scan <sum>, %convert_element_type3A masked %broadcast_in_dim3A_121 : vector<16xi32>, vector<16xi1> -> vector<16xi32>
        %add3A_122 = vector.broadcast %scan3A_113 : i32 to vector<16xi32>
        %add3A_123 = arith.addi %add3A_122, %masked_cumsum3A : vector<16xi32>
        %sub3A_124 = arith.constant 1 : i32
        %sub3A_125 = vector.broadcast %sub3A_124 : i32 to vector<16xi32>
        %sub3A_126 = arith.subi %add3A_123, %sub3A_125 : vector<16xi32>
        %min3A = arith.constant 511 : i32
        %min3A_127 = vector.broadcast %min3A : i32 to vector<16xi32>
        %min3A_128 = arith.minsi %sub3A_126, %min3A_127 : vector<16xi32>
        tpu.vector_store_idx %arg17[%min3A_128], %get3A_119 masked %ge3A : memref<512xf32, #tpu.memory_space<vmem>>[vector<16xi32>], vector<16xf32>, vector<16xi1>
        %mul3A_129 = arith.constant 16384 : i32
        %mul3A_130 = arith.muli %scan3A_101, %mul3A_129 : i32
        %add3A_131 = arith.addi %sub3A_21, %mul3A_130 : i32
        %add3A_132 = arith.addi %add3A_131, %add3A_117 : i32
        %add3A_133 = vector.broadcast %add3A_132 : i32 to vector<16xi32>
        %add3A_134 = arith.addi %add3A_133, %iota3A : vector<16xi32>
        tpu.vector_store_idx %arg18[%min3A_128], %add3A_134 masked %ge3A : memref<512xi32, #tpu.memory_space<vmem>>[vector<16xi32>], vector<16xi32>, vector<16xi1>
        %reduce_max3A = arith.constant true
        %reduce_max3A_135 = vector.broadcast %reduce_max3A : i1 to vector<16xi1>
        %reduce_max3A_136 = arith.constant -2147483648 : i32
        %reduce_max3A_137 = vector.broadcast %reduce_max3A_136 : i32 to vector<16xi32>
        %reduce_max3A_138 = arith.xori %masked_cumsum3A, %reduce_max3A_137 : vector<16xi32>
        %reduce_max3A_139 = tpu.scan <max>, %reduce_max3A_138 masked %reduce_max3A_135 : vector<16xi32>, vector<16xi1> -> vector<16xi32>
        %reduce_max3A_140 = arith.xori %reduce_max3A_139, %reduce_max3A_137 : vector<16xi32>
        %reduce_max3A_141 = vector.extract %reduce_max3A_140[15] : i32 from vector<16xi32>
        %add3A_142 = arith.addi %scan3A_113, %reduce_max3A_141 : i32
        %min3A_143 = arith.constant 512 : i32
        %min3A_144 = arith.minsi %add3A_142, %min3A_143 : i32
        %mul3A_145 = arith.constant 64 : i32
        %mul3A_146 = arith.muli %scan3A_112, %mul3A_145 : i32
        %add3A_147 = arith.constant 16 : i32
        %add3A_148 = arith.addi %mul3A_146, %add3A_147 : i32
        %get3A_149 = arith.index_cast %add3A_148 : i32 to index
        %get3A_150 = tpu.vector_load %arg10[%get3A_149] {strides = array<i32>} : memref<16384xf32, #tpu.memory_space<vmem>>, vector<16xf32>,
        %ge3A_151 = arith.cmpf oge, %get3A_150, %get3A_62 : vector<16xf32>
        %convert_element_type3A_152 = arith.extui %ge3A_151 : vector<16xi1> to vector<16xi32>
        %broadcast_in_dim3A_153 = arith.constant true
        %broadcast_in_dim3A_154 = vector.broadcast %broadcast_in_dim3A_153 : i1 to vector<16xi1>
        %masked_cumsum3A_155 = tpu.scan <sum>, %convert_element_type3A_152 masked %broadcast_in_dim3A_154 : vector<16xi32>, vector<16xi1> -> vector<16xi32>
        %add3A_156 = vector.broadcast %min3A_144 : i32 to vector<16xi32>
        %add3A_157 = arith.addi %add3A_156, %masked_cumsum3A_155 : vector<16xi32>
        %sub3A_158 = arith.constant 1 : i32
        %sub3A_159 = vector.broadcast %sub3A_158 : i32 to vector<16xi32>
        %sub3A_160 = arith.subi %add3A_157, %sub3A_159 : vector<16xi32>
        %min3A_161 = arith.constant 511 : i32
        %min3A_162 = vector.broadcast %min3A_161 : i32 to vector<16xi32>
        %min3A_163 = arith.minsi %sub3A_160, %min3A_162 : vector<16xi32>
        tpu.vector_store_idx %arg17[%min3A_163], %get3A_150 masked %ge3A_151 : memref<512xf32, #tpu.memory_space<vmem>>[vector<16xi32>], vector<16xf32>, vector<16xi1>
        %mul3A_164 = arith.constant 16384 : i32
        %mul3A_165 = arith.muli %scan3A_101, %mul3A_164 : i32
        %add3A_166 = arith.addi %sub3A_21, %mul3A_165 : i32
        %add3A_167 = arith.addi %add3A_166, %add3A_148 : i32
        %add3A_168 = vector.broadcast %add3A_167 : i32 to vector<16xi32>
        %add3A_169 = arith.addi %add3A_168, %iota3A : vector<16xi32>
        tpu.vector_store_idx %arg18[%min3A_163], %add3A_169 masked %ge3A_151 : memref<512xi32, #tpu.memory_space<vmem>>[vector<16xi32>], vector<16xi32>, vector<16xi1>
        %reduce_max3A_170 = arith.constant true
        %reduce_max3A_171 = vector.broadcast %reduce_max3A_170 : i1 to vector<16xi1>
        %reduce_max3A_172 = arith.constant -2147483648 : i32
        %reduce_max3A_173 = vector.broadcast %reduce_max3A_172 : i32 to vector<16xi32>
        %reduce_max3A_174 = arith.xori %masked_cumsum3A_155, %reduce_max3A_173 : vector<16xi32>
        %reduce_max3A_175 = tpu.scan <max>, %reduce_max3A_174 masked %reduce_max3A_171 : vector<16xi32>, vector<16xi1> -> vector<16xi32>
        %reduce_max3A_176 = arith.xori %reduce_max3A_175, %reduce_max3A_173 : vector<16xi32>
        %reduce_max3A_177 = vector.extract %reduce_max3A_176[15] : i32 from vector<16xi32>
        %add3A_178 = arith.addi %min3A_144, %reduce_max3A_177 : i32
        %min3A_179 = arith.constant 512 : i32
        %min3A_180 = arith.minsi %add3A_178, %min3A_179 : i32
        %mul3A_181 = arith.constant 64 : i32
        %mul3A_182 = arith.muli %scan3A_112, %mul3A_181 : i32
        %add3A_183 = arith.constant 32 : i32
        %add3A_184 = arith.addi %mul3A_182, %add3A_183 : i32
        %get3A_185 = arith.index_cast %add3A_184 : i32 to index
        %get3A_186 = tpu.vector_load %arg10[%get3A_185] {strides = array<i32>} : memref<16384xf32, #tpu.memory_space<vmem>>, vector<16xf32>,
        %ge3A_187 = arith.cmpf oge, %get3A_186, %get3A_62 : vector<16xf32>
        %convert_element_type3A_188 = arith.extui %ge3A_187 : vector<16xi1> to vector<16xi32>
        %broadcast_in_dim3A_189 = arith.constant true
        %broadcast_in_dim3A_190 = vector.broadcast %broadcast_in_dim3A_189 : i1 to vector<16xi1>
        %masked_cumsum3A_191 = tpu.scan <sum>, %convert_element_type3A_188 masked %broadcast_in_dim3A_190 : vector<16xi32>, vector<16xi1> -> vector<16xi32>
        %add3A_192 = vector.broadcast %min3A_180 : i32 to vector<16xi32>
        %add3A_193 = arith.addi %add3A_192, %masked_cumsum3A_191 : vector<16xi32>
        %sub3A_194 = arith.constant 1 : i32
        %sub3A_195 = vector.broadcast %sub3A_194 : i32 to vector<16xi32>
        %sub3A_196 = arith.subi %add3A_193, %sub3A_195 : vector<16xi32>
        %min3A_197 = arith.constant 511 : i32
        %min3A_198 = vector.broadcast %min3A_197 : i32 to vector<16xi32>
        %min3A_199 = arith.minsi %sub3A_196, %min3A_198 : vector<16xi32>
        tpu.vector_store_idx %arg17[%min3A_199], %get3A_186 masked %ge3A_187 : memref<512xf32, #tpu.memory_space<vmem>>[vector<16xi32>], vector<16xf32>, vector<16xi1>
        %mul3A_200 = arith.constant 16384 : i32
        %mul3A_201 = arith.muli %scan3A_101, %mul3A_200 : i32
        %add3A_202 = arith.addi %sub3A_21, %mul3A_201 : i32
        %add3A_203 = arith.addi %add3A_202, %add3A_184 : i32
        %add3A_204 = vector.broadcast %add3A_203 : i32 to vector<16xi32>
        %add3A_205 = arith.addi %add3A_204, %iota3A : vector<16xi32>
        tpu.vector_store_idx %arg18[%min3A_199], %add3A_205 masked %ge3A_187 : memref<512xi32, #tpu.memory_space<vmem>>[vector<16xi32>], vector<16xi32>, vector<16xi1>
        %reduce_max3A_206 = arith.constant true
        %reduce_max3A_207 = vector.broadcast %reduce_max3A_206 : i1 to vector<16xi1>
        %reduce_max3A_208 = arith.constant -2147483648 : i32
        %reduce_max3A_209 = vector.broadcast %reduce_max3A_208 : i32 to vector<16xi32>
        %reduce_max3A_210 = arith.xori %masked_cumsum3A_191, %reduce_max3A_209 : vector<16xi32>
        %reduce_max3A_211 = tpu.scan <max>, %reduce_max3A_210 masked %reduce_max3A_207 : vector<16xi32>, vector<16xi1> -> vector<16xi32>
        %reduce_max3A_212 = arith.xori %reduce_max3A_211, %reduce_max3A_209 : vector<16xi32>
        %reduce_max3A_213 = vector.extract %reduce_max3A_212[15] : i32 from vector<16xi32>
        %add3A_214 = arith.addi %min3A_180, %reduce_max3A_213 : i32
        %min3A_215 = arith.constant 512 : i32
        %min3A_216 = arith.minsi %add3A_214, %min3A_215 : i32
        %mul3A_217 = arith.constant 64 : i32
        %mul3A_218 = arith.muli %scan3A_112, %mul3A_217 : i32
        %add3A_219 = arith.constant 48 : i32
        %add3A_220 = arith.addi %mul3A_218, %add3A_219 : i32
        %get3A_221 = arith.index_cast %add3A_220 : i32 to index
        %get3A_222 = tpu.vector_load %arg10[%get3A_221] {strides = array<i32>} : memref<16384xf32, #tpu.memory_space<vmem>>, vector<16xf32>,
        %ge3A_223 = arith.cmpf oge, %get3A_222, %get3A_62 : vector<16xf32>
        %convert_element_type3A_224 = arith.extui %ge3A_223 : vector<16xi1> to vector<16xi32>
        %broadcast_in_dim3A_225 = arith.constant true
        %broadcast_in_dim3A_226 = vector.broadcast %broadcast_in_dim3A_225 : i1 to vector<16xi1>
        %masked_cumsum3A_227 = tpu.scan <sum>, %convert_element_type3A_224 masked %broadcast_in_dim3A_226 : vector<16xi32>, vector<16xi1> -> vector<16xi32>
        %add3A_228 = vector.broadcast %min3A_216 : i32 to vector<16xi32>
        %add3A_229 = arith.addi %add3A_228, %masked_cumsum3A_227 : vector<16xi32>
        %sub3A_230 = arith.constant 1 : i32
        %sub3A_231 = vector.broadcast %sub3A_230 : i32 to vector<16xi32>
        %sub3A_232 = arith.subi %add3A_229, %sub3A_231 : vector<16xi32>
        %min3A_233 = arith.constant 511 : i32
        %min3A_234 = vector.broadcast %min3A_233 : i32 to vector<16xi32>
        %min3A_235 = arith.minsi %sub3A_232, %min3A_234 : vector<16xi32>
        tpu.vector_store_idx %arg17[%min3A_235], %get3A_222 masked %ge3A_223 : memref<512xf32, #tpu.memory_space<vmem>>[vector<16xi32>], vector<16xf32>, vector<16xi1>
        %mul3A_236 = arith.constant 16384 : i32
        %mul3A_237 = arith.muli %scan3A_101, %mul3A_236 : i32
        %add3A_238 = arith.addi %sub3A_21, %mul3A_237 : i32
        %add3A_239 = arith.addi %add3A_238, %add3A_220 : i32
        %add3A_240 = vector.broadcast %add3A_239 : i32 to vector<16xi32>
        %add3A_241 = arith.addi %add3A_240, %iota3A : vector<16xi32>
        tpu.vector_store_idx %arg18[%min3A_235], %add3A_241 masked %ge3A_223 : memref<512xi32, #tpu.memory_space<vmem>>[vector<16xi32>], vector<16xi32>, vector<16xi1>
        %reduce_max3A_242 = arith.constant true
        %reduce_max3A_243 = vector.broadcast %reduce_max3A_242 : i1 to vector<16xi1>
        %reduce_max3A_244 = arith.constant -2147483648 : i32
        %reduce_max3A_245 = vector.broadcast %reduce_max3A_244 : i32 to vector<16xi32>
        %reduce_max3A_246 = arith.xori %masked_cumsum3A_227, %reduce_max3A_245 : vector<16xi32>
        %reduce_max3A_247 = tpu.scan <max>, %reduce_max3A_246 masked %reduce_max3A_243 : vector<16xi32>, vector<16xi1> -> vector<16xi32>
        %reduce_max3A_248 = arith.xori %reduce_max3A_247, %reduce_max3A_245 : vector<16xi32>
        %reduce_max3A_249 = vector.extract %reduce_max3A_248[15] : i32 from vector<16xi32>
        %add3A_250 = arith.addi %min3A_216, %reduce_max3A_249 : i32
        %min3A_251 = arith.constant 512 : i32
        %min3A_252 = arith.minsi %add3A_250, %min3A_251 : i32
        scf.yield %min3A_252 : i32
      }
      %scan3A_111 = arith.constant 256 : i32
      scf.yield %scan3A_110 : i32
    }
    %scan3A_69 = arith.constant 64 : i32
    %scan3A_70 = arith.constant 0 : i32
    %scan3A_71 = arith.constant 0 : i32
    %scan3A_72 = arith.constant 32 : i32
    %scan3A_73 = arith.addi %scan3A_71, %scan3A_72 : i32
    %scan3A_74 = arith.constant 1 : i32
    scf.for %scan3A_101 = %scan3A_71 to %scan3A_73 step %scan3A_74  : i32 {
      %mul3A_102 = arith.constant 16 : i32
      %mul3A_103 = arith.muli %scan3A_101, %mul3A_102 : i32
      %get3A_104 = arith.index_cast %mul3A_103 : i32 to index
      %get3A_105 = tpu.vector_load %arg18[%get3A_104] {strides = array<i32>} : memref<512xi32, #tpu.memory_space<vmem>>, vector<16xi32>,
      %shift_right_logical3A = arith.constant 11 : i32
      %shift_right_logical3A_106 = vector.broadcast %shift_right_logical3A : i32 to vector<16xi32>
      %shift_right_logical3A_107 = arith.shrui %get3A_105, %shift_right_logical3A_106 : vector<16xi32>
      %and3A_108 = arith.constant 2047 : i32
      %and3A_109 = vector.broadcast %and3A_108 : i32 to vector<16xi32>
      %and3A_110 = arith.andi %get3A_105, %and3A_109 : vector<16xi32>
      %gather3A = tpu.vector_load_idx %arg11[%shift_right_logical3A_107] : memref<2048xf32, #tpu.memory_space<vmem>>[vector<16xi32>], vector<16xf32>,
      %mul3A_111 = arith.constant 16 : i32
      %mul3A_112 = arith.muli %scan3A_101, %mul3A_111 : i32
      %swap3A_113 = arith.index_cast %mul3A_112 : i32 to index
      %swap3A_114 = tpu.vector_load %arg19[%swap3A_113] {strides = array<i32>} : memref<512xf32, #tpu.memory_space<vmem>>, vector<16xf32>,
      tpu.vector_store %arg19[%swap3A_113], %gather3A {strides = array<i32>} : memref<512xf32, #tpu.memory_space<vmem>>, vector<16xf32>,
      %gather3A_115 = tpu.vector_load_idx %arg12[%shift_right_logical3A_107] : memref<2048xf32, #tpu.memory_space<vmem>>[vector<16xi32>], vector<16xf32>,
      %mul3A_116 = arith.constant 16 : i32
      %mul3A_117 = arith.muli %scan3A_101, %mul3A_116 : i32
      %swap3A_118 = arith.index_cast %mul3A_117 : i32 to index
      %swap3A_119 = tpu.vector_load %arg20[%swap3A_118] {strides = array<i32>} : memref<512xf32, #tpu.memory_space<vmem>>, vector<16xf32>,
      tpu.vector_store %arg20[%swap3A_118], %gather3A_115 {strides = array<i32>} : memref<512xf32, #tpu.memory_space<vmem>>, vector<16xf32>,
      %gather3A_120 = tpu.vector_load_idx %arg13[%shift_right_logical3A_107] : memref<2048xf32, #tpu.memory_space<vmem>>[vector<16xi32>], vector<16xf32>,
      %mul3A_121 = arith.constant 16 : i32
      %mul3A_122 = arith.muli %scan3A_101, %mul3A_121 : i32
      %swap3A_123 = arith.index_cast %mul3A_122 : i32 to index
      %swap3A_124 = tpu.vector_load %arg21[%swap3A_123] {strides = array<i32>} : memref<512xf32, #tpu.memory_space<vmem>>, vector<16xf32>,
      tpu.vector_store %arg21[%swap3A_123], %gather3A_120 {strides = array<i32>} : memref<512xf32, #tpu.memory_space<vmem>>, vector<16xf32>,
      %gather3A_125 = tpu.vector_load_idx %arg14[%and3A_110] : memref<2048xf32, #tpu.memory_space<vmem>>[vector<16xi32>], vector<16xf32>,
      %mul3A_126 = arith.constant 16 : i32
      %mul3A_127 = arith.muli %scan3A_101, %mul3A_126 : i32
      %swap3A_128 = arith.index_cast %mul3A_127 : i32 to index
      %swap3A_129 = tpu.vector_load %arg22[%swap3A_128] {strides = array<i32>} : memref<512xf32, #tpu.memory_space<vmem>>, vector<16xf32>,
      tpu.vector_store %arg22[%swap3A_128], %gather3A_125 {strides = array<i32>} : memref<512xf32, #tpu.memory_space<vmem>>, vector<16xf32>,
      %gather3A_130 = tpu.vector_load_idx %arg15[%and3A_110] : memref<2048xf32, #tpu.memory_space<vmem>>[vector<16xi32>], vector<16xf32>,
      %mul3A_131 = arith.constant 16 : i32
      %mul3A_132 = arith.muli %scan3A_101, %mul3A_131 : i32
      %swap3A_133 = arith.index_cast %mul3A_132 : i32 to index
      %swap3A_134 = tpu.vector_load %arg23[%swap3A_133] {strides = array<i32>} : memref<512xf32, #tpu.memory_space<vmem>>, vector<16xf32>,
      tpu.vector_store %arg23[%swap3A_133], %gather3A_130 {strides = array<i32>} : memref<512xf32, #tpu.memory_space<vmem>>, vector<16xf32>,
      %gather3A_135 = tpu.vector_load_idx %arg16[%and3A_110] : memref<2048xf32, #tpu.memory_space<vmem>>[vector<16xi32>], vector<16xf32>,
      %mul3A_136 = arith.constant 16 : i32
      %mul3A_137 = arith.muli %scan3A_101, %mul3A_136 : i32
      %swap3A_138 = arith.index_cast %mul3A_137 : i32 to index
      %swap3A_139 = tpu.vector_load %arg24[%swap3A_138] {strides = array<i32>} : memref<512xf32, #tpu.memory_space<vmem>>, vector<16xf32>,
      tpu.vector_store %arg24[%swap3A_138], %gather3A_135 {strides = array<i32>} : memref<512xf32, #tpu.memory_space<vmem>>, vector<16xf32>,
    }
    %scan3A_75 = arith.constant 32 : i32
    %mul3A_76 = arith.constant 3584 : i32
    %mul3A_77 = arith.muli %add3A, %mul3A_76 : i32
    %add3A_78 = arith.constant 0 : i32
    %add3A_79 = arith.addi %mul3A_77, %add3A_78 : i32
    "tpu.region"() ({
      %run_scoped3A = tpu.sem_alloc : memref<!tpu.dma_semaphore, #tpu.memory_space<semaphore_mem>>
      %dma_start3A = tpu.memref_slice %arg7[%add3A_79] : memref<114688xf32, #tpu.memory_space<hbm>> -> memref<512xf32, #tpu.memory_space<hbm>>
      %dma_start3A_101 = tpu.memref_slice %arg7[%add3A_79] : memref<114688xf32, #tpu.memory_space<hbm>> -> memref<512xf32, #tpu.memory_space<hbm>>
      tpu.enqueue_dma source(%arg19 : memref<512xf32, #tpu.memory_space<vmem>>) target(%dma_start3A_101 : memref<512xf32, #tpu.memory_space<hbm>>) target_semaphore(%run_scoped3A : memref<!tpu.dma_semaphore, #tpu.memory_space<semaphore_mem>>)
      %dma_wait3A = tpu.memref_slice %arg7[%add3A_79] : memref<114688xf32, #tpu.memory_space<hbm>> -> memref<512xf32, #tpu.memory_space<hbm>>
      %dma_wait3A_102 = tpu.memref_slice %arg7[%add3A_79] : memref<114688xf32, #tpu.memory_space<hbm>> -> memref<512xf32, #tpu.memory_space<hbm>>
      tpu.wait_dma2 semaphore(%run_scoped3A : memref<!tpu.dma_semaphore, #tpu.memory_space<semaphore_mem>>) src(%arg19 : memref<512xf32, #tpu.memory_space<vmem>>) dst(%dma_wait3A_102 : memref<512xf32, #tpu.memory_space<hbm>>)
      tpu.yield
    }) : () -> ()
    %add3A_80 = arith.constant 512 : i32
    %add3A_81 = arith.addi %mul3A_77, %add3A_80 : i32
    "tpu.region"() ({
      %run_scoped3A = tpu.sem_alloc : memref<!tpu.dma_semaphore, #tpu.memory_space<semaphore_mem>>
      %dma_start3A = tpu.memref_slice %arg7[%add3A_81] : memref<114688xf32, #tpu.memory_space<hbm>> -> memref<512xf32, #tpu.memory_space<hbm>>
      %dma_start3A_101 = tpu.memref_slice %arg7[%add3A_81] : memref<114688xf32, #tpu.memory_space<hbm>> -> memref<512xf32, #tpu.memory_space<hbm>>
      tpu.enqueue_dma source(%arg20 : memref<512xf32, #tpu.memory_space<vmem>>) target(%dma_start3A_101 : memref<512xf32, #tpu.memory_space<hbm>>) target_semaphore(%run_scoped3A : memref<!tpu.dma_semaphore, #tpu.memory_space<semaphore_mem>>)
      %dma_wait3A = tpu.memref_slice %arg7[%add3A_81] : memref<114688xf32, #tpu.memory_space<hbm>> -> memref<512xf32, #tpu.memory_space<hbm>>
      %dma_wait3A_102 = tpu.memref_slice %arg7[%add3A_81] : memref<114688xf32, #tpu.memory_space<hbm>> -> memref<512xf32, #tpu.memory_space<hbm>>
      tpu.wait_dma2 semaphore(%run_scoped3A : memref<!tpu.dma_semaphore, #tpu.memory_space<semaphore_mem>>) src(%arg20 : memref<512xf32, #tpu.memory_space<vmem>>) dst(%dma_wait3A_102 : memref<512xf32, #tpu.memory_space<hbm>>)
      tpu.yield
    }) : () -> ()
    %add3A_82 = arith.constant 1024 : i32
    %add3A_83 = arith.addi %mul3A_77, %add3A_82 : i32
    "tpu.region"() ({
      %run_scoped3A = tpu.sem_alloc : memref<!tpu.dma_semaphore, #tpu.memory_space<semaphore_mem>>
      %dma_start3A = tpu.memref_slice %arg7[%add3A_83] : memref<114688xf32, #tpu.memory_space<hbm>> -> memref<512xf32, #tpu.memory_space<hbm>>
      %dma_start3A_101 = tpu.memref_slice %arg7[%add3A_83] : memref<114688xf32, #tpu.memory_space<hbm>> -> memref<512xf32, #tpu.memory_space<hbm>>
      tpu.enqueue_dma source(%arg21 : memref<512xf32, #tpu.memory_space<vmem>>) target(%dma_start3A_101 : memref<512xf32, #tpu.memory_space<hbm>>) target_semaphore(%run_scoped3A : memref<!tpu.dma_semaphore, #tpu.memory_space<semaphore_mem>>)
      %dma_wait3A = tpu.memref_slice %arg7[%add3A_83] : memref<114688xf32, #tpu.memory_space<hbm>> -> memref<512xf32, #tpu.memory_space<hbm>>
      %dma_wait3A_102 = tpu.memref_slice %arg7[%add3A_83] : memref<114688xf32, #tpu.memory_space<hbm>> -> memref<512xf32, #tpu.memory_space<hbm>>
      tpu.wait_dma2 semaphore(%run_scoped3A : memref<!tpu.dma_semaphore, #tpu.memory_space<semaphore_mem>>) src(%arg21 : memref<512xf32, #tpu.memory_space<vmem>>) dst(%dma_wait3A_102 : memref<512xf32, #tpu.memory_space<hbm>>)
      tpu.yield
    }) : () -> ()
    %add3A_84 = arith.constant 1536 : i32
    %add3A_85 = arith.addi %mul3A_77, %add3A_84 : i32
    "tpu.region"() ({
      %run_scoped3A = tpu.sem_alloc : memref<!tpu.dma_semaphore, #tpu.memory_space<semaphore_mem>>
      %dma_start3A = tpu.memref_slice %arg7[%add3A_85] : memref<114688xf32, #tpu.memory_space<hbm>> -> memref<512xf32, #tpu.memory_space<hbm>>
      %dma_start3A_101 = tpu.memref_slice %arg7[%add3A_85] : memref<114688xf32, #tpu.memory_space<hbm>> -> memref<512xf32, #tpu.memory_space<hbm>>
      tpu.enqueue_dma source(%arg22 : memref<512xf32, #tpu.memory_space<vmem>>) target(%dma_start3A_101 : memref<512xf32, #tpu.memory_space<hbm>>) target_semaphore(%run_scoped3A : memref<!tpu.dma_semaphore, #tpu.memory_space<semaphore_mem>>)
      %dma_wait3A = tpu.memref_slice %arg7[%add3A_85] : memref<114688xf32, #tpu.memory_space<hbm>> -> memref<512xf32, #tpu.memory_space<hbm>>
      %dma_wait3A_102 = tpu.memref_slice %arg7[%add3A_85] : memref<114688xf32, #tpu.memory_space<hbm>> -> memref<512xf32, #tpu.memory_space<hbm>>
      tpu.wait_dma2 semaphore(%run_scoped3A : memref<!tpu.dma_semaphore, #tpu.memory_space<semaphore_mem>>) src(%arg22 : memref<512xf32, #tpu.memory_space<vmem>>) dst(%dma_wait3A_102 : memref<512xf32, #tpu.memory_space<hbm>>)
      tpu.yield
    }) : () -> ()
    %add3A_86 = arith.constant 2048 : i32
    %add3A_87 = arith.addi %mul3A_77, %add3A_86 : i32
    "tpu.region"() ({
      %run_scoped3A = tpu.sem_alloc : memref<!tpu.dma_semaphore, #tpu.memory_space<semaphore_mem>>
      %dma_start3A = tpu.memref_slice %arg7[%add3A_87] : memref<114688xf32, #tpu.memory_space<hbm>> -> memref<512xf32, #tpu.memory_space<hbm>>
      %dma_start3A_101 = tpu.memref_slice %arg7[%add3A_87] : memref<114688xf32, #tpu.memory_space<hbm>> -> memref<512xf32, #tpu.memory_space<hbm>>
      tpu.enqueue_dma source(%arg23 : memref<512xf32, #tpu.memory_space<vmem>>) target(%dma_start3A_101 : memref<512xf32, #tpu.memory_space<hbm>>) target_semaphore(%run_scoped3A : memref<!tpu.dma_semaphore, #tpu.memory_space<semaphore_mem>>)
      %dma_wait3A = tpu.memref_slice %arg7[%add3A_87] : memref<114688xf32, #tpu.memory_space<hbm>> -> memref<512xf32, #tpu.memory_space<hbm>>
      %dma_wait3A_102 = tpu.memref_slice %arg7[%add3A_87] : memref<114688xf32, #tpu.memory_space<hbm>> -> memref<512xf32, #tpu.memory_space<hbm>>
      tpu.wait_dma2 semaphore(%run_scoped3A : memref<!tpu.dma_semaphore, #tpu.memory_space<semaphore_mem>>) src(%arg23 : memref<512xf32, #tpu.memory_space<vmem>>) dst(%dma_wait3A_102 : memref<512xf32, #tpu.memory_space<hbm>>)
      tpu.yield
    }) : () -> ()
    %add3A_88 = arith.constant 2560 : i32
    %add3A_89 = arith.addi %mul3A_77, %add3A_88 : i32
    "tpu.region"() ({
      %run_scoped3A = tpu.sem_alloc : memref<!tpu.dma_semaphore, #tpu.memory_space<semaphore_mem>>
      %dma_start3A = tpu.memref_slice %arg7[%add3A_89] : memref<114688xf32, #tpu.memory_space<hbm>> -> memref<512xf32, #tpu.memory_space<hbm>>
      %dma_start3A_101 = tpu.memref_slice %arg7[%add3A_89] : memref<114688xf32, #tpu.memory_space<hbm>> -> memref<512xf32, #tpu.memory_space<hbm>>
      tpu.enqueue_dma source(%arg24 : memref<512xf32, #tpu.memory_space<vmem>>) target(%dma_start3A_101 : memref<512xf32, #tpu.memory_space<hbm>>) target_semaphore(%run_scoped3A : memref<!tpu.dma_semaphore, #tpu.memory_space<semaphore_mem>>)
      %dma_wait3A = tpu.memref_slice %arg7[%add3A_89] : memref<114688xf32, #tpu.memory_space<hbm>> -> memref<512xf32, #tpu.memory_space<hbm>>
      %dma_wait3A_102 = tpu.memref_slice %arg7[%add3A_89] : memref<114688xf32, #tpu.memory_space<hbm>> -> memref<512xf32, #tpu.memory_space<hbm>>
      tpu.wait_dma2 semaphore(%run_scoped3A : memref<!tpu.dma_semaphore, #tpu.memory_space<semaphore_mem>>) src(%arg24 : memref<512xf32, #tpu.memory_space<vmem>>) dst(%dma_wait3A_102 : memref<512xf32, #tpu.memory_space<hbm>>)
      tpu.yield
    }) : () -> ()
    %add3A_90 = arith.constant 3072 : i32
    %add3A_91 = arith.addi %mul3A_77, %add3A_90 : i32
    "tpu.region"() ({
      %run_scoped3A = tpu.sem_alloc : memref<!tpu.dma_semaphore, #tpu.memory_space<semaphore_mem>>
      %dma_start3A = tpu.memref_slice %arg7[%add3A_91] : memref<114688xf32, #tpu.memory_space<hbm>> -> memref<512xf32, #tpu.memory_space<hbm>>
      %dma_start3A_101 = tpu.memref_slice %arg7[%add3A_91] : memref<114688xf32, #tpu.memory_space<hbm>> -> memref<512xf32, #tpu.memory_space<hbm>>
      tpu.enqueue_dma source(%arg17 : memref<512xf32, #tpu.memory_space<vmem>>) target(%dma_start3A_101 : memref<512xf32, #tpu.memory_space<hbm>>) target_semaphore(%run_scoped3A : memref<!tpu.dma_semaphore, #tpu.memory_space<semaphore_mem>>)
      %dma_wait3A = tpu.memref_slice %arg7[%add3A_91] : memref<114688xf32, #tpu.memory_space<hbm>> -> memref<512xf32, #tpu.memory_space<hbm>>
      %dma_wait3A_102 = tpu.memref_slice %arg7[%add3A_91] : memref<114688xf32, #tpu.memory_space<hbm>> -> memref<512xf32, #tpu.memory_space<hbm>>
      tpu.wait_dma2 semaphore(%run_scoped3A : memref<!tpu.dma_semaphore, #tpu.memory_space<semaphore_mem>>) src(%arg17 : memref<512xf32, #tpu.memory_space<vmem>>) dst(%dma_wait3A_102 : memref<512xf32, #tpu.memory_space<hbm>>)
      tpu.yield
    }) : () -> ()
    %mul3A_92 = arith.constant 512 : i32
    %mul3A_93 = arith.muli %add3A, %mul3A_92 : i32
    "tpu.region"() ({
      %run_scoped3A = tpu.sem_alloc : memref<!tpu.dma_semaphore, #tpu.memory_space<semaphore_mem>>
      %dma_start3A = tpu.memref_slice %arg8[%mul3A_93] : memref<16384xi32, #tpu.memory_space<hbm>> -> memref<512xi32, #tpu.memory_space<hbm>>
      %dma_start3A_101 = tpu.memref_slice %arg8[%mul3A_93] : memref<16384xi32, #tpu.memory_space<hbm>> -> memref<512xi32, #tpu.memory_space<hbm>>
      tpu.enqueue_dma source(%arg18 : memref<512xi32, #tpu.memory_space<vmem>>) target(%dma_start3A_101 : memref<512xi32, #tpu.memory_space<hbm>>) target_semaphore(%run_scoped3A : memref<!tpu.dma_semaphore, #tpu.memory_space<semaphore_mem>>)
      %dma_wait3A = tpu.memref_slice %arg8[%mul3A_93] : memref<16384xi32, #tpu.memory_space<hbm>> -> memref<512xi32, #tpu.memory_space<hbm>>
      %dma_wait3A_102 = tpu.memref_slice %arg8[%mul3A_93] : memref<16384xi32, #tpu.memory_space<hbm>> -> memref<512xi32, #tpu.memory_space<hbm>>
      tpu.wait_dma2 semaphore(%run_scoped3A : memref<!tpu.dma_semaphore, #tpu.memory_space<semaphore_mem>>) src(%arg18 : memref<512xi32, #tpu.memory_space<vmem>>) dst(%dma_wait3A_102 : memref<512xi32, #tpu.memory_space<hbm>>)
      tpu.yield
    }) : () -> ()
    %broadcast_in_dim3A_94 = arith.constant 0 : i32
    %broadcast_in_dim3A_95 = vector.broadcast %broadcast_in_dim3A_94 : i32 to vector<16xi32>
    %add3A_96 = vector.broadcast %scan3A_68 : i32 to vector<16xi32>
    %add3A_97 = arith.addi %broadcast_in_dim3A_95, %add3A_96 : vector<16xi32>
    %swap3A = arith.constant 0 : index
    %swap3A_98 = tpu.vector_load %arg27[%swap3A] {strides = array<i32>} : memref<16xi32, #tpu.memory_space<vmem>>, vector<16xi32>,
    tpu.vector_store %arg27[%swap3A], %add3A_97 {strides = array<i32>} : memref<16xi32, #tpu.memory_space<vmem>>, vector<16xi32>,
    %mul3A_99 = arith.constant 16 : i32
    %mul3A_100 = arith.muli %add3A, %mul3A_99 : i32
    "tpu.region"() ({
      %run_scoped3A = tpu.sem_alloc : memref<!tpu.dma_semaphore, #tpu.memory_space<semaphore_mem>>
      %dma_start3A = tpu.memref_slice %arg9[%mul3A_100] : memref<512xi32, #tpu.memory_space<hbm>> -> memref<16xi32, #tpu.memory_space<hbm>>
      %dma_start3A_101 = tpu.memref_slice %arg9[%mul3A_100] : memref<512xi32, #tpu.memory_space<hbm>> -> memref<16xi32, #tpu.memory_space<hbm>>
      tpu.enqueue_dma source(%arg27 : memref<16xi32, #tpu.memory_space<vmem>>) target(%dma_start3A_101 : memref<16xi32, #tpu.memory_space<hbm>>) target_semaphore(%run_scoped3A : memref<!tpu.dma_semaphore, #tpu.memory_space<semaphore_mem>>)
      %dma_wait3A = tpu.memref_slice %arg9[%mul3A_100] : memref<512xi32, #tpu.memory_space<hbm>> -> memref<16xi32, #tpu.memory_space<hbm>>
      %dma_wait3A_102 = tpu.memref_slice %arg9[%mul3A_100] : memref<512xi32, #tpu.memory_space<hbm>> -> memref<16xi32, #tpu.memory_space<hbm>>
      tpu.wait_dma2 semaphore(%run_scoped3A : memref<!tpu.dma_semaphore, #tpu.memory_space<semaphore_mem>>) src(%arg27 : memref<16xi32, #tpu.memory_space<vmem>>) dst(%dma_wait3A_102 : memref<16xi32, #tpu.memory_space<hbm>>)
      tpu.yield
    }) : () -> ()
    return
  }
}

#map = affine_map<(d0, d1) -> (0)>
#map1 = affine_map<(d0, d1) -> (0, 0)>
module attributes {stable_mosaic.version = 14 : i64} {
  func.func @_hist_body(%arg0: i32, %arg1: i32, %arg2: memref<33554432xf32, #tpu.memory_space<hbm>>, %arg3: memref<32x65536xi32, #tpu.memory_space<hbm>>, %arg4: memref<16384xf32, #tpu.memory_space<vmem>>, %arg5: memref<65536xi32, #tpu.memory_space<vmem>>) attributes {dimension_semantics = [#tpu.dimension_semantics<core_parallel>, #tpu.dimension_semantics<subcore_parallel>], iteration_bounds = array<i64: 2, 16>, scalar_prefetch = 0 : i64, scratch_operands = 2 : i64, tpu.core_type = #tpu.core_type<sc_vector_subcore>, window_params = [{transform_indices = #map}, {transform_indices = #map1}]} {
    %mul3A = arith.constant 2 : i32
    %mul3A_0 = arith.muli %arg1, %mul3A : i32
    %add3A = arith.addi %mul3A_0, %arg0 : i32
    %mul3A_1 = arith.constant 1048576 : i32
    %mul3A_2 = arith.muli %add3A, %mul3A_1 : i32
    %broadcast_in_dim3A = arith.constant 0 : i32
    %broadcast_in_dim3A_3 = vector.broadcast %broadcast_in_dim3A : i32 to vector<16xi32>
    %scan3A = arith.constant 0 : i32
    %scan3A_4 = arith.constant 0 : i32
    %scan3A_5 = arith.constant 4096 : i32
    %scan3A_6 = arith.addi %scan3A_4, %scan3A_5 : i32
    %scan3A_7 = arith.constant 1 : i32
    scf.for %scan3A_21 = %scan3A_4 to %scan3A_6 step %scan3A_7  : i32 {
      %mul3A_22 = arith.constant 16 : i32
      %mul3A_23 = arith.muli %scan3A_21, %mul3A_22 : i32
      %swap3A = arith.index_cast %mul3A_23 : i32 to index
      %swap3A_24 = tpu.vector_load %arg5[%swap3A] {strides = array<i32>} : memref<65536xi32, #tpu.memory_space<vmem>>, vector<16xi32>,
      tpu.vector_store %arg5[%swap3A], %broadcast_in_dim3A_3 {strides = array<i32>} : memref<65536xi32, #tpu.memory_space<vmem>>, vector<16xi32>,
    }
    %scan3A_8 = arith.constant 4096 : i32
    %iota3A = tpu.iota {dimensions = array<i32: 0>} : vector<16xi32>
    %mul3A_9 = arith.constant 4096 : i32
    %mul3A_10 = vector.broadcast %mul3A_9 : i32 to vector<16xi32>
    %mul3A_11 = arith.muli %iota3A, %mul3A_10 : vector<16xi32>
    %broadcast_in_dim3A_12 = arith.constant 1 : i32
    %broadcast_in_dim3A_13 = vector.broadcast %broadcast_in_dim3A_12 : i32 to vector<16xi32>
    %scan3A_14 = arith.constant 0 : i32
    %scan3A_15 = arith.constant 4.096000e+03 : f32
    %scan3A_16 = arith.constant 0 : i32
    %scan3A_17 = arith.constant 64 : i32
    %scan3A_18 = arith.addi %scan3A_16, %scan3A_17 : i32
    %scan3A_19 = arith.constant 1 : i32
    scf.for %scan3A_21 = %scan3A_16 to %scan3A_18 step %scan3A_19  : i32 {
      %mul3A_22 = arith.constant 16384 : i32
      %mul3A_23 = arith.muli %scan3A_21, %mul3A_22 : i32
      %add3A_24 = arith.addi %mul3A_2, %mul3A_23 : i32
      "tpu.region"() ({
        %run_scoped3A = tpu.sem_alloc : memref<!tpu.dma_semaphore, #tpu.memory_space<semaphore_mem>>
        %dma_start3A = tpu.memref_slice %arg2[%add3A_24] : memref<33554432xf32, #tpu.memory_space<hbm>> -> memref<16384xf32, #tpu.memory_space<hbm>>
        %dma_start3A_31 = tpu.memref_slice %arg2[%add3A_24] : memref<33554432xf32, #tpu.memory_space<hbm>> -> memref<16384xf32, #tpu.memory_space<hbm>>
        tpu.enqueue_dma source(%dma_start3A_31 : memref<16384xf32, #tpu.memory_space<hbm>>) target(%arg4 : memref<16384xf32, #tpu.memory_space<vmem>>) target_semaphore(%run_scoped3A : memref<!tpu.dma_semaphore, #tpu.memory_space<semaphore_mem>>)
        %dma_wait3A = tpu.memref_slice %arg2[%add3A_24] : memref<33554432xf32, #tpu.memory_space<hbm>> -> memref<16384xf32, #tpu.memory_space<hbm>>
        %dma_wait3A_32 = tpu.memref_slice %arg2[%add3A_24] : memref<33554432xf32, #tpu.memory_space<hbm>> -> memref<16384xf32, #tpu.memory_space<hbm>>
        tpu.wait_dma2 semaphore(%run_scoped3A : memref<!tpu.dma_semaphore, #tpu.memory_space<semaphore_mem>>) src(%dma_wait3A_32 : memref<16384xf32, #tpu.memory_space<hbm>>) dst(%arg4 : memref<16384xf32, #tpu.memory_space<vmem>>)
        tpu.yield
      }) : () -> ()
      %scan3A_25 = arith.constant 0 : i32
      %scan3A_26 = arith.constant 0 : i32
      %scan3A_27 = arith.constant 256 : i32
      %scan3A_28 = arith.addi %scan3A_26, %scan3A_27 : i32
      %scan3A_29 = arith.constant 1 : i32
      scf.for %scan3A_31 = %scan3A_26 to %scan3A_28 step %scan3A_29  : i32 {
        %mul3A_32 = arith.constant 64 : i32
        %mul3A_33 = arith.muli %scan3A_31, %mul3A_32 : i32
        %add3A_34 = arith.constant 0 : i32
        %add3A_35 = arith.addi %mul3A_33, %add3A_34 : i32
        %get3A = arith.index_cast %add3A_35 : i32 to index
        %get3A_36 = tpu.vector_load %arg4[%get3A] {strides = array<i32>} : memref<16384xf32, #tpu.memory_space<vmem>>, vector<16xf32>,
        %mul3A_37 = vector.broadcast %scan3A_15 : f32 to vector<16xf32>
        %mul3A_38 = arith.mulf %get3A_36, %mul3A_37 : vector<16xf32>
        %convert_element_type3A = arith.fptosi %mul3A_38 : vector<16xf32> to vector<16xi32>
        %add3A_39 = arith.addi %mul3A_11, %convert_element_type3A : vector<16xi32>
        tpu.vector_store_idx %arg5[%add3A_39], %broadcast_in_dim3A_13 {add = true} : memref<65536xi32, #tpu.memory_space<vmem>>[vector<16xi32>], vector<16xi32>,
        %mul3A_40 = arith.constant 64 : i32
        %mul3A_41 = arith.muli %scan3A_31, %mul3A_40 : i32
        %add3A_42 = arith.constant 16 : i32
        %add3A_43 = arith.addi %mul3A_41, %add3A_42 : i32
        %get3A_44 = arith.index_cast %add3A_43 : i32 to index
        %get3A_45 = tpu.vector_load %arg4[%get3A_44] {strides = array<i32>} : memref<16384xf32, #tpu.memory_space<vmem>>, vector<16xf32>,
        %mul3A_46 = vector.broadcast %scan3A_15 : f32 to vector<16xf32>
        %mul3A_47 = arith.mulf %get3A_45, %mul3A_46 : vector<16xf32>
        %convert_element_type3A_48 = arith.fptosi %mul3A_47 : vector<16xf32> to vector<16xi32>
        %add3A_49 = arith.addi %mul3A_11, %convert_element_type3A_48 : vector<16xi32>
        tpu.vector_store_idx %arg5[%add3A_49], %broadcast_in_dim3A_13 {add = true} : memref<65536xi32, #tpu.memory_space<vmem>>[vector<16xi32>], vector<16xi32>,
        %mul3A_50 = arith.constant 64 : i32
        %mul3A_51 = arith.muli %scan3A_31, %mul3A_50 : i32
        %add3A_52 = arith.constant 32 : i32
        %add3A_53 = arith.addi %mul3A_51, %add3A_52 : i32
        %get3A_54 = arith.index_cast %add3A_53 : i32 to index
        %get3A_55 = tpu.vector_load %arg4[%get3A_54] {strides = array<i32>} : memref<16384xf32, #tpu.memory_space<vmem>>, vector<16xf32>,
        %mul3A_56 = vector.broadcast %scan3A_15 : f32 to vector<16xf32>
        %mul3A_57 = arith.mulf %get3A_55, %mul3A_56 : vector<16xf32>
        %convert_element_type3A_58 = arith.fptosi %mul3A_57 : vector<16xf32> to vector<16xi32>
        %add3A_59 = arith.addi %mul3A_11, %convert_element_type3A_58 : vector<16xi32>
        tpu.vector_store_idx %arg5[%add3A_59], %broadcast_in_dim3A_13 {add = true} : memref<65536xi32, #tpu.memory_space<vmem>>[vector<16xi32>], vector<16xi32>,
        %mul3A_60 = arith.constant 64 : i32
        %mul3A_61 = arith.muli %scan3A_31, %mul3A_60 : i32
        %add3A_62 = arith.constant 48 : i32
        %add3A_63 = arith.addi %mul3A_61, %add3A_62 : i32
        %get3A_64 = arith.index_cast %add3A_63 : i32 to index
        %get3A_65 = tpu.vector_load %arg4[%get3A_64] {strides = array<i32>} : memref<16384xf32, #tpu.memory_space<vmem>>, vector<16xf32>,
        %mul3A_66 = vector.broadcast %scan3A_15 : f32 to vector<16xf32>
        %mul3A_67 = arith.mulf %get3A_65, %mul3A_66 : vector<16xf32>
        %convert_element_type3A_68 = arith.fptosi %mul3A_67 : vector<16xf32> to vector<16xi32>
        %add3A_69 = arith.addi %mul3A_11, %convert_element_type3A_68 : vector<16xi32>
        tpu.vector_store_idx %arg5[%add3A_69], %broadcast_in_dim3A_13 {add = true} : memref<65536xi32, #tpu.memory_space<vmem>>[vector<16xi32>], vector<16xi32>,
      }
      %scan3A_30 = arith.constant 256 : i32
    }
    %scan3A_20 = arith.constant 64 : i32
    "tpu.region"() ({
      %run_scoped3A = tpu.sem_alloc : memref<!tpu.dma_semaphore, #tpu.memory_space<semaphore_mem>>
      %dma_start3A = arith.constant 0 : i32
      %dma_start3A_21 = tpu.memref_slice %arg3[%add3A, %dma_start3A] : memref<32x65536xi32, #tpu.memory_space<hbm>> -> memref<1x65536xi32, #tpu.memory_space<hbm>>
      %dma_start3A_22 = tpu.memref_squeeze %dma_start3A_21 : memref<1x65536xi32, #tpu.memory_space<hbm>> -> memref<65536xi32, #tpu.memory_space<hbm>>
      %dma_start3A_23 = arith.constant 0 : i32
      %dma_start3A_24 = tpu.memref_slice %arg3[%add3A, %dma_start3A_23] : memref<32x65536xi32, #tpu.memory_space<hbm>> -> memref<1x65536xi32, #tpu.memory_space<hbm>>
      %dma_start3A_25 = tpu.memref_squeeze %dma_start3A_24 : memref<1x65536xi32, #tpu.memory_space<hbm>> -> memref<65536xi32, #tpu.memory_space<hbm>>
      tpu.enqueue_dma source(%arg5 : memref<65536xi32, #tpu.memory_space<vmem>>) target(%dma_start3A_25 : memref<65536xi32, #tpu.memory_space<hbm>>) target_semaphore(%run_scoped3A : memref<!tpu.dma_semaphore, #tpu.memory_space<semaphore_mem>>)
      %dma_wait3A = arith.constant 0 : i32
      %dma_wait3A_26 = tpu.memref_slice %arg3[%add3A, %dma_wait3A] : memref<32x65536xi32, #tpu.memory_space<hbm>> -> memref<1x65536xi32, #tpu.memory_space<hbm>>
      %dma_wait3A_27 = tpu.memref_squeeze %dma_wait3A_26 : memref<1x65536xi32, #tpu.memory_space<hbm>> -> memref<65536xi32, #tpu.memory_space<hbm>>
      %dma_wait3A_28 = arith.constant 0 : i32
      %dma_wait3A_29 = tpu.memref_slice %arg3[%add3A, %dma_wait3A_28] : memref<32x65536xi32, #tpu.memory_space<hbm>> -> memref<1x65536xi32, #tpu.memory_space<hbm>>
      %dma_wait3A_30 = tpu.memref_squeeze %dma_wait3A_29 : memref<1x65536xi32, #tpu.memory_space<hbm>> -> memref<65536xi32, #tpu.memory_space<hbm>>
      tpu.wait_dma2 semaphore(%run_scoped3A : memref<!tpu.dma_semaphore, #tpu.memory_space<semaphore_mem>>) src(%arg5 : memref<65536xi32, #tpu.memory_space<vmem>>) dst(%dma_wait3A_30 : memref<65536xi32, #tpu.memory_space<hbm>>)
      tpu.yield
    }) : () -> ()
    return
  }
}

module attributes {stable_mosaic.version = 14 : i64} {
  func.func @_thr_body(%arg0: memref<32x65536xi32, #tpu.memory_space<vmem>>, %arg1: memref<8x2048xi32, #tpu.memory_space<vmem>>, %arg2: memref<8x2048xi32, #tpu.memory_space<vmem>>, %arg3: memref<8x128xf32, #tpu.memory_space<vmem>>) attributes {dimension_semantics = [], scalar_prefetch = 0 : i64, scratch_operands = 0 : i64, tpu.core_type = #tpu.core_type<tc>} {
    %get3A = arith.constant 0 : index
    %get3A_0 = arith.constant 0 : index
    %get3A_1 = vector.load %arg0[%get3A, %get3A_0] : memref<32x65536xi32, #tpu.memory_space<vmem>>, vector<32x65536xi32>
    %reshape3A = vector.shape_cast %get3A_1 : vector<32x65536xi32> to vector<32x16x4096xi32>
    %reduce_sum3A = arith.constant dense<0> : vector<32x4096xi32>
    %reduce_sum3A_2 = vector.multi_reduction <add>, %reshape3A, %reduce_sum3A [1] : vector<32x16x4096xi32> to vector<32x4096xi32>
    %reshape3A_3 = vector.shape_cast %reduce_sum3A_2 : vector<32x4096xi32> to vector<8x4x4096xi32>
    %reduce_sum3A_4 = arith.constant dense<0> : vector<8x4096xi32>
    %reduce_sum3A_5 = vector.multi_reduction <add>, %reshape3A_3, %reduce_sum3A_4 [1] : vector<8x4x4096xi32> to vector<8x4096xi32>
    %slice3A = vector.extract_strided_slice %reduce_sum3A_5 {offsets = [0, 1], sizes = [8, 4095], strides = [1, 1]} : vector<8x4096xi32> to vector<8x4095xi32>
    %broadcast_in_dim3A = arith.constant 0 : i32
    %broadcast_in_dim3A_6 = vector.broadcast %broadcast_in_dim3A : i32 to vector<8x1xi32>
    %concatenate3A = tpu.concatenate %slice3A, %broadcast_in_dim3A_6 in 1 : vector<8x4095xi32>, vector<8x1xi32> -> vector<8x4096xi32>
    %add3A = arith.addi %reduce_sum3A_5, %concatenate3A : vector<8x4096xi32>
    %slice3A_7 = vector.extract_strided_slice %add3A {offsets = [0, 2], sizes = [8, 4094], strides = [1, 1]} : vector<8x4096xi32> to vector<8x4094xi32>
    %broadcast_in_dim3A_8 = arith.constant 0 : i32
    %broadcast_in_dim3A_9 = vector.broadcast %broadcast_in_dim3A_8 : i32 to vector<8x2xi32>
    %concatenate3A_10 = tpu.concatenate %slice3A_7, %broadcast_in_dim3A_9 in 1 : vector<8x4094xi32>, vector<8x2xi32> -> vector<8x4096xi32>
    %add3A_11 = arith.addi %add3A, %concatenate3A_10 : vector<8x4096xi32>
    %slice3A_12 = vector.extract_strided_slice %add3A_11 {offsets = [0, 4], sizes = [8, 4092], strides = [1, 1]} : vector<8x4096xi32> to vector<8x4092xi32>
    %broadcast_in_dim3A_13 = arith.constant 0 : i32
    %broadcast_in_dim3A_14 = vector.broadcast %broadcast_in_dim3A_13 : i32 to vector<8x4xi32>
    %concatenate3A_15 = tpu.concatenate %slice3A_12, %broadcast_in_dim3A_14 in 1 : vector<8x4092xi32>, vector<8x4xi32> -> vector<8x4096xi32>
    %add3A_16 = arith.addi %add3A_11, %concatenate3A_15 : vector<8x4096xi32>
    %slice3A_17 = vector.extract_strided_slice %add3A_16 {offsets = [0, 8], sizes = [8, 4088], strides = [1, 1]} : vector<8x4096xi32> to vector<8x4088xi32>
    %broadcast_in_dim3A_18 = arith.constant 0 : i32
    %broadcast_in_dim3A_19 = vector.broadcast %broadcast_in_dim3A_18 : i32 to vector<8x8xi32>
    %concatenate3A_20 = tpu.concatenate %slice3A_17, %broadcast_in_dim3A_19 in 1 : vector<8x4088xi32>, vector<8x8xi32> -> vector<8x4096xi32>
    %add3A_21 = arith.addi %add3A_16, %concatenate3A_20 : vector<8x4096xi32>
    %slice3A_22 = vector.extract_strided_slice %add3A_21 {offsets = [0, 16], sizes = [8, 4080], strides = [1, 1]} : vector<8x4096xi32> to vector<8x4080xi32>
    %broadcast_in_dim3A_23 = arith.constant 0 : i32
    %broadcast_in_dim3A_24 = vector.broadcast %broadcast_in_dim3A_23 : i32 to vector<8x16xi32>
    %concatenate3A_25 = tpu.concatenate %slice3A_22, %broadcast_in_dim3A_24 in 1 : vector<8x4080xi32>, vector<8x16xi32> -> vector<8x4096xi32>
    %add3A_26 = arith.addi %add3A_21, %concatenate3A_25 : vector<8x4096xi32>
    %slice3A_27 = vector.extract_strided_slice %add3A_26 {offsets = [0, 32], sizes = [8, 4064], strides = [1, 1]} : vector<8x4096xi32> to vector<8x4064xi32>
    %broadcast_in_dim3A_28 = arith.constant 0 : i32
    %broadcast_in_dim3A_29 = vector.broadcast %broadcast_in_dim3A_28 : i32 to vector<8x32xi32>
    %concatenate3A_30 = tpu.concatenate %slice3A_27, %broadcast_in_dim3A_29 in 1 : vector<8x4064xi32>, vector<8x32xi32> -> vector<8x4096xi32>
    %add3A_31 = arith.addi %add3A_26, %concatenate3A_30 : vector<8x4096xi32>
    %slice3A_32 = vector.extract_strided_slice %add3A_31 {offsets = [0, 64], sizes = [8, 4032], strides = [1, 1]} : vector<8x4096xi32> to vector<8x4032xi32>
    %broadcast_in_dim3A_33 = arith.constant 0 : i32
    %broadcast_in_dim3A_34 = vector.broadcast %broadcast_in_dim3A_33 : i32 to vector<8x64xi32>
    %concatenate3A_35 = tpu.concatenate %slice3A_32, %broadcast_in_dim3A_34 in 1 : vector<8x4032xi32>, vector<8x64xi32> -> vector<8x4096xi32>
    %add3A_36 = arith.addi %add3A_31, %concatenate3A_35 : vector<8x4096xi32>
    %slice3A_37 = vector.extract_strided_slice %add3A_36 {offsets = [0, 128], sizes = [8, 3968], strides = [1, 1]} : vector<8x4096xi32> to vector<8x3968xi32>
    %broadcast_in_dim3A_38 = arith.constant 0 : i32
    %broadcast_in_dim3A_39 = vector.broadcast %broadcast_in_dim3A_38 : i32 to vector<8x128xi32>
    %concatenate3A_40 = tpu.concatenate %slice3A_37, %broadcast_in_dim3A_39 in 1 : vector<8x3968xi32>, vector<8x128xi32> -> vector<8x4096xi32>
    %add3A_41 = arith.addi %add3A_36, %concatenate3A_40 : vector<8x4096xi32>
    %slice3A_42 = vector.extract_strided_slice %add3A_41 {offsets = [0, 256], sizes = [8, 3840], strides = [1, 1]} : vector<8x4096xi32> to vector<8x3840xi32>
    %broadcast_in_dim3A_43 = arith.constant 0 : i32
    %broadcast_in_dim3A_44 = vector.broadcast %broadcast_in_dim3A_43 : i32 to vector<8x256xi32>
    %concatenate3A_45 = tpu.concatenate %slice3A_42, %broadcast_in_dim3A_44 in 1 : vector<8x3840xi32>, vector<8x256xi32> -> vector<8x4096xi32>
    %add3A_46 = arith.addi %add3A_41, %concatenate3A_45 : vector<8x4096xi32>
    %slice3A_47 = vector.extract_strided_slice %add3A_46 {offsets = [0, 512], sizes = [8, 3584], strides = [1, 1]} : vector<8x4096xi32> to vector<8x3584xi32>
    %broadcast_in_dim3A_48 = arith.constant 0 : i32
    %broadcast_in_dim3A_49 = vector.broadcast %broadcast_in_dim3A_48 : i32 to vector<8x512xi32>
    %concatenate3A_50 = tpu.concatenate %slice3A_47, %broadcast_in_dim3A_49 in 1 : vector<8x3584xi32>, vector<8x512xi32> -> vector<8x4096xi32>
    %add3A_51 = arith.addi %add3A_46, %concatenate3A_50 : vector<8x4096xi32>
    %slice3A_52 = vector.extract_strided_slice %add3A_51 {offsets = [0, 1024], sizes = [8, 3072], strides = [1, 1]} : vector<8x4096xi32> to vector<8x3072xi32>
    %broadcast_in_dim3A_53 = arith.constant 0 : i32
    %broadcast_in_dim3A_54 = vector.broadcast %broadcast_in_dim3A_53 : i32 to vector<8x1024xi32>
    %concatenate3A_55 = tpu.concatenate %slice3A_52, %broadcast_in_dim3A_54 in 1 : vector<8x3072xi32>, vector<8x1024xi32> -> vector<8x4096xi32>
    %add3A_56 = arith.addi %add3A_51, %concatenate3A_55 : vector<8x4096xi32>
    %slice3A_57 = vector.extract_strided_slice %add3A_56 {offsets = [0, 2048], sizes = [8, 2048], strides = [1, 1]} : vector<8x4096xi32> to vector<8x2048xi32>
    %broadcast_in_dim3A_58 = arith.constant 0 : i32
    %broadcast_in_dim3A_59 = vector.broadcast %broadcast_in_dim3A_58 : i32 to vector<8x2048xi32>
    %concatenate3A_60 = tpu.concatenate %slice3A_57, %broadcast_in_dim3A_59 in 1 : vector<8x2048xi32>, vector<8x2048xi32> -> vector<8x4096xi32>
    %add3A_61 = arith.addi %add3A_56, %concatenate3A_60 : vector<8x4096xi32>
    %get3A_62 = arith.constant 0 : index
    %get3A_63 = arith.constant 0 : index
    %get3A_64 = vector.load %arg1[%get3A_62, %get3A_63] : memref<8x2048xi32, #tpu.memory_space<vmem>>, vector<8x2048xi32>
    %reduce_sum3A_65 = arith.constant dense<0> : vector<8xi32>
    %reduce_sum3A_66 = vector.multi_reduction <add>, %get3A_64, %reduce_sum3A_65 [1] : vector<8x2048xi32> to vector<8xi32>
    %get3A_67 = arith.constant 0 : index
    %get3A_68 = arith.constant 0 : index
    %get3A_69 = vector.load %arg2[%get3A_67, %get3A_68] : memref<8x2048xi32, #tpu.memory_space<vmem>>, vector<8x2048xi32>
    %reduce_sum3A_70 = arith.constant dense<0> : vector<8xi32>
    %reduce_sum3A_71 = vector.multi_reduction <add>, %get3A_69, %reduce_sum3A_70 [1] : vector<8x2048xi32> to vector<8xi32>
    %max3A = arith.maxsi %reduce_sum3A_66, %reduce_sum3A_71 : vector<8xi32>
    %convert_element_type3A = arith.sitofp %max3A : vector<8xi32> to vector<8xf32>
    %mul3A = arith.constant 2.000000e-01 : f32
    %mul3A_72 = vector.broadcast %mul3A : f32 to vector<8xf32>
    %mul3A_73 = arith.mulf %convert_element_type3A, %mul3A_72 : vector<8xf32>
    %convert_element_type3A_74 = arith.fptosi %mul3A_73 : vector<8xf32> to vector<8xi32>
    %min3A = arith.constant 409 : i32
    %min3A_75 = vector.broadcast %min3A : i32 to vector<8xi32>
    %min3A_76 = arith.minsi %convert_element_type3A_74, %min3A_75 : vector<8xi32>
    %iota3A = tpu.iota {dimensions = array<i32: 1>} : vector<8x4096xi32>
    %broadcast_in_dim3A_77 = vector.shape_cast %min3A_76 : vector<8xi32> to vector<8x1xi32>
    %ge3A = vector.broadcast %broadcast_in_dim3A_77 : vector<8x1xi32> to vector<8x4096xi32>
    %ge3A_78 = arith.cmpi sge, %add3A_61, %ge3A : vector<8x4096xi32>
    %jit3A = arith.constant -1 : i32
    %broadcast_in_dim3A_79 = vector.broadcast %jit3A : i32 to vector<8x4096xi32>
    %select_n3A = arith.select %ge3A_78, %iota3A, %broadcast_in_dim3A_79 : vector<8x4096xi1>, vector<8x4096xi32>
    %reduce_max3A = arith.constant dense<-2147483648> : vector<8xi32>
    %reduce_max3A_80 = vector.multi_reduction <maxsi>, %select_n3A, %reduce_max3A [1] : vector<8x4096xi32> to vector<8xi32>
    %broadcast_in_dim3A_81 = vector.shape_cast %reduce_max3A_80 : vector<8xi32> to vector<8x1xi32>
    %eq3A = vector.broadcast %broadcast_in_dim3A_81 : vector<8x1xi32> to vector<8x4096xi32>
    %eq3A_82 = arith.cmpi eq, %iota3A, %eq3A : vector<8x4096xi32>
    %jit3A_83 = arith.constant 0 : i32
    %broadcast_in_dim3A_84 = vector.broadcast %jit3A_83 : i32 to vector<8x4096xi32>
    %select_n3A_85 = arith.select %eq3A_82, %reduce_sum3A_5, %broadcast_in_dim3A_84 : vector<8x4096xi1>, vector<8x4096xi32>
    %reduce_sum3A_86 = arith.constant dense<0> : vector<8xi32>
    %reduce_sum3A_87 = vector.multi_reduction <add>, %select_n3A_85, %reduce_sum3A_86 [1] : vector<8x4096xi32> to vector<8xi32>
    %jit3A_88 = arith.constant 0 : i32
    %broadcast_in_dim3A_89 = vector.broadcast %jit3A_88 : i32 to vector<8x4096xi32>
    %select_n3A_90 = arith.select %eq3A_82, %add3A_61, %broadcast_in_dim3A_89 : vector<8x4096xi1>, vector<8x4096xi32>
    %reduce_sum3A_91 = arith.constant dense<0> : vector<8xi32>
    %reduce_sum3A_92 = vector.multi_reduction <add>, %select_n3A_90, %reduce_sum3A_91 [1] : vector<8x4096xi32> to vector<8xi32>
    %sub3A = arith.subi %reduce_sum3A_92, %reduce_sum3A_87 : vector<8xi32>
    %sub3A_93 = arith.subi %min3A_76, %sub3A : vector<8xi32>
    %add3A_94 = arith.constant 1 : i32
    %add3A_95 = vector.broadcast %add3A_94 : i32 to vector<8xi32>
    %add3A_96 = arith.addi %reduce_max3A_80, %add3A_95 : vector<8xi32>
    %convert_element_type3A_97 = arith.sitofp %add3A_96 : vector<8xi32> to vector<8xf32>
    %mul3A_98 = arith.constant 2.44140625E-4 : f32
    %mul3A_99 = vector.broadcast %mul3A_98 : f32 to vector<8xf32>
    %mul3A_100 = arith.mulf %convert_element_type3A_97, %mul3A_99 : vector<8xf32>
    %convert_element_type3A_101 = arith.sitofp %reduce_max3A_80 : vector<8xi32> to vector<8xf32>
    %mul3A_102 = arith.constant 2.44140625E-4 : f32
    %mul3A_103 = vector.broadcast %mul3A_102 : f32 to vector<8xf32>
    %mul3A_104 = arith.mulf %convert_element_type3A_101, %mul3A_103 : vector<8xf32>
    %broadcast_in_dim3A_105 = vector.shape_cast %mul3A_100 : vector<8xf32> to vector<8x1xf32>
    %broadcast_in_dim3A_106 = vector.shape_cast %mul3A_104 : vector<8xf32> to vector<8x1xf32>
    %convert_element_type3A_107 = arith.sitofp %sub3A : vector<8xi32> to vector<8xf32>
    %broadcast_in_dim3A_108 = vector.shape_cast %convert_element_type3A_107 : vector<8xf32> to vector<8x1xf32>
    %convert_element_type3A_109 = arith.sitofp %sub3A_93 : vector<8xi32> to vector<8xf32>
    %broadcast_in_dim3A_110 = vector.shape_cast %convert_element_type3A_109 : vector<8xf32> to vector<8x1xf32>
    %convert_element_type3A_111 = arith.sitofp %min3A_76 : vector<8xi32> to vector<8xf32>
    %broadcast_in_dim3A_112 = vector.shape_cast %convert_element_type3A_111 : vector<8xf32> to vector<8x1xf32>
    %broadcast_in_dim3A_113 = arith.constant 0.000000e+00 : f32
    %broadcast_in_dim3A_114 = vector.broadcast %broadcast_in_dim3A_113 : f32 to vector<8x123xf32>
    %concatenate3A_115 = tpu.concatenate %broadcast_in_dim3A_105, %broadcast_in_dim3A_106, %broadcast_in_dim3A_108, %broadcast_in_dim3A_110, %broadcast_in_dim3A_112, %broadcast_in_dim3A_114 in 1 : vector<8x1xf32>, vector<8x1xf32>, vector<8x1xf32>, vector<8x1xf32>, vector<8x1xf32>, vector<8x123xf32> -> vector<8x128xf32>
    %swap3A = arith.constant 0 : index
    %swap3A_116 = arith.constant 0 : index
    %swap3A_117 = vector.load %arg3[%swap3A, %swap3A_116] : memref<8x128xf32, #tpu.memory_space<vmem>>, vector<8x128xf32>
    tpu.vector_store %arg3[%swap3A, %swap3A_116], %concatenate3A_115 {strides = array<i32>} : memref<8x128xf32, #tpu.memory_space<vmem>>, vector<8x128xf32>,
    return
  }
}

module attributes {stable_mosaic.version = 14 : i64} {
  func.func @_fin_body(%arg0: i32, %arg1: memref<1x8x2048xf32, #tpu.memory_space<vmem>>, %arg2: memref<1x1x2048xi32, #tpu.memory_space<vmem>>, %arg3: memref<8x128xf32, #tpu.memory_space<smem>>, %arg4: memref<1x1x128xf32, #tpu.memory_space<vmem>>) attributes {dimension_semantics = [#tpu.dimension_semantics<arbitrary>], iteration_bounds = array<i64: 8>, scalar_prefetch = 0 : i64, scratch_operands = 0 : i64, tpu.core_type = #tpu.core_type<tc>, window_params = [{transform_indices = @transform_0, window_bounds = array<i64: 1, 8, 2048>}, {transform_indices = @transform_1, window_bounds = array<i64: 1, 1, 2048>}, {transform_indices = @transform_2, window_bounds = array<i64: 8, 128>}, {transform_indices = @transform_3, window_bounds = array<i64: 1, 1, 128>}]} {
    %get3A = arith.constant 0 : index
    %get3A_0 = arith.constant 0 : index
    %get3A_1 = arith.constant 0 : index
    %get3A_2 = vector.load %arg1[%get3A, %get3A_0, %get3A_1] : memref<1x8x2048xf32, #tpu.memory_space<vmem>>, vector<1x8x2048xf32>
    %get3A_3 = vector.shape_cast %get3A_2 : vector<1x8x2048xf32> to vector<8x2048xf32>
    %slice3A = vector.extract_strided_slice %get3A_3 {offsets = [6, 0], sizes = [1, 2048], strides = [1, 1]} : vector<8x2048xf32> to vector<1x2048xf32>
    %squeeze3A = vector.shape_cast %slice3A : vector<1x2048xf32> to vector<2048xf32>
    %slice3A_4 = vector.extract_strided_slice %get3A_3 {offsets = [7, 0], sizes = [1, 2048], strides = [1, 1]} : vector<8x2048xf32> to vector<1x2048xf32>
    %squeeze3A_5 = vector.shape_cast %slice3A_4 : vector<1x2048xf32> to vector<2048xf32>
    %gt3A = arith.constant 5.000000e-01 : f32
    %gt3A_6 = vector.broadcast %gt3A : f32 to vector<2048xf32>
    %gt3A_7 = arith.cmpf ogt, %squeeze3A_5, %gt3A_6 : vector<2048xf32>
    %get3A_8 = arith.constant 0 : index
    %get3A_9 = arith.constant 0 : index
    %get3A_10 = arith.constant 0 : index
    %get3A_11 = vector.load %arg2[%get3A_8, %get3A_9, %get3A_10] : memref<1x1x2048xi32, #tpu.memory_space<vmem>>, vector<1x1x2048xi32>
    %get3A_12 = vector.shape_cast %get3A_11 : vector<1x1x2048xi32> to vector<2048xi32>
    %get3A_13 = arith.index_cast %arg0 : i32 to index
    %get3A_14 = arith.constant 4 : index
    %get3A_15 = memref.load %arg3[%get3A_13, %get3A_14] : memref<8x128xf32, #tpu.memory_space<smem>>
    %convert_element_type3A = arith.fptosi %get3A_15 : f32 to i32
    %broadcast_in_dim3A = vector.shape_cast %squeeze3A : vector<2048xf32> to vector<2048x1xf32>
    %broadcast_in_dim3A_16 = vector.shape_cast %squeeze3A : vector<2048xf32> to vector<1x2048xf32>
    %broadcast_in_dim3A_17 = vector.shape_cast %get3A_12 : vector<2048xi32> to vector<2048x1xi32>
    %broadcast_in_dim3A_18 = vector.shape_cast %get3A_12 : vector<2048xi32> to vector<1x2048xi32>
    %gt3A_19 = vector.broadcast %broadcast_in_dim3A_16 : vector<1x2048xf32> to vector<2048x2048xf32>
    %gt3A_20 = vector.broadcast %broadcast_in_dim3A : vector<2048x1xf32> to vector<2048x2048xf32>
    %gt3A_21 = arith.cmpf ogt, %gt3A_19, %gt3A_20 : vector<2048x2048xf32>
    %eq3A = vector.broadcast %broadcast_in_dim3A_16 : vector<1x2048xf32> to vector<2048x2048xf32>
    %eq3A_22 = vector.broadcast %broadcast_in_dim3A : vector<2048x1xf32> to vector<2048x2048xf32>
    %eq3A_23 = arith.cmpf oeq, %eq3A, %eq3A_22 : vector<2048x2048xf32>
    %lt3A = vector.broadcast %broadcast_in_dim3A_18 : vector<1x2048xi32> to vector<2048x2048xi32>
    %lt3A_24 = vector.broadcast %broadcast_in_dim3A_17 : vector<2048x1xi32> to vector<2048x2048xi32>
    %lt3A_25 = arith.cmpi slt, %lt3A, %lt3A_24 : vector<2048x2048xi32>
    %and3A = arith.andi %eq3A_23, %lt3A_25 : vector<2048x2048xi1>
    %or3A = arith.ori %gt3A_21, %and3A : vector<2048x2048xi1>
    %broadcast_in_dim3A_26 = vector.shape_cast %gt3A_7 : vector<2048xi1> to vector<1x2048xi1>
    %and3A_27 = vector.broadcast %broadcast_in_dim3A_26 : vector<1x2048xi1> to vector<2048x2048xi1>
    %and3A_28 = arith.andi %or3A, %and3A_27 : vector<2048x2048xi1>
    %convert_element_type3A_29 = arith.extui %and3A_28 : vector<2048x2048xi1> to vector<2048x2048xi32>
    %reduce_sum3A = arith.constant dense<0> : vector<2048xi32>
    %reduce_sum3A_30 = vector.multi_reduction <add>, %convert_element_type3A_29, %reduce_sum3A [1] : vector<2048x2048xi32> to vector<2048xi32>
    %lt3A_31 = vector.broadcast %convert_element_type3A : i32 to vector<2048xi32>
    %lt3A_32 = arith.cmpi slt, %reduce_sum3A_30, %lt3A_31 : vector<2048xi32>
    %and3A_33 = arith.andi %gt3A_7, %lt3A_32 : vector<2048xi1>
    %jit3A = arith.constant 0.000000e+00 : f32
    %broadcast_in_dim3A_34 = vector.broadcast %jit3A : f32 to vector<2048xf32>
    %select_n3A = arith.select %and3A_33, %squeeze3A, %broadcast_in_dim3A_34 : vector<2048xi1>, vector<2048xf32>
    %slice3A_35 = vector.extract_strided_slice %get3A_3 {offsets = [0, 0], sizes = [1, 2048], strides = [1, 1]} : vector<8x2048xf32> to vector<1x2048xf32>
    %squeeze3A_36 = vector.shape_cast %slice3A_35 : vector<1x2048xf32> to vector<2048xf32>
    %slice3A_37 = vector.extract_strided_slice %get3A_3 {offsets = [1, 0], sizes = [1, 2048], strides = [1, 1]} : vector<8x2048xf32> to vector<1x2048xf32>
    %squeeze3A_38 = vector.shape_cast %slice3A_37 : vector<1x2048xf32> to vector<2048xf32>
    %slice3A_39 = vector.extract_strided_slice %get3A_3 {offsets = [2, 0], sizes = [1, 2048], strides = [1, 1]} : vector<8x2048xf32> to vector<1x2048xf32>
    %squeeze3A_40 = vector.shape_cast %slice3A_39 : vector<1x2048xf32> to vector<2048xf32>
    %slice3A_41 = vector.extract_strided_slice %get3A_3 {offsets = [3, 0], sizes = [1, 2048], strides = [1, 1]} : vector<8x2048xf32> to vector<1x2048xf32>
    %squeeze3A_42 = vector.shape_cast %slice3A_41 : vector<1x2048xf32> to vector<2048xf32>
    %slice3A_43 = vector.extract_strided_slice %get3A_3 {offsets = [4, 0], sizes = [1, 2048], strides = [1, 1]} : vector<8x2048xf32> to vector<1x2048xf32>
    %squeeze3A_44 = vector.shape_cast %slice3A_43 : vector<1x2048xf32> to vector<2048xf32>
    %slice3A_45 = vector.extract_strided_slice %get3A_3 {offsets = [5, 0], sizes = [1, 2048], strides = [1, 1]} : vector<8x2048xf32> to vector<1x2048xf32>
    %squeeze3A_46 = vector.shape_cast %slice3A_45 : vector<1x2048xf32> to vector<2048xf32>
    %reduce_sum3A_47 = vector.shape_cast %select_n3A : vector<2048xf32> to vector<1x2048xf32>
    %reduce_sum3A_48 = arith.constant dense<0.000000e+00> : vector<1xf32>
    %reduce_sum3A_49 = vector.multi_reduction <add>, %reduce_sum3A_47, %reduce_sum3A_48 [1] : vector<1x2048xf32> to vector<1xf32>
    %reduce_sum3A_50 = vector.shape_cast %reduce_sum3A_49 : vector<1xf32> to vector<1x1xf32>
    %reduce_sum3A_51 = vector.extract %reduce_sum3A_50[0, 0] : f32 from vector<1x1xf32>
    %add3A = arith.constant 9.99999974E-5 : f32
    %add3A_52 = arith.addf %reduce_sum3A_51, %add3A : f32
    %div3A = vector.broadcast %add3A_52 : f32 to vector<2048xf32>
    %div3A_53 = arith.divf %select_n3A, %div3A : vector<2048xf32>
    %mul3A = arith.mulf %div3A_53, %squeeze3A_36 : vector<2048xf32>
    %reduce_sum3A_54 = vector.shape_cast %mul3A : vector<2048xf32> to vector<1x2048xf32>
    %reduce_sum3A_55 = arith.constant dense<0.000000e+00> : vector<1xf32>
    %reduce_sum3A_56 = vector.multi_reduction <add>, %reduce_sum3A_54, %reduce_sum3A_55 [1] : vector<1x2048xf32> to vector<1xf32>
    %reduce_sum3A_57 = vector.shape_cast %reduce_sum3A_56 : vector<1xf32> to vector<1x1xf32>
    %reduce_sum3A_58 = vector.extract %reduce_sum3A_57[0, 0] : f32 from vector<1x1xf32>
    %mul3A_59 = arith.mulf %div3A_53, %squeeze3A_38 : vector<2048xf32>
    %reduce_sum3A_60 = vector.shape_cast %mul3A_59 : vector<2048xf32> to vector<1x2048xf32>
    %reduce_sum3A_61 = arith.constant dense<0.000000e+00> : vector<1xf32>
    %reduce_sum3A_62 = vector.multi_reduction <add>, %reduce_sum3A_60, %reduce_sum3A_61 [1] : vector<1x2048xf32> to vector<1xf32>
    %reduce_sum3A_63 = vector.shape_cast %reduce_sum3A_62 : vector<1xf32> to vector<1x1xf32>
    %reduce_sum3A_64 = vector.extract %reduce_sum3A_63[0, 0] : f32 from vector<1x1xf32>
    %mul3A_65 = arith.mulf %div3A_53, %squeeze3A_40 : vector<2048xf32>
    %reduce_sum3A_66 = vector.shape_cast %mul3A_65 : vector<2048xf32> to vector<1x2048xf32>
    %reduce_sum3A_67 = arith.constant dense<0.000000e+00> : vector<1xf32>
    %reduce_sum3A_68 = vector.multi_reduction <add>, %reduce_sum3A_66, %reduce_sum3A_67 [1] : vector<1x2048xf32> to vector<1xf32>
    %reduce_sum3A_69 = vector.shape_cast %reduce_sum3A_68 : vector<1xf32> to vector<1x1xf32>
    %reduce_sum3A_70 = vector.extract %reduce_sum3A_69[0, 0] : f32 from vector<1x1xf32>
    %mul3A_71 = arith.mulf %div3A_53, %squeeze3A_42 : vector<2048xf32>
    %reduce_sum3A_72 = vector.shape_cast %mul3A_71 : vector<2048xf32> to vector<1x2048xf32>
    %reduce_sum3A_73 = arith.constant dense<0.000000e+00> : vector<1xf32>
    %reduce_sum3A_74 = vector.multi_reduction <add>, %reduce_sum3A_72, %reduce_sum3A_73 [1] : vector<1x2048xf32> to vector<1xf32>
    %reduce_sum3A_75 = vector.shape_cast %reduce_sum3A_74 : vector<1xf32> to vector<1x1xf32>
    %reduce_sum3A_76 = vector.extract %reduce_sum3A_75[0, 0] : f32 from vector<1x1xf32>
    %mul3A_77 = arith.mulf %div3A_53, %squeeze3A_44 : vector<2048xf32>
    %reduce_sum3A_78 = vector.shape_cast %mul3A_77 : vector<2048xf32> to vector<1x2048xf32>
    %reduce_sum3A_79 = arith.constant dense<0.000000e+00> : vector<1xf32>
    %reduce_sum3A_80 = vector.multi_reduction <add>, %reduce_sum3A_78, %reduce_sum3A_79 [1] : vector<1x2048xf32> to vector<1xf32>
    %reduce_sum3A_81 = vector.shape_cast %reduce_sum3A_80 : vector<1xf32> to vector<1x1xf32>
    %reduce_sum3A_82 = vector.extract %reduce_sum3A_81[0, 0] : f32 from vector<1x1xf32>
    %mul3A_83 = arith.mulf %div3A_53, %squeeze3A_46 : vector<2048xf32>
    %reduce_sum3A_84 = vector.shape_cast %mul3A_83 : vector<2048xf32> to vector<1x2048xf32>
    %reduce_sum3A_85 = arith.constant dense<0.000000e+00> : vector<1xf32>
    %reduce_sum3A_86 = vector.multi_reduction <add>, %reduce_sum3A_84, %reduce_sum3A_85 [1] : vector<1x2048xf32> to vector<1xf32>
    %reduce_sum3A_87 = vector.shape_cast %reduce_sum3A_86 : vector<1xf32> to vector<1x1xf32>
    %reduce_sum3A_88 = vector.extract %reduce_sum3A_87[0, 0] : f32 from vector<1x1xf32>
    %sub3A = vector.broadcast %reduce_sum3A_76 : f32 to vector<2048xf32>
    %sub3A_89 = arith.subf %squeeze3A_42, %sub3A : vector<2048xf32>
    %convert_element_type3A_90 = arith.extui %gt3A_7 : vector<2048xi1> to vector<2048xi32>
    %convert_element_type3A_91 = arith.sitofp %convert_element_type3A_90 : vector<2048xi32> to vector<2048xf32>
    %mul3A_92 = arith.mulf %sub3A_89, %convert_element_type3A_91 : vector<2048xf32>
    %convert_element_type3A_93 = arith.truncf %mul3A_92 : vector<2048xf32> to vector<2048xbf16>
    %convert_element_type3A_94 = arith.extf %convert_element_type3A_93 : vector<2048xbf16> to vector<2048xf32>
    %sub3A_95 = vector.broadcast %reduce_sum3A_82 : f32 to vector<2048xf32>
    %sub3A_96 = arith.subf %squeeze3A_44, %sub3A_95 : vector<2048xf32>
    %convert_element_type3A_97 = arith.extui %gt3A_7 : vector<2048xi1> to vector<2048xi32>
    %convert_element_type3A_98 = arith.sitofp %convert_element_type3A_97 : vector<2048xi32> to vector<2048xf32>
    %mul3A_99 = arith.mulf %sub3A_96, %convert_element_type3A_98 : vector<2048xf32>
    %convert_element_type3A_100 = arith.truncf %mul3A_99 : vector<2048xf32> to vector<2048xbf16>
    %convert_element_type3A_101 = arith.extf %convert_element_type3A_100 : vector<2048xbf16> to vector<2048xf32>
    %sub3A_102 = vector.broadcast %reduce_sum3A_88 : f32 to vector<2048xf32>
    %sub3A_103 = arith.subf %squeeze3A_46, %sub3A_102 : vector<2048xf32>
    %convert_element_type3A_104 = arith.extui %gt3A_7 : vector<2048xi1> to vector<2048xi32>
    %convert_element_type3A_105 = arith.sitofp %convert_element_type3A_104 : vector<2048xi32> to vector<2048xf32>
    %mul3A_106 = arith.mulf %sub3A_103, %convert_element_type3A_105 : vector<2048xf32>
    %convert_element_type3A_107 = arith.truncf %mul3A_106 : vector<2048xf32> to vector<2048xbf16>
    %convert_element_type3A_108 = arith.extf %convert_element_type3A_107 : vector<2048xbf16> to vector<2048xf32>
    %sub3A_109 = vector.broadcast %reduce_sum3A_58 : f32 to vector<2048xf32>
    %sub3A_110 = arith.subf %squeeze3A_36, %sub3A_109 : vector<2048xf32>
    %mul3A_111 = arith.mulf %div3A_53, %sub3A_110 : vector<2048xf32>
    %convert_element_type3A_112 = arith.truncf %mul3A_111 : vector<2048xf32> to vector<2048xbf16>
    %convert_element_type3A_113 = arith.extf %convert_element_type3A_112 : vector<2048xbf16> to vector<2048xf32>
    %sub3A_114 = vector.broadcast %reduce_sum3A_64 : f32 to vector<2048xf32>
    %sub3A_115 = arith.subf %squeeze3A_38, %sub3A_114 : vector<2048xf32>
    %mul3A_116 = arith.mulf %div3A_53, %sub3A_115 : vector<2048xf32>
    %convert_element_type3A_117 = arith.truncf %mul3A_116 : vector<2048xf32> to vector<2048xbf16>
    %convert_element_type3A_118 = arith.extf %convert_element_type3A_117 : vector<2048xbf16> to vector<2048xf32>
    %sub3A_119 = vector.broadcast %reduce_sum3A_70 : f32 to vector<2048xf32>
    %sub3A_120 = arith.subf %squeeze3A_40, %sub3A_119 : vector<2048xf32>
    %mul3A_121 = arith.mulf %div3A_53, %sub3A_120 : vector<2048xf32>
    %convert_element_type3A_122 = arith.truncf %mul3A_121 : vector<2048xf32> to vector<2048xbf16>
    %convert_element_type3A_123 = arith.extf %convert_element_type3A_122 : vector<2048xbf16> to vector<2048xf32>
    %mul3A_124 = arith.mulf %convert_element_type3A_94, %convert_element_type3A_113 : vector<2048xf32>
    %reduce_sum3A_125 = vector.shape_cast %mul3A_124 : vector<2048xf32> to vector<1x2048xf32>
    %reduce_sum3A_126 = arith.constant dense<0.000000e+00> : vector<1xf32>
    %reduce_sum3A_127 = vector.multi_reduction <add>, %reduce_sum3A_125, %reduce_sum3A_126 [1] : vector<1x2048xf32> to vector<1xf32>
    %reduce_sum3A_128 = vector.shape_cast %reduce_sum3A_127 : vector<1xf32> to vector<1x1xf32>
    %reduce_sum3A_129 = vector.extract %reduce_sum3A_128[0, 0] : f32 from vector<1x1xf32>
    %mul3A_130 = arith.mulf %convert_element_type3A_94, %convert_element_type3A_118 : vector<2048xf32>
    %reduce_sum3A_131 = vector.shape_cast %mul3A_130 : vector<2048xf32> to vector<1x2048xf32>
    %reduce_sum3A_132 = arith.constant dense<0.000000e+00> : vector<1xf32>
    %reduce_sum3A_133 = vector.multi_reduction <add>, %reduce_sum3A_131, %reduce_sum3A_132 [1] : vector<1x2048xf32> to vector<1xf32>
    %reduce_sum3A_134 = vector.shape_cast %reduce_sum3A_133 : vector<1xf32> to vector<1x1xf32>
    %reduce_sum3A_135 = vector.extract %reduce_sum3A_134[0, 0] : f32 from vector<1x1xf32>
    %mul3A_136 = arith.mulf %convert_element_type3A_94, %convert_element_type3A_123 : vector<2048xf32>
    %reduce_sum3A_137 = vector.shape_cast %mul3A_136 : vector<2048xf32> to vector<1x2048xf32>
    %reduce_sum3A_138 = arith.constant dense<0.000000e+00> : vector<1xf32>
    %reduce_sum3A_139 = vector.multi_reduction <add>, %reduce_sum3A_137, %reduce_sum3A_138 [1] : vector<1x2048xf32> to vector<1xf32>
    %reduce_sum3A_140 = vector.shape_cast %reduce_sum3A_139 : vector<1xf32> to vector<1x1xf32>
    %reduce_sum3A_141 = vector.extract %reduce_sum3A_140[0, 0] : f32 from vector<1x1xf32>
    %mul3A_142 = arith.mulf %convert_element_type3A_101, %convert_element_type3A_113 : vector<2048xf32>
    %reduce_sum3A_143 = vector.shape_cast %mul3A_142 : vector<2048xf32> to vector<1x2048xf32>
    %reduce_sum3A_144 = arith.constant dense<0.000000e+00> : vector<1xf32>
    %reduce_sum3A_145 = vector.multi_reduction <add>, %reduce_sum3A_143, %reduce_sum3A_144 [1] : vector<1x2048xf32> to vector<1xf32>
    %reduce_sum3A_146 = vector.shape_cast %reduce_sum3A_145 : vector<1xf32> to vector<1x1xf32>
    %reduce_sum3A_147 = vector.extract %reduce_sum3A_146[0, 0] : f32 from vector<1x1xf32>
    %mul3A_148 = arith.mulf %convert_element_type3A_101, %convert_element_type3A_118 : vector<2048xf32>
    %reduce_sum3A_149 = vector.shape_cast %mul3A_148 : vector<2048xf32> to vector<1x2048xf32>
    %reduce_sum3A_150 = arith.constant dense<0.000000e+00> : vector<1xf32>
    %reduce_sum3A_151 = vector.multi_reduction <add>, %reduce_sum3A_149, %reduce_sum3A_150 [1] : vector<1x2048xf32> to vector<1xf32>
    %reduce_sum3A_152 = vector.shape_cast %reduce_sum3A_151 : vector<1xf32> to vector<1x1xf32>
    %reduce_sum3A_153 = vector.extract %reduce_sum3A_152[0, 0] : f32 from vector<1x1xf32>
    %mul3A_154 = arith.mulf %convert_element_type3A_101, %convert_element_type3A_123 : vector<2048xf32>
    %reduce_sum3A_155 = vector.shape_cast %mul3A_154 : vector<2048xf32> to vector<1x2048xf32>
    %reduce_sum3A_156 = arith.constant dense<0.000000e+00> : vector<1xf32>
    %reduce_sum3A_157 = vector.multi_reduction <add>, %reduce_sum3A_155, %reduce_sum3A_156 [1] : vector<1x2048xf32> to vector<1xf32>
    %reduce_sum3A_158 = vector.shape_cast %reduce_sum3A_157 : vector<1xf32> to vector<1x1xf32>
    %reduce_sum3A_159 = vector.extract %reduce_sum3A_158[0, 0] : f32 from vector<1x1xf32>
    %mul3A_160 = arith.mulf %convert_element_type3A_108, %convert_element_type3A_113 : vector<2048xf32>
    %reduce_sum3A_161 = vector.shape_cast %mul3A_160 : vector<2048xf32> to vector<1x2048xf32>
    %reduce_sum3A_162 = arith.constant dense<0.000000e+00> : vector<1xf32>
    %reduce_sum3A_163 = vector.multi_reduction <add>, %reduce_sum3A_161, %reduce_sum3A_162 [1] : vector<1x2048xf32> to vector<1xf32>
    %reduce_sum3A_164 = vector.shape_cast %reduce_sum3A_163 : vector<1xf32> to vector<1x1xf32>
    %reduce_sum3A_165 = vector.extract %reduce_sum3A_164[0, 0] : f32 from vector<1x1xf32>
    %mul3A_166 = arith.mulf %convert_element_type3A_108, %convert_element_type3A_118 : vector<2048xf32>
    %reduce_sum3A_167 = vector.shape_cast %mul3A_166 : vector<2048xf32> to vector<1x2048xf32>
    %reduce_sum3A_168 = arith.constant dense<0.000000e+00> : vector<1xf32>
    %reduce_sum3A_169 = vector.multi_reduction <add>, %reduce_sum3A_167, %reduce_sum3A_168 [1] : vector<1x2048xf32> to vector<1xf32>
    %reduce_sum3A_170 = vector.shape_cast %reduce_sum3A_169 : vector<1xf32> to vector<1x1xf32>
    %reduce_sum3A_171 = vector.extract %reduce_sum3A_170[0, 0] : f32 from vector<1x1xf32>
    %mul3A_172 = arith.mulf %convert_element_type3A_108, %convert_element_type3A_123 : vector<2048xf32>
    %reduce_sum3A_173 = vector.shape_cast %mul3A_172 : vector<2048xf32> to vector<1x2048xf32>
    %reduce_sum3A_174 = arith.constant dense<0.000000e+00> : vector<1xf32>
    %reduce_sum3A_175 = vector.multi_reduction <add>, %reduce_sum3A_173, %reduce_sum3A_174 [1] : vector<1x2048xf32> to vector<1xf32>
    %reduce_sum3A_176 = vector.shape_cast %reduce_sum3A_175 : vector<1xf32> to vector<1x1xf32>
    %reduce_sum3A_177 = vector.extract %reduce_sum3A_176[0, 0] : f32 from vector<1x1xf32>
    %mul3A_178 = arith.mulf %reduce_sum3A_129, %reduce_sum3A_129 : f32
    %mul3A_179 = arith.mulf %reduce_sum3A_147, %reduce_sum3A_147 : f32
    %add3A_180 = arith.addf %mul3A_178, %mul3A_179 : f32
    %mul3A_181 = arith.mulf %reduce_sum3A_165, %reduce_sum3A_165 : f32
    %add3A_182 = arith.addf %add3A_180, %mul3A_181 : f32
    %mul3A_183 = arith.mulf %reduce_sum3A_135, %reduce_sum3A_135 : f32
    %mul3A_184 = arith.mulf %reduce_sum3A_153, %reduce_sum3A_153 : f32
    %add3A_185 = arith.addf %mul3A_183, %mul3A_184 : f32
    %mul3A_186 = arith.mulf %reduce_sum3A_171, %reduce_sum3A_171 : f32
    %add3A_187 = arith.addf %add3A_185, %mul3A_186 : f32
    %mul3A_188 = arith.mulf %reduce_sum3A_129, %reduce_sum3A_135 : f32
    %mul3A_189 = arith.mulf %reduce_sum3A_147, %reduce_sum3A_153 : f32
    %add3A_190 = arith.addf %mul3A_188, %mul3A_189 : f32
    %mul3A_191 = arith.mulf %reduce_sum3A_165, %reduce_sum3A_171 : f32
    %add3A_192 = arith.addf %add3A_190, %mul3A_191 : f32
    %mul3A_193 = arith.constant 2.000000e+00 : f32
    %mul3A_194 = arith.mulf %mul3A_193, %add3A_192 : f32
    %eq3A_195 = arith.constant 0.000000e+00 : f32
    %eq3A_196 = arith.cmpf oeq, %mul3A_194, %eq3A_195 : f32
    %jit3A_197 = arith.constant 1.000000e+00 : f32
    %select_n3A_198 = arith.select %eq3A_196, %jit3A_197, %mul3A_194 : f32
    %sub3A_199 = arith.subf %add3A_187, %add3A_182 : f32
    %div3A_200 = arith.divf %sub3A_199, %select_n3A_198 : f32
    %sign3A = arith.bitcast %div3A_200 : f32 to i32
    %sign3A_201 = arith.constant -2147483648 : i32
    %sign3A_202 = arith.andi %sign3A, %sign3A_201 : i32
    %sign3A_203 = arith.constant 1065353216 : i32
    %sign3A_204 = arith.ori %sign3A_203, %sign3A_202 : i32
    %sign3A_205 = arith.bitcast %sign3A_204 : i32 to f32
    %sign3A_206 = math.absf %div3A_200 : f32
    %sign3A_207 = arith.constant 0.000000e+00 : f32
    %sign3A_208 = arith.cmpf ogt, %sign3A_206, %sign3A_207 : f32
    %sign3A_209 = arith.select %sign3A_208, %sign3A_205, %div3A_200 : f32
    %abs3A = math.absf %div3A_200 : f32
    %mul3A_210 = arith.mulf %div3A_200, %div3A_200 : f32
    %add3A_211 = arith.constant 1.000000e+00 : f32
    %add3A_212 = arith.addf %add3A_211, %mul3A_210 : f32
    %sqrt3A = math.sqrt %add3A_212 : f32
    %add3A_213 = arith.addf %abs3A, %sqrt3A : f32
    %div3A_214 = arith.divf %sign3A_209, %add3A_213 : f32
    %eq3A_215 = arith.constant 0.000000e+00 : f32
    %eq3A_216 = arith.cmpf oeq, %mul3A_194, %eq3A_215 : f32
    %jit3A_217 = arith.constant 0.000000e+00 : f32
    %select_n3A_218 = arith.select %eq3A_216, %jit3A_217, %div3A_214 : f32
    %mul3A_219 = arith.mulf %select_n3A_218, %select_n3A_218 : f32
    %add3A_220 = arith.constant 1.000000e+00 : f32
    %add3A_221 = arith.addf %add3A_220, %mul3A_219 : f32
    %rsqrt3A = math.rsqrt %add3A_221 : f32
    %mul3A_222 = arith.mulf %select_n3A_218, %rsqrt3A : f32
    %mul3A_223 = arith.mulf %rsqrt3A, %reduce_sum3A_129 : f32
    %mul3A_224 = arith.mulf %mul3A_222, %reduce_sum3A_135 : f32
    %sub3A_225 = arith.subf %mul3A_223, %mul3A_224 : f32
    %mul3A_226 = arith.mulf %mul3A_222, %reduce_sum3A_129 : f32
    %mul3A_227 = arith.mulf %rsqrt3A, %reduce_sum3A_135 : f32
    %add3A_228 = arith.addf %mul3A_226, %mul3A_227 : f32
    %mul3A_229 = arith.constant 1.000000e+00 : f32
    %mul3A_230 = arith.mulf %rsqrt3A, %mul3A_229 : f32
    %mul3A_231 = arith.constant 0.000000e+00 : f32
    %mul3A_232 = arith.mulf %mul3A_222, %mul3A_231 : f32
    %sub3A_233 = arith.subf %mul3A_230, %mul3A_232 : f32
    %mul3A_234 = arith.constant 1.000000e+00 : f32
    %mul3A_235 = arith.mulf %mul3A_222, %mul3A_234 : f32
    %mul3A_236 = arith.constant 0.000000e+00 : f32
    %mul3A_237 = arith.mulf %rsqrt3A, %mul3A_236 : f32
    %add3A_238 = arith.addf %mul3A_235, %mul3A_237 : f32
    %mul3A_239 = arith.mulf %rsqrt3A, %reduce_sum3A_147 : f32
    %mul3A_240 = arith.mulf %mul3A_222, %reduce_sum3A_153 : f32
    %sub3A_241 = arith.subf %mul3A_239, %mul3A_240 : f32
    %mul3A_242 = arith.mulf %mul3A_222, %reduce_sum3A_147 : f32
    %mul3A_243 = arith.mulf %rsqrt3A, %reduce_sum3A_153 : f32
    %add3A_244 = arith.addf %mul3A_242, %mul3A_243 : f32
    %mul3A_245 = arith.constant 0.000000e+00 : f32
    %mul3A_246 = arith.mulf %rsqrt3A, %mul3A_245 : f32
    %mul3A_247 = arith.constant 1.000000e+00 : f32
    %mul3A_248 = arith.mulf %mul3A_222, %mul3A_247 : f32
    %sub3A_249 = arith.subf %mul3A_246, %mul3A_248 : f32
    %mul3A_250 = arith.constant 0.000000e+00 : f32
    %mul3A_251 = arith.mulf %mul3A_222, %mul3A_250 : f32
    %mul3A_252 = arith.constant 1.000000e+00 : f32
    %mul3A_253 = arith.mulf %rsqrt3A, %mul3A_252 : f32
    %add3A_254 = arith.addf %mul3A_251, %mul3A_253 : f32
    %mul3A_255 = arith.mulf %rsqrt3A, %reduce_sum3A_165 : f32
    %mul3A_256 = arith.mulf %mul3A_222, %reduce_sum3A_171 : f32
    %sub3A_257 = arith.subf %mul3A_255, %mul3A_256 : f32
    %mul3A_258 = arith.mulf %mul3A_222, %reduce_sum3A_165 : f32
    %mul3A_259 = arith.mulf %rsqrt3A, %reduce_sum3A_171 : f32
    %add3A_260 = arith.addf %mul3A_258, %mul3A_259 : f32
    %mul3A_261 = arith.constant 0.000000e+00 : f32
    %mul3A_262 = arith.mulf %rsqrt3A, %mul3A_261 : f32
    %mul3A_263 = arith.constant 0.000000e+00 : f32
    %mul3A_264 = arith.mulf %mul3A_222, %mul3A_263 : f32
    %sub3A_265 = arith.subf %mul3A_262, %mul3A_264 : f32
    %mul3A_266 = arith.constant 0.000000e+00 : f32
    %mul3A_267 = arith.mulf %mul3A_222, %mul3A_266 : f32
    %mul3A_268 = arith.constant 0.000000e+00 : f32
    %mul3A_269 = arith.mulf %rsqrt3A, %mul3A_268 : f32
    %add3A_270 = arith.addf %mul3A_267, %mul3A_269 : f32
    %mul3A_271 = arith.mulf %sub3A_225, %sub3A_225 : f32
    %mul3A_272 = arith.mulf %sub3A_241, %sub3A_241 : f32
    %add3A_273 = arith.addf %mul3A_271, %mul3A_272 : f32
    %mul3A_274 = arith.mulf %sub3A_257, %sub3A_257 : f32
    %add3A_275 = arith.addf %add3A_273, %mul3A_274 : f32
    %mul3A_276 = arith.mulf %reduce_sum3A_141, %reduce_sum3A_141 : f32
    %mul3A_277 = arith.mulf %reduce_sum3A_159, %reduce_sum3A_159 : f32
    %add3A_278 = arith.addf %mul3A_276, %mul3A_277 : f32
    %mul3A_279 = arith.mulf %reduce_sum3A_177, %reduce_sum3A_177 : f32
    %add3A_280 = arith.addf %add3A_278, %mul3A_279 : f32
    %mul3A_281 = arith.mulf %sub3A_225, %reduce_sum3A_141 : f32
    %mul3A_282 = arith.mulf %sub3A_241, %reduce_sum3A_159 : f32
    %add3A_283 = arith.addf %mul3A_281, %mul3A_282 : f32
    %mul3A_284 = arith.mulf %sub3A_257, %reduce_sum3A_177 : f32
    %add3A_285 = arith.addf %add3A_283, %mul3A_284 : f32
    %mul3A_286 = arith.constant 2.000000e+00 : f32
    %mul3A_287 = arith.mulf %mul3A_286, %add3A_285 : f32
    %eq3A_288 = arith.constant 0.000000e+00 : f32
    %eq3A_289 = arith.cmpf oeq, %mul3A_287, %eq3A_288 : f32
    %jit3A_290 = arith.constant 1.000000e+00 : f32
    %select_n3A_291 = arith.select %eq3A_289, %jit3A_290, %mul3A_287 : f32
    %sub3A_292 = arith.subf %add3A_280, %add3A_275 : f32
    %div3A_293 = arith.divf %sub3A_292, %select_n3A_291 : f32
    %sign3A_294 = arith.bitcast %div3A_293 : f32 to i32
    %sign3A_295 = arith.constant -2147483648 : i32
    %sign3A_296 = arith.andi %sign3A_294, %sign3A_295 : i32
    %sign3A_297 = arith.constant 1065353216 : i32
    %sign3A_298 = arith.ori %sign3A_297, %sign3A_296 : i32
    %sign3A_299 = arith.bitcast %sign3A_298 : i32 to f32
    %sign3A_300 = math.absf %div3A_293 : f32
    %sign3A_301 = arith.constant 0.000000e+00 : f32
    %sign3A_302 = arith.cmpf ogt, %sign3A_300, %sign3A_301 : f32
    %sign3A_303 = arith.select %sign3A_302, %sign3A_299, %div3A_293 : f32
    %abs3A_304 = math.absf %div3A_293 : f32
    %mul3A_305 = arith.mulf %div3A_293, %div3A_293 : f32
    %add3A_306 = arith.constant 1.000000e+00 : f32
    %add3A_307 = arith.addf %add3A_306, %mul3A_305 : f32
    %sqrt3A_308 = math.sqrt %add3A_307 : f32
    %add3A_309 = arith.addf %abs3A_304, %sqrt3A_308 : f32
    %div3A_310 = arith.divf %sign3A_303, %add3A_309 : f32
    %eq3A_311 = arith.constant 0.000000e+00 : f32
    %eq3A_312 = arith.cmpf oeq, %mul3A_287, %eq3A_311 : f32
    %jit3A_313 = arith.constant 0.000000e+00 : f32
    %select_n3A_314 = arith.select %eq3A_312, %jit3A_313, %div3A_310 : f32
    %mul3A_315 = arith.mulf %select_n3A_314, %select_n3A_314 : f32
    %add3A_316 = arith.constant 1.000000e+00 : f32
    %add3A_317 = arith.addf %add3A_316, %mul3A_315 : f32
    %rsqrt3A_318 = math.rsqrt %add3A_317 : f32
    %mul3A_319 = arith.mulf %select_n3A_314, %rsqrt3A_318 : f32
    %mul3A_320 = arith.mulf %rsqrt3A_318, %sub3A_225 : f32
    %mul3A_321 = arith.mulf %mul3A_319, %reduce_sum3A_141 : f32
    %sub3A_322 = arith.subf %mul3A_320, %mul3A_321 : f32
    %mul3A_323 = arith.mulf %mul3A_319, %sub3A_225 : f32
    %mul3A_324 = arith.mulf %rsqrt3A_318, %reduce_sum3A_141 : f32
    %add3A_325 = arith.addf %mul3A_323, %mul3A_324 : f32
    %mul3A_326 = arith.mulf %rsqrt3A_318, %sub3A_233 : f32
    %mul3A_327 = arith.constant 0.000000e+00 : f32
    %mul3A_328 = arith.mulf %mul3A_319, %mul3A_327 : f32
    %sub3A_329 = arith.subf %mul3A_326, %mul3A_328 : f32
    %mul3A_330 = arith.mulf %mul3A_319, %sub3A_233 : f32
    %mul3A_331 = arith.constant 0.000000e+00 : f32
    %mul3A_332 = arith.mulf %rsqrt3A_318, %mul3A_331 : f32
    %add3A_333 = arith.addf %mul3A_330, %mul3A_332 : f32
    %mul3A_334 = arith.mulf %rsqrt3A_318, %sub3A_241 : f32
    %mul3A_335 = arith.mulf %mul3A_319, %reduce_sum3A_159 : f32
    %sub3A_336 = arith.subf %mul3A_334, %mul3A_335 : f32
    %mul3A_337 = arith.mulf %mul3A_319, %sub3A_241 : f32
    %mul3A_338 = arith.mulf %rsqrt3A_318, %reduce_sum3A_159 : f32
    %add3A_339 = arith.addf %mul3A_337, %mul3A_338 : f32
    %mul3A_340 = arith.mulf %rsqrt3A_318, %sub3A_249 : f32
    %mul3A_341 = arith.constant 0.000000e+00 : f32
    %mul3A_342 = arith.mulf %mul3A_319, %mul3A_341 : f32
    %sub3A_343 = arith.subf %mul3A_340, %mul3A_342 : f32
    %mul3A_344 = arith.mulf %mul3A_319, %sub3A_249 : f32
    %mul3A_345 = arith.constant 0.000000e+00 : f32
    %mul3A_346 = arith.mulf %rsqrt3A_318, %mul3A_345 : f32
    %add3A_347 = arith.addf %mul3A_344, %mul3A_346 : f32
    %mul3A_348 = arith.mulf %rsqrt3A_318, %sub3A_257 : f32
    %mul3A_349 = arith.mulf %mul3A_319, %reduce_sum3A_177 : f32
    %sub3A_350 = arith.subf %mul3A_348, %mul3A_349 : f32
    %mul3A_351 = arith.mulf %mul3A_319, %sub3A_257 : f32
    %mul3A_352 = arith.mulf %rsqrt3A_318, %reduce_sum3A_177 : f32
    %add3A_353 = arith.addf %mul3A_351, %mul3A_352 : f32
    %mul3A_354 = arith.mulf %rsqrt3A_318, %sub3A_265 : f32
    %mul3A_355 = arith.constant 1.000000e+00 : f32
    %mul3A_356 = arith.mulf %mul3A_319, %mul3A_355 : f32
    %sub3A_357 = arith.subf %mul3A_354, %mul3A_356 : f32
    %mul3A_358 = arith.mulf %mul3A_319, %sub3A_265 : f32
    %mul3A_359 = arith.constant 1.000000e+00 : f32
    %mul3A_360 = arith.mulf %rsqrt3A_318, %mul3A_359 : f32
    %add3A_361 = arith.addf %mul3A_358, %mul3A_360 : f32
    %mul3A_362 = arith.mulf %add3A_228, %add3A_228 : f32
    %mul3A_363 = arith.mulf %add3A_244, %add3A_244 : f32
    %add3A_364 = arith.addf %mul3A_362, %mul3A_363 : f32
    %mul3A_365 = arith.mulf %add3A_260, %add3A_260 : f32
    %add3A_366 = arith.addf %add3A_364, %mul3A_365 : f32
    %mul3A_367 = arith.mulf %add3A_325, %add3A_325 : f32
    %mul3A_368 = arith.mulf %add3A_339, %add3A_339 : f32
    %add3A_369 = arith.addf %mul3A_367, %mul3A_368 : f32
    %mul3A_370 = arith.mulf %add3A_353, %add3A_353 : f32
    %add3A_371 = arith.addf %add3A_369, %mul3A_370 : f32
    %mul3A_372 = arith.mulf %add3A_228, %add3A_325 : f32
    %mul3A_373 = arith.mulf %add3A_244, %add3A_339 : f32
    %add3A_374 = arith.addf %mul3A_372, %mul3A_373 : f32
    %mul3A_375 = arith.mulf %add3A_260, %add3A_353 : f32
    %add3A_376 = arith.addf %add3A_374, %mul3A_375 : f32
    %mul3A_377 = arith.constant 2.000000e+00 : f32
    %mul3A_378 = arith.mulf %mul3A_377, %add3A_376 : f32
    %eq3A_379 = arith.constant 0.000000e+00 : f32
    %eq3A_380 = arith.cmpf oeq, %mul3A_378, %eq3A_379 : f32
    %jit3A_381 = arith.constant 1.000000e+00 : f32
    %select_n3A_382 = arith.select %eq3A_380, %jit3A_381, %mul3A_378 : f32
    %sub3A_383 = arith.subf %add3A_371, %add3A_366 : f32
    %div3A_384 = arith.divf %sub3A_383, %select_n3A_382 : f32
    %sign3A_385 = arith.bitcast %div3A_384 : f32 to i32
    %sign3A_386 = arith.constant -2147483648 : i32
    %sign3A_387 = arith.andi %sign3A_385, %sign3A_386 : i32
    %sign3A_388 = arith.constant 1065353216 : i32
    %sign3A_389 = arith.ori %sign3A_388, %sign3A_387 : i32
    %sign3A_390 = arith.bitcast %sign3A_389 : i32 to f32
    %sign3A_391 = math.absf %div3A_384 : f32
    %sign3A_392 = arith.constant 0.000000e+00 : f32
    %sign3A_393 = arith.cmpf ogt, %sign3A_391, %sign3A_392 : f32
    %sign3A_394 = arith.select %sign3A_393, %sign3A_390, %div3A_384 : f32
    %abs3A_395 = math.absf %div3A_384 : f32
    %mul3A_396 = arith.mulf %div3A_384, %div3A_384 : f32
    %add3A_397 = arith.constant 1.000000e+00 : f32
    %add3A_398 = arith.addf %add3A_397, %mul3A_396 : f32
    %sqrt3A_399 = math.sqrt %add3A_398 : f32
    %add3A_400 = arith.addf %abs3A_395, %sqrt3A_399 : f32
    %div3A_401 = arith.divf %sign3A_394, %add3A_400 : f32
    %eq3A_402 = arith.constant 0.000000e+00 : f32
    %eq3A_403 = arith.cmpf oeq, %mul3A_378, %eq3A_402 : f32
    %jit3A_404 = arith.constant 0.000000e+00 : f32
    %select_n3A_405 = arith.select %eq3A_403, %jit3A_404, %div3A_401 : f32
    %mul3A_406 = arith.mulf %select_n3A_405, %select_n3A_405 : f32
    %add3A_407 = arith.constant 1.000000e+00 : f32
    %add3A_408 = arith.addf %add3A_407, %mul3A_406 : f32
    %rsqrt3A_409 = math.rsqrt %add3A_408 : f32
    %mul3A_410 = arith.mulf %select_n3A_405, %rsqrt3A_409 : f32
    %mul3A_411 = arith.mulf %rsqrt3A_409, %add3A_228 : f32
    %mul3A_412 = arith.mulf %mul3A_410, %add3A_325 : f32
    %sub3A_413 = arith.subf %mul3A_411, %mul3A_412 : f32
    %mul3A_414 = arith.mulf %mul3A_410, %add3A_228 : f32
    %mul3A_415 = arith.mulf %rsqrt3A_409, %add3A_325 : f32
    %add3A_416 = arith.addf %mul3A_414, %mul3A_415 : f32
    %mul3A_417 = arith.mulf %rsqrt3A_409, %add3A_238 : f32
    %mul3A_418 = arith.mulf %mul3A_410, %add3A_333 : f32
    %sub3A_419 = arith.subf %mul3A_417, %mul3A_418 : f32
    %mul3A_420 = arith.mulf %mul3A_410, %add3A_238 : f32
    %mul3A_421 = arith.mulf %rsqrt3A_409, %add3A_333 : f32
    %add3A_422 = arith.addf %mul3A_420, %mul3A_421 : f32
    %mul3A_423 = arith.mulf %rsqrt3A_409, %add3A_244 : f32
    %mul3A_424 = arith.mulf %mul3A_410, %add3A_339 : f32
    %sub3A_425 = arith.subf %mul3A_423, %mul3A_424 : f32
    %mul3A_426 = arith.mulf %mul3A_410, %add3A_244 : f32
    %mul3A_427 = arith.mulf %rsqrt3A_409, %add3A_339 : f32
    %add3A_428 = arith.addf %mul3A_426, %mul3A_427 : f32
    %mul3A_429 = arith.mulf %rsqrt3A_409, %add3A_254 : f32
    %mul3A_430 = arith.mulf %mul3A_410, %add3A_347 : f32
    %sub3A_431 = arith.subf %mul3A_429, %mul3A_430 : f32
    %mul3A_432 = arith.mulf %mul3A_410, %add3A_254 : f32
    %mul3A_433 = arith.mulf %rsqrt3A_409, %add3A_347 : f32
    %add3A_434 = arith.addf %mul3A_432, %mul3A_433 : f32
    %mul3A_435 = arith.mulf %rsqrt3A_409, %add3A_260 : f32
    %mul3A_436 = arith.mulf %mul3A_410, %add3A_353 : f32
    %sub3A_437 = arith.subf %mul3A_435, %mul3A_436 : f32
    %mul3A_438 = arith.mulf %mul3A_410, %add3A_260 : f32
    %mul3A_439 = arith.mulf %rsqrt3A_409, %add3A_353 : f32
    %add3A_440 = arith.addf %mul3A_438, %mul3A_439 : f32
    %mul3A_441 = arith.mulf %rsqrt3A_409, %add3A_270 : f32
    %mul3A_442 = arith.mulf %mul3A_410, %add3A_361 : f32
    %sub3A_443 = arith.subf %mul3A_441, %mul3A_442 : f32
    %mul3A_444 = arith.mulf %mul3A_410, %add3A_270 : f32
    %mul3A_445 = arith.mulf %rsqrt3A_409, %add3A_361 : f32
    %add3A_446 = arith.addf %mul3A_444, %mul3A_445 : f32
    %mul3A_447 = arith.mulf %sub3A_322, %sub3A_322 : f32
    %mul3A_448 = arith.mulf %sub3A_336, %sub3A_336 : f32
    %add3A_449 = arith.addf %mul3A_447, %mul3A_448 : f32
    %mul3A_450 = arith.mulf %sub3A_350, %sub3A_350 : f32
    %add3A_451 = arith.addf %add3A_449, %mul3A_450 : f32
    %mul3A_452 = arith.mulf %sub3A_413, %sub3A_413 : f32
    %mul3A_453 = arith.mulf %sub3A_425, %sub3A_425 : f32
    %add3A_454 = arith.addf %mul3A_452, %mul3A_453 : f32
    %mul3A_455 = arith.mulf %sub3A_437, %sub3A_437 : f32
    %add3A_456 = arith.addf %add3A_454, %mul3A_455 : f32
    %mul3A_457 = arith.mulf %sub3A_322, %sub3A_413 : f32
    %mul3A_458 = arith.mulf %sub3A_336, %sub3A_425 : f32
    %add3A_459 = arith.addf %mul3A_457, %mul3A_458 : f32
    %mul3A_460 = arith.mulf %sub3A_350, %sub3A_437 : f32
    %add3A_461 = arith.addf %add3A_459, %mul3A_460 : f32
    %mul3A_462 = arith.constant 2.000000e+00 : f32
    %mul3A_463 = arith.mulf %mul3A_462, %add3A_461 : f32
    %eq3A_464 = arith.constant 0.000000e+00 : f32
    %eq3A_465 = arith.cmpf oeq, %mul3A_463, %eq3A_464 : f32
    %jit3A_466 = arith.constant 1.000000e+00 : f32
    %select_n3A_467 = arith.select %eq3A_465, %jit3A_466, %mul3A_463 : f32
    %sub3A_468 = arith.subf %add3A_456, %add3A_451 : f32
    %div3A_469 = arith.divf %sub3A_468, %select_n3A_467 : f32
    %sign3A_470 = arith.bitcast %div3A_469 : f32 to i32
    %sign3A_471 = arith.constant -2147483648 : i32
    %sign3A_472 = arith.andi %sign3A_470, %sign3A_471 : i32
    %sign3A_473 = arith.constant 1065353216 : i32
    %sign3A_474 = arith.ori %sign3A_473, %sign3A_472 : i32
    %sign3A_475 = arith.bitcast %sign3A_474 : i32 to f32
    %sign3A_476 = math.absf %div3A_469 : f32
    %sign3A_477 = arith.constant 0.000000e+00 : f32
    %sign3A_478 = arith.cmpf ogt, %sign3A_476, %sign3A_477 : f32
    %sign3A_479 = arith.select %sign3A_478, %sign3A_475, %div3A_469 : f32
    %abs3A_480 = math.absf %div3A_469 : f32
    %mul3A_481 = arith.mulf %div3A_469, %div3A_469 : f32
    %add3A_482 = arith.constant 1.000000e+00 : f32
    %add3A_483 = arith.addf %add3A_482, %mul3A_481 : f32
    %sqrt3A_484 = math.sqrt %add3A_483 : f32
    %add3A_485 = arith.addf %abs3A_480, %sqrt3A_484 : f32
    %div3A_486 = arith.divf %sign3A_479, %add3A_485 : f32
    %eq3A_487 = arith.constant 0.000000e+00 : f32
    %eq3A_488 = arith.cmpf oeq, %mul3A_463, %eq3A_487 : f32
    %jit3A_489 = arith.constant 0.000000e+00 : f32
    %select_n3A_490 = arith.select %eq3A_488, %jit3A_489, %div3A_486 : f32
    %mul3A_491 = arith.mulf %select_n3A_490, %select_n3A_490 : f32
    %add3A_492 = arith.constant 1.000000e+00 : f32
    %add3A_493 = arith.addf %add3A_492, %mul3A_491 : f32
    %rsqrt3A_494 = math.rsqrt %add3A_493 : f32
    %mul3A_495 = arith.mulf %select_n3A_490, %rsqrt3A_494 : f32
    %mul3A_496 = arith.mulf %rsqrt3A_494, %sub3A_322 : f32
    %mul3A_497 = arith.mulf %mul3A_495, %sub3A_413 : f32
    %sub3A_498 = arith.subf %mul3A_496, %mul3A_497 : f32
    %mul3A_499 = arith.mulf %mul3A_495, %sub3A_322 : f32
    %mul3A_500 = arith.mulf %rsqrt3A_494, %sub3A_413 : f32
    %add3A_501 = arith.addf %mul3A_499, %mul3A_500 : f32
    %mul3A_502 = arith.mulf %rsqrt3A_494, %sub3A_329 : f32
    %mul3A_503 = arith.mulf %mul3A_495, %sub3A_419 : f32
    %sub3A_504 = arith.subf %mul3A_502, %mul3A_503 : f32
    %mul3A_505 = arith.mulf %mul3A_495, %sub3A_329 : f32
    %mul3A_506 = arith.mulf %rsqrt3A_494, %sub3A_419 : f32
    %add3A_507 = arith.addf %mul3A_505, %mul3A_506 : f32
    %mul3A_508 = arith.mulf %rsqrt3A_494, %sub3A_336 : f32
    %mul3A_509 = arith.mulf %mul3A_495, %sub3A_425 : f32
    %sub3A_510 = arith.subf %mul3A_508, %mul3A_509 : f32
    %mul3A_511 = arith.mulf %mul3A_495, %sub3A_336 : f32
    %mul3A_512 = arith.mulf %rsqrt3A_494, %sub3A_425 : f32
    %add3A_513 = arith.addf %mul3A_511, %mul3A_512 : f32
    %mul3A_514 = arith.mulf %rsqrt3A_494, %sub3A_343 : f32
    %mul3A_515 = arith.mulf %mul3A_495, %sub3A_431 : f32
    %sub3A_516 = arith.subf %mul3A_514, %mul3A_515 : f32
    %mul3A_517 = arith.mulf %mul3A_495, %sub3A_343 : f32
    %mul3A_518 = arith.mulf %rsqrt3A_494, %sub3A_431 : f32
    %add3A_519 = arith.addf %mul3A_517, %mul3A_518 : f32
    %mul3A_520 = arith.mulf %rsqrt3A_494, %sub3A_350 : f32
    %mul3A_521 = arith.mulf %mul3A_495, %sub3A_437 : f32
    %sub3A_522 = arith.subf %mul3A_520, %mul3A_521 : f32
    %mul3A_523 = arith.mulf %mul3A_495, %sub3A_350 : f32
    %mul3A_524 = arith.mulf %rsqrt3A_494, %sub3A_437 : f32
    %add3A_525 = arith.addf %mul3A_523, %mul3A_524 : f32
    %mul3A_526 = arith.mulf %rsqrt3A_494, %sub3A_357 : f32
    %mul3A_527 = arith.mulf %mul3A_495, %sub3A_443 : f32
    %sub3A_528 = arith.subf %mul3A_526, %mul3A_527 : f32
    %mul3A_529 = arith.mulf %mul3A_495, %sub3A_357 : f32
    %mul3A_530 = arith.mulf %rsqrt3A_494, %sub3A_443 : f32
    %add3A_531 = arith.addf %mul3A_529, %mul3A_530 : f32
    %mul3A_532 = arith.mulf %sub3A_498, %sub3A_498 : f32
    %mul3A_533 = arith.mulf %sub3A_510, %sub3A_510 : f32
    %add3A_534 = arith.addf %mul3A_532, %mul3A_533 : f32
    %mul3A_535 = arith.mulf %sub3A_522, %sub3A_522 : f32
    %add3A_536 = arith.addf %add3A_534, %mul3A_535 : f32
    %mul3A_537 = arith.mulf %add3A_416, %add3A_416 : f32
    %mul3A_538 = arith.mulf %add3A_428, %add3A_428 : f32
    %add3A_539 = arith.addf %mul3A_537, %mul3A_538 : f32
    %mul3A_540 = arith.mulf %add3A_440, %add3A_440 : f32
    %add3A_541 = arith.addf %add3A_539, %mul3A_540 : f32
    %mul3A_542 = arith.mulf %sub3A_498, %add3A_416 : f32
    %mul3A_543 = arith.mulf %sub3A_510, %add3A_428 : f32
    %add3A_544 = arith.addf %mul3A_542, %mul3A_543 : f32
    %mul3A_545 = arith.mulf %sub3A_522, %add3A_440 : f32
    %add3A_546 = arith.addf %add3A_544, %mul3A_545 : f32
    %mul3A_547 = arith.constant 2.000000e+00 : f32
    %mul3A_548 = arith.mulf %mul3A_547, %add3A_546 : f32
    %eq3A_549 = arith.constant 0.000000e+00 : f32
    %eq3A_550 = arith.cmpf oeq, %mul3A_548, %eq3A_549 : f32
    %jit3A_551 = arith.constant 1.000000e+00 : f32
    %select_n3A_552 = arith.select %eq3A_550, %jit3A_551, %mul3A_548 : f32
    %sub3A_553 = arith.subf %add3A_541, %add3A_536 : f32
    %div3A_554 = arith.divf %sub3A_553, %select_n3A_552 : f32
    %sign3A_555 = arith.bitcast %div3A_554 : f32 to i32
    %sign3A_556 = arith.constant -2147483648 : i32
    %sign3A_557 = arith.andi %sign3A_555, %sign3A_556 : i32
    %sign3A_558 = arith.constant 1065353216 : i32
    %sign3A_559 = arith.ori %sign3A_558, %sign3A_557 : i32
    %sign3A_560 = arith.bitcast %sign3A_559 : i32 to f32
    %sign3A_561 = math.absf %div3A_554 : f32
    %sign3A_562 = arith.constant 0.000000e+00 : f32
    %sign3A_563 = arith.cmpf ogt, %sign3A_561, %sign3A_562 : f32
    %sign3A_564 = arith.select %sign3A_563, %sign3A_560, %div3A_554 : f32
    %abs3A_565 = math.absf %div3A_554 : f32
    %mul3A_566 = arith.mulf %div3A_554, %div3A_554 : f32
    %add3A_567 = arith.constant 1.000000e+00 : f32
    %add3A_568 = arith.addf %add3A_567, %mul3A_566 : f32
    %sqrt3A_569 = math.sqrt %add3A_568 : f32
    %add3A_570 = arith.addf %abs3A_565, %sqrt3A_569 : f32
    %div3A_571 = arith.divf %sign3A_564, %add3A_570 : f32
    %eq3A_572 = arith.constant 0.000000e+00 : f32
    %eq3A_573 = arith.cmpf oeq, %mul3A_548, %eq3A_572 : f32
    %jit3A_574 = arith.constant 0.000000e+00 : f32
    %select_n3A_575 = arith.select %eq3A_573, %jit3A_574, %div3A_571 : f32
    %mul3A_576 = arith.mulf %select_n3A_575, %select_n3A_575 : f32
    %add3A_577 = arith.constant 1.000000e+00 : f32
    %add3A_578 = arith.addf %add3A_577, %mul3A_576 : f32
    %rsqrt3A_579 = math.rsqrt %add3A_578 : f32
    %mul3A_580 = arith.mulf %select_n3A_575, %rsqrt3A_579 : f32
    %mul3A_581 = arith.mulf %rsqrt3A_579, %sub3A_498 : f32
    %mul3A_582 = arith.mulf %mul3A_580, %add3A_416 : f32
    %sub3A_583 = arith.subf %mul3A_581, %mul3A_582 : f32
    %mul3A_584 = arith.mulf %mul3A_580, %sub3A_498 : f32
    %mul3A_585 = arith.mulf %rsqrt3A_579, %add3A_416 : f32
    %add3A_586 = arith.addf %mul3A_584, %mul3A_585 : f32
    %mul3A_587 = arith.mulf %rsqrt3A_579, %sub3A_504 : f32
    %mul3A_588 = arith.mulf %mul3A_580, %add3A_422 : f32
    %sub3A_589 = arith.subf %mul3A_587, %mul3A_588 : f32
    %mul3A_590 = arith.mulf %mul3A_580, %sub3A_504 : f32
    %mul3A_591 = arith.mulf %rsqrt3A_579, %add3A_422 : f32
    %add3A_592 = arith.addf %mul3A_590, %mul3A_591 : f32
    %mul3A_593 = arith.mulf %rsqrt3A_579, %sub3A_510 : f32
    %mul3A_594 = arith.mulf %mul3A_580, %add3A_428 : f32
    %sub3A_595 = arith.subf %mul3A_593, %mul3A_594 : f32
    %mul3A_596 = arith.mulf %mul3A_580, %sub3A_510 : f32
    %mul3A_597 = arith.mulf %rsqrt3A_579, %add3A_428 : f32
    %add3A_598 = arith.addf %mul3A_596, %mul3A_597 : f32
    %mul3A_599 = arith.mulf %rsqrt3A_579, %sub3A_516 : f32
    %mul3A_600 = arith.mulf %mul3A_580, %add3A_434 : f32
    %sub3A_601 = arith.subf %mul3A_599, %mul3A_600 : f32
    %mul3A_602 = arith.mulf %mul3A_580, %sub3A_516 : f32
    %mul3A_603 = arith.mulf %rsqrt3A_579, %add3A_434 : f32
    %add3A_604 = arith.addf %mul3A_602, %mul3A_603 : f32
    %mul3A_605 = arith.mulf %rsqrt3A_579, %sub3A_522 : f32
    %mul3A_606 = arith.mulf %mul3A_580, %add3A_440 : f32
    %sub3A_607 = arith.subf %mul3A_605, %mul3A_606 : f32
    %mul3A_608 = arith.mulf %mul3A_580, %sub3A_522 : f32
    %mul3A_609 = arith.mulf %rsqrt3A_579, %add3A_440 : f32
    %add3A_610 = arith.addf %mul3A_608, %mul3A_609 : f32
    %mul3A_611 = arith.mulf %rsqrt3A_579, %sub3A_528 : f32
    %mul3A_612 = arith.mulf %mul3A_580, %add3A_446 : f32
    %sub3A_613 = arith.subf %mul3A_611, %mul3A_612 : f32
    %mul3A_614 = arith.mulf %mul3A_580, %sub3A_528 : f32
    %mul3A_615 = arith.mulf %rsqrt3A_579, %add3A_446 : f32
    %add3A_616 = arith.addf %mul3A_614, %mul3A_615 : f32
    %mul3A_617 = arith.mulf %add3A_501, %add3A_501 : f32
    %mul3A_618 = arith.mulf %add3A_513, %add3A_513 : f32
    %add3A_619 = arith.addf %mul3A_617, %mul3A_618 : f32
    %mul3A_620 = arith.mulf %add3A_525, %add3A_525 : f32
    %add3A_621 = arith.addf %add3A_619, %mul3A_620 : f32
    %mul3A_622 = arith.mulf %add3A_586, %add3A_586 : f32
    %mul3A_623 = arith.mulf %add3A_598, %add3A_598 : f32
    %add3A_624 = arith.addf %mul3A_622, %mul3A_623 : f32
    %mul3A_625 = arith.mulf %add3A_610, %add3A_610 : f32
    %add3A_626 = arith.addf %add3A_624, %mul3A_625 : f32
    %mul3A_627 = arith.mulf %add3A_501, %add3A_586 : f32
    %mul3A_628 = arith.mulf %add3A_513, %add3A_598 : f32
    %add3A_629 = arith.addf %mul3A_627, %mul3A_628 : f32
    %mul3A_630 = arith.mulf %add3A_525, %add3A_610 : f32
    %add3A_631 = arith.addf %add3A_629, %mul3A_630 : f32
    %mul3A_632 = arith.constant 2.000000e+00 : f32
    %mul3A_633 = arith.mulf %mul3A_632, %add3A_631 : f32
    %eq3A_634 = arith.constant 0.000000e+00 : f32
    %eq3A_635 = arith.cmpf oeq, %mul3A_633, %eq3A_634 : f32
    %jit3A_636 = arith.constant 1.000000e+00 : f32
    %select_n3A_637 = arith.select %eq3A_635, %jit3A_636, %mul3A_633 : f32
    %sub3A_638 = arith.subf %add3A_626, %add3A_621 : f32
    %div3A_639 = arith.divf %sub3A_638, %select_n3A_637 : f32
    %sign3A_640 = arith.bitcast %div3A_639 : f32 to i32
    %sign3A_641 = arith.constant -2147483648 : i32
    %sign3A_642 = arith.andi %sign3A_640, %sign3A_641 : i32
    %sign3A_643 = arith.constant 1065353216 : i32
    %sign3A_644 = arith.ori %sign3A_643, %sign3A_642 : i32
    %sign3A_645 = arith.bitcast %sign3A_644 : i32 to f32
    %sign3A_646 = math.absf %div3A_639 : f32
    %sign3A_647 = arith.constant 0.000000e+00 : f32
    %sign3A_648 = arith.cmpf ogt, %sign3A_646, %sign3A_647 : f32
    %sign3A_649 = arith.select %sign3A_648, %sign3A_645, %div3A_639 : f32
    %abs3A_650 = math.absf %div3A_639 : f32
    %mul3A_651 = arith.mulf %div3A_639, %div3A_639 : f32
    %add3A_652 = arith.constant 1.000000e+00 : f32
    %add3A_653 = arith.addf %add3A_652, %mul3A_651 : f32
    %sqrt3A_654 = math.sqrt %add3A_653 : f32
    %add3A_655 = arith.addf %abs3A_650, %sqrt3A_654 : f32
    %div3A_656 = arith.divf %sign3A_649, %add3A_655 : f32
    %eq3A_657 = arith.constant 0.000000e+00 : f32
    %eq3A_658 = arith.cmpf oeq, %mul3A_633, %eq3A_657 : f32
    %jit3A_659 = arith.constant 0.000000e+00 : f32
    %select_n3A_660 = arith.select %eq3A_658, %jit3A_659, %div3A_656 : f32
    %mul3A_661 = arith.mulf %select_n3A_660, %select_n3A_660 : f32
    %add3A_662 = arith.constant 1.000000e+00 : f32
    %add3A_663 = arith.addf %add3A_662, %mul3A_661 : f32
    %rsqrt3A_664 = math.rsqrt %add3A_663 : f32
    %mul3A_665 = arith.mulf %select_n3A_660, %rsqrt3A_664 : f32
    %mul3A_666 = arith.mulf %rsqrt3A_664, %add3A_501 : f32
    %mul3A_667 = arith.mulf %mul3A_665, %add3A_586 : f32
    %sub3A_668 = arith.subf %mul3A_666, %mul3A_667 : f32
    %mul3A_669 = arith.mulf %mul3A_665, %add3A_501 : f32
    %mul3A_670 = arith.mulf %rsqrt3A_664, %add3A_586 : f32
    %add3A_671 = arith.addf %mul3A_669, %mul3A_670 : f32
    %mul3A_672 = arith.mulf %rsqrt3A_664, %add3A_507 : f32
    %mul3A_673 = arith.mulf %mul3A_665, %add3A_592 : f32
    %sub3A_674 = arith.subf %mul3A_672, %mul3A_673 : f32
    %mul3A_675 = arith.mulf %mul3A_665, %add3A_507 : f32
    %mul3A_676 = arith.mulf %rsqrt3A_664, %add3A_592 : f32
    %add3A_677 = arith.addf %mul3A_675, %mul3A_676 : f32
    %mul3A_678 = arith.mulf %rsqrt3A_664, %add3A_513 : f32
    %mul3A_679 = arith.mulf %mul3A_665, %add3A_598 : f32
    %sub3A_680 = arith.subf %mul3A_678, %mul3A_679 : f32
    %mul3A_681 = arith.mulf %mul3A_665, %add3A_513 : f32
    %mul3A_682 = arith.mulf %rsqrt3A_664, %add3A_598 : f32
    %add3A_683 = arith.addf %mul3A_681, %mul3A_682 : f32
    %mul3A_684 = arith.mulf %rsqrt3A_664, %add3A_519 : f32
    %mul3A_685 = arith.mulf %mul3A_665, %add3A_604 : f32
    %sub3A_686 = arith.subf %mul3A_684, %mul3A_685 : f32
    %mul3A_687 = arith.mulf %mul3A_665, %add3A_519 : f32
    %mul3A_688 = arith.mulf %rsqrt3A_664, %add3A_604 : f32
    %add3A_689 = arith.addf %mul3A_687, %mul3A_688 : f32
    %mul3A_690 = arith.mulf %rsqrt3A_664, %add3A_525 : f32
    %mul3A_691 = arith.mulf %mul3A_665, %add3A_610 : f32
    %sub3A_692 = arith.subf %mul3A_690, %mul3A_691 : f32
    %mul3A_693 = arith.mulf %mul3A_665, %add3A_525 : f32
    %mul3A_694 = arith.mulf %rsqrt3A_664, %add3A_610 : f32
    %add3A_695 = arith.addf %mul3A_693, %mul3A_694 : f32
    %mul3A_696 = arith.mulf %rsqrt3A_664, %add3A_531 : f32
    %mul3A_697 = arith.mulf %mul3A_665, %add3A_616 : f32
    %sub3A_698 = arith.subf %mul3A_696, %mul3A_697 : f32
    %mul3A_699 = arith.mulf %mul3A_665, %add3A_531 : f32
    %mul3A_700 = arith.mulf %rsqrt3A_664, %add3A_616 : f32
    %add3A_701 = arith.addf %mul3A_699, %mul3A_700 : f32
    %mul3A_702 = arith.mulf %sub3A_583, %sub3A_583 : f32
    %mul3A_703 = arith.mulf %sub3A_595, %sub3A_595 : f32
    %add3A_704 = arith.addf %mul3A_702, %mul3A_703 : f32
    %mul3A_705 = arith.mulf %sub3A_607, %sub3A_607 : f32
    %add3A_706 = arith.addf %add3A_704, %mul3A_705 : f32
    %mul3A_707 = arith.mulf %sub3A_668, %sub3A_668 : f32
    %mul3A_708 = arith.mulf %sub3A_680, %sub3A_680 : f32
    %add3A_709 = arith.addf %mul3A_707, %mul3A_708 : f32
    %mul3A_710 = arith.mulf %sub3A_692, %sub3A_692 : f32
    %add3A_711 = arith.addf %add3A_709, %mul3A_710 : f32
    %mul3A_712 = arith.mulf %sub3A_583, %sub3A_668 : f32
    %mul3A_713 = arith.mulf %sub3A_595, %sub3A_680 : f32
    %add3A_714 = arith.addf %mul3A_712, %mul3A_713 : f32
    %mul3A_715 = arith.mulf %sub3A_607, %sub3A_692 : f32
    %add3A_716 = arith.addf %add3A_714, %mul3A_715 : f32
    %mul3A_717 = arith.constant 2.000000e+00 : f32
    %mul3A_718 = arith.mulf %mul3A_717, %add3A_716 : f32
    %eq3A_719 = arith.constant 0.000000e+00 : f32
    %eq3A_720 = arith.cmpf oeq, %mul3A_718, %eq3A_719 : f32
    %jit3A_721 = arith.constant 1.000000e+00 : f32
    %select_n3A_722 = arith.select %eq3A_720, %jit3A_721, %mul3A_718 : f32
    %sub3A_723 = arith.subf %add3A_711, %add3A_706 : f32
    %div3A_724 = arith.divf %sub3A_723, %select_n3A_722 : f32
    %sign3A_725 = arith.bitcast %div3A_724 : f32 to i32
    %sign3A_726 = arith.constant -2147483648 : i32
    %sign3A_727 = arith.andi %sign3A_725, %sign3A_726 : i32
    %sign3A_728 = arith.constant 1065353216 : i32
    %sign3A_729 = arith.ori %sign3A_728, %sign3A_727 : i32
    %sign3A_730 = arith.bitcast %sign3A_729 : i32 to f32
    %sign3A_731 = math.absf %div3A_724 : f32
    %sign3A_732 = arith.constant 0.000000e+00 : f32
    %sign3A_733 = arith.cmpf ogt, %sign3A_731, %sign3A_732 : f32
    %sign3A_734 = arith.select %sign3A_733, %sign3A_730, %div3A_724 : f32
    %abs3A_735 = math.absf %div3A_724 : f32
    %mul3A_736 = arith.mulf %div3A_724, %div3A_724 : f32
    %add3A_737 = arith.constant 1.000000e+00 : f32
    %add3A_738 = arith.addf %add3A_737, %mul3A_736 : f32
    %sqrt3A_739 = math.sqrt %add3A_738 : f32
    %add3A_740 = arith.addf %abs3A_735, %sqrt3A_739 : f32
    %div3A_741 = arith.divf %sign3A_734, %add3A_740 : f32
    %eq3A_742 = arith.constant 0.000000e+00 : f32
    %eq3A_743 = arith.cmpf oeq, %mul3A_718, %eq3A_742 : f32
    %jit3A_744 = arith.constant 0.000000e+00 : f32
    %select_n3A_745 = arith.select %eq3A_743, %jit3A_744, %div3A_741 : f32
    %mul3A_746 = arith.mulf %select_n3A_745, %select_n3A_745 : f32
    %add3A_747 = arith.constant 1.000000e+00 : f32
    %add3A_748 = arith.addf %add3A_747, %mul3A_746 : f32
    %rsqrt3A_749 = math.rsqrt %add3A_748 : f32
    %mul3A_750 = arith.mulf %select_n3A_745, %rsqrt3A_749 : f32
    %mul3A_751 = arith.mulf %rsqrt3A_749, %sub3A_583 : f32
    %mul3A_752 = arith.mulf %mul3A_750, %sub3A_668 : f32
    %sub3A_753 = arith.subf %mul3A_751, %mul3A_752 : f32
    %mul3A_754 = arith.mulf %mul3A_750, %sub3A_583 : f32
    %mul3A_755 = arith.mulf %rsqrt3A_749, %sub3A_668 : f32
    %add3A_756 = arith.addf %mul3A_754, %mul3A_755 : f32
    %mul3A_757 = arith.mulf %rsqrt3A_749, %sub3A_589 : f32
    %mul3A_758 = arith.mulf %mul3A_750, %sub3A_674 : f32
    %sub3A_759 = arith.subf %mul3A_757, %mul3A_758 : f32
    %mul3A_760 = arith.mulf %mul3A_750, %sub3A_589 : f32
    %mul3A_761 = arith.mulf %rsqrt3A_749, %sub3A_674 : f32
    %add3A_762 = arith.addf %mul3A_760, %mul3A_761 : f32
    %mul3A_763 = arith.mulf %rsqrt3A_749, %sub3A_595 : f32
    %mul3A_764 = arith.mulf %mul3A_750, %sub3A_680 : f32
    %sub3A_765 = arith.subf %mul3A_763, %mul3A_764 : f32
    %mul3A_766 = arith.mulf %mul3A_750, %sub3A_595 : f32
    %mul3A_767 = arith.mulf %rsqrt3A_749, %sub3A_680 : f32
    %add3A_768 = arith.addf %mul3A_766, %mul3A_767 : f32
    %mul3A_769 = arith.mulf %rsqrt3A_749, %sub3A_601 : f32
    %mul3A_770 = arith.mulf %mul3A_750, %sub3A_686 : f32
    %sub3A_771 = arith.subf %mul3A_769, %mul3A_770 : f32
    %mul3A_772 = arith.mulf %mul3A_750, %sub3A_601 : f32
    %mul3A_773 = arith.mulf %rsqrt3A_749, %sub3A_686 : f32
    %add3A_774 = arith.addf %mul3A_772, %mul3A_773 : f32
    %mul3A_775 = arith.mulf %rsqrt3A_749, %sub3A_607 : f32
    %mul3A_776 = arith.mulf %mul3A_750, %sub3A_692 : f32
    %sub3A_777 = arith.subf %mul3A_775, %mul3A_776 : f32
    %mul3A_778 = arith.mulf %mul3A_750, %sub3A_607 : f32
    %mul3A_779 = arith.mulf %rsqrt3A_749, %sub3A_692 : f32
    %add3A_780 = arith.addf %mul3A_778, %mul3A_779 : f32
    %mul3A_781 = arith.mulf %rsqrt3A_749, %sub3A_613 : f32
    %mul3A_782 = arith.mulf %mul3A_750, %sub3A_698 : f32
    %sub3A_783 = arith.subf %mul3A_781, %mul3A_782 : f32
    %mul3A_784 = arith.mulf %mul3A_750, %sub3A_613 : f32
    %mul3A_785 = arith.mulf %rsqrt3A_749, %sub3A_698 : f32
    %add3A_786 = arith.addf %mul3A_784, %mul3A_785 : f32
    %mul3A_787 = arith.mulf %sub3A_753, %sub3A_753 : f32
    %mul3A_788 = arith.mulf %sub3A_765, %sub3A_765 : f32
    %add3A_789 = arith.addf %mul3A_787, %mul3A_788 : f32
    %mul3A_790 = arith.mulf %sub3A_777, %sub3A_777 : f32
    %add3A_791 = arith.addf %add3A_789, %mul3A_790 : f32
    %mul3A_792 = arith.mulf %add3A_671, %add3A_671 : f32
    %mul3A_793 = arith.mulf %add3A_683, %add3A_683 : f32
    %add3A_794 = arith.addf %mul3A_792, %mul3A_793 : f32
    %mul3A_795 = arith.mulf %add3A_695, %add3A_695 : f32
    %add3A_796 = arith.addf %add3A_794, %mul3A_795 : f32
    %mul3A_797 = arith.mulf %sub3A_753, %add3A_671 : f32
    %mul3A_798 = arith.mulf %sub3A_765, %add3A_683 : f32
    %add3A_799 = arith.addf %mul3A_797, %mul3A_798 : f32
    %mul3A_800 = arith.mulf %sub3A_777, %add3A_695 : f32
    %add3A_801 = arith.addf %add3A_799, %mul3A_800 : f32
    %mul3A_802 = arith.constant 2.000000e+00 : f32
    %mul3A_803 = arith.mulf %mul3A_802, %add3A_801 : f32
    %eq3A_804 = arith.constant 0.000000e+00 : f32
    %eq3A_805 = arith.cmpf oeq, %mul3A_803, %eq3A_804 : f32
    %jit3A_806 = arith.constant 1.000000e+00 : f32
    %select_n3A_807 = arith.select %eq3A_805, %jit3A_806, %mul3A_803 : f32
    %sub3A_808 = arith.subf %add3A_796, %add3A_791 : f32
    %div3A_809 = arith.divf %sub3A_808, %select_n3A_807 : f32
    %sign3A_810 = arith.bitcast %div3A_809 : f32 to i32
    %sign3A_811 = arith.constant -2147483648 : i32
    %sign3A_812 = arith.andi %sign3A_810, %sign3A_811 : i32
    %sign3A_813 = arith.constant 1065353216 : i32
    %sign3A_814 = arith.ori %sign3A_813, %sign3A_812 : i32
    %sign3A_815 = arith.bitcast %sign3A_814 : i32 to f32
    %sign3A_816 = math.absf %div3A_809 : f32
    %sign3A_817 = arith.constant 0.000000e+00 : f32
    %sign3A_818 = arith.cmpf ogt, %sign3A_816, %sign3A_817 : f32
    %sign3A_819 = arith.select %sign3A_818, %sign3A_815, %div3A_809 : f32
    %abs3A_820 = math.absf %div3A_809 : f32
    %mul3A_821 = arith.mulf %div3A_809, %div3A_809 : f32
    %add3A_822 = arith.constant 1.000000e+00 : f32
    %add3A_823 = arith.addf %add3A_822, %mul3A_821 : f32
    %sqrt3A_824 = math.sqrt %add3A_823 : f32
    %add3A_825 = arith.addf %abs3A_820, %sqrt3A_824 : f32
    %div3A_826 = arith.divf %sign3A_819, %add3A_825 : f32
    %eq3A_827 = arith.constant 0.000000e+00 : f32
    %eq3A_828 = arith.cmpf oeq, %mul3A_803, %eq3A_827 : f32
    %jit3A_829 = arith.constant 0.000000e+00 : f32
    %select_n3A_830 = arith.select %eq3A_828, %jit3A_829, %div3A_826 : f32
    %mul3A_831 = arith.mulf %select_n3A_830, %select_n3A_830 : f32
    %add3A_832 = arith.constant 1.000000e+00 : f32
    %add3A_833 = arith.addf %add3A_832, %mul3A_831 : f32
    %rsqrt3A_834 = math.rsqrt %add3A_833 : f32
    %mul3A_835 = arith.mulf %select_n3A_830, %rsqrt3A_834 : f32
    %mul3A_836 = arith.mulf %rsqrt3A_834, %sub3A_753 : f32
    %mul3A_837 = arith.mulf %mul3A_835, %add3A_671 : f32
    %sub3A_838 = arith.subf %mul3A_836, %mul3A_837 : f32
    %mul3A_839 = arith.mulf %mul3A_835, %sub3A_753 : f32
    %mul3A_840 = arith.mulf %rsqrt3A_834, %add3A_671 : f32
    %add3A_841 = arith.addf %mul3A_839, %mul3A_840 : f32
    %mul3A_842 = arith.mulf %rsqrt3A_834, %sub3A_759 : f32
    %mul3A_843 = arith.mulf %mul3A_835, %add3A_677 : f32
    %sub3A_844 = arith.subf %mul3A_842, %mul3A_843 : f32
    %mul3A_845 = arith.mulf %mul3A_835, %sub3A_759 : f32
    %mul3A_846 = arith.mulf %rsqrt3A_834, %add3A_677 : f32
    %add3A_847 = arith.addf %mul3A_845, %mul3A_846 : f32
    %mul3A_848 = arith.mulf %rsqrt3A_834, %sub3A_765 : f32
    %mul3A_849 = arith.mulf %mul3A_835, %add3A_683 : f32
    %sub3A_850 = arith.subf %mul3A_848, %mul3A_849 : f32
    %mul3A_851 = arith.mulf %mul3A_835, %sub3A_765 : f32
    %mul3A_852 = arith.mulf %rsqrt3A_834, %add3A_683 : f32
    %add3A_853 = arith.addf %mul3A_851, %mul3A_852 : f32
    %mul3A_854 = arith.mulf %rsqrt3A_834, %sub3A_771 : f32
    %mul3A_855 = arith.mulf %mul3A_835, %add3A_689 : f32
    %sub3A_856 = arith.subf %mul3A_854, %mul3A_855 : f32
    %mul3A_857 = arith.mulf %mul3A_835, %sub3A_771 : f32
    %mul3A_858 = arith.mulf %rsqrt3A_834, %add3A_689 : f32
    %add3A_859 = arith.addf %mul3A_857, %mul3A_858 : f32
    %mul3A_860 = arith.mulf %rsqrt3A_834, %sub3A_777 : f32
    %mul3A_861 = arith.mulf %mul3A_835, %add3A_695 : f32
    %sub3A_862 = arith.subf %mul3A_860, %mul3A_861 : f32
    %mul3A_863 = arith.mulf %mul3A_835, %sub3A_777 : f32
    %mul3A_864 = arith.mulf %rsqrt3A_834, %add3A_695 : f32
    %add3A_865 = arith.addf %mul3A_863, %mul3A_864 : f32
    %mul3A_866 = arith.mulf %rsqrt3A_834, %sub3A_783 : f32
    %mul3A_867 = arith.mulf %mul3A_835, %add3A_701 : f32
    %sub3A_868 = arith.subf %mul3A_866, %mul3A_867 : f32
    %mul3A_869 = arith.mulf %mul3A_835, %sub3A_783 : f32
    %mul3A_870 = arith.mulf %rsqrt3A_834, %add3A_701 : f32
    %add3A_871 = arith.addf %mul3A_869, %mul3A_870 : f32
    %mul3A_872 = arith.mulf %add3A_756, %add3A_756 : f32
    %mul3A_873 = arith.mulf %add3A_768, %add3A_768 : f32
    %add3A_874 = arith.addf %mul3A_872, %mul3A_873 : f32
    %mul3A_875 = arith.mulf %add3A_780, %add3A_780 : f32
    %add3A_876 = arith.addf %add3A_874, %mul3A_875 : f32
    %mul3A_877 = arith.mulf %add3A_841, %add3A_841 : f32
    %mul3A_878 = arith.mulf %add3A_853, %add3A_853 : f32
    %add3A_879 = arith.addf %mul3A_877, %mul3A_878 : f32
    %mul3A_880 = arith.mulf %add3A_865, %add3A_865 : f32
    %add3A_881 = arith.addf %add3A_879, %mul3A_880 : f32
    %mul3A_882 = arith.mulf %add3A_756, %add3A_841 : f32
    %mul3A_883 = arith.mulf %add3A_768, %add3A_853 : f32
    %add3A_884 = arith.addf %mul3A_882, %mul3A_883 : f32
    %mul3A_885 = arith.mulf %add3A_780, %add3A_865 : f32
    %add3A_886 = arith.addf %add3A_884, %mul3A_885 : f32
    %mul3A_887 = arith.constant 2.000000e+00 : f32
    %mul3A_888 = arith.mulf %mul3A_887, %add3A_886 : f32
    %eq3A_889 = arith.constant 0.000000e+00 : f32
    %eq3A_890 = arith.cmpf oeq, %mul3A_888, %eq3A_889 : f32
    %jit3A_891 = arith.constant 1.000000e+00 : f32
    %select_n3A_892 = arith.select %eq3A_890, %jit3A_891, %mul3A_888 : f32
    %sub3A_893 = arith.subf %add3A_881, %add3A_876 : f32
    %div3A_894 = arith.divf %sub3A_893, %select_n3A_892 : f32
    %sign3A_895 = arith.bitcast %div3A_894 : f32 to i32
    %sign3A_896 = arith.constant -2147483648 : i32
    %sign3A_897 = arith.andi %sign3A_895, %sign3A_896 : i32
    %sign3A_898 = arith.constant 1065353216 : i32
    %sign3A_899 = arith.ori %sign3A_898, %sign3A_897 : i32
    %sign3A_900 = arith.bitcast %sign3A_899 : i32 to f32
    %sign3A_901 = math.absf %div3A_894 : f32
    %sign3A_902 = arith.constant 0.000000e+00 : f32
    %sign3A_903 = arith.cmpf ogt, %sign3A_901, %sign3A_902 : f32
    %sign3A_904 = arith.select %sign3A_903, %sign3A_900, %div3A_894 : f32
    %abs3A_905 = math.absf %div3A_894 : f32
    %mul3A_906 = arith.mulf %div3A_894, %div3A_894 : f32
    %add3A_907 = arith.constant 1.000000e+00 : f32
    %add3A_908 = arith.addf %add3A_907, %mul3A_906 : f32
    %sqrt3A_909 = math.sqrt %add3A_908 : f32
    %add3A_910 = arith.addf %abs3A_905, %sqrt3A_909 : f32
    %div3A_911 = arith.divf %sign3A_904, %add3A_910 : f32
    %eq3A_912 = arith.constant 0.000000e+00 : f32
    %eq3A_913 = arith.cmpf oeq, %mul3A_888, %eq3A_912 : f32
    %jit3A_914 = arith.constant 0.000000e+00 : f32
    %select_n3A_915 = arith.select %eq3A_913, %jit3A_914, %div3A_911 : f32
    %mul3A_916 = arith.mulf %select_n3A_915, %select_n3A_915 : f32
    %add3A_917 = arith.constant 1.000000e+00 : f32
    %add3A_918 = arith.addf %add3A_917, %mul3A_916 : f32
    %rsqrt3A_919 = math.rsqrt %add3A_918 : f32
    %mul3A_920 = arith.mulf %select_n3A_915, %rsqrt3A_919 : f32
    %mul3A_921 = arith.mulf %rsqrt3A_919, %add3A_756 : f32
    %mul3A_922 = arith.mulf %mul3A_920, %add3A_841 : f32
    %sub3A_923 = arith.subf %mul3A_921, %mul3A_922 : f32
    %mul3A_924 = arith.mulf %mul3A_920, %add3A_756 : f32
    %mul3A_925 = arith.mulf %rsqrt3A_919, %add3A_841 : f32
    %add3A_926 = arith.addf %mul3A_924, %mul3A_925 : f32
    %mul3A_927 = arith.mulf %rsqrt3A_919, %add3A_762 : f32
    %mul3A_928 = arith.mulf %mul3A_920, %add3A_847 : f32
    %sub3A_929 = arith.subf %mul3A_927, %mul3A_928 : f32
    %mul3A_930 = arith.mulf %mul3A_920, %add3A_762 : f32
    %mul3A_931 = arith.mulf %rsqrt3A_919, %add3A_847 : f32
    %add3A_932 = arith.addf %mul3A_930, %mul3A_931 : f32
    %mul3A_933 = arith.mulf %rsqrt3A_919, %add3A_768 : f32
    %mul3A_934 = arith.mulf %mul3A_920, %add3A_853 : f32
    %sub3A_935 = arith.subf %mul3A_933, %mul3A_934 : f32
    %mul3A_936 = arith.mulf %mul3A_920, %add3A_768 : f32
    %mul3A_937 = arith.mulf %rsqrt3A_919, %add3A_853 : f32
    %add3A_938 = arith.addf %mul3A_936, %mul3A_937 : f32
    %mul3A_939 = arith.mulf %rsqrt3A_919, %add3A_774 : f32
    %mul3A_940 = arith.mulf %mul3A_920, %add3A_859 : f32
    %sub3A_941 = arith.subf %mul3A_939, %mul3A_940 : f32
    %mul3A_942 = arith.mulf %mul3A_920, %add3A_774 : f32
    %mul3A_943 = arith.mulf %rsqrt3A_919, %add3A_859 : f32
    %add3A_944 = arith.addf %mul3A_942, %mul3A_943 : f32
    %mul3A_945 = arith.mulf %rsqrt3A_919, %add3A_780 : f32
    %mul3A_946 = arith.mulf %mul3A_920, %add3A_865 : f32
    %sub3A_947 = arith.subf %mul3A_945, %mul3A_946 : f32
    %mul3A_948 = arith.mulf %mul3A_920, %add3A_780 : f32
    %mul3A_949 = arith.mulf %rsqrt3A_919, %add3A_865 : f32
    %add3A_950 = arith.addf %mul3A_948, %mul3A_949 : f32
    %mul3A_951 = arith.mulf %rsqrt3A_919, %add3A_786 : f32
    %mul3A_952 = arith.mulf %mul3A_920, %add3A_871 : f32
    %sub3A_953 = arith.subf %mul3A_951, %mul3A_952 : f32
    %mul3A_954 = arith.mulf %mul3A_920, %add3A_786 : f32
    %mul3A_955 = arith.mulf %rsqrt3A_919, %add3A_871 : f32
    %add3A_956 = arith.addf %mul3A_954, %mul3A_955 : f32
    %mul3A_957 = arith.mulf %sub3A_838, %sub3A_838 : f32
    %mul3A_958 = arith.mulf %sub3A_850, %sub3A_850 : f32
    %add3A_959 = arith.addf %mul3A_957, %mul3A_958 : f32
    %mul3A_960 = arith.mulf %sub3A_862, %sub3A_862 : f32
    %add3A_961 = arith.addf %add3A_959, %mul3A_960 : f32
    %mul3A_962 = arith.mulf %sub3A_923, %sub3A_923 : f32
    %mul3A_963 = arith.mulf %sub3A_935, %sub3A_935 : f32
    %add3A_964 = arith.addf %mul3A_962, %mul3A_963 : f32
    %mul3A_965 = arith.mulf %sub3A_947, %sub3A_947 : f32
    %add3A_966 = arith.addf %add3A_964, %mul3A_965 : f32
    %mul3A_967 = arith.mulf %sub3A_838, %sub3A_923 : f32
    %mul3A_968 = arith.mulf %sub3A_850, %sub3A_935 : f32
    %add3A_969 = arith.addf %mul3A_967, %mul3A_968 : f32
    %mul3A_970 = arith.mulf %sub3A_862, %sub3A_947 : f32
    %add3A_971 = arith.addf %add3A_969, %mul3A_970 : f32
    %mul3A_972 = arith.constant 2.000000e+00 : f32
    %mul3A_973 = arith.mulf %mul3A_972, %add3A_971 : f32
    %eq3A_974 = arith.constant 0.000000e+00 : f32
    %eq3A_975 = arith.cmpf oeq, %mul3A_973, %eq3A_974 : f32
    %jit3A_976 = arith.constant 1.000000e+00 : f32
    %select_n3A_977 = arith.select %eq3A_975, %jit3A_976, %mul3A_973 : f32
    %sub3A_978 = arith.subf %add3A_966, %add3A_961 : f32
    %div3A_979 = arith.divf %sub3A_978, %select_n3A_977 : f32
    %sign3A_980 = arith.bitcast %div3A_979 : f32 to i32
    %sign3A_981 = arith.constant -2147483648 : i32
    %sign3A_982 = arith.andi %sign3A_980, %sign3A_981 : i32
    %sign3A_983 = arith.constant 1065353216 : i32
    %sign3A_984 = arith.ori %sign3A_983, %sign3A_982 : i32
    %sign3A_985 = arith.bitcast %sign3A_984 : i32 to f32
    %sign3A_986 = math.absf %div3A_979 : f32
    %sign3A_987 = arith.constant 0.000000e+00 : f32
    %sign3A_988 = arith.cmpf ogt, %sign3A_986, %sign3A_987 : f32
    %sign3A_989 = arith.select %sign3A_988, %sign3A_985, %div3A_979 : f32
    %abs3A_990 = math.absf %div3A_979 : f32
    %mul3A_991 = arith.mulf %div3A_979, %div3A_979 : f32
    %add3A_992 = arith.constant 1.000000e+00 : f32
    %add3A_993 = arith.addf %add3A_992, %mul3A_991 : f32
    %sqrt3A_994 = math.sqrt %add3A_993 : f32
    %add3A_995 = arith.addf %abs3A_990, %sqrt3A_994 : f32
    %div3A_996 = arith.divf %sign3A_989, %add3A_995 : f32
    %eq3A_997 = arith.constant 0.000000e+00 : f32
    %eq3A_998 = arith.cmpf oeq, %mul3A_973, %eq3A_997 : f32
    %jit3A_999 = arith.constant 0.000000e+00 : f32
    %select_n3A_1000 = arith.select %eq3A_998, %jit3A_999, %div3A_996 : f32
    %mul3A_1001 = arith.mulf %select_n3A_1000, %select_n3A_1000 : f32
    %add3A_1002 = arith.constant 1.000000e+00 : f32
    %add3A_1003 = arith.addf %add3A_1002, %mul3A_1001 : f32
    %rsqrt3A_1004 = math.rsqrt %add3A_1003 : f32
    %mul3A_1005 = arith.mulf %select_n3A_1000, %rsqrt3A_1004 : f32
    %mul3A_1006 = arith.mulf %rsqrt3A_1004, %sub3A_838 : f32
    %mul3A_1007 = arith.mulf %mul3A_1005, %sub3A_923 : f32
    %sub3A_1008 = arith.subf %mul3A_1006, %mul3A_1007 : f32
    %mul3A_1009 = arith.mulf %mul3A_1005, %sub3A_838 : f32
    %mul3A_1010 = arith.mulf %rsqrt3A_1004, %sub3A_923 : f32
    %add3A_1011 = arith.addf %mul3A_1009, %mul3A_1010 : f32
    %mul3A_1012 = arith.mulf %rsqrt3A_1004, %sub3A_844 : f32
    %mul3A_1013 = arith.mulf %mul3A_1005, %sub3A_929 : f32
    %sub3A_1014 = arith.subf %mul3A_1012, %mul3A_1013 : f32
    %mul3A_1015 = arith.mulf %mul3A_1005, %sub3A_844 : f32
    %mul3A_1016 = arith.mulf %rsqrt3A_1004, %sub3A_929 : f32
    %add3A_1017 = arith.addf %mul3A_1015, %mul3A_1016 : f32
    %mul3A_1018 = arith.mulf %rsqrt3A_1004, %sub3A_850 : f32
    %mul3A_1019 = arith.mulf %mul3A_1005, %sub3A_935 : f32
    %sub3A_1020 = arith.subf %mul3A_1018, %mul3A_1019 : f32
    %mul3A_1021 = arith.mulf %mul3A_1005, %sub3A_850 : f32
    %mul3A_1022 = arith.mulf %rsqrt3A_1004, %sub3A_935 : f32
    %add3A_1023 = arith.addf %mul3A_1021, %mul3A_1022 : f32
    %mul3A_1024 = arith.mulf %rsqrt3A_1004, %sub3A_856 : f32
    %mul3A_1025 = arith.mulf %mul3A_1005, %sub3A_941 : f32
    %sub3A_1026 = arith.subf %mul3A_1024, %mul3A_1025 : f32
    %mul3A_1027 = arith.mulf %mul3A_1005, %sub3A_856 : f32
    %mul3A_1028 = arith.mulf %rsqrt3A_1004, %sub3A_941 : f32
    %add3A_1029 = arith.addf %mul3A_1027, %mul3A_1028 : f32
    %mul3A_1030 = arith.mulf %rsqrt3A_1004, %sub3A_862 : f32
    %mul3A_1031 = arith.mulf %mul3A_1005, %sub3A_947 : f32
    %sub3A_1032 = arith.subf %mul3A_1030, %mul3A_1031 : f32
    %mul3A_1033 = arith.mulf %mul3A_1005, %sub3A_862 : f32
    %mul3A_1034 = arith.mulf %rsqrt3A_1004, %sub3A_947 : f32
    %add3A_1035 = arith.addf %mul3A_1033, %mul3A_1034 : f32
    %mul3A_1036 = arith.mulf %rsqrt3A_1004, %sub3A_868 : f32
    %mul3A_1037 = arith.mulf %mul3A_1005, %sub3A_953 : f32
    %sub3A_1038 = arith.subf %mul3A_1036, %mul3A_1037 : f32
    %mul3A_1039 = arith.mulf %mul3A_1005, %sub3A_868 : f32
    %mul3A_1040 = arith.mulf %rsqrt3A_1004, %sub3A_953 : f32
    %add3A_1041 = arith.addf %mul3A_1039, %mul3A_1040 : f32
    %mul3A_1042 = arith.mulf %sub3A_1008, %sub3A_1008 : f32
    %mul3A_1043 = arith.mulf %sub3A_1020, %sub3A_1020 : f32
    %add3A_1044 = arith.addf %mul3A_1042, %mul3A_1043 : f32
    %mul3A_1045 = arith.mulf %sub3A_1032, %sub3A_1032 : f32
    %add3A_1046 = arith.addf %add3A_1044, %mul3A_1045 : f32
    %mul3A_1047 = arith.mulf %add3A_926, %add3A_926 : f32
    %mul3A_1048 = arith.mulf %add3A_938, %add3A_938 : f32
    %add3A_1049 = arith.addf %mul3A_1047, %mul3A_1048 : f32
    %mul3A_1050 = arith.mulf %add3A_950, %add3A_950 : f32
    %add3A_1051 = arith.addf %add3A_1049, %mul3A_1050 : f32
    %mul3A_1052 = arith.mulf %sub3A_1008, %add3A_926 : f32
    %mul3A_1053 = arith.mulf %sub3A_1020, %add3A_938 : f32
    %add3A_1054 = arith.addf %mul3A_1052, %mul3A_1053 : f32
    %mul3A_1055 = arith.mulf %sub3A_1032, %add3A_950 : f32
    %add3A_1056 = arith.addf %add3A_1054, %mul3A_1055 : f32
    %mul3A_1057 = arith.constant 2.000000e+00 : f32
    %mul3A_1058 = arith.mulf %mul3A_1057, %add3A_1056 : f32
    %eq3A_1059 = arith.constant 0.000000e+00 : f32
    %eq3A_1060 = arith.cmpf oeq, %mul3A_1058, %eq3A_1059 : f32
    %jit3A_1061 = arith.constant 1.000000e+00 : f32
    %select_n3A_1062 = arith.select %eq3A_1060, %jit3A_1061, %mul3A_1058 : f32
    %sub3A_1063 = arith.subf %add3A_1051, %add3A_1046 : f32
    %div3A_1064 = arith.divf %sub3A_1063, %select_n3A_1062 : f32
    %sign3A_1065 = arith.bitcast %div3A_1064 : f32 to i32
    %sign3A_1066 = arith.constant -2147483648 : i32
    %sign3A_1067 = arith.andi %sign3A_1065, %sign3A_1066 : i32
    %sign3A_1068 = arith.constant 1065353216 : i32
    %sign3A_1069 = arith.ori %sign3A_1068, %sign3A_1067 : i32
    %sign3A_1070 = arith.bitcast %sign3A_1069 : i32 to f32
    %sign3A_1071 = math.absf %div3A_1064 : f32
    %sign3A_1072 = arith.constant 0.000000e+00 : f32
    %sign3A_1073 = arith.cmpf ogt, %sign3A_1071, %sign3A_1072 : f32
    %sign3A_1074 = arith.select %sign3A_1073, %sign3A_1070, %div3A_1064 : f32
    %abs3A_1075 = math.absf %div3A_1064 : f32
    %mul3A_1076 = arith.mulf %div3A_1064, %div3A_1064 : f32
    %add3A_1077 = arith.constant 1.000000e+00 : f32
    %add3A_1078 = arith.addf %add3A_1077, %mul3A_1076 : f32
    %sqrt3A_1079 = math.sqrt %add3A_1078 : f32
    %add3A_1080 = arith.addf %abs3A_1075, %sqrt3A_1079 : f32
    %div3A_1081 = arith.divf %sign3A_1074, %add3A_1080 : f32
    %eq3A_1082 = arith.constant 0.000000e+00 : f32
    %eq3A_1083 = arith.cmpf oeq, %mul3A_1058, %eq3A_1082 : f32
    %jit3A_1084 = arith.constant 0.000000e+00 : f32
    %select_n3A_1085 = arith.select %eq3A_1083, %jit3A_1084, %div3A_1081 : f32
    %mul3A_1086 = arith.mulf %select_n3A_1085, %select_n3A_1085 : f32
    %add3A_1087 = arith.constant 1.000000e+00 : f32
    %add3A_1088 = arith.addf %add3A_1087, %mul3A_1086 : f32
    %rsqrt3A_1089 = math.rsqrt %add3A_1088 : f32
    %mul3A_1090 = arith.mulf %select_n3A_1085, %rsqrt3A_1089 : f32
    %mul3A_1091 = arith.mulf %rsqrt3A_1089, %sub3A_1008 : f32
    %mul3A_1092 = arith.mulf %mul3A_1090, %add3A_926 : f32
    %sub3A_1093 = arith.subf %mul3A_1091, %mul3A_1092 : f32
    %mul3A_1094 = arith.mulf %mul3A_1090, %sub3A_1008 : f32
    %mul3A_1095 = arith.mulf %rsqrt3A_1089, %add3A_926 : f32
    %add3A_1096 = arith.addf %mul3A_1094, %mul3A_1095 : f32
    %mul3A_1097 = arith.mulf %rsqrt3A_1089, %sub3A_1014 : f32
    %mul3A_1098 = arith.mulf %mul3A_1090, %add3A_932 : f32
    %sub3A_1099 = arith.subf %mul3A_1097, %mul3A_1098 : f32
    %mul3A_1100 = arith.mulf %mul3A_1090, %sub3A_1014 : f32
    %mul3A_1101 = arith.mulf %rsqrt3A_1089, %add3A_932 : f32
    %add3A_1102 = arith.addf %mul3A_1100, %mul3A_1101 : f32
    %mul3A_1103 = arith.mulf %rsqrt3A_1089, %sub3A_1020 : f32
    %mul3A_1104 = arith.mulf %mul3A_1090, %add3A_938 : f32
    %sub3A_1105 = arith.subf %mul3A_1103, %mul3A_1104 : f32
    %mul3A_1106 = arith.mulf %mul3A_1090, %sub3A_1020 : f32
    %mul3A_1107 = arith.mulf %rsqrt3A_1089, %add3A_938 : f32
    %add3A_1108 = arith.addf %mul3A_1106, %mul3A_1107 : f32
    %mul3A_1109 = arith.mulf %rsqrt3A_1089, %sub3A_1026 : f32
    %mul3A_1110 = arith.mulf %mul3A_1090, %add3A_944 : f32
    %sub3A_1111 = arith.subf %mul3A_1109, %mul3A_1110 : f32
    %mul3A_1112 = arith.mulf %mul3A_1090, %sub3A_1026 : f32
    %mul3A_1113 = arith.mulf %rsqrt3A_1089, %add3A_944 : f32
    %add3A_1114 = arith.addf %mul3A_1112, %mul3A_1113 : f32
    %mul3A_1115 = arith.mulf %rsqrt3A_1089, %sub3A_1032 : f32
    %mul3A_1116 = arith.mulf %mul3A_1090, %add3A_950 : f32
    %sub3A_1117 = arith.subf %mul3A_1115, %mul3A_1116 : f32
    %mul3A_1118 = arith.mulf %mul3A_1090, %sub3A_1032 : f32
    %mul3A_1119 = arith.mulf %rsqrt3A_1089, %add3A_950 : f32
    %add3A_1120 = arith.addf %mul3A_1118, %mul3A_1119 : f32
    %mul3A_1121 = arith.mulf %rsqrt3A_1089, %sub3A_1038 : f32
    %mul3A_1122 = arith.mulf %mul3A_1090, %add3A_956 : f32
    %sub3A_1123 = arith.subf %mul3A_1121, %mul3A_1122 : f32
    %mul3A_1124 = arith.mulf %mul3A_1090, %sub3A_1038 : f32
    %mul3A_1125 = arith.mulf %rsqrt3A_1089, %add3A_956 : f32
    %add3A_1126 = arith.addf %mul3A_1124, %mul3A_1125 : f32
    %mul3A_1127 = arith.mulf %add3A_1011, %add3A_1011 : f32
    %mul3A_1128 = arith.mulf %add3A_1023, %add3A_1023 : f32
    %add3A_1129 = arith.addf %mul3A_1127, %mul3A_1128 : f32
    %mul3A_1130 = arith.mulf %add3A_1035, %add3A_1035 : f32
    %add3A_1131 = arith.addf %add3A_1129, %mul3A_1130 : f32
    %mul3A_1132 = arith.mulf %add3A_1096, %add3A_1096 : f32
    %mul3A_1133 = arith.mulf %add3A_1108, %add3A_1108 : f32
    %add3A_1134 = arith.addf %mul3A_1132, %mul3A_1133 : f32
    %mul3A_1135 = arith.mulf %add3A_1120, %add3A_1120 : f32
    %add3A_1136 = arith.addf %add3A_1134, %mul3A_1135 : f32
    %mul3A_1137 = arith.mulf %add3A_1011, %add3A_1096 : f32
    %mul3A_1138 = arith.mulf %add3A_1023, %add3A_1108 : f32
    %add3A_1139 = arith.addf %mul3A_1137, %mul3A_1138 : f32
    %mul3A_1140 = arith.mulf %add3A_1035, %add3A_1120 : f32
    %add3A_1141 = arith.addf %add3A_1139, %mul3A_1140 : f32
    %mul3A_1142 = arith.constant 2.000000e+00 : f32
    %mul3A_1143 = arith.mulf %mul3A_1142, %add3A_1141 : f32
    %eq3A_1144 = arith.constant 0.000000e+00 : f32
    %eq3A_1145 = arith.cmpf oeq, %mul3A_1143, %eq3A_1144 : f32
    %jit3A_1146 = arith.constant 1.000000e+00 : f32
    %select_n3A_1147 = arith.select %eq3A_1145, %jit3A_1146, %mul3A_1143 : f32
    %sub3A_1148 = arith.subf %add3A_1136, %add3A_1131 : f32
    %div3A_1149 = arith.divf %sub3A_1148, %select_n3A_1147 : f32
    %sign3A_1150 = arith.bitcast %div3A_1149 : f32 to i32
    %sign3A_1151 = arith.constant -2147483648 : i32
    %sign3A_1152 = arith.andi %sign3A_1150, %sign3A_1151 : i32
    %sign3A_1153 = arith.constant 1065353216 : i32
    %sign3A_1154 = arith.ori %sign3A_1153, %sign3A_1152 : i32
    %sign3A_1155 = arith.bitcast %sign3A_1154 : i32 to f32
    %sign3A_1156 = math.absf %div3A_1149 : f32
    %sign3A_1157 = arith.constant 0.000000e+00 : f32
    %sign3A_1158 = arith.cmpf ogt, %sign3A_1156, %sign3A_1157 : f32
    %sign3A_1159 = arith.select %sign3A_1158, %sign3A_1155, %div3A_1149 : f32
    %abs3A_1160 = math.absf %div3A_1149 : f32
    %mul3A_1161 = arith.mulf %div3A_1149, %div3A_1149 : f32
    %add3A_1162 = arith.constant 1.000000e+00 : f32
    %add3A_1163 = arith.addf %add3A_1162, %mul3A_1161 : f32
    %sqrt3A_1164 = math.sqrt %add3A_1163 : f32
    %add3A_1165 = arith.addf %abs3A_1160, %sqrt3A_1164 : f32
    %div3A_1166 = arith.divf %sign3A_1159, %add3A_1165 : f32
    %eq3A_1167 = arith.constant 0.000000e+00 : f32
    %eq3A_1168 = arith.cmpf oeq, %mul3A_1143, %eq3A_1167 : f32
    %jit3A_1169 = arith.constant 0.000000e+00 : f32
    %select_n3A_1170 = arith.select %eq3A_1168, %jit3A_1169, %div3A_1166 : f32
    %mul3A_1171 = arith.mulf %select_n3A_1170, %select_n3A_1170 : f32
    %add3A_1172 = arith.constant 1.000000e+00 : f32
    %add3A_1173 = arith.addf %add3A_1172, %mul3A_1171 : f32
    %rsqrt3A_1174 = math.rsqrt %add3A_1173 : f32
    %mul3A_1175 = arith.mulf %select_n3A_1170, %rsqrt3A_1174 : f32
    %mul3A_1176 = arith.mulf %rsqrt3A_1174, %add3A_1011 : f32
    %mul3A_1177 = arith.mulf %mul3A_1175, %add3A_1096 : f32
    %sub3A_1178 = arith.subf %mul3A_1176, %mul3A_1177 : f32
    %mul3A_1179 = arith.mulf %mul3A_1175, %add3A_1011 : f32
    %mul3A_1180 = arith.mulf %rsqrt3A_1174, %add3A_1096 : f32
    %add3A_1181 = arith.addf %mul3A_1179, %mul3A_1180 : f32
    %mul3A_1182 = arith.mulf %rsqrt3A_1174, %add3A_1017 : f32
    %mul3A_1183 = arith.mulf %mul3A_1175, %add3A_1102 : f32
    %sub3A_1184 = arith.subf %mul3A_1182, %mul3A_1183 : f32
    %mul3A_1185 = arith.mulf %mul3A_1175, %add3A_1017 : f32
    %mul3A_1186 = arith.mulf %rsqrt3A_1174, %add3A_1102 : f32
    %add3A_1187 = arith.addf %mul3A_1185, %mul3A_1186 : f32
    %mul3A_1188 = arith.mulf %rsqrt3A_1174, %add3A_1023 : f32
    %mul3A_1189 = arith.mulf %mul3A_1175, %add3A_1108 : f32
    %sub3A_1190 = arith.subf %mul3A_1188, %mul3A_1189 : f32
    %mul3A_1191 = arith.mulf %mul3A_1175, %add3A_1023 : f32
    %mul3A_1192 = arith.mulf %rsqrt3A_1174, %add3A_1108 : f32
    %add3A_1193 = arith.addf %mul3A_1191, %mul3A_1192 : f32
    %mul3A_1194 = arith.mulf %rsqrt3A_1174, %add3A_1029 : f32
    %mul3A_1195 = arith.mulf %mul3A_1175, %add3A_1114 : f32
    %sub3A_1196 = arith.subf %mul3A_1194, %mul3A_1195 : f32
    %mul3A_1197 = arith.mulf %mul3A_1175, %add3A_1029 : f32
    %mul3A_1198 = arith.mulf %rsqrt3A_1174, %add3A_1114 : f32
    %add3A_1199 = arith.addf %mul3A_1197, %mul3A_1198 : f32
    %mul3A_1200 = arith.mulf %rsqrt3A_1174, %add3A_1035 : f32
    %mul3A_1201 = arith.mulf %mul3A_1175, %add3A_1120 : f32
    %sub3A_1202 = arith.subf %mul3A_1200, %mul3A_1201 : f32
    %mul3A_1203 = arith.mulf %mul3A_1175, %add3A_1035 : f32
    %mul3A_1204 = arith.mulf %rsqrt3A_1174, %add3A_1120 : f32
    %add3A_1205 = arith.addf %mul3A_1203, %mul3A_1204 : f32
    %mul3A_1206 = arith.mulf %rsqrt3A_1174, %add3A_1041 : f32
    %mul3A_1207 = arith.mulf %mul3A_1175, %add3A_1126 : f32
    %sub3A_1208 = arith.subf %mul3A_1206, %mul3A_1207 : f32
    %mul3A_1209 = arith.mulf %mul3A_1175, %add3A_1041 : f32
    %mul3A_1210 = arith.mulf %rsqrt3A_1174, %add3A_1126 : f32
    %add3A_1211 = arith.addf %mul3A_1209, %mul3A_1210 : f32
    %mul3A_1212 = arith.mulf %sub3A_1093, %sub3A_1093 : f32
    %mul3A_1213 = arith.mulf %sub3A_1105, %sub3A_1105 : f32
    %add3A_1214 = arith.addf %mul3A_1212, %mul3A_1213 : f32
    %mul3A_1215 = arith.mulf %sub3A_1117, %sub3A_1117 : f32
    %add3A_1216 = arith.addf %add3A_1214, %mul3A_1215 : f32
    %mul3A_1217 = arith.mulf %sub3A_1178, %sub3A_1178 : f32
    %mul3A_1218 = arith.mulf %sub3A_1190, %sub3A_1190 : f32
    %add3A_1219 = arith.addf %mul3A_1217, %mul3A_1218 : f32
    %mul3A_1220 = arith.mulf %sub3A_1202, %sub3A_1202 : f32
    %add3A_1221 = arith.addf %add3A_1219, %mul3A_1220 : f32
    %mul3A_1222 = arith.mulf %sub3A_1093, %sub3A_1178 : f32
    %mul3A_1223 = arith.mulf %sub3A_1105, %sub3A_1190 : f32
    %add3A_1224 = arith.addf %mul3A_1222, %mul3A_1223 : f32
    %mul3A_1225 = arith.mulf %sub3A_1117, %sub3A_1202 : f32
    %add3A_1226 = arith.addf %add3A_1224, %mul3A_1225 : f32
    %mul3A_1227 = arith.constant 2.000000e+00 : f32
    %mul3A_1228 = arith.mulf %mul3A_1227, %add3A_1226 : f32
    %eq3A_1229 = arith.constant 0.000000e+00 : f32
    %eq3A_1230 = arith.cmpf oeq, %mul3A_1228, %eq3A_1229 : f32
    %jit3A_1231 = arith.constant 1.000000e+00 : f32
    %select_n3A_1232 = arith.select %eq3A_1230, %jit3A_1231, %mul3A_1228 : f32
    %sub3A_1233 = arith.subf %add3A_1221, %add3A_1216 : f32
    %div3A_1234 = arith.divf %sub3A_1233, %select_n3A_1232 : f32
    %sign3A_1235 = arith.bitcast %div3A_1234 : f32 to i32
    %sign3A_1236 = arith.constant -2147483648 : i32
    %sign3A_1237 = arith.andi %sign3A_1235, %sign3A_1236 : i32
    %sign3A_1238 = arith.constant 1065353216 : i32
    %sign3A_1239 = arith.ori %sign3A_1238, %sign3A_1237 : i32
    %sign3A_1240 = arith.bitcast %sign3A_1239 : i32 to f32
    %sign3A_1241 = math.absf %div3A_1234 : f32
    %sign3A_1242 = arith.constant 0.000000e+00 : f32
    %sign3A_1243 = arith.cmpf ogt, %sign3A_1241, %sign3A_1242 : f32
    %sign3A_1244 = arith.select %sign3A_1243, %sign3A_1240, %div3A_1234 : f32
    %abs3A_1245 = math.absf %div3A_1234 : f32
    %mul3A_1246 = arith.mulf %div3A_1234, %div3A_1234 : f32
    %add3A_1247 = arith.constant 1.000000e+00 : f32
    %add3A_1248 = arith.addf %add3A_1247, %mul3A_1246 : f32
    %sqrt3A_1249 = math.sqrt %add3A_1248 : f32
    %add3A_1250 = arith.addf %abs3A_1245, %sqrt3A_1249 : f32
    %div3A_1251 = arith.divf %sign3A_1244, %add3A_1250 : f32
    %eq3A_1252 = arith.constant 0.000000e+00 : f32
    %eq3A_1253 = arith.cmpf oeq, %mul3A_1228, %eq3A_1252 : f32
    %jit3A_1254 = arith.constant 0.000000e+00 : f32
    %select_n3A_1255 = arith.select %eq3A_1253, %jit3A_1254, %div3A_1251 : f32
    %mul3A_1256 = arith.mulf %select_n3A_1255, %select_n3A_1255 : f32
    %add3A_1257 = arith.constant 1.000000e+00 : f32
    %add3A_1258 = arith.addf %add3A_1257, %mul3A_1256 : f32
    %rsqrt3A_1259 = math.rsqrt %add3A_1258 : f32
    %mul3A_1260 = arith.mulf %select_n3A_1255, %rsqrt3A_1259 : f32
    %mul3A_1261 = arith.mulf %rsqrt3A_1259, %sub3A_1093 : f32
    %mul3A_1262 = arith.mulf %mul3A_1260, %sub3A_1178 : f32
    %sub3A_1263 = arith.subf %mul3A_1261, %mul3A_1262 : f32
    %mul3A_1264 = arith.mulf %mul3A_1260, %sub3A_1093 : f32
    %mul3A_1265 = arith.mulf %rsqrt3A_1259, %sub3A_1178 : f32
    %add3A_1266 = arith.addf %mul3A_1264, %mul3A_1265 : f32
    %mul3A_1267 = arith.mulf %rsqrt3A_1259, %sub3A_1099 : f32
    %mul3A_1268 = arith.mulf %mul3A_1260, %sub3A_1184 : f32
    %sub3A_1269 = arith.subf %mul3A_1267, %mul3A_1268 : f32
    %mul3A_1270 = arith.mulf %mul3A_1260, %sub3A_1099 : f32
    %mul3A_1271 = arith.mulf %rsqrt3A_1259, %sub3A_1184 : f32
    %add3A_1272 = arith.addf %mul3A_1270, %mul3A_1271 : f32
    %mul3A_1273 = arith.mulf %rsqrt3A_1259, %sub3A_1105 : f32
    %mul3A_1274 = arith.mulf %mul3A_1260, %sub3A_1190 : f32
    %sub3A_1275 = arith.subf %mul3A_1273, %mul3A_1274 : f32
    %mul3A_1276 = arith.mulf %mul3A_1260, %sub3A_1105 : f32
    %mul3A_1277 = arith.mulf %rsqrt3A_1259, %sub3A_1190 : f32
    %add3A_1278 = arith.addf %mul3A_1276, %mul3A_1277 : f32
    %mul3A_1279 = arith.mulf %rsqrt3A_1259, %sub3A_1111 : f32
    %mul3A_1280 = arith.mulf %mul3A_1260, %sub3A_1196 : f32
    %sub3A_1281 = arith.subf %mul3A_1279, %mul3A_1280 : f32
    %mul3A_1282 = arith.mulf %mul3A_1260, %sub3A_1111 : f32
    %mul3A_1283 = arith.mulf %rsqrt3A_1259, %sub3A_1196 : f32
    %add3A_1284 = arith.addf %mul3A_1282, %mul3A_1283 : f32
    %mul3A_1285 = arith.mulf %rsqrt3A_1259, %sub3A_1117 : f32
    %mul3A_1286 = arith.mulf %mul3A_1260, %sub3A_1202 : f32
    %sub3A_1287 = arith.subf %mul3A_1285, %mul3A_1286 : f32
    %mul3A_1288 = arith.mulf %mul3A_1260, %sub3A_1117 : f32
    %mul3A_1289 = arith.mulf %rsqrt3A_1259, %sub3A_1202 : f32
    %add3A_1290 = arith.addf %mul3A_1288, %mul3A_1289 : f32
    %mul3A_1291 = arith.mulf %rsqrt3A_1259, %sub3A_1123 : f32
    %mul3A_1292 = arith.mulf %mul3A_1260, %sub3A_1208 : f32
    %sub3A_1293 = arith.subf %mul3A_1291, %mul3A_1292 : f32
    %mul3A_1294 = arith.mulf %mul3A_1260, %sub3A_1123 : f32
    %mul3A_1295 = arith.mulf %rsqrt3A_1259, %sub3A_1208 : f32
    %add3A_1296 = arith.addf %mul3A_1294, %mul3A_1295 : f32
    %mul3A_1297 = arith.mulf %sub3A_1263, %sub3A_1263 : f32
    %mul3A_1298 = arith.mulf %sub3A_1275, %sub3A_1275 : f32
    %add3A_1299 = arith.addf %mul3A_1297, %mul3A_1298 : f32
    %mul3A_1300 = arith.mulf %sub3A_1287, %sub3A_1287 : f32
    %add3A_1301 = arith.addf %add3A_1299, %mul3A_1300 : f32
    %mul3A_1302 = arith.mulf %add3A_1181, %add3A_1181 : f32
    %mul3A_1303 = arith.mulf %add3A_1193, %add3A_1193 : f32
    %add3A_1304 = arith.addf %mul3A_1302, %mul3A_1303 : f32
    %mul3A_1305 = arith.mulf %add3A_1205, %add3A_1205 : f32
    %add3A_1306 = arith.addf %add3A_1304, %mul3A_1305 : f32
    %mul3A_1307 = arith.mulf %sub3A_1263, %add3A_1181 : f32
    %mul3A_1308 = arith.mulf %sub3A_1275, %add3A_1193 : f32
    %add3A_1309 = arith.addf %mul3A_1307, %mul3A_1308 : f32
    %mul3A_1310 = arith.mulf %sub3A_1287, %add3A_1205 : f32
    %add3A_1311 = arith.addf %add3A_1309, %mul3A_1310 : f32
    %mul3A_1312 = arith.constant 2.000000e+00 : f32
    %mul3A_1313 = arith.mulf %mul3A_1312, %add3A_1311 : f32
    %eq3A_1314 = arith.constant 0.000000e+00 : f32
    %eq3A_1315 = arith.cmpf oeq, %mul3A_1313, %eq3A_1314 : f32
    %jit3A_1316 = arith.constant 1.000000e+00 : f32
    %select_n3A_1317 = arith.select %eq3A_1315, %jit3A_1316, %mul3A_1313 : f32
    %sub3A_1318 = arith.subf %add3A_1306, %add3A_1301 : f32
    %div3A_1319 = arith.divf %sub3A_1318, %select_n3A_1317 : f32
    %sign3A_1320 = arith.bitcast %div3A_1319 : f32 to i32
    %sign3A_1321 = arith.constant -2147483648 : i32
    %sign3A_1322 = arith.andi %sign3A_1320, %sign3A_1321 : i32
    %sign3A_1323 = arith.constant 1065353216 : i32
    %sign3A_1324 = arith.ori %sign3A_1323, %sign3A_1322 : i32
    %sign3A_1325 = arith.bitcast %sign3A_1324 : i32 to f32
    %sign3A_1326 = math.absf %div3A_1319 : f32
    %sign3A_1327 = arith.constant 0.000000e+00 : f32
    %sign3A_1328 = arith.cmpf ogt, %sign3A_1326, %sign3A_1327 : f32
    %sign3A_1329 = arith.select %sign3A_1328, %sign3A_1325, %div3A_1319 : f32
    %abs3A_1330 = math.absf %div3A_1319 : f32
    %mul3A_1331 = arith.mulf %div3A_1319, %div3A_1319 : f32
    %add3A_1332 = arith.constant 1.000000e+00 : f32
    %add3A_1333 = arith.addf %add3A_1332, %mul3A_1331 : f32
    %sqrt3A_1334 = math.sqrt %add3A_1333 : f32
    %add3A_1335 = arith.addf %abs3A_1330, %sqrt3A_1334 : f32
    %div3A_1336 = arith.divf %sign3A_1329, %add3A_1335 : f32
    %eq3A_1337 = arith.constant 0.000000e+00 : f32
    %eq3A_1338 = arith.cmpf oeq, %mul3A_1313, %eq3A_1337 : f32
    %jit3A_1339 = arith.constant 0.000000e+00 : f32
    %select_n3A_1340 = arith.select %eq3A_1338, %jit3A_1339, %div3A_1336 : f32
    %mul3A_1341 = arith.mulf %select_n3A_1340, %select_n3A_1340 : f32
    %add3A_1342 = arith.constant 1.000000e+00 : f32
    %add3A_1343 = arith.addf %add3A_1342, %mul3A_1341 : f32
    %rsqrt3A_1344 = math.rsqrt %add3A_1343 : f32
    %mul3A_1345 = arith.mulf %select_n3A_1340, %rsqrt3A_1344 : f32
    %mul3A_1346 = arith.mulf %rsqrt3A_1344, %sub3A_1263 : f32
    %mul3A_1347 = arith.mulf %mul3A_1345, %add3A_1181 : f32
    %sub3A_1348 = arith.subf %mul3A_1346, %mul3A_1347 : f32
    %mul3A_1349 = arith.mulf %mul3A_1345, %sub3A_1263 : f32
    %mul3A_1350 = arith.mulf %rsqrt3A_1344, %add3A_1181 : f32
    %add3A_1351 = arith.addf %mul3A_1349, %mul3A_1350 : f32
    %mul3A_1352 = arith.mulf %rsqrt3A_1344, %sub3A_1269 : f32
    %mul3A_1353 = arith.mulf %mul3A_1345, %add3A_1187 : f32
    %sub3A_1354 = arith.subf %mul3A_1352, %mul3A_1353 : f32
    %mul3A_1355 = arith.mulf %mul3A_1345, %sub3A_1269 : f32
    %mul3A_1356 = arith.mulf %rsqrt3A_1344, %add3A_1187 : f32
    %add3A_1357 = arith.addf %mul3A_1355, %mul3A_1356 : f32
    %mul3A_1358 = arith.mulf %rsqrt3A_1344, %sub3A_1275 : f32
    %mul3A_1359 = arith.mulf %mul3A_1345, %add3A_1193 : f32
    %sub3A_1360 = arith.subf %mul3A_1358, %mul3A_1359 : f32
    %mul3A_1361 = arith.mulf %mul3A_1345, %sub3A_1275 : f32
    %mul3A_1362 = arith.mulf %rsqrt3A_1344, %add3A_1193 : f32
    %add3A_1363 = arith.addf %mul3A_1361, %mul3A_1362 : f32
    %mul3A_1364 = arith.mulf %rsqrt3A_1344, %sub3A_1281 : f32
    %mul3A_1365 = arith.mulf %mul3A_1345, %add3A_1199 : f32
    %sub3A_1366 = arith.subf %mul3A_1364, %mul3A_1365 : f32
    %mul3A_1367 = arith.mulf %mul3A_1345, %sub3A_1281 : f32
    %mul3A_1368 = arith.mulf %rsqrt3A_1344, %add3A_1199 : f32
    %add3A_1369 = arith.addf %mul3A_1367, %mul3A_1368 : f32
    %mul3A_1370 = arith.mulf %rsqrt3A_1344, %sub3A_1287 : f32
    %mul3A_1371 = arith.mulf %mul3A_1345, %add3A_1205 : f32
    %sub3A_1372 = arith.subf %mul3A_1370, %mul3A_1371 : f32
    %mul3A_1373 = arith.mulf %mul3A_1345, %sub3A_1287 : f32
    %mul3A_1374 = arith.mulf %rsqrt3A_1344, %add3A_1205 : f32
    %add3A_1375 = arith.addf %mul3A_1373, %mul3A_1374 : f32
    %mul3A_1376 = arith.mulf %rsqrt3A_1344, %sub3A_1293 : f32
    %mul3A_1377 = arith.mulf %mul3A_1345, %add3A_1211 : f32
    %sub3A_1378 = arith.subf %mul3A_1376, %mul3A_1377 : f32
    %mul3A_1379 = arith.mulf %mul3A_1345, %sub3A_1293 : f32
    %mul3A_1380 = arith.mulf %rsqrt3A_1344, %add3A_1211 : f32
    %add3A_1381 = arith.addf %mul3A_1379, %mul3A_1380 : f32
    %mul3A_1382 = arith.mulf %add3A_1266, %add3A_1266 : f32
    %mul3A_1383 = arith.mulf %add3A_1278, %add3A_1278 : f32
    %add3A_1384 = arith.addf %mul3A_1382, %mul3A_1383 : f32
    %mul3A_1385 = arith.mulf %add3A_1290, %add3A_1290 : f32
    %add3A_1386 = arith.addf %add3A_1384, %mul3A_1385 : f32
    %mul3A_1387 = arith.mulf %add3A_1351, %add3A_1351 : f32
    %mul3A_1388 = arith.mulf %add3A_1363, %add3A_1363 : f32
    %add3A_1389 = arith.addf %mul3A_1387, %mul3A_1388 : f32
    %mul3A_1390 = arith.mulf %add3A_1375, %add3A_1375 : f32
    %add3A_1391 = arith.addf %add3A_1389, %mul3A_1390 : f32
    %mul3A_1392 = arith.mulf %add3A_1266, %add3A_1351 : f32
    %mul3A_1393 = arith.mulf %add3A_1278, %add3A_1363 : f32
    %add3A_1394 = arith.addf %mul3A_1392, %mul3A_1393 : f32
    %mul3A_1395 = arith.mulf %add3A_1290, %add3A_1375 : f32
    %add3A_1396 = arith.addf %add3A_1394, %mul3A_1395 : f32
    %mul3A_1397 = arith.constant 2.000000e+00 : f32
    %mul3A_1398 = arith.mulf %mul3A_1397, %add3A_1396 : f32
    %eq3A_1399 = arith.constant 0.000000e+00 : f32
    %eq3A_1400 = arith.cmpf oeq, %mul3A_1398, %eq3A_1399 : f32
    %jit3A_1401 = arith.constant 1.000000e+00 : f32
    %select_n3A_1402 = arith.select %eq3A_1400, %jit3A_1401, %mul3A_1398 : f32
    %sub3A_1403 = arith.subf %add3A_1391, %add3A_1386 : f32
    %div3A_1404 = arith.divf %sub3A_1403, %select_n3A_1402 : f32
    %sign3A_1405 = arith.bitcast %div3A_1404 : f32 to i32
    %sign3A_1406 = arith.constant -2147483648 : i32
    %sign3A_1407 = arith.andi %sign3A_1405, %sign3A_1406 : i32
    %sign3A_1408 = arith.constant 1065353216 : i32
    %sign3A_1409 = arith.ori %sign3A_1408, %sign3A_1407 : i32
    %sign3A_1410 = arith.bitcast %sign3A_1409 : i32 to f32
    %sign3A_1411 = math.absf %div3A_1404 : f32
    %sign3A_1412 = arith.constant 0.000000e+00 : f32
    %sign3A_1413 = arith.cmpf ogt, %sign3A_1411, %sign3A_1412 : f32
    %sign3A_1414 = arith.select %sign3A_1413, %sign3A_1410, %div3A_1404 : f32
    %abs3A_1415 = math.absf %div3A_1404 : f32
    %mul3A_1416 = arith.mulf %div3A_1404, %div3A_1404 : f32
    %add3A_1417 = arith.constant 1.000000e+00 : f32
    %add3A_1418 = arith.addf %add3A_1417, %mul3A_1416 : f32
    %sqrt3A_1419 = math.sqrt %add3A_1418 : f32
    %add3A_1420 = arith.addf %abs3A_1415, %sqrt3A_1419 : f32
    %div3A_1421 = arith.divf %sign3A_1414, %add3A_1420 : f32
    %eq3A_1422 = arith.constant 0.000000e+00 : f32
    %eq3A_1423 = arith.cmpf oeq, %mul3A_1398, %eq3A_1422 : f32
    %jit3A_1424 = arith.constant 0.000000e+00 : f32
    %select_n3A_1425 = arith.select %eq3A_1423, %jit3A_1424, %div3A_1421 : f32
    %mul3A_1426 = arith.mulf %select_n3A_1425, %select_n3A_1425 : f32
    %add3A_1427 = arith.constant 1.000000e+00 : f32
    %add3A_1428 = arith.addf %add3A_1427, %mul3A_1426 : f32
    %rsqrt3A_1429 = math.rsqrt %add3A_1428 : f32
    %mul3A_1430 = arith.mulf %select_n3A_1425, %rsqrt3A_1429 : f32
    %mul3A_1431 = arith.mulf %rsqrt3A_1429, %add3A_1266 : f32
    %mul3A_1432 = arith.mulf %mul3A_1430, %add3A_1351 : f32
    %sub3A_1433 = arith.subf %mul3A_1431, %mul3A_1432 : f32
    %mul3A_1434 = arith.mulf %mul3A_1430, %add3A_1266 : f32
    %mul3A_1435 = arith.mulf %rsqrt3A_1429, %add3A_1351 : f32
    %add3A_1436 = arith.addf %mul3A_1434, %mul3A_1435 : f32
    %mul3A_1437 = arith.mulf %rsqrt3A_1429, %add3A_1272 : f32
    %mul3A_1438 = arith.mulf %mul3A_1430, %add3A_1357 : f32
    %sub3A_1439 = arith.subf %mul3A_1437, %mul3A_1438 : f32
    %mul3A_1440 = arith.mulf %mul3A_1430, %add3A_1272 : f32
    %mul3A_1441 = arith.mulf %rsqrt3A_1429, %add3A_1357 : f32
    %add3A_1442 = arith.addf %mul3A_1440, %mul3A_1441 : f32
    %mul3A_1443 = arith.mulf %rsqrt3A_1429, %add3A_1278 : f32
    %mul3A_1444 = arith.mulf %mul3A_1430, %add3A_1363 : f32
    %sub3A_1445 = arith.subf %mul3A_1443, %mul3A_1444 : f32
    %mul3A_1446 = arith.mulf %mul3A_1430, %add3A_1278 : f32
    %mul3A_1447 = arith.mulf %rsqrt3A_1429, %add3A_1363 : f32
    %add3A_1448 = arith.addf %mul3A_1446, %mul3A_1447 : f32
    %mul3A_1449 = arith.mulf %rsqrt3A_1429, %add3A_1284 : f32
    %mul3A_1450 = arith.mulf %mul3A_1430, %add3A_1369 : f32
    %sub3A_1451 = arith.subf %mul3A_1449, %mul3A_1450 : f32
    %mul3A_1452 = arith.mulf %mul3A_1430, %add3A_1284 : f32
    %mul3A_1453 = arith.mulf %rsqrt3A_1429, %add3A_1369 : f32
    %add3A_1454 = arith.addf %mul3A_1452, %mul3A_1453 : f32
    %mul3A_1455 = arith.mulf %rsqrt3A_1429, %add3A_1290 : f32
    %mul3A_1456 = arith.mulf %mul3A_1430, %add3A_1375 : f32
    %sub3A_1457 = arith.subf %mul3A_1455, %mul3A_1456 : f32
    %mul3A_1458 = arith.mulf %mul3A_1430, %add3A_1290 : f32
    %mul3A_1459 = arith.mulf %rsqrt3A_1429, %add3A_1375 : f32
    %add3A_1460 = arith.addf %mul3A_1458, %mul3A_1459 : f32
    %mul3A_1461 = arith.mulf %rsqrt3A_1429, %add3A_1296 : f32
    %mul3A_1462 = arith.mulf %mul3A_1430, %add3A_1381 : f32
    %sub3A_1463 = arith.subf %mul3A_1461, %mul3A_1462 : f32
    %mul3A_1464 = arith.mulf %mul3A_1430, %add3A_1296 : f32
    %mul3A_1465 = arith.mulf %rsqrt3A_1429, %add3A_1381 : f32
    %add3A_1466 = arith.addf %mul3A_1464, %mul3A_1465 : f32
    %mul3A_1467 = arith.mulf %sub3A_1348, %sub3A_1348 : f32
    %mul3A_1468 = arith.mulf %sub3A_1360, %sub3A_1360 : f32
    %add3A_1469 = arith.addf %mul3A_1467, %mul3A_1468 : f32
    %mul3A_1470 = arith.mulf %sub3A_1372, %sub3A_1372 : f32
    %add3A_1471 = arith.addf %add3A_1469, %mul3A_1470 : f32
    %mul3A_1472 = arith.mulf %sub3A_1433, %sub3A_1433 : f32
    %mul3A_1473 = arith.mulf %sub3A_1445, %sub3A_1445 : f32
    %add3A_1474 = arith.addf %mul3A_1472, %mul3A_1473 : f32
    %mul3A_1475 = arith.mulf %sub3A_1457, %sub3A_1457 : f32
    %add3A_1476 = arith.addf %add3A_1474, %mul3A_1475 : f32
    %mul3A_1477 = arith.mulf %sub3A_1348, %sub3A_1433 : f32
    %mul3A_1478 = arith.mulf %sub3A_1360, %sub3A_1445 : f32
    %add3A_1479 = arith.addf %mul3A_1477, %mul3A_1478 : f32
    %mul3A_1480 = arith.mulf %sub3A_1372, %sub3A_1457 : f32
    %add3A_1481 = arith.addf %add3A_1479, %mul3A_1480 : f32
    %mul3A_1482 = arith.constant 2.000000e+00 : f32
    %mul3A_1483 = arith.mulf %mul3A_1482, %add3A_1481 : f32
    %eq3A_1484 = arith.constant 0.000000e+00 : f32
    %eq3A_1485 = arith.cmpf oeq, %mul3A_1483, %eq3A_1484 : f32
    %jit3A_1486 = arith.constant 1.000000e+00 : f32
    %select_n3A_1487 = arith.select %eq3A_1485, %jit3A_1486, %mul3A_1483 : f32
    %sub3A_1488 = arith.subf %add3A_1476, %add3A_1471 : f32
    %div3A_1489 = arith.divf %sub3A_1488, %select_n3A_1487 : f32
    %sign3A_1490 = arith.bitcast %div3A_1489 : f32 to i32
    %sign3A_1491 = arith.constant -2147483648 : i32
    %sign3A_1492 = arith.andi %sign3A_1490, %sign3A_1491 : i32
    %sign3A_1493 = arith.constant 1065353216 : i32
    %sign3A_1494 = arith.ori %sign3A_1493, %sign3A_1492 : i32
    %sign3A_1495 = arith.bitcast %sign3A_1494 : i32 to f32
    %sign3A_1496 = math.absf %div3A_1489 : f32
    %sign3A_1497 = arith.constant 0.000000e+00 : f32
    %sign3A_1498 = arith.cmpf ogt, %sign3A_1496, %sign3A_1497 : f32
    %sign3A_1499 = arith.select %sign3A_1498, %sign3A_1495, %div3A_1489 : f32
    %abs3A_1500 = math.absf %div3A_1489 : f32
    %mul3A_1501 = arith.mulf %div3A_1489, %div3A_1489 : f32
    %add3A_1502 = arith.constant 1.000000e+00 : f32
    %add3A_1503 = arith.addf %add3A_1502, %mul3A_1501 : f32
    %sqrt3A_1504 = math.sqrt %add3A_1503 : f32
    %add3A_1505 = arith.addf %abs3A_1500, %sqrt3A_1504 : f32
    %div3A_1506 = arith.divf %sign3A_1499, %add3A_1505 : f32
    %eq3A_1507 = arith.constant 0.000000e+00 : f32
    %eq3A_1508 = arith.cmpf oeq, %mul3A_1483, %eq3A_1507 : f32
    %jit3A_1509 = arith.constant 0.000000e+00 : f32
    %select_n3A_1510 = arith.select %eq3A_1508, %jit3A_1509, %div3A_1506 : f32
    %mul3A_1511 = arith.mulf %select_n3A_1510, %select_n3A_1510 : f32
    %add3A_1512 = arith.constant 1.000000e+00 : f32
    %add3A_1513 = arith.addf %add3A_1512, %mul3A_1511 : f32
    %rsqrt3A_1514 = math.rsqrt %add3A_1513 : f32
    %mul3A_1515 = arith.mulf %select_n3A_1510, %rsqrt3A_1514 : f32
    %mul3A_1516 = arith.mulf %rsqrt3A_1514, %sub3A_1348 : f32
    %mul3A_1517 = arith.mulf %mul3A_1515, %sub3A_1433 : f32
    %sub3A_1518 = arith.subf %mul3A_1516, %mul3A_1517 : f32
    %mul3A_1519 = arith.mulf %mul3A_1515, %sub3A_1348 : f32
    %mul3A_1520 = arith.mulf %rsqrt3A_1514, %sub3A_1433 : f32
    %add3A_1521 = arith.addf %mul3A_1519, %mul3A_1520 : f32
    %mul3A_1522 = arith.mulf %rsqrt3A_1514, %sub3A_1354 : f32
    %mul3A_1523 = arith.mulf %mul3A_1515, %sub3A_1439 : f32
    %sub3A_1524 = arith.subf %mul3A_1522, %mul3A_1523 : f32
    %mul3A_1525 = arith.mulf %mul3A_1515, %sub3A_1354 : f32
    %mul3A_1526 = arith.mulf %rsqrt3A_1514, %sub3A_1439 : f32
    %add3A_1527 = arith.addf %mul3A_1525, %mul3A_1526 : f32
    %mul3A_1528 = arith.mulf %rsqrt3A_1514, %sub3A_1360 : f32
    %mul3A_1529 = arith.mulf %mul3A_1515, %sub3A_1445 : f32
    %sub3A_1530 = arith.subf %mul3A_1528, %mul3A_1529 : f32
    %mul3A_1531 = arith.mulf %mul3A_1515, %sub3A_1360 : f32
    %mul3A_1532 = arith.mulf %rsqrt3A_1514, %sub3A_1445 : f32
    %add3A_1533 = arith.addf %mul3A_1531, %mul3A_1532 : f32
    %mul3A_1534 = arith.mulf %rsqrt3A_1514, %sub3A_1366 : f32
    %mul3A_1535 = arith.mulf %mul3A_1515, %sub3A_1451 : f32
    %sub3A_1536 = arith.subf %mul3A_1534, %mul3A_1535 : f32
    %mul3A_1537 = arith.mulf %mul3A_1515, %sub3A_1366 : f32
    %mul3A_1538 = arith.mulf %rsqrt3A_1514, %sub3A_1451 : f32
    %add3A_1539 = arith.addf %mul3A_1537, %mul3A_1538 : f32
    %mul3A_1540 = arith.mulf %rsqrt3A_1514, %sub3A_1372 : f32
    %mul3A_1541 = arith.mulf %mul3A_1515, %sub3A_1457 : f32
    %sub3A_1542 = arith.subf %mul3A_1540, %mul3A_1541 : f32
    %mul3A_1543 = arith.mulf %mul3A_1515, %sub3A_1372 : f32
    %mul3A_1544 = arith.mulf %rsqrt3A_1514, %sub3A_1457 : f32
    %add3A_1545 = arith.addf %mul3A_1543, %mul3A_1544 : f32
    %mul3A_1546 = arith.mulf %rsqrt3A_1514, %sub3A_1378 : f32
    %mul3A_1547 = arith.mulf %mul3A_1515, %sub3A_1463 : f32
    %sub3A_1548 = arith.subf %mul3A_1546, %mul3A_1547 : f32
    %mul3A_1549 = arith.mulf %mul3A_1515, %sub3A_1378 : f32
    %mul3A_1550 = arith.mulf %rsqrt3A_1514, %sub3A_1463 : f32
    %add3A_1551 = arith.addf %mul3A_1549, %mul3A_1550 : f32
    %mul3A_1552 = arith.mulf %sub3A_1518, %sub3A_1518 : f32
    %mul3A_1553 = arith.mulf %sub3A_1530, %sub3A_1530 : f32
    %add3A_1554 = arith.addf %mul3A_1552, %mul3A_1553 : f32
    %mul3A_1555 = arith.mulf %sub3A_1542, %sub3A_1542 : f32
    %add3A_1556 = arith.addf %add3A_1554, %mul3A_1555 : f32
    %mul3A_1557 = arith.mulf %add3A_1436, %add3A_1436 : f32
    %mul3A_1558 = arith.mulf %add3A_1448, %add3A_1448 : f32
    %add3A_1559 = arith.addf %mul3A_1557, %mul3A_1558 : f32
    %mul3A_1560 = arith.mulf %add3A_1460, %add3A_1460 : f32
    %add3A_1561 = arith.addf %add3A_1559, %mul3A_1560 : f32
    %mul3A_1562 = arith.mulf %sub3A_1518, %add3A_1436 : f32
    %mul3A_1563 = arith.mulf %sub3A_1530, %add3A_1448 : f32
    %add3A_1564 = arith.addf %mul3A_1562, %mul3A_1563 : f32
    %mul3A_1565 = arith.mulf %sub3A_1542, %add3A_1460 : f32
    %add3A_1566 = arith.addf %add3A_1564, %mul3A_1565 : f32
    %mul3A_1567 = arith.constant 2.000000e+00 : f32
    %mul3A_1568 = arith.mulf %mul3A_1567, %add3A_1566 : f32
    %eq3A_1569 = arith.constant 0.000000e+00 : f32
    %eq3A_1570 = arith.cmpf oeq, %mul3A_1568, %eq3A_1569 : f32
    %jit3A_1571 = arith.constant 1.000000e+00 : f32
    %select_n3A_1572 = arith.select %eq3A_1570, %jit3A_1571, %mul3A_1568 : f32
    %sub3A_1573 = arith.subf %add3A_1561, %add3A_1556 : f32
    %div3A_1574 = arith.divf %sub3A_1573, %select_n3A_1572 : f32
    %sign3A_1575 = arith.bitcast %div3A_1574 : f32 to i32
    %sign3A_1576 = arith.constant -2147483648 : i32
    %sign3A_1577 = arith.andi %sign3A_1575, %sign3A_1576 : i32
    %sign3A_1578 = arith.constant 1065353216 : i32
    %sign3A_1579 = arith.ori %sign3A_1578, %sign3A_1577 : i32
    %sign3A_1580 = arith.bitcast %sign3A_1579 : i32 to f32
    %sign3A_1581 = math.absf %div3A_1574 : f32
    %sign3A_1582 = arith.constant 0.000000e+00 : f32
    %sign3A_1583 = arith.cmpf ogt, %sign3A_1581, %sign3A_1582 : f32
    %sign3A_1584 = arith.select %sign3A_1583, %sign3A_1580, %div3A_1574 : f32
    %abs3A_1585 = math.absf %div3A_1574 : f32
    %mul3A_1586 = arith.mulf %div3A_1574, %div3A_1574 : f32
    %add3A_1587 = arith.constant 1.000000e+00 : f32
    %add3A_1588 = arith.addf %add3A_1587, %mul3A_1586 : f32
    %sqrt3A_1589 = math.sqrt %add3A_1588 : f32
    %add3A_1590 = arith.addf %abs3A_1585, %sqrt3A_1589 : f32
    %div3A_1591 = arith.divf %sign3A_1584, %add3A_1590 : f32
    %eq3A_1592 = arith.constant 0.000000e+00 : f32
    %eq3A_1593 = arith.cmpf oeq, %mul3A_1568, %eq3A_1592 : f32
    %jit3A_1594 = arith.constant 0.000000e+00 : f32
    %select_n3A_1595 = arith.select %eq3A_1593, %jit3A_1594, %div3A_1591 : f32
    %mul3A_1596 = arith.mulf %select_n3A_1595, %select_n3A_1595 : f32
    %add3A_1597 = arith.constant 1.000000e+00 : f32
    %add3A_1598 = arith.addf %add3A_1597, %mul3A_1596 : f32
    %rsqrt3A_1599 = math.rsqrt %add3A_1598 : f32
    %mul3A_1600 = arith.mulf %select_n3A_1595, %rsqrt3A_1599 : f32
    %mul3A_1601 = arith.mulf %rsqrt3A_1599, %sub3A_1518 : f32
    %mul3A_1602 = arith.mulf %mul3A_1600, %add3A_1436 : f32
    %sub3A_1603 = arith.subf %mul3A_1601, %mul3A_1602 : f32
    %mul3A_1604 = arith.mulf %mul3A_1600, %sub3A_1518 : f32
    %mul3A_1605 = arith.mulf %rsqrt3A_1599, %add3A_1436 : f32
    %add3A_1606 = arith.addf %mul3A_1604, %mul3A_1605 : f32
    %mul3A_1607 = arith.mulf %rsqrt3A_1599, %sub3A_1524 : f32
    %mul3A_1608 = arith.mulf %mul3A_1600, %add3A_1442 : f32
    %sub3A_1609 = arith.subf %mul3A_1607, %mul3A_1608 : f32
    %mul3A_1610 = arith.mulf %mul3A_1600, %sub3A_1524 : f32
    %mul3A_1611 = arith.mulf %rsqrt3A_1599, %add3A_1442 : f32
    %add3A_1612 = arith.addf %mul3A_1610, %mul3A_1611 : f32
    %mul3A_1613 = arith.mulf %rsqrt3A_1599, %sub3A_1530 : f32
    %mul3A_1614 = arith.mulf %mul3A_1600, %add3A_1448 : f32
    %sub3A_1615 = arith.subf %mul3A_1613, %mul3A_1614 : f32
    %mul3A_1616 = arith.mulf %mul3A_1600, %sub3A_1530 : f32
    %mul3A_1617 = arith.mulf %rsqrt3A_1599, %add3A_1448 : f32
    %add3A_1618 = arith.addf %mul3A_1616, %mul3A_1617 : f32
    %mul3A_1619 = arith.mulf %rsqrt3A_1599, %sub3A_1536 : f32
    %mul3A_1620 = arith.mulf %mul3A_1600, %add3A_1454 : f32
    %sub3A_1621 = arith.subf %mul3A_1619, %mul3A_1620 : f32
    %mul3A_1622 = arith.mulf %mul3A_1600, %sub3A_1536 : f32
    %mul3A_1623 = arith.mulf %rsqrt3A_1599, %add3A_1454 : f32
    %add3A_1624 = arith.addf %mul3A_1622, %mul3A_1623 : f32
    %mul3A_1625 = arith.mulf %rsqrt3A_1599, %sub3A_1542 : f32
    %mul3A_1626 = arith.mulf %mul3A_1600, %add3A_1460 : f32
    %sub3A_1627 = arith.subf %mul3A_1625, %mul3A_1626 : f32
    %mul3A_1628 = arith.mulf %mul3A_1600, %sub3A_1542 : f32
    %mul3A_1629 = arith.mulf %rsqrt3A_1599, %add3A_1460 : f32
    %add3A_1630 = arith.addf %mul3A_1628, %mul3A_1629 : f32
    %mul3A_1631 = arith.mulf %rsqrt3A_1599, %sub3A_1548 : f32
    %mul3A_1632 = arith.mulf %mul3A_1600, %add3A_1466 : f32
    %sub3A_1633 = arith.subf %mul3A_1631, %mul3A_1632 : f32
    %mul3A_1634 = arith.mulf %mul3A_1600, %sub3A_1548 : f32
    %mul3A_1635 = arith.mulf %rsqrt3A_1599, %add3A_1466 : f32
    %add3A_1636 = arith.addf %mul3A_1634, %mul3A_1635 : f32
    %mul3A_1637 = arith.mulf %add3A_1521, %add3A_1521 : f32
    %mul3A_1638 = arith.mulf %add3A_1533, %add3A_1533 : f32
    %add3A_1639 = arith.addf %mul3A_1637, %mul3A_1638 : f32
    %mul3A_1640 = arith.mulf %add3A_1545, %add3A_1545 : f32
    %add3A_1641 = arith.addf %add3A_1639, %mul3A_1640 : f32
    %mul3A_1642 = arith.mulf %add3A_1606, %add3A_1606 : f32
    %mul3A_1643 = arith.mulf %add3A_1618, %add3A_1618 : f32
    %add3A_1644 = arith.addf %mul3A_1642, %mul3A_1643 : f32
    %mul3A_1645 = arith.mulf %add3A_1630, %add3A_1630 : f32
    %add3A_1646 = arith.addf %add3A_1644, %mul3A_1645 : f32
    %mul3A_1647 = arith.mulf %add3A_1521, %add3A_1606 : f32
    %mul3A_1648 = arith.mulf %add3A_1533, %add3A_1618 : f32
    %add3A_1649 = arith.addf %mul3A_1647, %mul3A_1648 : f32
    %mul3A_1650 = arith.mulf %add3A_1545, %add3A_1630 : f32
    %add3A_1651 = arith.addf %add3A_1649, %mul3A_1650 : f32
    %mul3A_1652 = arith.constant 2.000000e+00 : f32
    %mul3A_1653 = arith.mulf %mul3A_1652, %add3A_1651 : f32
    %eq3A_1654 = arith.constant 0.000000e+00 : f32
    %eq3A_1655 = arith.cmpf oeq, %mul3A_1653, %eq3A_1654 : f32
    %jit3A_1656 = arith.constant 1.000000e+00 : f32
    %select_n3A_1657 = arith.select %eq3A_1655, %jit3A_1656, %mul3A_1653 : f32
    %sub3A_1658 = arith.subf %add3A_1646, %add3A_1641 : f32
    %div3A_1659 = arith.divf %sub3A_1658, %select_n3A_1657 : f32
    %sign3A_1660 = arith.bitcast %div3A_1659 : f32 to i32
    %sign3A_1661 = arith.constant -2147483648 : i32
    %sign3A_1662 = arith.andi %sign3A_1660, %sign3A_1661 : i32
    %sign3A_1663 = arith.constant 1065353216 : i32
    %sign3A_1664 = arith.ori %sign3A_1663, %sign3A_1662 : i32
    %sign3A_1665 = arith.bitcast %sign3A_1664 : i32 to f32
    %sign3A_1666 = math.absf %div3A_1659 : f32
    %sign3A_1667 = arith.constant 0.000000e+00 : f32
    %sign3A_1668 = arith.cmpf ogt, %sign3A_1666, %sign3A_1667 : f32
    %sign3A_1669 = arith.select %sign3A_1668, %sign3A_1665, %div3A_1659 : f32
    %abs3A_1670 = math.absf %div3A_1659 : f32
    %mul3A_1671 = arith.mulf %div3A_1659, %div3A_1659 : f32
    %add3A_1672 = arith.constant 1.000000e+00 : f32
    %add3A_1673 = arith.addf %add3A_1672, %mul3A_1671 : f32
    %sqrt3A_1674 = math.sqrt %add3A_1673 : f32
    %add3A_1675 = arith.addf %abs3A_1670, %sqrt3A_1674 : f32
    %div3A_1676 = arith.divf %sign3A_1669, %add3A_1675 : f32
    %eq3A_1677 = arith.constant 0.000000e+00 : f32
    %eq3A_1678 = arith.cmpf oeq, %mul3A_1653, %eq3A_1677 : f32
    %jit3A_1679 = arith.constant 0.000000e+00 : f32
    %select_n3A_1680 = arith.select %eq3A_1678, %jit3A_1679, %div3A_1676 : f32
    %mul3A_1681 = arith.mulf %select_n3A_1680, %select_n3A_1680 : f32
    %add3A_1682 = arith.constant 1.000000e+00 : f32
    %add3A_1683 = arith.addf %add3A_1682, %mul3A_1681 : f32
    %rsqrt3A_1684 = math.rsqrt %add3A_1683 : f32
    %mul3A_1685 = arith.mulf %select_n3A_1680, %rsqrt3A_1684 : f32
    %mul3A_1686 = arith.mulf %rsqrt3A_1684, %add3A_1521 : f32
    %mul3A_1687 = arith.mulf %mul3A_1685, %add3A_1606 : f32
    %sub3A_1688 = arith.subf %mul3A_1686, %mul3A_1687 : f32
    %mul3A_1689 = arith.mulf %mul3A_1685, %add3A_1521 : f32
    %mul3A_1690 = arith.mulf %rsqrt3A_1684, %add3A_1606 : f32
    %add3A_1691 = arith.addf %mul3A_1689, %mul3A_1690 : f32
    %mul3A_1692 = arith.mulf %rsqrt3A_1684, %add3A_1527 : f32
    %mul3A_1693 = arith.mulf %mul3A_1685, %add3A_1612 : f32
    %sub3A_1694 = arith.subf %mul3A_1692, %mul3A_1693 : f32
    %mul3A_1695 = arith.mulf %mul3A_1685, %add3A_1527 : f32
    %mul3A_1696 = arith.mulf %rsqrt3A_1684, %add3A_1612 : f32
    %add3A_1697 = arith.addf %mul3A_1695, %mul3A_1696 : f32
    %mul3A_1698 = arith.mulf %rsqrt3A_1684, %add3A_1533 : f32
    %mul3A_1699 = arith.mulf %mul3A_1685, %add3A_1618 : f32
    %sub3A_1700 = arith.subf %mul3A_1698, %mul3A_1699 : f32
    %mul3A_1701 = arith.mulf %mul3A_1685, %add3A_1533 : f32
    %mul3A_1702 = arith.mulf %rsqrt3A_1684, %add3A_1618 : f32
    %add3A_1703 = arith.addf %mul3A_1701, %mul3A_1702 : f32
    %mul3A_1704 = arith.mulf %rsqrt3A_1684, %add3A_1539 : f32
    %mul3A_1705 = arith.mulf %mul3A_1685, %add3A_1624 : f32
    %sub3A_1706 = arith.subf %mul3A_1704, %mul3A_1705 : f32
    %mul3A_1707 = arith.mulf %mul3A_1685, %add3A_1539 : f32
    %mul3A_1708 = arith.mulf %rsqrt3A_1684, %add3A_1624 : f32
    %add3A_1709 = arith.addf %mul3A_1707, %mul3A_1708 : f32
    %mul3A_1710 = arith.mulf %rsqrt3A_1684, %add3A_1545 : f32
    %mul3A_1711 = arith.mulf %mul3A_1685, %add3A_1630 : f32
    %sub3A_1712 = arith.subf %mul3A_1710, %mul3A_1711 : f32
    %mul3A_1713 = arith.mulf %mul3A_1685, %add3A_1545 : f32
    %mul3A_1714 = arith.mulf %rsqrt3A_1684, %add3A_1630 : f32
    %add3A_1715 = arith.addf %mul3A_1713, %mul3A_1714 : f32
    %mul3A_1716 = arith.mulf %rsqrt3A_1684, %add3A_1551 : f32
    %mul3A_1717 = arith.mulf %mul3A_1685, %add3A_1636 : f32
    %sub3A_1718 = arith.subf %mul3A_1716, %mul3A_1717 : f32
    %mul3A_1719 = arith.mulf %mul3A_1685, %add3A_1551 : f32
    %mul3A_1720 = arith.mulf %rsqrt3A_1684, %add3A_1636 : f32
    %add3A_1721 = arith.addf %mul3A_1719, %mul3A_1720 : f32
    %mul3A_1722 = arith.mulf %sub3A_1603, %sub3A_1603 : f32
    %mul3A_1723 = arith.mulf %sub3A_1615, %sub3A_1615 : f32
    %add3A_1724 = arith.addf %mul3A_1722, %mul3A_1723 : f32
    %mul3A_1725 = arith.mulf %sub3A_1627, %sub3A_1627 : f32
    %add3A_1726 = arith.addf %add3A_1724, %mul3A_1725 : f32
    %mul3A_1727 = arith.mulf %sub3A_1688, %sub3A_1688 : f32
    %mul3A_1728 = arith.mulf %sub3A_1700, %sub3A_1700 : f32
    %add3A_1729 = arith.addf %mul3A_1727, %mul3A_1728 : f32
    %mul3A_1730 = arith.mulf %sub3A_1712, %sub3A_1712 : f32
    %add3A_1731 = arith.addf %add3A_1729, %mul3A_1730 : f32
    %mul3A_1732 = arith.mulf %sub3A_1603, %sub3A_1688 : f32
    %mul3A_1733 = arith.mulf %sub3A_1615, %sub3A_1700 : f32
    %add3A_1734 = arith.addf %mul3A_1732, %mul3A_1733 : f32
    %mul3A_1735 = arith.mulf %sub3A_1627, %sub3A_1712 : f32
    %add3A_1736 = arith.addf %add3A_1734, %mul3A_1735 : f32
    %mul3A_1737 = arith.constant 2.000000e+00 : f32
    %mul3A_1738 = arith.mulf %mul3A_1737, %add3A_1736 : f32
    %eq3A_1739 = arith.constant 0.000000e+00 : f32
    %eq3A_1740 = arith.cmpf oeq, %mul3A_1738, %eq3A_1739 : f32
    %jit3A_1741 = arith.constant 1.000000e+00 : f32
    %select_n3A_1742 = arith.select %eq3A_1740, %jit3A_1741, %mul3A_1738 : f32
    %sub3A_1743 = arith.subf %add3A_1731, %add3A_1726 : f32
    %div3A_1744 = arith.divf %sub3A_1743, %select_n3A_1742 : f32
    %sign3A_1745 = arith.bitcast %div3A_1744 : f32 to i32
    %sign3A_1746 = arith.constant -2147483648 : i32
    %sign3A_1747 = arith.andi %sign3A_1745, %sign3A_1746 : i32
    %sign3A_1748 = arith.constant 1065353216 : i32
    %sign3A_1749 = arith.ori %sign3A_1748, %sign3A_1747 : i32
    %sign3A_1750 = arith.bitcast %sign3A_1749 : i32 to f32
    %sign3A_1751 = math.absf %div3A_1744 : f32
    %sign3A_1752 = arith.constant 0.000000e+00 : f32
    %sign3A_1753 = arith.cmpf ogt, %sign3A_1751, %sign3A_1752 : f32
    %sign3A_1754 = arith.select %sign3A_1753, %sign3A_1750, %div3A_1744 : f32
    %abs3A_1755 = math.absf %div3A_1744 : f32
    %mul3A_1756 = arith.mulf %div3A_1744, %div3A_1744 : f32
    %add3A_1757 = arith.constant 1.000000e+00 : f32
    %add3A_1758 = arith.addf %add3A_1757, %mul3A_1756 : f32
    %sqrt3A_1759 = math.sqrt %add3A_1758 : f32
    %add3A_1760 = arith.addf %abs3A_1755, %sqrt3A_1759 : f32
    %div3A_1761 = arith.divf %sign3A_1754, %add3A_1760 : f32
    %eq3A_1762 = arith.constant 0.000000e+00 : f32
    %eq3A_1763 = arith.cmpf oeq, %mul3A_1738, %eq3A_1762 : f32
    %jit3A_1764 = arith.constant 0.000000e+00 : f32
    %select_n3A_1765 = arith.select %eq3A_1763, %jit3A_1764, %div3A_1761 : f32
    %mul3A_1766 = arith.mulf %select_n3A_1765, %select_n3A_1765 : f32
    %add3A_1767 = arith.constant 1.000000e+00 : f32
    %add3A_1768 = arith.addf %add3A_1767, %mul3A_1766 : f32
    %rsqrt3A_1769 = math.rsqrt %add3A_1768 : f32
    %mul3A_1770 = arith.mulf %select_n3A_1765, %rsqrt3A_1769 : f32
    %mul3A_1771 = arith.mulf %rsqrt3A_1769, %sub3A_1603 : f32
    %mul3A_1772 = arith.mulf %mul3A_1770, %sub3A_1688 : f32
    %sub3A_1773 = arith.subf %mul3A_1771, %mul3A_1772 : f32
    %mul3A_1774 = arith.mulf %mul3A_1770, %sub3A_1603 : f32
    %mul3A_1775 = arith.mulf %rsqrt3A_1769, %sub3A_1688 : f32
    %add3A_1776 = arith.addf %mul3A_1774, %mul3A_1775 : f32
    %mul3A_1777 = arith.mulf %rsqrt3A_1769, %sub3A_1609 : f32
    %mul3A_1778 = arith.mulf %mul3A_1770, %sub3A_1694 : f32
    %sub3A_1779 = arith.subf %mul3A_1777, %mul3A_1778 : f32
    %mul3A_1780 = arith.mulf %mul3A_1770, %sub3A_1609 : f32
    %mul3A_1781 = arith.mulf %rsqrt3A_1769, %sub3A_1694 : f32
    %add3A_1782 = arith.addf %mul3A_1780, %mul3A_1781 : f32
    %mul3A_1783 = arith.mulf %rsqrt3A_1769, %sub3A_1615 : f32
    %mul3A_1784 = arith.mulf %mul3A_1770, %sub3A_1700 : f32
    %sub3A_1785 = arith.subf %mul3A_1783, %mul3A_1784 : f32
    %mul3A_1786 = arith.mulf %mul3A_1770, %sub3A_1615 : f32
    %mul3A_1787 = arith.mulf %rsqrt3A_1769, %sub3A_1700 : f32
    %add3A_1788 = arith.addf %mul3A_1786, %mul3A_1787 : f32
    %mul3A_1789 = arith.mulf %rsqrt3A_1769, %sub3A_1621 : f32
    %mul3A_1790 = arith.mulf %mul3A_1770, %sub3A_1706 : f32
    %sub3A_1791 = arith.subf %mul3A_1789, %mul3A_1790 : f32
    %mul3A_1792 = arith.mulf %mul3A_1770, %sub3A_1621 : f32
    %mul3A_1793 = arith.mulf %rsqrt3A_1769, %sub3A_1706 : f32
    %add3A_1794 = arith.addf %mul3A_1792, %mul3A_1793 : f32
    %mul3A_1795 = arith.mulf %rsqrt3A_1769, %sub3A_1627 : f32
    %mul3A_1796 = arith.mulf %mul3A_1770, %sub3A_1712 : f32
    %sub3A_1797 = arith.subf %mul3A_1795, %mul3A_1796 : f32
    %mul3A_1798 = arith.mulf %mul3A_1770, %sub3A_1627 : f32
    %mul3A_1799 = arith.mulf %rsqrt3A_1769, %sub3A_1712 : f32
    %add3A_1800 = arith.addf %mul3A_1798, %mul3A_1799 : f32
    %mul3A_1801 = arith.mulf %rsqrt3A_1769, %sub3A_1633 : f32
    %mul3A_1802 = arith.mulf %mul3A_1770, %sub3A_1718 : f32
    %sub3A_1803 = arith.subf %mul3A_1801, %mul3A_1802 : f32
    %mul3A_1804 = arith.mulf %mul3A_1770, %sub3A_1633 : f32
    %mul3A_1805 = arith.mulf %rsqrt3A_1769, %sub3A_1718 : f32
    %add3A_1806 = arith.addf %mul3A_1804, %mul3A_1805 : f32
    %mul3A_1807 = arith.mulf %sub3A_1773, %sub3A_1773 : f32
    %mul3A_1808 = arith.mulf %sub3A_1785, %sub3A_1785 : f32
    %add3A_1809 = arith.addf %mul3A_1807, %mul3A_1808 : f32
    %mul3A_1810 = arith.mulf %sub3A_1797, %sub3A_1797 : f32
    %add3A_1811 = arith.addf %add3A_1809, %mul3A_1810 : f32
    %mul3A_1812 = arith.mulf %add3A_1691, %add3A_1691 : f32
    %mul3A_1813 = arith.mulf %add3A_1703, %add3A_1703 : f32
    %add3A_1814 = arith.addf %mul3A_1812, %mul3A_1813 : f32
    %mul3A_1815 = arith.mulf %add3A_1715, %add3A_1715 : f32
    %add3A_1816 = arith.addf %add3A_1814, %mul3A_1815 : f32
    %mul3A_1817 = arith.mulf %sub3A_1773, %add3A_1691 : f32
    %mul3A_1818 = arith.mulf %sub3A_1785, %add3A_1703 : f32
    %add3A_1819 = arith.addf %mul3A_1817, %mul3A_1818 : f32
    %mul3A_1820 = arith.mulf %sub3A_1797, %add3A_1715 : f32
    %add3A_1821 = arith.addf %add3A_1819, %mul3A_1820 : f32
    %mul3A_1822 = arith.constant 2.000000e+00 : f32
    %mul3A_1823 = arith.mulf %mul3A_1822, %add3A_1821 : f32
    %eq3A_1824 = arith.constant 0.000000e+00 : f32
    %eq3A_1825 = arith.cmpf oeq, %mul3A_1823, %eq3A_1824 : f32
    %jit3A_1826 = arith.constant 1.000000e+00 : f32
    %select_n3A_1827 = arith.select %eq3A_1825, %jit3A_1826, %mul3A_1823 : f32
    %sub3A_1828 = arith.subf %add3A_1816, %add3A_1811 : f32
    %div3A_1829 = arith.divf %sub3A_1828, %select_n3A_1827 : f32
    %sign3A_1830 = arith.bitcast %div3A_1829 : f32 to i32
    %sign3A_1831 = arith.constant -2147483648 : i32
    %sign3A_1832 = arith.andi %sign3A_1830, %sign3A_1831 : i32
    %sign3A_1833 = arith.constant 1065353216 : i32
    %sign3A_1834 = arith.ori %sign3A_1833, %sign3A_1832 : i32
    %sign3A_1835 = arith.bitcast %sign3A_1834 : i32 to f32
    %sign3A_1836 = math.absf %div3A_1829 : f32
    %sign3A_1837 = arith.constant 0.000000e+00 : f32
    %sign3A_1838 = arith.cmpf ogt, %sign3A_1836, %sign3A_1837 : f32
    %sign3A_1839 = arith.select %sign3A_1838, %sign3A_1835, %div3A_1829 : f32
    %abs3A_1840 = math.absf %div3A_1829 : f32
    %mul3A_1841 = arith.mulf %div3A_1829, %div3A_1829 : f32
    %add3A_1842 = arith.constant 1.000000e+00 : f32
    %add3A_1843 = arith.addf %add3A_1842, %mul3A_1841 : f32
    %sqrt3A_1844 = math.sqrt %add3A_1843 : f32
    %add3A_1845 = arith.addf %abs3A_1840, %sqrt3A_1844 : f32
    %div3A_1846 = arith.divf %sign3A_1839, %add3A_1845 : f32
    %eq3A_1847 = arith.constant 0.000000e+00 : f32
    %eq3A_1848 = arith.cmpf oeq, %mul3A_1823, %eq3A_1847 : f32
    %jit3A_1849 = arith.constant 0.000000e+00 : f32
    %select_n3A_1850 = arith.select %eq3A_1848, %jit3A_1849, %div3A_1846 : f32
    %mul3A_1851 = arith.mulf %select_n3A_1850, %select_n3A_1850 : f32
    %add3A_1852 = arith.constant 1.000000e+00 : f32
    %add3A_1853 = arith.addf %add3A_1852, %mul3A_1851 : f32
    %rsqrt3A_1854 = math.rsqrt %add3A_1853 : f32
    %mul3A_1855 = arith.mulf %select_n3A_1850, %rsqrt3A_1854 : f32
    %mul3A_1856 = arith.mulf %rsqrt3A_1854, %sub3A_1773 : f32
    %mul3A_1857 = arith.mulf %mul3A_1855, %add3A_1691 : f32
    %sub3A_1858 = arith.subf %mul3A_1856, %mul3A_1857 : f32
    %mul3A_1859 = arith.mulf %mul3A_1855, %sub3A_1773 : f32
    %mul3A_1860 = arith.mulf %rsqrt3A_1854, %add3A_1691 : f32
    %add3A_1861 = arith.addf %mul3A_1859, %mul3A_1860 : f32
    %mul3A_1862 = arith.mulf %rsqrt3A_1854, %sub3A_1779 : f32
    %mul3A_1863 = arith.mulf %mul3A_1855, %add3A_1697 : f32
    %sub3A_1864 = arith.subf %mul3A_1862, %mul3A_1863 : f32
    %mul3A_1865 = arith.mulf %mul3A_1855, %sub3A_1779 : f32
    %mul3A_1866 = arith.mulf %rsqrt3A_1854, %add3A_1697 : f32
    %add3A_1867 = arith.addf %mul3A_1865, %mul3A_1866 : f32
    %mul3A_1868 = arith.mulf %rsqrt3A_1854, %sub3A_1785 : f32
    %mul3A_1869 = arith.mulf %mul3A_1855, %add3A_1703 : f32
    %sub3A_1870 = arith.subf %mul3A_1868, %mul3A_1869 : f32
    %mul3A_1871 = arith.mulf %mul3A_1855, %sub3A_1785 : f32
    %mul3A_1872 = arith.mulf %rsqrt3A_1854, %add3A_1703 : f32
    %add3A_1873 = arith.addf %mul3A_1871, %mul3A_1872 : f32
    %mul3A_1874 = arith.mulf %rsqrt3A_1854, %sub3A_1791 : f32
    %mul3A_1875 = arith.mulf %mul3A_1855, %add3A_1709 : f32
    %sub3A_1876 = arith.subf %mul3A_1874, %mul3A_1875 : f32
    %mul3A_1877 = arith.mulf %mul3A_1855, %sub3A_1791 : f32
    %mul3A_1878 = arith.mulf %rsqrt3A_1854, %add3A_1709 : f32
    %add3A_1879 = arith.addf %mul3A_1877, %mul3A_1878 : f32
    %mul3A_1880 = arith.mulf %rsqrt3A_1854, %sub3A_1797 : f32
    %mul3A_1881 = arith.mulf %mul3A_1855, %add3A_1715 : f32
    %sub3A_1882 = arith.subf %mul3A_1880, %mul3A_1881 : f32
    %mul3A_1883 = arith.mulf %mul3A_1855, %sub3A_1797 : f32
    %mul3A_1884 = arith.mulf %rsqrt3A_1854, %add3A_1715 : f32
    %add3A_1885 = arith.addf %mul3A_1883, %mul3A_1884 : f32
    %mul3A_1886 = arith.mulf %rsqrt3A_1854, %sub3A_1803 : f32
    %mul3A_1887 = arith.mulf %mul3A_1855, %add3A_1721 : f32
    %sub3A_1888 = arith.subf %mul3A_1886, %mul3A_1887 : f32
    %mul3A_1889 = arith.mulf %mul3A_1855, %sub3A_1803 : f32
    %mul3A_1890 = arith.mulf %rsqrt3A_1854, %add3A_1721 : f32
    %add3A_1891 = arith.addf %mul3A_1889, %mul3A_1890 : f32
    %mul3A_1892 = arith.mulf %add3A_1776, %add3A_1776 : f32
    %mul3A_1893 = arith.mulf %add3A_1788, %add3A_1788 : f32
    %add3A_1894 = arith.addf %mul3A_1892, %mul3A_1893 : f32
    %mul3A_1895 = arith.mulf %add3A_1800, %add3A_1800 : f32
    %add3A_1896 = arith.addf %add3A_1894, %mul3A_1895 : f32
    %mul3A_1897 = arith.mulf %add3A_1861, %add3A_1861 : f32
    %mul3A_1898 = arith.mulf %add3A_1873, %add3A_1873 : f32
    %add3A_1899 = arith.addf %mul3A_1897, %mul3A_1898 : f32
    %mul3A_1900 = arith.mulf %add3A_1885, %add3A_1885 : f32
    %add3A_1901 = arith.addf %add3A_1899, %mul3A_1900 : f32
    %mul3A_1902 = arith.mulf %add3A_1776, %add3A_1861 : f32
    %mul3A_1903 = arith.mulf %add3A_1788, %add3A_1873 : f32
    %add3A_1904 = arith.addf %mul3A_1902, %mul3A_1903 : f32
    %mul3A_1905 = arith.mulf %add3A_1800, %add3A_1885 : f32
    %add3A_1906 = arith.addf %add3A_1904, %mul3A_1905 : f32
    %mul3A_1907 = arith.constant 2.000000e+00 : f32
    %mul3A_1908 = arith.mulf %mul3A_1907, %add3A_1906 : f32
    %eq3A_1909 = arith.constant 0.000000e+00 : f32
    %eq3A_1910 = arith.cmpf oeq, %mul3A_1908, %eq3A_1909 : f32
    %jit3A_1911 = arith.constant 1.000000e+00 : f32
    %select_n3A_1912 = arith.select %eq3A_1910, %jit3A_1911, %mul3A_1908 : f32
    %sub3A_1913 = arith.subf %add3A_1901, %add3A_1896 : f32
    %div3A_1914 = arith.divf %sub3A_1913, %select_n3A_1912 : f32
    %sign3A_1915 = arith.bitcast %div3A_1914 : f32 to i32
    %sign3A_1916 = arith.constant -2147483648 : i32
    %sign3A_1917 = arith.andi %sign3A_1915, %sign3A_1916 : i32
    %sign3A_1918 = arith.constant 1065353216 : i32
    %sign3A_1919 = arith.ori %sign3A_1918, %sign3A_1917 : i32
    %sign3A_1920 = arith.bitcast %sign3A_1919 : i32 to f32
    %sign3A_1921 = math.absf %div3A_1914 : f32
    %sign3A_1922 = arith.constant 0.000000e+00 : f32
    %sign3A_1923 = arith.cmpf ogt, %sign3A_1921, %sign3A_1922 : f32
    %sign3A_1924 = arith.select %sign3A_1923, %sign3A_1920, %div3A_1914 : f32
    %abs3A_1925 = math.absf %div3A_1914 : f32
    %mul3A_1926 = arith.mulf %div3A_1914, %div3A_1914 : f32
    %add3A_1927 = arith.constant 1.000000e+00 : f32
    %add3A_1928 = arith.addf %add3A_1927, %mul3A_1926 : f32
    %sqrt3A_1929 = math.sqrt %add3A_1928 : f32
    %add3A_1930 = arith.addf %abs3A_1925, %sqrt3A_1929 : f32
    %div3A_1931 = arith.divf %sign3A_1924, %add3A_1930 : f32
    %eq3A_1932 = arith.constant 0.000000e+00 : f32
    %eq3A_1933 = arith.cmpf oeq, %mul3A_1908, %eq3A_1932 : f32
    %jit3A_1934 = arith.constant 0.000000e+00 : f32
    %select_n3A_1935 = arith.select %eq3A_1933, %jit3A_1934, %div3A_1931 : f32
    %mul3A_1936 = arith.mulf %select_n3A_1935, %select_n3A_1935 : f32
    %add3A_1937 = arith.constant 1.000000e+00 : f32
    %add3A_1938 = arith.addf %add3A_1937, %mul3A_1936 : f32
    %rsqrt3A_1939 = math.rsqrt %add3A_1938 : f32
    %mul3A_1940 = arith.mulf %select_n3A_1935, %rsqrt3A_1939 : f32
    %mul3A_1941 = arith.mulf %rsqrt3A_1939, %add3A_1776 : f32
    %mul3A_1942 = arith.mulf %mul3A_1940, %add3A_1861 : f32
    %sub3A_1943 = arith.subf %mul3A_1941, %mul3A_1942 : f32
    %mul3A_1944 = arith.mulf %mul3A_1940, %add3A_1776 : f32
    %mul3A_1945 = arith.mulf %rsqrt3A_1939, %add3A_1861 : f32
    %add3A_1946 = arith.addf %mul3A_1944, %mul3A_1945 : f32
    %mul3A_1947 = arith.mulf %rsqrt3A_1939, %add3A_1782 : f32
    %mul3A_1948 = arith.mulf %mul3A_1940, %add3A_1867 : f32
    %sub3A_1949 = arith.subf %mul3A_1947, %mul3A_1948 : f32
    %mul3A_1950 = arith.mulf %mul3A_1940, %add3A_1782 : f32
    %mul3A_1951 = arith.mulf %rsqrt3A_1939, %add3A_1867 : f32
    %add3A_1952 = arith.addf %mul3A_1950, %mul3A_1951 : f32
    %mul3A_1953 = arith.mulf %rsqrt3A_1939, %add3A_1788 : f32
    %mul3A_1954 = arith.mulf %mul3A_1940, %add3A_1873 : f32
    %sub3A_1955 = arith.subf %mul3A_1953, %mul3A_1954 : f32
    %mul3A_1956 = arith.mulf %mul3A_1940, %add3A_1788 : f32
    %mul3A_1957 = arith.mulf %rsqrt3A_1939, %add3A_1873 : f32
    %add3A_1958 = arith.addf %mul3A_1956, %mul3A_1957 : f32
    %mul3A_1959 = arith.mulf %rsqrt3A_1939, %add3A_1794 : f32
    %mul3A_1960 = arith.mulf %mul3A_1940, %add3A_1879 : f32
    %sub3A_1961 = arith.subf %mul3A_1959, %mul3A_1960 : f32
    %mul3A_1962 = arith.mulf %mul3A_1940, %add3A_1794 : f32
    %mul3A_1963 = arith.mulf %rsqrt3A_1939, %add3A_1879 : f32
    %add3A_1964 = arith.addf %mul3A_1962, %mul3A_1963 : f32
    %mul3A_1965 = arith.mulf %rsqrt3A_1939, %add3A_1800 : f32
    %mul3A_1966 = arith.mulf %mul3A_1940, %add3A_1885 : f32
    %sub3A_1967 = arith.subf %mul3A_1965, %mul3A_1966 : f32
    %mul3A_1968 = arith.mulf %mul3A_1940, %add3A_1800 : f32
    %mul3A_1969 = arith.mulf %rsqrt3A_1939, %add3A_1885 : f32
    %add3A_1970 = arith.addf %mul3A_1968, %mul3A_1969 : f32
    %mul3A_1971 = arith.mulf %rsqrt3A_1939, %add3A_1806 : f32
    %mul3A_1972 = arith.mulf %mul3A_1940, %add3A_1891 : f32
    %sub3A_1973 = arith.subf %mul3A_1971, %mul3A_1972 : f32
    %mul3A_1974 = arith.mulf %mul3A_1940, %add3A_1806 : f32
    %mul3A_1975 = arith.mulf %rsqrt3A_1939, %add3A_1891 : f32
    %add3A_1976 = arith.addf %mul3A_1974, %mul3A_1975 : f32
    %mul3A_1977 = arith.mulf %sub3A_1858, %sub3A_1858 : f32
    %mul3A_1978 = arith.mulf %sub3A_1870, %sub3A_1870 : f32
    %add3A_1979 = arith.addf %mul3A_1977, %mul3A_1978 : f32
    %mul3A_1980 = arith.mulf %sub3A_1882, %sub3A_1882 : f32
    %add3A_1981 = arith.addf %add3A_1979, %mul3A_1980 : f32
    %mul3A_1982 = arith.mulf %sub3A_1943, %sub3A_1943 : f32
    %mul3A_1983 = arith.mulf %sub3A_1955, %sub3A_1955 : f32
    %add3A_1984 = arith.addf %mul3A_1982, %mul3A_1983 : f32
    %mul3A_1985 = arith.mulf %sub3A_1967, %sub3A_1967 : f32
    %add3A_1986 = arith.addf %add3A_1984, %mul3A_1985 : f32
    %mul3A_1987 = arith.mulf %sub3A_1858, %sub3A_1943 : f32
    %mul3A_1988 = arith.mulf %sub3A_1870, %sub3A_1955 : f32
    %add3A_1989 = arith.addf %mul3A_1987, %mul3A_1988 : f32
    %mul3A_1990 = arith.mulf %sub3A_1882, %sub3A_1967 : f32
    %add3A_1991 = arith.addf %add3A_1989, %mul3A_1990 : f32
    %mul3A_1992 = arith.constant 2.000000e+00 : f32
    %mul3A_1993 = arith.mulf %mul3A_1992, %add3A_1991 : f32
    %eq3A_1994 = arith.constant 0.000000e+00 : f32
    %eq3A_1995 = arith.cmpf oeq, %mul3A_1993, %eq3A_1994 : f32
    %jit3A_1996 = arith.constant 1.000000e+00 : f32
    %select_n3A_1997 = arith.select %eq3A_1995, %jit3A_1996, %mul3A_1993 : f32
    %sub3A_1998 = arith.subf %add3A_1986, %add3A_1981 : f32
    %div3A_1999 = arith.divf %sub3A_1998, %select_n3A_1997 : f32
    %sign3A_2000 = arith.bitcast %div3A_1999 : f32 to i32
    %sign3A_2001 = arith.constant -2147483648 : i32
    %sign3A_2002 = arith.andi %sign3A_2000, %sign3A_2001 : i32
    %sign3A_2003 = arith.constant 1065353216 : i32
    %sign3A_2004 = arith.ori %sign3A_2003, %sign3A_2002 : i32
    %sign3A_2005 = arith.bitcast %sign3A_2004 : i32 to f32
    %sign3A_2006 = math.absf %div3A_1999 : f32
    %sign3A_2007 = arith.constant 0.000000e+00 : f32
    %sign3A_2008 = arith.cmpf ogt, %sign3A_2006, %sign3A_2007 : f32
    %sign3A_2009 = arith.select %sign3A_2008, %sign3A_2005, %div3A_1999 : f32
    %abs3A_2010 = math.absf %div3A_1999 : f32
    %mul3A_2011 = arith.mulf %div3A_1999, %div3A_1999 : f32
    %add3A_2012 = arith.constant 1.000000e+00 : f32
    %add3A_2013 = arith.addf %add3A_2012, %mul3A_2011 : f32
    %sqrt3A_2014 = math.sqrt %add3A_2013 : f32
    %add3A_2015 = arith.addf %abs3A_2010, %sqrt3A_2014 : f32
    %div3A_2016 = arith.divf %sign3A_2009, %add3A_2015 : f32
    %eq3A_2017 = arith.constant 0.000000e+00 : f32
    %eq3A_2018 = arith.cmpf oeq, %mul3A_1993, %eq3A_2017 : f32
    %jit3A_2019 = arith.constant 0.000000e+00 : f32
    %select_n3A_2020 = arith.select %eq3A_2018, %jit3A_2019, %div3A_2016 : f32
    %mul3A_2021 = arith.mulf %select_n3A_2020, %select_n3A_2020 : f32
    %add3A_2022 = arith.constant 1.000000e+00 : f32
    %add3A_2023 = arith.addf %add3A_2022, %mul3A_2021 : f32
    %rsqrt3A_2024 = math.rsqrt %add3A_2023 : f32
    %mul3A_2025 = arith.mulf %select_n3A_2020, %rsqrt3A_2024 : f32
    %mul3A_2026 = arith.mulf %rsqrt3A_2024, %sub3A_1858 : f32
    %mul3A_2027 = arith.mulf %mul3A_2025, %sub3A_1943 : f32
    %sub3A_2028 = arith.subf %mul3A_2026, %mul3A_2027 : f32
    %mul3A_2029 = arith.mulf %mul3A_2025, %sub3A_1858 : f32
    %mul3A_2030 = arith.mulf %rsqrt3A_2024, %sub3A_1943 : f32
    %add3A_2031 = arith.addf %mul3A_2029, %mul3A_2030 : f32
    %mul3A_2032 = arith.mulf %rsqrt3A_2024, %sub3A_1864 : f32
    %mul3A_2033 = arith.mulf %mul3A_2025, %sub3A_1949 : f32
    %sub3A_2034 = arith.subf %mul3A_2032, %mul3A_2033 : f32
    %mul3A_2035 = arith.mulf %mul3A_2025, %sub3A_1864 : f32
    %mul3A_2036 = arith.mulf %rsqrt3A_2024, %sub3A_1949 : f32
    %add3A_2037 = arith.addf %mul3A_2035, %mul3A_2036 : f32
    %mul3A_2038 = arith.mulf %rsqrt3A_2024, %sub3A_1870 : f32
    %mul3A_2039 = arith.mulf %mul3A_2025, %sub3A_1955 : f32
    %sub3A_2040 = arith.subf %mul3A_2038, %mul3A_2039 : f32
    %mul3A_2041 = arith.mulf %mul3A_2025, %sub3A_1870 : f32
    %mul3A_2042 = arith.mulf %rsqrt3A_2024, %sub3A_1955 : f32
    %add3A_2043 = arith.addf %mul3A_2041, %mul3A_2042 : f32
    %mul3A_2044 = arith.mulf %rsqrt3A_2024, %sub3A_1876 : f32
    %mul3A_2045 = arith.mulf %mul3A_2025, %sub3A_1961 : f32
    %sub3A_2046 = arith.subf %mul3A_2044, %mul3A_2045 : f32
    %mul3A_2047 = arith.mulf %mul3A_2025, %sub3A_1876 : f32
    %mul3A_2048 = arith.mulf %rsqrt3A_2024, %sub3A_1961 : f32
    %add3A_2049 = arith.addf %mul3A_2047, %mul3A_2048 : f32
    %mul3A_2050 = arith.mulf %rsqrt3A_2024, %sub3A_1882 : f32
    %mul3A_2051 = arith.mulf %mul3A_2025, %sub3A_1967 : f32
    %sub3A_2052 = arith.subf %mul3A_2050, %mul3A_2051 : f32
    %mul3A_2053 = arith.mulf %mul3A_2025, %sub3A_1882 : f32
    %mul3A_2054 = arith.mulf %rsqrt3A_2024, %sub3A_1967 : f32
    %add3A_2055 = arith.addf %mul3A_2053, %mul3A_2054 : f32
    %mul3A_2056 = arith.mulf %rsqrt3A_2024, %sub3A_1888 : f32
    %mul3A_2057 = arith.mulf %mul3A_2025, %sub3A_1973 : f32
    %sub3A_2058 = arith.subf %mul3A_2056, %mul3A_2057 : f32
    %mul3A_2059 = arith.mulf %mul3A_2025, %sub3A_1888 : f32
    %mul3A_2060 = arith.mulf %rsqrt3A_2024, %sub3A_1973 : f32
    %add3A_2061 = arith.addf %mul3A_2059, %mul3A_2060 : f32
    %mul3A_2062 = arith.mulf %sub3A_2028, %sub3A_2028 : f32
    %mul3A_2063 = arith.mulf %sub3A_2040, %sub3A_2040 : f32
    %add3A_2064 = arith.addf %mul3A_2062, %mul3A_2063 : f32
    %mul3A_2065 = arith.mulf %sub3A_2052, %sub3A_2052 : f32
    %add3A_2066 = arith.addf %add3A_2064, %mul3A_2065 : f32
    %mul3A_2067 = arith.mulf %add3A_1946, %add3A_1946 : f32
    %mul3A_2068 = arith.mulf %add3A_1958, %add3A_1958 : f32
    %add3A_2069 = arith.addf %mul3A_2067, %mul3A_2068 : f32
    %mul3A_2070 = arith.mulf %add3A_1970, %add3A_1970 : f32
    %add3A_2071 = arith.addf %add3A_2069, %mul3A_2070 : f32
    %mul3A_2072 = arith.mulf %sub3A_2028, %add3A_1946 : f32
    %mul3A_2073 = arith.mulf %sub3A_2040, %add3A_1958 : f32
    %add3A_2074 = arith.addf %mul3A_2072, %mul3A_2073 : f32
    %mul3A_2075 = arith.mulf %sub3A_2052, %add3A_1970 : f32
    %add3A_2076 = arith.addf %add3A_2074, %mul3A_2075 : f32
    %mul3A_2077 = arith.constant 2.000000e+00 : f32
    %mul3A_2078 = arith.mulf %mul3A_2077, %add3A_2076 : f32
    %eq3A_2079 = arith.constant 0.000000e+00 : f32
    %eq3A_2080 = arith.cmpf oeq, %mul3A_2078, %eq3A_2079 : f32
    %jit3A_2081 = arith.constant 1.000000e+00 : f32
    %select_n3A_2082 = arith.select %eq3A_2080, %jit3A_2081, %mul3A_2078 : f32
    %sub3A_2083 = arith.subf %add3A_2071, %add3A_2066 : f32
    %div3A_2084 = arith.divf %sub3A_2083, %select_n3A_2082 : f32
    %sign3A_2085 = arith.bitcast %div3A_2084 : f32 to i32
    %sign3A_2086 = arith.constant -2147483648 : i32
    %sign3A_2087 = arith.andi %sign3A_2085, %sign3A_2086 : i32
    %sign3A_2088 = arith.constant 1065353216 : i32
    %sign3A_2089 = arith.ori %sign3A_2088, %sign3A_2087 : i32
    %sign3A_2090 = arith.bitcast %sign3A_2089 : i32 to f32
    %sign3A_2091 = math.absf %div3A_2084 : f32
    %sign3A_2092 = arith.constant 0.000000e+00 : f32
    %sign3A_2093 = arith.cmpf ogt, %sign3A_2091, %sign3A_2092 : f32
    %sign3A_2094 = arith.select %sign3A_2093, %sign3A_2090, %div3A_2084 : f32
    %abs3A_2095 = math.absf %div3A_2084 : f32
    %mul3A_2096 = arith.mulf %div3A_2084, %div3A_2084 : f32
    %add3A_2097 = arith.constant 1.000000e+00 : f32
    %add3A_2098 = arith.addf %add3A_2097, %mul3A_2096 : f32
    %sqrt3A_2099 = math.sqrt %add3A_2098 : f32
    %add3A_2100 = arith.addf %abs3A_2095, %sqrt3A_2099 : f32
    %div3A_2101 = arith.divf %sign3A_2094, %add3A_2100 : f32
    %eq3A_2102 = arith.constant 0.000000e+00 : f32
    %eq3A_2103 = arith.cmpf oeq, %mul3A_2078, %eq3A_2102 : f32
    %jit3A_2104 = arith.constant 0.000000e+00 : f32
    %select_n3A_2105 = arith.select %eq3A_2103, %jit3A_2104, %div3A_2101 : f32
    %mul3A_2106 = arith.mulf %select_n3A_2105, %select_n3A_2105 : f32
    %add3A_2107 = arith.constant 1.000000e+00 : f32
    %add3A_2108 = arith.addf %add3A_2107, %mul3A_2106 : f32
    %rsqrt3A_2109 = math.rsqrt %add3A_2108 : f32
    %mul3A_2110 = arith.mulf %select_n3A_2105, %rsqrt3A_2109 : f32
    %mul3A_2111 = arith.mulf %rsqrt3A_2109, %sub3A_2028 : f32
    %mul3A_2112 = arith.mulf %mul3A_2110, %add3A_1946 : f32
    %sub3A_2113 = arith.subf %mul3A_2111, %mul3A_2112 : f32
    %mul3A_2114 = arith.mulf %mul3A_2110, %sub3A_2028 : f32
    %mul3A_2115 = arith.mulf %rsqrt3A_2109, %add3A_1946 : f32
    %add3A_2116 = arith.addf %mul3A_2114, %mul3A_2115 : f32
    %mul3A_2117 = arith.mulf %rsqrt3A_2109, %sub3A_2034 : f32
    %mul3A_2118 = arith.mulf %mul3A_2110, %add3A_1952 : f32
    %sub3A_2119 = arith.subf %mul3A_2117, %mul3A_2118 : f32
    %mul3A_2120 = arith.mulf %mul3A_2110, %sub3A_2034 : f32
    %mul3A_2121 = arith.mulf %rsqrt3A_2109, %add3A_1952 : f32
    %add3A_2122 = arith.addf %mul3A_2120, %mul3A_2121 : f32
    %mul3A_2123 = arith.mulf %rsqrt3A_2109, %sub3A_2040 : f32
    %mul3A_2124 = arith.mulf %mul3A_2110, %add3A_1958 : f32
    %sub3A_2125 = arith.subf %mul3A_2123, %mul3A_2124 : f32
    %mul3A_2126 = arith.mulf %mul3A_2110, %sub3A_2040 : f32
    %mul3A_2127 = arith.mulf %rsqrt3A_2109, %add3A_1958 : f32
    %add3A_2128 = arith.addf %mul3A_2126, %mul3A_2127 : f32
    %mul3A_2129 = arith.mulf %rsqrt3A_2109, %sub3A_2046 : f32
    %mul3A_2130 = arith.mulf %mul3A_2110, %add3A_1964 : f32
    %sub3A_2131 = arith.subf %mul3A_2129, %mul3A_2130 : f32
    %mul3A_2132 = arith.mulf %mul3A_2110, %sub3A_2046 : f32
    %mul3A_2133 = arith.mulf %rsqrt3A_2109, %add3A_1964 : f32
    %add3A_2134 = arith.addf %mul3A_2132, %mul3A_2133 : f32
    %mul3A_2135 = arith.mulf %rsqrt3A_2109, %sub3A_2052 : f32
    %mul3A_2136 = arith.mulf %mul3A_2110, %add3A_1970 : f32
    %sub3A_2137 = arith.subf %mul3A_2135, %mul3A_2136 : f32
    %mul3A_2138 = arith.mulf %mul3A_2110, %sub3A_2052 : f32
    %mul3A_2139 = arith.mulf %rsqrt3A_2109, %add3A_1970 : f32
    %add3A_2140 = arith.addf %mul3A_2138, %mul3A_2139 : f32
    %mul3A_2141 = arith.mulf %rsqrt3A_2109, %sub3A_2058 : f32
    %mul3A_2142 = arith.mulf %mul3A_2110, %add3A_1976 : f32
    %sub3A_2143 = arith.subf %mul3A_2141, %mul3A_2142 : f32
    %mul3A_2144 = arith.mulf %mul3A_2110, %sub3A_2058 : f32
    %mul3A_2145 = arith.mulf %rsqrt3A_2109, %add3A_1976 : f32
    %add3A_2146 = arith.addf %mul3A_2144, %mul3A_2145 : f32
    %mul3A_2147 = arith.mulf %add3A_2031, %add3A_2031 : f32
    %mul3A_2148 = arith.mulf %add3A_2043, %add3A_2043 : f32
    %add3A_2149 = arith.addf %mul3A_2147, %mul3A_2148 : f32
    %mul3A_2150 = arith.mulf %add3A_2055, %add3A_2055 : f32
    %add3A_2151 = arith.addf %add3A_2149, %mul3A_2150 : f32
    %mul3A_2152 = arith.mulf %add3A_2116, %add3A_2116 : f32
    %mul3A_2153 = arith.mulf %add3A_2128, %add3A_2128 : f32
    %add3A_2154 = arith.addf %mul3A_2152, %mul3A_2153 : f32
    %mul3A_2155 = arith.mulf %add3A_2140, %add3A_2140 : f32
    %add3A_2156 = arith.addf %add3A_2154, %mul3A_2155 : f32
    %mul3A_2157 = arith.mulf %add3A_2031, %add3A_2116 : f32
    %mul3A_2158 = arith.mulf %add3A_2043, %add3A_2128 : f32
    %add3A_2159 = arith.addf %mul3A_2157, %mul3A_2158 : f32
    %mul3A_2160 = arith.mulf %add3A_2055, %add3A_2140 : f32
    %add3A_2161 = arith.addf %add3A_2159, %mul3A_2160 : f32
    %mul3A_2162 = arith.constant 2.000000e+00 : f32
    %mul3A_2163 = arith.mulf %mul3A_2162, %add3A_2161 : f32
    %eq3A_2164 = arith.constant 0.000000e+00 : f32
    %eq3A_2165 = arith.cmpf oeq, %mul3A_2163, %eq3A_2164 : f32
    %jit3A_2166 = arith.constant 1.000000e+00 : f32
    %select_n3A_2167 = arith.select %eq3A_2165, %jit3A_2166, %mul3A_2163 : f32
    %sub3A_2168 = arith.subf %add3A_2156, %add3A_2151 : f32
    %div3A_2169 = arith.divf %sub3A_2168, %select_n3A_2167 : f32
    %sign3A_2170 = arith.bitcast %div3A_2169 : f32 to i32
    %sign3A_2171 = arith.constant -2147483648 : i32
    %sign3A_2172 = arith.andi %sign3A_2170, %sign3A_2171 : i32
    %sign3A_2173 = arith.constant 1065353216 : i32
    %sign3A_2174 = arith.ori %sign3A_2173, %sign3A_2172 : i32
    %sign3A_2175 = arith.bitcast %sign3A_2174 : i32 to f32
    %sign3A_2176 = math.absf %div3A_2169 : f32
    %sign3A_2177 = arith.constant 0.000000e+00 : f32
    %sign3A_2178 = arith.cmpf ogt, %sign3A_2176, %sign3A_2177 : f32
    %sign3A_2179 = arith.select %sign3A_2178, %sign3A_2175, %div3A_2169 : f32
    %abs3A_2180 = math.absf %div3A_2169 : f32
    %mul3A_2181 = arith.mulf %div3A_2169, %div3A_2169 : f32
    %add3A_2182 = arith.constant 1.000000e+00 : f32
    %add3A_2183 = arith.addf %add3A_2182, %mul3A_2181 : f32
    %sqrt3A_2184 = math.sqrt %add3A_2183 : f32
    %add3A_2185 = arith.addf %abs3A_2180, %sqrt3A_2184 : f32
    %div3A_2186 = arith.divf %sign3A_2179, %add3A_2185 : f32
    %eq3A_2187 = arith.constant 0.000000e+00 : f32
    %eq3A_2188 = arith.cmpf oeq, %mul3A_2163, %eq3A_2187 : f32
    %jit3A_2189 = arith.constant 0.000000e+00 : f32
    %select_n3A_2190 = arith.select %eq3A_2188, %jit3A_2189, %div3A_2186 : f32
    %mul3A_2191 = arith.mulf %select_n3A_2190, %select_n3A_2190 : f32
    %add3A_2192 = arith.constant 1.000000e+00 : f32
    %add3A_2193 = arith.addf %add3A_2192, %mul3A_2191 : f32
    %rsqrt3A_2194 = math.rsqrt %add3A_2193 : f32
    %mul3A_2195 = arith.mulf %select_n3A_2190, %rsqrt3A_2194 : f32
    %mul3A_2196 = arith.mulf %rsqrt3A_2194, %add3A_2031 : f32
    %mul3A_2197 = arith.mulf %mul3A_2195, %add3A_2116 : f32
    %sub3A_2198 = arith.subf %mul3A_2196, %mul3A_2197 : f32
    %mul3A_2199 = arith.mulf %mul3A_2195, %add3A_2031 : f32
    %mul3A_2200 = arith.mulf %rsqrt3A_2194, %add3A_2116 : f32
    %add3A_2201 = arith.addf %mul3A_2199, %mul3A_2200 : f32
    %mul3A_2202 = arith.mulf %rsqrt3A_2194, %add3A_2037 : f32
    %mul3A_2203 = arith.mulf %mul3A_2195, %add3A_2122 : f32
    %sub3A_2204 = arith.subf %mul3A_2202, %mul3A_2203 : f32
    %mul3A_2205 = arith.mulf %mul3A_2195, %add3A_2037 : f32
    %mul3A_2206 = arith.mulf %rsqrt3A_2194, %add3A_2122 : f32
    %add3A_2207 = arith.addf %mul3A_2205, %mul3A_2206 : f32
    %mul3A_2208 = arith.mulf %rsqrt3A_2194, %add3A_2043 : f32
    %mul3A_2209 = arith.mulf %mul3A_2195, %add3A_2128 : f32
    %sub3A_2210 = arith.subf %mul3A_2208, %mul3A_2209 : f32
    %mul3A_2211 = arith.mulf %mul3A_2195, %add3A_2043 : f32
    %mul3A_2212 = arith.mulf %rsqrt3A_2194, %add3A_2128 : f32
    %add3A_2213 = arith.addf %mul3A_2211, %mul3A_2212 : f32
    %mul3A_2214 = arith.mulf %rsqrt3A_2194, %add3A_2049 : f32
    %mul3A_2215 = arith.mulf %mul3A_2195, %add3A_2134 : f32
    %sub3A_2216 = arith.subf %mul3A_2214, %mul3A_2215 : f32
    %mul3A_2217 = arith.mulf %mul3A_2195, %add3A_2049 : f32
    %mul3A_2218 = arith.mulf %rsqrt3A_2194, %add3A_2134 : f32
    %add3A_2219 = arith.addf %mul3A_2217, %mul3A_2218 : f32
    %mul3A_2220 = arith.mulf %rsqrt3A_2194, %add3A_2055 : f32
    %mul3A_2221 = arith.mulf %mul3A_2195, %add3A_2140 : f32
    %sub3A_2222 = arith.subf %mul3A_2220, %mul3A_2221 : f32
    %mul3A_2223 = arith.mulf %mul3A_2195, %add3A_2055 : f32
    %mul3A_2224 = arith.mulf %rsqrt3A_2194, %add3A_2140 : f32
    %add3A_2225 = arith.addf %mul3A_2223, %mul3A_2224 : f32
    %mul3A_2226 = arith.mulf %rsqrt3A_2194, %add3A_2061 : f32
    %mul3A_2227 = arith.mulf %mul3A_2195, %add3A_2146 : f32
    %sub3A_2228 = arith.subf %mul3A_2226, %mul3A_2227 : f32
    %mul3A_2229 = arith.mulf %mul3A_2195, %add3A_2061 : f32
    %mul3A_2230 = arith.mulf %rsqrt3A_2194, %add3A_2146 : f32
    %add3A_2231 = arith.addf %mul3A_2229, %mul3A_2230 : f32
    %mul3A_2232 = arith.mulf %sub3A_2113, %sub3A_2113 : f32
    %mul3A_2233 = arith.mulf %sub3A_2125, %sub3A_2125 : f32
    %add3A_2234 = arith.addf %mul3A_2232, %mul3A_2233 : f32
    %mul3A_2235 = arith.mulf %sub3A_2137, %sub3A_2137 : f32
    %add3A_2236 = arith.addf %add3A_2234, %mul3A_2235 : f32
    %sqrt3A_2237 = math.sqrt %add3A_2236 : f32
    %mul3A_2238 = arith.mulf %sub3A_2198, %sub3A_2198 : f32
    %mul3A_2239 = arith.mulf %sub3A_2210, %sub3A_2210 : f32
    %add3A_2240 = arith.addf %mul3A_2238, %mul3A_2239 : f32
    %mul3A_2241 = arith.mulf %sub3A_2222, %sub3A_2222 : f32
    %add3A_2242 = arith.addf %add3A_2240, %mul3A_2241 : f32
    %sqrt3A_2243 = math.sqrt %add3A_2242 : f32
    %mul3A_2244 = arith.mulf %add3A_2201, %add3A_2201 : f32
    %mul3A_2245 = arith.mulf %add3A_2213, %add3A_2213 : f32
    %add3A_2246 = arith.addf %mul3A_2244, %mul3A_2245 : f32
    %mul3A_2247 = arith.mulf %add3A_2225, %add3A_2225 : f32
    %add3A_2248 = arith.addf %add3A_2246, %mul3A_2247 : f32
    %sqrt3A_2249 = math.sqrt %add3A_2248 : f32
    %add3A_2250 = arith.constant 1.000000e-30 : f32
    %add3A_2251 = arith.addf %sqrt3A_2237, %add3A_2250 : f32
    %div3A_2252 = arith.divf %sub3A_2113, %add3A_2251 : f32
    %add3A_2253 = arith.constant 1.000000e-30 : f32
    %add3A_2254 = arith.addf %sqrt3A_2237, %add3A_2253 : f32
    %div3A_2255 = arith.divf %sub3A_2125, %add3A_2254 : f32
    %add3A_2256 = arith.constant 1.000000e-30 : f32
    %add3A_2257 = arith.addf %sqrt3A_2237, %add3A_2256 : f32
    %div3A_2258 = arith.divf %sub3A_2137, %add3A_2257 : f32
    %add3A_2259 = arith.constant 1.000000e-30 : f32
    %add3A_2260 = arith.addf %sqrt3A_2243, %add3A_2259 : f32
    %div3A_2261 = arith.divf %sub3A_2198, %add3A_2260 : f32
    %add3A_2262 = arith.constant 1.000000e-30 : f32
    %add3A_2263 = arith.addf %sqrt3A_2243, %add3A_2262 : f32
    %div3A_2264 = arith.divf %sub3A_2210, %add3A_2263 : f32
    %add3A_2265 = arith.constant 1.000000e-30 : f32
    %add3A_2266 = arith.addf %sqrt3A_2243, %add3A_2265 : f32
    %div3A_2267 = arith.divf %sub3A_2222, %add3A_2266 : f32
    %add3A_2268 = arith.constant 1.000000e-30 : f32
    %add3A_2269 = arith.addf %sqrt3A_2249, %add3A_2268 : f32
    %div3A_2270 = arith.divf %add3A_2201, %add3A_2269 : f32
    %add3A_2271 = arith.constant 1.000000e-30 : f32
    %add3A_2272 = arith.addf %sqrt3A_2249, %add3A_2271 : f32
    %div3A_2273 = arith.divf %add3A_2213, %add3A_2272 : f32
    %add3A_2274 = arith.constant 1.000000e-30 : f32
    %add3A_2275 = arith.addf %sqrt3A_2249, %add3A_2274 : f32
    %div3A_2276 = arith.divf %add3A_2225, %add3A_2275 : f32
    %mul3A_2277 = arith.mulf %div3A_2252, %sub3A_2119 : f32
    %add3A_2278 = arith.constant 0.000000e+00 : f32
    %add3A_2279 = arith.addf %add3A_2278, %mul3A_2277 : f32
    %mul3A_2280 = arith.mulf %div3A_2261, %sub3A_2204 : f32
    %add3A_2281 = arith.addf %add3A_2279, %mul3A_2280 : f32
    %mul3A_2282 = arith.mulf %div3A_2270, %add3A_2207 : f32
    %add3A_2283 = arith.addf %add3A_2281, %mul3A_2282 : f32
    %mul3A_2284 = arith.mulf %div3A_2252, %sub3A_2131 : f32
    %add3A_2285 = arith.constant 0.000000e+00 : f32
    %add3A_2286 = arith.addf %add3A_2285, %mul3A_2284 : f32
    %mul3A_2287 = arith.mulf %div3A_2261, %sub3A_2216 : f32
    %add3A_2288 = arith.addf %add3A_2286, %mul3A_2287 : f32
    %mul3A_2289 = arith.mulf %div3A_2270, %add3A_2219 : f32
    %add3A_2290 = arith.addf %add3A_2288, %mul3A_2289 : f32
    %mul3A_2291 = arith.mulf %div3A_2252, %sub3A_2143 : f32
    %add3A_2292 = arith.constant 0.000000e+00 : f32
    %add3A_2293 = arith.addf %add3A_2292, %mul3A_2291 : f32
    %mul3A_2294 = arith.mulf %div3A_2261, %sub3A_2228 : f32
    %add3A_2295 = arith.addf %add3A_2293, %mul3A_2294 : f32
    %mul3A_2296 = arith.mulf %div3A_2270, %add3A_2231 : f32
    %add3A_2297 = arith.addf %add3A_2295, %mul3A_2296 : f32
    %mul3A_2298 = arith.mulf %div3A_2255, %sub3A_2119 : f32
    %add3A_2299 = arith.constant 0.000000e+00 : f32
    %add3A_2300 = arith.addf %add3A_2299, %mul3A_2298 : f32
    %mul3A_2301 = arith.mulf %div3A_2264, %sub3A_2204 : f32
    %add3A_2302 = arith.addf %add3A_2300, %mul3A_2301 : f32
    %mul3A_2303 = arith.mulf %div3A_2273, %add3A_2207 : f32
    %add3A_2304 = arith.addf %add3A_2302, %mul3A_2303 : f32
    %mul3A_2305 = arith.mulf %div3A_2255, %sub3A_2131 : f32
    %add3A_2306 = arith.constant 0.000000e+00 : f32
    %add3A_2307 = arith.addf %add3A_2306, %mul3A_2305 : f32
    %mul3A_2308 = arith.mulf %div3A_2264, %sub3A_2216 : f32
    %add3A_2309 = arith.addf %add3A_2307, %mul3A_2308 : f32
    %mul3A_2310 = arith.mulf %div3A_2273, %add3A_2219 : f32
    %add3A_2311 = arith.addf %add3A_2309, %mul3A_2310 : f32
    %mul3A_2312 = arith.mulf %div3A_2255, %sub3A_2143 : f32
    %add3A_2313 = arith.constant 0.000000e+00 : f32
    %add3A_2314 = arith.addf %add3A_2313, %mul3A_2312 : f32
    %mul3A_2315 = arith.mulf %div3A_2264, %sub3A_2228 : f32
    %add3A_2316 = arith.addf %add3A_2314, %mul3A_2315 : f32
    %mul3A_2317 = arith.mulf %div3A_2273, %add3A_2231 : f32
    %add3A_2318 = arith.addf %add3A_2316, %mul3A_2317 : f32
    %mul3A_2319 = arith.mulf %div3A_2258, %sub3A_2119 : f32
    %add3A_2320 = arith.constant 0.000000e+00 : f32
    %add3A_2321 = arith.addf %add3A_2320, %mul3A_2319 : f32
    %mul3A_2322 = arith.mulf %div3A_2267, %sub3A_2204 : f32
    %add3A_2323 = arith.addf %add3A_2321, %mul3A_2322 : f32
    %mul3A_2324 = arith.mulf %div3A_2276, %add3A_2207 : f32
    %add3A_2325 = arith.addf %add3A_2323, %mul3A_2324 : f32
    %mul3A_2326 = arith.mulf %div3A_2258, %sub3A_2131 : f32
    %add3A_2327 = arith.constant 0.000000e+00 : f32
    %add3A_2328 = arith.addf %add3A_2327, %mul3A_2326 : f32
    %mul3A_2329 = arith.mulf %div3A_2267, %sub3A_2216 : f32
    %add3A_2330 = arith.addf %add3A_2328, %mul3A_2329 : f32
    %mul3A_2331 = arith.mulf %div3A_2276, %add3A_2219 : f32
    %add3A_2332 = arith.addf %add3A_2330, %mul3A_2331 : f32
    %mul3A_2333 = arith.mulf %div3A_2258, %sub3A_2143 : f32
    %add3A_2334 = arith.constant 0.000000e+00 : f32
    %add3A_2335 = arith.addf %add3A_2334, %mul3A_2333 : f32
    %mul3A_2336 = arith.mulf %div3A_2267, %sub3A_2228 : f32
    %add3A_2337 = arith.addf %add3A_2335, %mul3A_2336 : f32
    %mul3A_2338 = arith.mulf %div3A_2276, %add3A_2231 : f32
    %add3A_2339 = arith.addf %add3A_2337, %mul3A_2338 : f32
    %mul3A_2340 = arith.mulf %add3A_2311, %add3A_2339 : f32
    %mul3A_2341 = arith.mulf %add3A_2318, %add3A_2332 : f32
    %sub3A_2342 = arith.subf %mul3A_2340, %mul3A_2341 : f32
    %mul3A_2343 = arith.mulf %add3A_2283, %sub3A_2342 : f32
    %mul3A_2344 = arith.mulf %add3A_2304, %add3A_2339 : f32
    %mul3A_2345 = arith.mulf %add3A_2318, %add3A_2325 : f32
    %sub3A_2346 = arith.subf %mul3A_2344, %mul3A_2345 : f32
    %mul3A_2347 = arith.mulf %add3A_2290, %sub3A_2346 : f32
    %sub3A_2348 = arith.subf %mul3A_2343, %mul3A_2347 : f32
    %mul3A_2349 = arith.mulf %add3A_2304, %add3A_2332 : f32
    %mul3A_2350 = arith.mulf %add3A_2311, %add3A_2325 : f32
    %sub3A_2351 = arith.subf %mul3A_2349, %mul3A_2350 : f32
    %mul3A_2352 = arith.mulf %add3A_2297, %sub3A_2351 : f32
    %add3A_2353 = arith.addf %sub3A_2348, %mul3A_2352 : f32
    %le3A = arith.cmpf ole, %sqrt3A_2237, %sqrt3A_2243 : f32
    %le3A_2354 = arith.cmpf ole, %sqrt3A_2237, %sqrt3A_2249 : f32
    %and3A_2355 = arith.andi %le3A, %le3A_2354 : i1
    %not3A = arith.constant true
    %not3A_2356 = arith.xori %and3A_2355, %not3A : i1
    %le3A_2357 = arith.cmpf ole, %sqrt3A_2243, %sqrt3A_2249 : f32
    %and3A_2358 = arith.andi %not3A_2356, %le3A_2357 : i1
    %select_n3A_2359 = arith.select %and3A_2358, %div3A_2261, %div3A_2270 : f32
    %select_n3A_2360 = arith.select %and3A_2355, %div3A_2252, %select_n3A_2359 : f32
    %select_n3A_2361 = arith.select %and3A_2358, %div3A_2264, %div3A_2273 : f32
    %select_n3A_2362 = arith.select %and3A_2355, %div3A_2255, %select_n3A_2361 : f32
    %select_n3A_2363 = arith.select %and3A_2358, %div3A_2267, %div3A_2276 : f32
    %select_n3A_2364 = arith.select %and3A_2355, %div3A_2258, %select_n3A_2363 : f32
    %select_n3A_2365 = arith.select %and3A_2358, %sub3A_2204, %add3A_2207 : f32
    %select_n3A_2366 = arith.select %and3A_2355, %sub3A_2119, %select_n3A_2365 : f32
    %select_n3A_2367 = arith.select %and3A_2358, %sub3A_2216, %add3A_2219 : f32
    %select_n3A_2368 = arith.select %and3A_2355, %sub3A_2131, %select_n3A_2367 : f32
    %select_n3A_2369 = arith.select %and3A_2358, %sub3A_2228, %add3A_2231 : f32
    %select_n3A_2370 = arith.select %and3A_2355, %sub3A_2143, %select_n3A_2369 : f32
    %lt3A_2371 = arith.constant 0.000000e+00 : f32
    %lt3A_2372 = arith.cmpf olt, %add3A_2353, %lt3A_2371 : f32
    %mul3A_2373 = arith.constant 2.000000e+00 : f32
    %mul3A_2374 = arith.mulf %mul3A_2373, %select_n3A_2360 : f32
    %mul3A_2375 = arith.mulf %mul3A_2374, %select_n3A_2366 : f32
    %sub3A_2376 = arith.subf %add3A_2283, %mul3A_2375 : f32
    %select_n3A_2377 = arith.select %lt3A_2372, %sub3A_2376, %add3A_2283 : f32
    %mul3A_2378 = arith.constant 2.000000e+00 : f32
    %mul3A_2379 = arith.mulf %mul3A_2378, %select_n3A_2360 : f32
    %mul3A_2380 = arith.mulf %mul3A_2379, %select_n3A_2368 : f32
    %sub3A_2381 = arith.subf %add3A_2290, %mul3A_2380 : f32
    %select_n3A_2382 = arith.select %lt3A_2372, %sub3A_2381, %add3A_2290 : f32
    %mul3A_2383 = arith.constant 2.000000e+00 : f32
    %mul3A_2384 = arith.mulf %mul3A_2383, %select_n3A_2360 : f32
    %mul3A_2385 = arith.mulf %mul3A_2384, %select_n3A_2370 : f32
    %sub3A_2386 = arith.subf %add3A_2297, %mul3A_2385 : f32
    %select_n3A_2387 = arith.select %lt3A_2372, %sub3A_2386, %add3A_2297 : f32
    %mul3A_2388 = arith.constant 2.000000e+00 : f32
    %mul3A_2389 = arith.mulf %mul3A_2388, %select_n3A_2362 : f32
    %mul3A_2390 = arith.mulf %mul3A_2389, %select_n3A_2366 : f32
    %sub3A_2391 = arith.subf %add3A_2304, %mul3A_2390 : f32
    %select_n3A_2392 = arith.select %lt3A_2372, %sub3A_2391, %add3A_2304 : f32
    %mul3A_2393 = arith.constant 2.000000e+00 : f32
    %mul3A_2394 = arith.mulf %mul3A_2393, %select_n3A_2362 : f32
    %mul3A_2395 = arith.mulf %mul3A_2394, %select_n3A_2368 : f32
    %sub3A_2396 = arith.subf %add3A_2311, %mul3A_2395 : f32
    %select_n3A_2397 = arith.select %lt3A_2372, %sub3A_2396, %add3A_2311 : f32
    %mul3A_2398 = arith.constant 2.000000e+00 : f32
    %mul3A_2399 = arith.mulf %mul3A_2398, %select_n3A_2362 : f32
    %mul3A_2400 = arith.mulf %mul3A_2399, %select_n3A_2370 : f32
    %sub3A_2401 = arith.subf %add3A_2318, %mul3A_2400 : f32
    %select_n3A_2402 = arith.select %lt3A_2372, %sub3A_2401, %add3A_2318 : f32
    %mul3A_2403 = arith.constant 2.000000e+00 : f32
    %mul3A_2404 = arith.mulf %mul3A_2403, %select_n3A_2364 : f32
    %mul3A_2405 = arith.mulf %mul3A_2404, %select_n3A_2366 : f32
    %sub3A_2406 = arith.subf %add3A_2325, %mul3A_2405 : f32
    %select_n3A_2407 = arith.select %lt3A_2372, %sub3A_2406, %add3A_2325 : f32
    %mul3A_2408 = arith.constant 2.000000e+00 : f32
    %mul3A_2409 = arith.mulf %mul3A_2408, %select_n3A_2364 : f32
    %mul3A_2410 = arith.mulf %mul3A_2409, %select_n3A_2368 : f32
    %sub3A_2411 = arith.subf %add3A_2332, %mul3A_2410 : f32
    %select_n3A_2412 = arith.select %lt3A_2372, %sub3A_2411, %add3A_2332 : f32
    %mul3A_2413 = arith.constant 2.000000e+00 : f32
    %mul3A_2414 = arith.mulf %mul3A_2413, %select_n3A_2364 : f32
    %mul3A_2415 = arith.mulf %mul3A_2414, %select_n3A_2370 : f32
    %sub3A_2416 = arith.subf %add3A_2339, %mul3A_2415 : f32
    %select_n3A_2417 = arith.select %lt3A_2372, %sub3A_2416, %add3A_2339 : f32
    %max3A = arith.maximumf %sqrt3A_2243, %sqrt3A_2249 : f32
    %max3A_2418 = arith.maximumf %sqrt3A_2237, %max3A : f32
    %min3A = arith.minimumf %sqrt3A_2243, %sqrt3A_2249 : f32
    %min3A_2419 = arith.minimumf %sqrt3A_2237, %min3A : f32
    %div3A_2420 = arith.divf %max3A_2418, %min3A_2419 : f32
    %mul3A_2421 = arith.mulf %select_n3A_2377, %reduce_sum3A_58 : f32
    %mul3A_2422 = arith.mulf %select_n3A_2382, %reduce_sum3A_64 : f32
    %add3A_2423 = arith.addf %mul3A_2421, %mul3A_2422 : f32
    %mul3A_2424 = arith.mulf %select_n3A_2387, %reduce_sum3A_70 : f32
    %add3A_2425 = arith.addf %add3A_2423, %mul3A_2424 : f32
    %sub3A_2426 = arith.subf %reduce_sum3A_76, %add3A_2425 : f32
    %mul3A_2427 = arith.mulf %select_n3A_2392, %reduce_sum3A_58 : f32
    %mul3A_2428 = arith.mulf %select_n3A_2397, %reduce_sum3A_64 : f32
    %add3A_2429 = arith.addf %mul3A_2427, %mul3A_2428 : f32
    %mul3A_2430 = arith.mulf %select_n3A_2402, %reduce_sum3A_70 : f32
    %add3A_2431 = arith.addf %add3A_2429, %mul3A_2430 : f32
    %sub3A_2432 = arith.subf %reduce_sum3A_82, %add3A_2431 : f32
    %mul3A_2433 = arith.mulf %select_n3A_2407, %reduce_sum3A_58 : f32
    %mul3A_2434 = arith.mulf %select_n3A_2412, %reduce_sum3A_64 : f32
    %add3A_2435 = arith.addf %mul3A_2433, %mul3A_2434 : f32
    %mul3A_2436 = arith.mulf %select_n3A_2417, %reduce_sum3A_70 : f32
    %add3A_2437 = arith.addf %add3A_2435, %mul3A_2436 : f32
    %sub3A_2438 = arith.subf %reduce_sum3A_88, %add3A_2437 : f32
    %convert_element_type3A_2439 = arith.extui %and3A_33 : vector<2048xi1> to vector<2048xi32>
    %convert_element_type3A_2440 = arith.sitofp %convert_element_type3A_2439 : vector<2048xi32> to vector<2048xf32>
    %reduce_sum3A_2441 = vector.shape_cast %convert_element_type3A_2440 : vector<2048xf32> to vector<1x2048xf32>
    %reduce_sum3A_2442 = arith.constant dense<0.000000e+00> : vector<1xf32>
    %reduce_sum3A_2443 = vector.multi_reduction <add>, %reduce_sum3A_2441, %reduce_sum3A_2442 [1] : vector<1x2048xf32> to vector<1xf32>
    %reduce_sum3A_2444 = vector.shape_cast %reduce_sum3A_2443 : vector<1xf32> to vector<1x1xf32>
    %reduce_sum3A_2445 = vector.extract %reduce_sum3A_2444[0, 0] : f32 from vector<1x1xf32>
    %convert_element_type3A_2446 = arith.extui %gt3A_7 : vector<2048xi1> to vector<2048xi32>
    %convert_element_type3A_2447 = arith.sitofp %convert_element_type3A_2446 : vector<2048xi32> to vector<2048xf32>
    %reduce_sum3A_2448 = vector.shape_cast %convert_element_type3A_2447 : vector<2048xf32> to vector<1x2048xf32>
    %reduce_sum3A_2449 = arith.constant dense<0.000000e+00> : vector<1xf32>
    %reduce_sum3A_2450 = vector.multi_reduction <add>, %reduce_sum3A_2448, %reduce_sum3A_2449 [1] : vector<1x2048xf32> to vector<1xf32>
    %reduce_sum3A_2451 = vector.shape_cast %reduce_sum3A_2450 : vector<1xf32> to vector<1x1xf32>
    %reduce_sum3A_2452 = vector.extract %reduce_sum3A_2451[0, 0] : f32 from vector<1x1xf32>
    %convert_element_type3A_2453 = arith.sitofp %convert_element_type3A : i32 to f32
    %stack3A = arith.constant 0.000000e+00 : f32
    %stack3A_2454 = vector.broadcast %select_n3A_2377 : f32 to vector<1xf32>
    %stack3A_2455 = vector.broadcast %select_n3A_2382 : f32 to vector<1xf32>
    %stack3A_2456 = vector.broadcast %select_n3A_2387 : f32 to vector<1xf32>
    %stack3A_2457 = vector.broadcast %select_n3A_2392 : f32 to vector<1xf32>
    %stack3A_2458 = vector.broadcast %select_n3A_2397 : f32 to vector<1xf32>
    %stack3A_2459 = vector.broadcast %select_n3A_2402 : f32 to vector<1xf32>
    %stack3A_2460 = vector.broadcast %select_n3A_2407 : f32 to vector<1xf32>
    %stack3A_2461 = vector.broadcast %select_n3A_2412 : f32 to vector<1xf32>
    %stack3A_2462 = vector.broadcast %select_n3A_2417 : f32 to vector<1xf32>
    %stack3A_2463 = vector.broadcast %sub3A_2426 : f32 to vector<1xf32>
    %stack3A_2464 = vector.broadcast %sub3A_2432 : f32 to vector<1xf32>
    %stack3A_2465 = vector.broadcast %sub3A_2438 : f32 to vector<1xf32>
    %stack3A_2466 = vector.broadcast %div3A_2420 : f32 to vector<1xf32>
    %stack3A_2467 = vector.broadcast %reduce_sum3A_2445 : f32 to vector<1xf32>
    %stack3A_2468 = vector.broadcast %reduce_sum3A_2452 : f32 to vector<1xf32>
    %stack3A_2469 = vector.broadcast %convert_element_type3A_2453 : f32 to vector<1xf32>
    %stack3A_2470 = vector.broadcast %reduce_sum3A_51 : f32 to vector<1xf32>
    %stack3A_2471 = vector.broadcast %reduce_sum3A_58 : f32 to vector<1xf32>
    %stack3A_2472 = vector.broadcast %reduce_sum3A_76 : f32 to vector<1xf32>
    %stack3A_2473 = vector.broadcast %stack3A : f32 to vector<1xf32>
    %stack3A_2474 = vector.broadcast %reduce_sum3A_129 : f32 to vector<1xf32>
    %stack3A_2475 = vector.broadcast %sqrt3A_2237 : f32 to vector<1xf32>
    %stack3A_2476 = vector.broadcast %sqrt3A_2243 : f32 to vector<1xf32>
    %stack3A_2477 = vector.broadcast %sqrt3A_2249 : f32 to vector<1xf32>
    %stack3A_2478 = vector.broadcast %add3A_2353 : f32 to vector<1xf32>
    %stack3A_2479 = tpu.concatenate %stack3A_2454, %stack3A_2455, %stack3A_2456, %stack3A_2457, %stack3A_2458, %stack3A_2459, %stack3A_2460, %stack3A_2461, %stack3A_2462, %stack3A_2463, %stack3A_2464, %stack3A_2465, %stack3A_2466, %stack3A_2467, %stack3A_2468, %stack3A_2469, %stack3A_2470, %stack3A_2471, %stack3A_2472, %stack3A_2473, %stack3A_2474, %stack3A_2475, %stack3A_2476, %stack3A_2477, %stack3A_2478 in 0 : vector<1xf32>, vector<1xf32>, vector<1xf32>, vector<1xf32>, vector<1xf32>, vector<1xf32>, vector<1xf32>, vector<1xf32>, vector<1xf32>, vector<1xf32>, vector<1xf32>, vector<1xf32>, vector<1xf32>, vector<1xf32>, vector<1xf32>, vector<1xf32>, vector<1xf32>, vector<1xf32>, vector<1xf32>, vector<1xf32>, vector<1xf32>, vector<1xf32>, vector<1xf32>, vector<1xf32>, vector<1xf32> -> vector<25xf32>
    %broadcast_in_dim3A_2480 = arith.constant 0.000000e+00 : f32
    %broadcast_in_dim3A_2481 = vector.broadcast %broadcast_in_dim3A_2480 : f32 to vector<103xf32>
    %concatenate3A = tpu.concatenate %stack3A_2479, %broadcast_in_dim3A_2481 in 0 : vector<25xf32>, vector<103xf32> -> vector<128xf32>
    %broadcast_in_dim3A_2482 = vector.shape_cast %concatenate3A : vector<128xf32> to vector<1x1x128xf32>
    %swap3A = arith.constant 0 : index
    %swap3A_2483 = arith.constant 0 : index
    %swap3A_2484 = arith.constant 0 : index
    %swap3A_2485 = vector.load %arg4[%swap3A, %swap3A_2483, %swap3A_2484] : memref<1x1x128xf32, #tpu.memory_space<vmem>>, vector<1x1x128xf32>
    tpu.vector_store %arg4[%swap3A, %swap3A_2483, %swap3A_2484], %broadcast_in_dim3A_2482 {strides = array<i32>} : memref<1x1x128xf32, #tpu.memory_space<vmem>>, vector<1x1x128xf32>,
    return
  }
  func.func @transform_0(%arg0: i32) -> (i32, i32, i32) {
    %c0_i32 = arith.constant 0 : i32
    %c0_i32_0 = arith.constant 0 : i32
    %c0_i32_1 = arith.constant 0 : i32
    return %arg0, %c0_i32, %c0_i32_0 : i32, i32, i32
  }
  func.func @transform_1(%arg0: i32) -> (i32, i32, i32) {
    %c0_i32 = arith.constant 0 : i32
    %c0_i32_0 = arith.constant 0 : i32
    %c0_i32_1 = arith.constant 0 : i32
    return %arg0, %c0_i32, %c0_i32_0 : i32, i32, i32
  }
  func.func @transform_2(%arg0: i32) -> (i32, i32) {
    %c0_i32 = arith.constant 0 : i32
    %c0_i32_0 = arith.constant 0 : i32
    %c0_i32_1 = arith.constant 0 : i32
    return %c0_i32, %c0_i32_0 : i32, i32
  }
  func.func @transform_3(%arg0: i32) -> (i32, i32, i32) {
    %c0_i32 = arith.constant 0 : i32
    %c0_i32_0 = arith.constant 0 : i32
    %c0_i32_1 = arith.constant 0 : i32
    return %arg0, %c0_i32, %c0_i32_0 : i32, i32, i32
  }
}

</mosaic_0001>

<sc_bundles>
// kernel: kernel.6.cloned.1.call-start
scs
__scs_entry_jumppad:
0x0: {  	(pc) =	sbr.rel $0x88, $3  }
0x1: {  	(tag) =	ssettag $0x0;
	lr =	simm.s32 $0x1  }
0x2: {  	[smem:$0x3F9C] =	sst lr;
	_ =	strace $0xD0000000  }
0x3: {  	_ = 	snop  }
0x4: {  	_ = 	snop  }
0x5: {  	_ = 	snop  }
0x6: {  	_ = 	snop  }
0x7: {  	_ = 	snop  }
__scs_overlays_trampoline_lowered:
0x8: {  	[smem:$0x3FAB] =	sst s0  }
0x9: {  	[smem:$0x3FAC] =	sst s1  }
0xa: {  	[smem:$0x3FAD] =	sst s2  }
0xb: {  	[smem:$0x3FAE] =	sst s3  }
0xc: {  	[smem:$0x3FAF] =	sst s4  }
0xd: {  	[smem:$0x3FB0] =	sst s5  }
0xe: {  	[smem:$0x3FB1] =	sst s6  }
0xf: {  	[smem:$0x3FB2] =	sst s7  }
0x10: {  	[smem:$0x3FB3] =	sst s8  }
0x11: {  	[smem:$0x3FB4] =	sst s9;
	s0 =	simm.s32 @!p0 $0x0  }
0x12: {  	s1 =	sld [smem:$0x3F9A];
	s0 =	simm.s32 @p0 $0x1  }
0x13: {  	[smem:$0x3FB5] =	sst s0;
	s0 =	simm.s32 @!p1 $0x0  }
0x14: {  	s2 =	sld [smem:$0x3F99];
	s0 =	simm.s32 @p1 $0x1  }
0x15: {  	[smem:$0x3FB6] =	sst s0;
	s0 =	simm.s32 @!p2 $0x0  }
0x16: {  	s3 =	sld [smem:$0x3FDB];
	s0 =	simm.s32 @p2 $0x1  }
0x17: {  	s4 =	simm.s32 $0x1BF5;
	[smem:$0x3FB8] =	sst s0  }
0x18: {  	s0 =	sld [smem:$0x3F9B];
	_ =	swait.ge [sflag:s4], $0x0  }
0x19: {  	s7 =	sld [smem:$0x3F9C]  }
0x1a: {  	s8 =	sadd.s32 $0xFFFFE003, lr  }
0x1b: {  	s9 =	sadd.s32 $0xFFFFFEF7, lr;
	s5 =	simm.s32 $0xFFFFFFFF;
	p2 =	slt.u32 s8, $0xFFFFF086  }
0x1c: {  	p1 =	slt.u32 s9, $0xF7A;
	s5 =	simm.s32 @!p2 $0x0  }
0x1d: {  	s5 =	simm.s32 @p1 $0x1;
	p0 =	seq.s32 s7, s2  }
0x1e: {  	s7 =	smul.u32 @!p0 $0xF7A, s2;
	p2 =	seq.s32 @!p0 s5, $0x0  }
0x1f: {  	s9 =	smul.u32 $0xF7A, s1;
	s8 =	simm.s32 @!p0 $0x1BF5;
	p2 =	por !p2, p0  }
0x20: {  	[sflag:s8] =	ssyncset.s32 @!p0 $0xFFFFF086;
	s6 =	sadd.s32 @!p0 s3, s7;
	s7 =	simm.s32 @!p0 $0x108  }
0x21: {  	s3 =	sadd.s32 s3, s9;
	s6 =	sadd.s32 @!p0 $0x88, s6;
	s7 =	simm.s32 @p2 $0x1082  }
0x22: {  	[simem:s7], [sflag:s8] =	dma.local @!p0 [hbm:s6], $0xF7A  }
0x23: {  	s9 =	sor.u32 $0xD0000000, s2;
	s6 =	simm.s32 $0x108;
	_ =	swait.ge @!p0 [sflag:s8], $0x0  }
0x24: {  	s3 =	sadd.s32 $0x88, s3;
	s6 =	simm.s32 @!p1 $0x1082;
	[sflag:s4] =	ssyncset.s32 $0xFFFFF086  }
0x25: {  	[simem:s6], [sflag:s4] =	dma.local [hbm:s3], $0xF7A  }
0x26: {  	[smem:$0x3F9C] =	sst s1;
	(tag) =	ssettag s2;
	_ =	strace s9  }
0x27: {  	s1 =	sld [smem:$0x3FAC]  }
0x28: {  	s2 =	sld [smem:$0x3FAD]  }
0x29: {  	s4 =	sld [smem:$0x3FAF]  }
0x2a: {  	p0 =	seq.s32 s5, $0x0;
	s5 =	sld [smem:$0x3FB0]  }
0x2b: {  	s6 =	sld [smem:$0x3FB1]  }
0x2c: {  	s7 =	sld [smem:$0x3FB2]  }
0x2d: {  	s3 =	simm.s32 $0x108;
	s8 =	sld [smem:$0x3FB3]  }
0x2e: {  	s3 =	simm.s32 @!p0 $0x1082;
	s9 =	sld [smem:$0x3FB4]  }
0x2f: {  	lr =	sadd.s32 s0, s3;
	s0 =	sld [smem:$0x3FAB]  }
0x30: {  	s3 =	sld [smem:$0x3FAE]  }
0x31: {  	[smem:$0x3FB7] =	sst s10  }
0x32: {  	s10 =	sld [smem:$0x3FB5];
	_ =	sdelay $0x3  }
0x33: {  	p0 =	seq.s32 s10, $0x1;
	s10 =	sld [smem:$0x3FB7];
	_ =	sdelay $0x3  }
0x34: {  	[smem:$0x3FB7] =	sst s10  }
0x35: {  	s10 =	sld [smem:$0x3FB6];
	_ =	sdelay $0x3  }
0x36: {  	p1 =	seq.s32 s10, $0x1;
	s10 =	sld [smem:$0x3FB7];
	_ =	sdelay $0x3  }
0x37: {  	[smem:$0x3FB7] =	sst s10  }
0x38: {  	s10 =	sld [smem:$0x3FB8]  }
0x39: {  	_ = 	snop;
	(pc) =	sbr.ind lr, $3  }
0x3a: {  	_ = 	snop  }
0x3b: {  	_ = 	snop  }
0x3c: {  	p2 =	seq.s32 s10, $0x1;
	s10 =	sld [smem:$0x3FB7]  }
0x3d: {  	_ =	shalt  }
0x3e: {  	_ =	shalt  }
0x3f: {  	_ =	shalt  }
0x40: {  	_ =	shalt  }
0x41: {  	_ =	shalt  }
0x42: {  	_ =	shalt  }
0x43: {  	_ =	shalt  }
0x44: {  	_ =	shalt  }
0x45: {  	_ =	shalt  }
0x46: {  	_ =	shalt  }
0x47: {  	_ =	shalt  }
0x48: {  	_ =	shalt  }
0x49: {  	_ =	shalt  }
0x4a: {  	_ =	shalt  }
0x4b: {  	_ =	shalt  }
0x4c: {  	_ =	shalt  }
0x4d: {  	_ =	shalt  }
0x4e: {  	_ =	shalt  }
0x4f: {  	_ =	shalt  }
0x50: {  	_ =	shalt  }
0x51: {  	_ =	shalt  }
0x52: {  	_ =	shalt  }
0x53: {  	_ =	shalt  }
0x54: {  	_ =	shalt  }
0x55: {  	_ =	shalt  }
0x56: {  	_ =	shalt  }
0x57: {  	_ =	shalt  }
0x58: {  	_ =	shalt  }
0x59: {  	_ =	shalt  }
0x5a: {  	_ =	shalt  }
0x5b: {  	_ =	shalt  }
0x5c: {  	_ =	shalt  }
0x5d: {  	_ =	shalt  }
0x5e: {  	_ =	shalt  }
0x5f: {  	_ =	shalt  }
0x60: {  	_ =	shalt  }
0x61: {  	_ =	shalt  }
0x62: {  	_ =	shalt  }
0x63: {  	_ =	shalt  }
0x64: {  	_ =	shalt  }
0x65: {  	_ =	shalt  }
0x66: {  	_ =	shalt  }
0x67: {  	_ =	shalt  }
0x68: {  	_ =	shalt  }
0x69: {  	_ =	shalt  }
0x6a: {  	_ =	shalt  }
0x6b: {  	_ =	shalt  }
0x6c: {  	_ =	shalt  }
0x6d: {  	_ =	shalt  }
0x6e: {  	_ =	shalt  }
0x6f: {  	_ =	shalt  }
0x70: {  	_ =	shalt  }
0x71: {  	_ =	shalt  }
0x72: {  	_ =	shalt  }
0x73: {  	_ =	shalt  }
0x74: {  	_ =	shalt  }
0x75: {  	_ =	shalt  }
0x76: {  	_ =	shalt  }
0x77: {  	_ =	shalt  }
0x78: {  	_ =	shalt  }
0x79: {  	_ =	shalt  }
0x7a: {  	_ =	shalt  }
0x7b: {  	_ =	shalt  }
0x7c: {  	_ =	shalt  }
0x7d: {  	_ =	shalt  }
0x7e: {  	_ =	shalt  }
0x7f: {  	_ =	shalt  }
0x80: {  	_ =	shalt  }
0x81: {  	_ =	shalt  }
0x82: {  	_ =	shalt  }
0x83: {  	_ =	shalt  }
0x84: {  	_ =	shalt  }
0x85: {  	_ =	shalt  }
0x86: {  	_ =	shalt  }
0x87: {  	_ =	shalt  }
.Lfunc_end0:
.L_simem_size_0:
called_computation.1_lowered:
.L_overlay_start_0:
0x88: {  	s2 =	sld [smem:$0x3FD9]  }
0x89: {  	s3 =	sld [smem:$0x3FFE];
	_ =	sdelay $0x1  }
0x8a: {  	s1 =	srdreg.scid  }
0x8b: {  	s0 =	sand.u32 $0x1, s1  }
0x8c: {  	s16 =	sshll.u32 s0, $0xA;
	s2 =	sadd.s32 s3, s2  }
0x8d: {  	s2 =	sadd.s32 s2, s16  }
0x8e: {  	[smem:$0x3FC3] =	sst s2  }
0x8f: {  	_ = 	snop  }
0x90: {  	(tm) =	ssettm $0x1  }
0x91: {  	s17 =	sld [smem:$0x3FFB];
	_ =	sdelay $0x3  }
0x92: {  	_ =	strace s17  }
0x93: {  	s2 =	sld [smem:$0x3FFC];
	_ =	sdelay $0x3  }
0x94: {  	_ =	strace s2  }
0x95: {  	s2 =	sld [smem:$0x3FFD];
	_ =	sdelay $0x3  }
0x96: {  	_ =	strace s2  }
0x97: {  	_ =	strace $0x8FFFFFFF  }
0x98: {  	s18 =	sld [smem:$0x3FDB];
	_ =	sdelay $0x1  }
0x99: {  	s19 =	simm.s32 $_scs_section_size  }
0x9a: {  	s4 =	simm.s32 $_size__tile_overlayer_lowered;
	s5 =	simm.s32 $_tile_overlayer_lowered  }
0x9b: {  	s22 =	simm.s32 $0x1BFF;
	s21 =	sshll.u32 s5, $0x1;
	s2 =	sadd.s32 s19, s18  }
0x9c: {  	s6 =	simm.s32 $0x0;
	s20 =	sshll.u32 s4, $0x1;
	s4 =	sadd.s32 s21, s2  }
0x9d: {  	[timem:s6], [sflag:s22] =	dma.local [hbm:s4], s20  }
0x9e: {  	_ =	swait.ge [sflag:s22], s20  }
0x9f: {  	s3 =	ssub.s32 $0x0, s20;
	[sflag:s22] =	ssyncset.done $0x0  }
0xa0: {  	[sflag:s22] =	ssyncadd.s32 s3;
	_ =	sdelay $0x1  }
0xa1: {  	s23 =	simm.s32 $0x1B8B  }
0xa2: {  	_ =	swait.ge [sflag:s23], $0x1  }
0xa3: {  	[sflag:s23] =	ssyncset.done $0x0  }
0xa4: {  	s25 =	simm.s32 $0x1B8E;
	s24 =	sld [smem:$0x3FFE];
	[sflag:s23] =	ssyncadd.s32 $0xFFFFFFFF  }
0xa5: {  	s26 =	simm.s32 $execute0_lowered;
	[smem:$0x3FD2] =	sst s25  }
0xa6: {  	s4 =	sshll.u32 s26, $0x1;
	_ =	strace $0x80000049;
	[dreg:$0x1] =	wrdreg $0xFFFFFFFF  }
0xa7: {  	s28 =	simm.s32 $_size_execute0_lowered;
	s2 =	sadd.s32 s2, s4;
	[dreg:$0x0] =	wrdreg $0x0  }
0xa8: {  	s4 =	sshll.u32 s28, $0x1;
	[dreg:$0x2] =	wrdreg s2  }
0xa9: {  	[dreg:$0x3] =	wrdreg s4  }
0xaa: {  	[dreg:$0x4] =	wrdreg $0xC0  }
0xab: {  	_ =	task [dreg:s6], $0x5FFFF  }
0xac: {  	[dreg:$0x1] =	wrdreg $0xFFFFFFFF  }
0xad: {  	[dreg:$0x0] =	wrdreg $0x60  }
0xae: {  	[dreg:$0x2] =	wrdreg s24  }
0xaf: {  	[dreg:$0x3] =	wrdreg $0x9  }
0xb0: {  	_ =	task.clear_ibuf [dreg:s6], $0x4FFFF;
	_ =	strace $0x90000049  }
0xb1: {  	s29 =	simm.s32 $0x9;
	_ =	strace $0x8000004B  }
0xb2: {  	_ =	swait.ge [sflag:s29], $0x1  }
0xb3: {  	[sflag:s29] =	ssyncadd.s32 $0xFFFFFFFF  }
0xb4: {  	_ =	strace $0x9000004B  }
0xb5: {  	_ =	sfence  }
0xb6: {  	s30 =	sld [smem:$0x0];
	_ =	sdelay $0x2  }
0xb7: {  	s31 =	sshll.u32 s1, $0xD;
	s1 =	sshrl.u32 s1, $0x2  }
0xb8: {  	s3 =	sand.u32 $0x4000, s31;
	s1 =	sadd.s32 s1, s30  }
0xb9: {  	s0 =	sor.u32 s3, s0;
	s1 =	sshll.u32 s1, $0x11  }
0xba: {  	s0 =	sor.u32 s1, s0  }
0xbb: {  	s0 =	sadd.s32 $0x8F2B, s0  }
0xbc: {  	[sflag:s0] =	ssyncadd.remote.s32 $0x1  }
0xbd: {  	_ =	sfence.sel $0xFFFF  }
0xbe: {  	[dreg:$0x0] =	wrdreg $0xFFFFFFFF;
	(pc) =	sbr.abs _section_cstart, $3  }
0xbf: {  	[dreg:$0x1] =	wrdreg $0xFFFFFFFF  }
0xc0: {  	_ =	task.clear_ibuf [dreg:s6], $0x2FFFF;
	_ =	strace $0x9FFFFFFF  }
0xc1: {  	(tm) =	ssettm $0x7FFFFFFF  }
tec
execute0_lowered:
.L_overlay_start_1:
0x0: {  	(tag) =	ssettag $0x1  }
0x1: {  	s1 =	srdreg.scid  }
0x2: {  	s0 =	stileid.u32;
	s3 =	rddreg [dreg:$0x0];
	s2 =	simm.s32 $0x0  }
0x3: {  	s9 =	simm.s32 $0x400;
	s4 =	sand.u32 $0x1, s1;
	s1 =	rddreg [dreg:$0x1]  }
0x4: {  	s5 =	sshll.u32 s0, $0x1;
	[smem:$0x7FF] =	sst s2;
	s7 =	sshll.u32 s0, $0xE  }
0x5: {  	s5 =	sor.u32 s4, s5;
	_ =	strace $0x8000004A;
	s7 =	sand.u32 $0x30000, s7  }
0x6: {  	s4 =	ssub.s32 $0x2, s4;
	s6 =	sshll.u32 s5, $0x11;
	s5 =	sshll.u32 s5, $0x4  }
0x7: {  	s7 =	sadd.s32 s7, s3;
	s30 =	sshrl.u32 s4, $0x1;
	s6 =	sadd.s32 s6, s3  }
0x8: {  	s5 =	sand.u32 $0x70, s5;
	s8 =	ssub.s32 s4, s30;
	s3 =	sadd.s32 $0x1000, s6  }
0x9: {  	v1 =	vlaneseq.u32;
	s31 =	sadd.s32 s5, s7;
	s5 =	smax.u32 s8, $0x1;
	s6 =	simm.s32 $0x1  }
0xa: {  	v0 =	vimm.s32 $0x0;
	v2 =	vimm.s32 $0x1;
	v1 =	vmul.u32 $0x1000, v1;
	s7 =	simm.s32 $0x4000;
	s8 =	simm.s32 $0x80;
	s4 =	sadd.s32 $0x401000, s31  }
.LBB2_1:
0xb: {  	s10 =	simm.s32 $0x40;
	s11 =	simm.s32 $0x0  }
.LBB2_2:
0xc: {  	p0 =	sne.s32 s10, $0x3FFC0;
	[tilespmem:s11+$0x4000] =	vst v0;
	s11 =	smov.u32 s10;
	s10 =	sadd.s32 $0x40, s10  }
.Ltmp0:
0xd: {  	(pc) =	sbr.rel @p0 .LBB2_2-.Ltmp0, $2  }
0xe: {  	_ =	sdelay $0x2  }
0xf: {  	s11 =	sshra.s32 s11, $0x2  }
0x10: {  	[tilespmem:s11+$0x4000] =	vst v0;
	s10 =	simm.s32 $0x0;
	s11 =	simm.s32 $0x0  }
.LBB2_4:
0x11: {  	s12 =	sshll.u32 s11, $0xB  }
0x12: {  	s12 =	sadd.s32 s12, s3  }
0x13: {  	[tilespmem:s10], [sflag:$0x1] =	stream.linear.gather [hbm4b:s12+s10], $0x4000, $0x38;
	[tilespmem:$0x14000] =	vst v63  }
0x14: {  	_ =	swait.ge [sflag:s6], $0x4000  }
0x15: {  	[sflag:s6] =	ssyncset.done $0x0  }
0x16: {  	s12 =	simm.s32 $0x0;
	[sflag:s6] =	ssyncadd.s32 $0xFFFFC000  }
.LBB2_5:
0x17: {  	s13 =	sshra.s32 s12, $0x2  }
0x18: {  	v3 =	vld [tilespmem:s13+$0x0];
	_ =	sdelay $0x4  }
0x19: {  	v3 =	vmul.f32 $4.096000000e+03, v3;
	_ =	sdelay $0x1  }
0x1a: {  	v3 =	vtrunc.f32 v3  }
0x1b: {  	v3 =	vcvt.f32.s32 v3;
	_ =	sdelay $0x1  }
0x1c: {  	v3 =	vadd.s32 v1, v3;
	_ =	sdelay $0x4  }
0x1d: {  	[tilespmem:v3+s7+$0x0] =	vst.idx.add.s32.msk $0xffff, v2  }
0x1e: {  	v3 =	vld [tilespmem:s13+$0x10];
	_ =	sdelay $0x4  }
0x1f: {  	v3 =	vmul.f32 $4.096000000e+03, v3;
	_ =	sdelay $0x1  }
0x20: {  	v3 =	vtrunc.f32 v3  }
0x21: {  	v3 =	vcvt.f32.s32 v3;
	_ =	sdelay $0x1  }
0x22: {  	v3 =	vadd.s32 v1, v3;
	_ =	sdelay $0x4  }
0x23: {  	[tilespmem:v3+s7+$0x0] =	vst.idx.add.s32.msk $0xffff, v2  }
0x24: {  	v3 =	vld [tilespmem:s13+$0x20];
	_ =	sdelay $0x4  }
0x25: {  	v3 =	vmul.f32 $4.096000000e+03, v3;
	_ =	sdelay $0x1  }
0x26: {  	v3 =	vtrunc.f32 v3  }
0x27: {  	v3 =	vcvt.f32.s32 v3;
	_ =	sdelay $0x1  }
0x28: {  	v3 =	vadd.s32 v1, v3;
	_ =	sdelay $0x4  }
0x29: {  	[tilespmem:v3+s7+$0x0] =	vst.idx.add.s32.msk $0xffff, v2  }
0x2a: {  	v3 =	vld [tilespmem:s13+$0x30];
	_ =	sdelay $0x4  }
0x2b: {  	v3 =	vmul.f32 $4.096000000e+03, v3;
	_ =	sdelay $0x1  }
0x2c: {  	v3 =	vtrunc.f32 v3  }
0x2d: {  	v3 =	vcvt.f32.s32 v3;
	_ =	sdelay $0x1  }
0x2e: {  	p0 =	sne.s32 s12, $0xFF00;
	v3 =	vadd.s32 v1, v3  }
.Ltmp1:
0x2f: {  	_ = 	snop;
	(pc) =	sbr.rel @p0 .LBB2_5-.Ltmp1, $2  }
0x30: {  	_ =	sdelay $0x2  }
0x31: {  	s12 =	sadd.s32 $0x100, s12;
	[tilespmem:v3+s7+$0x0] =	vst.idx.add.s32.msk $0xffff, v2  }
0x32: {  	s11 =	sadd.s32 $0x1, s11  }
0x33: {  	p0 =	sne.s32 s11, $0x40  }
.Ltmp2:
0x34: {  	_ = 	snop;
	(pc) =	sbr.rel @p0 .LBB2_4-.Ltmp2, $1  }
0x35: {  	_ =	sdelay $0x3  }
0x36: {  	s2 =	sadd.s32 $0x1, s2  }
0x37: {  	p0 =	sne.s32 s2, s5  }
.Ltmp3:
0x38: {  	_ = 	snop;
	(pc) =	sbr.rel @p0 .LBB2_1-.Ltmp3, $4  }
0x39: {  	[hbm4b:s4+s8] =	stream.strided.scatter [tilespmem:s7], [sflag:$0x1], $0x10000, s9, s8, $0x38;
	[tilespmem:$0x14000] =	vst v63  }
0x3a: {  	_ =	swait.ge [sflag:s6], $0x10000  }
0x3b: {  	[sflag:s6] =	ssyncset.done $0x0  }
0x3c: {  	[sflag:s6] =	ssyncadd.s32 $0xFFFF0000  }
0x3d: {  	_ =	sfence.sel $0x180000  }
0x3e: {  	[bflag:$0x0] =	sbarrier.arrive $0xFFFF  }
0x3f: {  	p0 =	sne.s32 s0, $0x0;
	_ =	strace $0x9000004A  }
0x40: {  	s0 =	sadd.s32 @!p0 $0x100000, s1;
	[bflag:$0x2] =	sbarrier.arrive $0xFFFF  }
0x41: {  	[sflag:s0] =	ssyncadd.tile.s32 @!p0 $0x1;
	_ =	shalt  }
.Lfunc_end2:
_tile_overlayer_lowered:
.L_overlay_start_2:
0x42: {  	(tag) =	ssettag $0x2  }
0x43: {  	s0 =	rddreg [dreg:$0x0];
	s2 =	stileid.u32  }
0x44: {  	s1 =	rddreg [dreg:$0x1];
	p0 =	sne.s32 s2, $0x0  }
0x45: {  	s3 =	rddreg [dreg:$0x2];
	[bflag:$0x3] =	sbarrier.arrive $0xFFFF;
	s2 =	simm.s32 @!p0 $0x1C01  }
0x46: {  	[timem:s3], [sflag:s2] =	dma.local @!p0 [hbm:s0], s1  }
0x47: {  	s0 =	simm.s32 @!p0 $0x1  }
0x48: {  	_ =	swait.ge @!p0 [sflag:s0], s1  }
0x49: {  	s1 =	ssub.s32 @!p0 $0x0, s1;
	[sflag:s0] =	ssyncset.done @!p0 $0x0  }
0x4a: {  	[sflag:s0] =	ssyncadd.s32 @!p0 s1  }
0x4b: {  	[bflag:$0x3] =	sbarrier.arrive $0xFFFF  }
0x4c: {  	_ =	shalt  }

// kernel: kernel.9.cloned.1.call-start
scs
__scs_entry_jumppad:
0x0: {  	(pc) =	sbr.rel $0x88, $3  }
0x1: {  	(tag) =	ssettag $0x0;
	lr =	simm.s32 $0x1  }
0x2: {  	[smem:$0x3F9C] =	sst lr;
	_ =	strace $0xD0000000  }
0x3: {  	_ = 	snop  }
0x4: {  	_ = 	snop  }
0x5: {  	_ = 	snop  }
0x6: {  	_ = 	snop  }
0x7: {  	_ = 	snop  }
__scs_overlays_trampoline_lowered:
0x8: {  	[smem:$0x3FAB] =	sst s0  }
0x9: {  	[smem:$0x3FAC] =	sst s1  }
0xa: {  	[smem:$0x3FAD] =	sst s2  }
0xb: {  	[smem:$0x3FAE] =	sst s3  }
0xc: {  	[smem:$0x3FAF] =	sst s4  }
0xd: {  	[smem:$0x3FB0] =	sst s5  }
0xe: {  	[smem:$0x3FB1] =	sst s6  }
0xf: {  	[smem:$0x3FB2] =	sst s7  }
0x10: {  	[smem:$0x3FB3] =	sst s8  }
0x11: {  	[smem:$0x3FB4] =	sst s9;
	s0 =	simm.s32 @!p0 $0x0  }
0x12: {  	s1 =	sld [smem:$0x3F9A];
	s0 =	simm.s32 @p0 $0x1  }
0x13: {  	[smem:$0x3FB5] =	sst s0;
	s0 =	simm.s32 @!p1 $0x0  }
0x14: {  	s2 =	sld [smem:$0x3F99];
	s0 =	simm.s32 @p1 $0x1  }
0x15: {  	[smem:$0x3FB6] =	sst s0;
	s0 =	simm.s32 @!p2 $0x0  }
0x16: {  	s3 =	sld [smem:$0x3FDB];
	s0 =	simm.s32 @p2 $0x1  }
0x17: {  	s4 =	simm.s32 $0x1BF5;
	[smem:$0x3FB8] =	sst s0  }
0x18: {  	s0 =	sld [smem:$0x3F9B];
	_ =	swait.ge [sflag:s4], $0x0  }
0x19: {  	s7 =	sld [smem:$0x3F9C]  }
0x1a: {  	s8 =	sadd.s32 $0xFFFFE003, lr  }
0x1b: {  	s9 =	sadd.s32 $0xFFFFFEF7, lr;
	s5 =	simm.s32 $0xFFFFFFFF;
	p2 =	slt.u32 s8, $0xFFFFF086  }
0x1c: {  	p1 =	slt.u32 s9, $0xF7A;
	s5 =	simm.s32 @!p2 $0x0  }
0x1d: {  	s5 =	simm.s32 @p1 $0x1;
	p0 =	seq.s32 s7, s2  }
0x1e: {  	s7 =	smul.u32 @!p0 $0xF7A, s2;
	p2 =	seq.s32 @!p0 s5, $0x0  }
0x1f: {  	s9 =	smul.u32 $0xF7A, s1;
	s8 =	simm.s32 @!p0 $0x1BF5;
	p2 =	por !p2, p0  }
0x20: {  	[sflag:s8] =	ssyncset.s32 @!p0 $0xFFFFF086;
	s6 =	sadd.s32 @!p0 s3, s7;
	s7 =	simm.s32 @!p0 $0x108  }
0x21: {  	s3 =	sadd.s32 s3, s9;
	s6 =	sadd.s32 @!p0 $0x88, s6;
	s7 =	simm.s32 @p2 $0x1082  }
0x22: {  	[simem:s7], [sflag:s8] =	dma.local @!p0 [hbm:s6], $0xF7A  }
0x23: {  	s9 =	sor.u32 $0xD0000000, s2;
	s6 =	simm.s32 $0x108;
	_ =	swait.ge @!p0 [sflag:s8], $0x0  }
0x24: {  	s3 =	sadd.s32 $0x88, s3;
	s6 =	simm.s32 @!p1 $0x1082;
	[sflag:s4] =	ssyncset.s32 $0xFFFFF086  }
0x25: {  	[simem:s6], [sflag:s4] =	dma.local [hbm:s3], $0xF7A  }
0x26: {  	[smem:$0x3F9C] =	sst s1;
	(tag) =	ssettag s2;
	_ =	strace s9  }
0x27: {  	s1 =	sld [smem:$0x3FAC]  }
0x28: {  	s2 =	sld [smem:$0x3FAD]  }
0x29: {  	s4 =	sld [smem:$0x3FAF]  }
0x2a: {  	p0 =	seq.s32 s5, $0x0;
	s5 =	sld [smem:$0x3FB0]  }
0x2b: {  	s6 =	sld [smem:$0x3FB1]  }
0x2c: {  	s7 =	sld [smem:$0x3FB2]  }
0x2d: {  	s3 =	simm.s32 $0x108;
	s8 =	sld [smem:$0x3FB3]  }
0x2e: {  	s3 =	simm.s32 @!p0 $0x1082;
	s9 =	sld [smem:$0x3FB4]  }
0x2f: {  	lr =	sadd.s32 s0, s3;
	s0 =	sld [smem:$0x3FAB]  }
0x30: {  	s3 =	sld [smem:$0x3FAE]  }
0x31: {  	[smem:$0x3FB7] =	sst s10  }
0x32: {  	s10 =	sld [smem:$0x3FB5];
	_ =	sdelay $0x3  }
0x33: {  	p0 =	seq.s32 s10, $0x1;
	s10 =	sld [smem:$0x3FB7];
	_ =	sdelay $0x3  }
0x34: {  	[smem:$0x3FB7] =	sst s10  }
0x35: {  	s10 =	sld [smem:$0x3FB6];
	_ =	sdelay $0x3  }
0x36: {  	p1 =	seq.s32 s10, $0x1;
	s10 =	sld [smem:$0x3FB7];
	_ =	sdelay $0x3  }
0x37: {  	[smem:$0x3FB7] =	sst s10  }
0x38: {  	s10 =	sld [smem:$0x3FB8]  }
0x39: {  	_ = 	snop;
	(pc) =	sbr.ind lr, $3  }
0x3a: {  	_ = 	snop  }
0x3b: {  	_ = 	snop  }
0x3c: {  	p2 =	seq.s32 s10, $0x1;
	s10 =	sld [smem:$0x3FB7]  }
0x3d: {  	_ =	shalt  }
0x3e: {  	_ =	shalt  }
0x3f: {  	_ =	shalt  }
0x40: {  	_ =	shalt  }
0x41: {  	_ =	shalt  }
0x42: {  	_ =	shalt  }
0x43: {  	_ =	shalt  }
0x44: {  	_ =	shalt  }
0x45: {  	_ =	shalt  }
0x46: {  	_ =	shalt  }
0x47: {  	_ =	shalt  }
0x48: {  	_ =	shalt  }
0x49: {  	_ =	shalt  }
0x4a: {  	_ =	shalt  }
0x4b: {  	_ =	shalt  }
0x4c: {  	_ =	shalt  }
0x4d: {  	_ =	shalt  }
0x4e: {  	_ =	shalt  }
0x4f: {  	_ =	shalt  }
0x50: {  	_ =	shalt  }
0x51: {  	_ =	shalt  }
0x52: {  	_ =	shalt  }
0x53: {  	_ =	shalt  }
0x54: {  	_ =	shalt  }
0x55: {  	_ =	shalt  }
0x56: {  	_ =	shalt  }
0x57: {  	_ =	shalt  }
0x58: {  	_ =	shalt  }
0x59: {  	_ =	shalt  }
0x5a: {  	_ =	shalt  }
0x5b: {  	_ =	shalt  }
0x5c: {  	_ =	shalt  }
0x5d: {  	_ =	shalt  }
0x5e: {  	_ =	shalt  }
0x5f: {  	_ =	shalt  }
0x60: {  	_ =	shalt  }
0x61: {  	_ =	shalt  }
0x62: {  	_ =	shalt  }
0x63: {  	_ =	shalt  }
0x64: {  	_ =	shalt  }
0x65: {  	_ =	shalt  }
0x66: {  	_ =	shalt  }
0x67: {  	_ =	shalt  }
0x68: {  	_ =	shalt  }
0x69: {  	_ =	shalt  }
0x6a: {  	_ =	shalt  }
0x6b: {  	_ =	shalt  }
0x6c: {  	_ =	shalt  }
0x6d: {  	_ =	shalt  }
0x6e: {  	_ =	shalt  }
0x6f: {  	_ =	shalt  }
0x70: {  	_ =	shalt  }
0x71: {  	_ =	shalt  }
0x72: {  	_ =	shalt  }
0x73: {  	_ =	shalt  }
0x74: {  	_ =	shalt  }
0x75: {  	_ =	shalt  }
0x76: {  	_ =	shalt  }
0x77: {  	_ =	shalt  }
0x78: {  	_ =	shalt  }
0x79: {  	_ =	shalt  }
0x7a: {  	_ =	shalt  }
0x7b: {  	_ =	shalt  }
0x7c: {  	_ =	shalt  }
0x7d: {  	_ =	shalt  }
0x7e: {  	_ =	shalt  }
0x7f: {  	_ =	shalt  }
0x80: {  	_ =	shalt  }
0x81: {  	_ =	shalt  }
0x82: {  	_ =	shalt  }
0x83: {  	_ =	shalt  }
0x84: {  	_ =	shalt  }
0x85: {  	_ =	shalt  }
0x86: {  	_ =	shalt  }
0x87: {  	_ =	shalt  }
.Lfunc_end0:
.L_simem_size_0:
called_computation.2_lowered:
.L_overlay_start_0:
0x88: {  	s2 =	sld [smem:$0x3FD9]  }
0x89: {  	s3 =	sld [smem:$0x3FFE];
	_ =	sdelay $0x1  }
0x8a: {  	s1 =	srdreg.scid  }
0x8b: {  	s0 =	sand.u32 $0x1, s1  }
0x8c: {  	s14 =	sshll.u32 s0, $0xA;
	s2 =	sadd.s32 s3, s2  }
0x8d: {  	s2 =	sadd.s32 s2, s14  }
0x8e: {  	[smem:$0x3FC3] =	sst s2  }
0x8f: {  	_ = 	snop  }
0x90: {  	s2 =	sld [smem:$0x3FD0];
	_ =	sdelay $0x2  }
0x91: {  	s15 =	simm.s32 $0xA;
	s4 =	simm.s32 $0x10  }
0x92: {  	[smem:s4], [sflag:s15] =	dma.local [hbm:s2], $0x1  }
0x93: {  	_ =	swait.eq [sflag:s15], $0x1  }
0x94: {  	s16 =	sld [smem:$0x12];
	[sflag:s15] =	ssyncset.done $0x0  }
0x95: {  	s17 =	sld [smem:$0x14];
	[sflag:s15] =	ssyncadd.s32 $0xFFFFFFFF  }
0x96: {  	s18 =	sld [smem:$0x15];
	(tm) =	ssettm $0x1  }
0x97: {  	s5 =	sld [smem:$0x3FFB];
	_ =	sdelay $0x3  }
0x98: {  	_ =	strace s5  }
0x99: {  	s5 =	sld [smem:$0x3FFC];
	_ =	sdelay $0x3  }
0x9a: {  	_ =	strace s5  }
0x9b: {  	s5 =	sld [smem:$0x3FFD];
	_ =	sdelay $0x3  }
0x9c: {  	_ =	strace s5  }
0x9d: {  	_ =	strace $0x8FFFFFFF  }
0x9e: {  	s19 =	sld [smem:$0x3FDB];
	_ =	sdelay $0x1  }
0x9f: {  	s6 =	simm.s32 $_scs_section_size  }
0xa0: {  	s7 =	simm.s32 $_size__tile_overlayer_lowered;
	s8 =	simm.s32 $_tile_overlayer_lowered  }
0xa1: {  	s22 =	simm.s32 $0x1BFF;
	s21 =	sshll.u32 s8, $0x1;
	s5 =	sadd.s32 s6, s19  }
0xa2: {  	s9 =	simm.s32 $0x0;
	s20 =	sshll.u32 s7, $0x1;
	s7 =	sadd.s32 s21, s5  }
0xa3: {  	[timem:s9], [sflag:s22] =	dma.local [hbm:s7], s20  }
0xa4: {  	_ =	swait.ge [sflag:s22], s20  }
0xa5: {  	s6 =	ssub.s32 $0x0, s20;
	[sflag:s22] =	ssyncset.done $0x0  }
0xa6: {  	[sflag:s22] =	ssyncadd.s32 s6;
	_ =	sdelay $0x1  }
0xa7: {  	s23 =	simm.s32 $0x1B8B  }
0xa8: {  	_ =	swait.ge [sflag:s23], $0x1  }
0xa9: {  	[sflag:s23] =	ssyncset.done $0x0  }
0xaa: {  	s25 =	simm.s32 $0x1B8E;
	s24 =	sld [smem:$0x3FFE];
	[sflag:s23] =	ssyncadd.s32 $0xFFFFFFFF  }
0xab: {  	s26 =	simm.s32 $execute0_lowered;
	[smem:$0x3FD2] =	sst s25  }
0xac: {  	s7 =	sshll.u32 s26, $0x1;
	_ =	strace $0x8000004C;
	[dreg:$0x1] =	wrdreg $0xFFFFFFFF  }
0xad: {  	s28 =	simm.s32 $_size_execute0_lowered;
	s5 =	sadd.s32 s5, s7;
	[dreg:$0x0] =	wrdreg $0x0  }
0xae: {  	s7 =	sshll.u32 s28, $0x1;
	[dreg:$0x2] =	wrdreg s5  }
0xaf: {  	[dreg:$0x3] =	wrdreg s7  }
0xb0: {  	[dreg:$0x4] =	wrdreg $0xC0  }
0xb1: {  	_ =	task [dreg:s9], $0x5FFFF  }
0xb2: {  	[dreg:$0x1] =	wrdreg $0xFFFFFFFF  }
0xb3: {  	[dreg:$0x0] =	wrdreg $0x60  }
0xb4: {  	[dreg:$0x2] =	wrdreg s24  }
0xb5: {  	[dreg:$0x3] =	wrdreg s18  }
0xb6: {  	[dreg:$0x4] =	wrdreg s17  }
0xb7: {  	[dreg:$0x5] =	wrdreg s16  }
0xb8: {  	[dreg:$0x6] =	wrdreg $0x9  }
0xb9: {  	_ =	task.clear_ibuf [dreg:s9], $0x7FFFF;
	_ =	strace $0x9000004C  }
0xba: {  	s29 =	simm.s32 $0x9;
	_ =	strace $0x8000004E  }
0xbb: {  	_ =	swait.ge [sflag:s29], $0x1  }
0xbc: {  	[sflag:s29] =	ssyncadd.s32 $0xFFFFFFFF  }
0xbd: {  	_ =	strace $0x9000004E  }
0xbe: {  	_ =	sfence  }
0xbf: {  	s30 =	sld [smem:$0x0];
	_ =	sdelay $0x2  }
0xc0: {  	s31 =	sshll.u32 s1, $0xD;
	s1 =	sshrl.u32 s1, $0x2  }
0xc1: {  	s3 =	sand.u32 $0x4000, s31;
	s1 =	sadd.s32 s1, s30  }
0xc2: {  	s0 =	sor.u32 s3, s0;
	s1 =	sshll.u32 s1, $0x11  }
0xc3: {  	s0 =	sor.u32 s1, s0  }
0xc4: {  	s0 =	sadd.s32 $0x8F2B, s0  }
0xc5: {  	[sflag:s0] =	ssyncadd.remote.s32 $0x1  }
0xc6: {  	_ =	sfence.sel $0xFFFF  }
0xc7: {  	[dreg:$0x0] =	wrdreg $0xFFFFFFFF;
	(pc) =	sbr.abs _section_cstart, $3  }
0xc8: {  	[dreg:$0x1] =	wrdreg $0xFFFFFFFF  }
0xc9: {  	_ =	task.clear_ibuf [dreg:s9], $0x2FFFF;
	_ =	strace $0x9FFFFFFF  }
0xca: {  	(tm) =	ssettm $0x7FFFFFFF  }
0xcb: {  	_ =	shalt  }
tec
execute0_lowered:
.L_overlay_start_1:
0x0: {  	(tag) =	ssettag $0x1  }
0x1: {  	s0 =	rddreg [dreg:$0x0]  }
0x2: {  	s1 =	rddreg [dreg:$0x1]  }
0x3: {  	s5 =	rddreg [dreg:$0x2]  }
0x4: {  	s2 =	srdreg.scid;
	s16 =	stileid.u32  }
0x5: {  	s6 =	rddreg [dreg:$0x3];
	s28 =	simm.s32 $0x4000;
	s29 =	simm.s32 $0x4800  }
0x6: {  	s30 =	simm.s32 $0x5000;
	s31 =	simm.s32 $0x5800;
	s7 =	sand.u32 $0x1, s2  }
0x7: {  	s3 =	sshll.u32 s16, $0x1;
	s2 =	simm.s32 $0x0;
	s9 =	sadd.s32 $0x441000, s0  }
0x8: {  	s10 =	sadd.s32 $0x442800, s0;
	s13 =	sshrl.u32 s16, $0x1;
	s15 =	sand.u32 $0xE, s16  }
0x9: {  	s8 =	sor.u32 s7, s3;
	[smem:$0x7FF] =	sst s2;
	s3 =	sadd.s32 $0x1000, s0  }
0xa: {  	s12 =	ssub.s32 $0x2, s7;
	s14 =	smul.u32 $0x1800, s13;
	s23 =	sshll.u32 s13, $0x16  }
0xb: {  	s13 =	smul.u32 $0x300, s13;
	s1 =	sadd.s32 s1, s15;
	s22 =	sadd.s32 s5, s15  }
0xc: {  	s4 =	smul.u32 $0xE00, s8;
	_ =	strace $0x8000004D;
	[dreg:$0x5] =	wrdreg s1  }
0xd: {  	s20 =	sshll.u32 s8, $0x6;
	s21 =	sshrl.u32 s12, $0x1;
	[dreg:$0x6] =	wrdreg s22  }
0xe: {  	s22 =	sshll.u32 s8, $0x1;
	s12 =	ssub.s32 s12, s21;
	s24 =	sshrl.u32 s14, $0x3  }
0xf: {  	s25 =	sadd.s32 s9, s13;
	s17 =	sadd.s32 s10, s13;
	s4 =	sshrl.u32 s4, $0x3  }
0x10: {  	[dreg:$0x7] =	wrdreg s25;
	s26 =	sadd.s32 $0x100, s24;
	s1 =	sadd.s32 $0x200, s24  }
0x11: {  	[dreg:$0xa] =	wrdreg s17;
	s24 =	sshll.u32 s16, $0x15;
	s25 =	sshll.u32 s7, $0x14  }
0x12: {  	s11 =	sadd.s32 s4, s0;
	s0 =	sadd.s32 s20, s0;
	s15 =	sadd.s32 s9, s26  }
0x13: {  	s4 =	sshll.u32 s8, $0x14;
	s9 =	sadd.s32 s9, s1;
	[dreg:$0x8] =	wrdreg s15  }
0x14: {  	s5 =	sadd.s32 s10, s26;
	s1 =	sadd.s32 s10, s1;
	[dreg:$0x9] =	wrdreg s9  }
0x15: {  	s26 =	sor.u32 s25, s24;
	s25 =	simm.s32 $0x1;
	[dreg:$0xb] =	wrdreg s5  }
0x16: {  	s24 =	simm.s32 $0x7000;
	s18 =	sadd.s32 $0x401000, s11;
	[dreg:$0xe] =	wrdreg s1  }
0x17: {  	s19 =	sadd.s32 $0x401040, s11;
	s20 =	sadd.s32 $0x401080, s11;
	[dreg:$0xc] =	wrdreg s18  }
0x18: {  	s21 =	sadd.s32 $0x4010C0, s11;
	s17 =	sadd.s32 $0x401100, s11;
	[dreg:$0xd] =	wrdreg s19  }
0x19: {  	s7 =	ssub.s32 s26, s23;
	s1 =	simm.s32 $0x6000;
	[dreg:$0xf] =	wrdreg s20  }
0x1a: {  	s26 =	simm.s32 $0x7200;
	s5 =	simm.s32 $0x0;
	[dreg:$0x10] =	wrdreg s21  }
0x1b: {  	s18 =	sadd.s32 $0x401140, s11;
	s19 =	sadd.s32 s6, s22;
	s20 =	sadd.s32 $0x401180, s11  }
0x1c: {  	v0 =	vimm.f32 $-1.000000000e+00;
	v1 =	vimm.s32 $0x0;
	v2 =	vlaneseq.u32;
	s21 =	sadd.s32 $0x404800, s0;
	s22 =	smax.u32 s12, $0x1;
	s0 =	simm.s32 $0x6800  }
.LBB2_1:
0x1d: {  	s6 =	rddreg [dreg:$0x5];
	s8 =	simm.s32 $0x8000  }
0x1e: {  	[tilespmem:s8], [sflag:$0x1] =	stream.linear.gather [hbm4b:s6+s2], $0x10, $0x38;
	[tilespmem:$0x8180] =	vst v63  }
0x1f: {  	_ =	swait.ge [sflag:s25], $0x10  }
0x20: {  	[sflag:s25] =	ssyncset.done $0x0  }
0x21: {  	s11 =	simm.s32 $0x8080;
	s10 =	rddreg [dreg:$0x6];
	[sflag:s25] =	ssyncadd.s32 $0xFFFFFFF0  }
0x22: {  	[tilespmem:s11], [sflag:$0x1] =	stream.linear.gather [hbm4b:s10+s2], $0x10, $0x38;
	[tilespmem:$0x8180] =	vst v63  }
0x23: {  	_ =	swait.ge [sflag:s25], $0x10  }
0x24: {  	[sflag:s25] =	ssyncset.done $0x0  }
0x25: {  	s12 =	rddreg [dreg:$0x7];
	[sflag:s25] =	ssyncadd.s32 $0xFFFFFFF0  }
0x26: {  	[tilespmem:s28], [sflag:$0x1] =	stream.linear.gather [hbm4b:s12+s2], $0x800, $0x38;
	[tilespmem:$0x8180] =	vst v63  }
0x27: {  	_ =	swait.ge [sflag:s25], $0x800  }
0x28: {  	[sflag:s25] =	ssyncset.done $0x0  }
0x29: {  	s13 =	rddreg [dreg:$0x8];
	[sflag:s25] =	ssyncadd.s32 $0xFFFFF800  }
0x2a: {  	[tilespmem:s29], [sflag:$0x1] =	stream.linear.gather [hbm4b:s13+s2], $0x800, $0x38;
	[tilespmem:$0x8180] =	vst v63  }
0x2b: {  	_ =	swait.ge [sflag:s25], $0x800  }
0x2c: {  	[sflag:s25] =	ssyncset.done $0x0  }
0x2d: {  	s14 =	rddreg [dreg:$0x9];
	[sflag:s25] =	ssyncadd.s32 $0xFFFFF800  }
0x2e: {  	[tilespmem:s30], [sflag:$0x1] =	stream.linear.gather [hbm4b:s14+s2], $0x800, $0x38;
	[tilespmem:$0x8180] =	vst v63  }
0x2f: {  	_ =	swait.ge [sflag:s25], $0x800  }
0x30: {  	[sflag:s25] =	ssyncset.done $0x0  }
0x31: {  	s15 =	rddreg [dreg:$0xa];
	[sflag:s25] =	ssyncadd.s32 $0xFFFFF800  }
0x32: {  	[tilespmem:s31], [sflag:$0x1] =	stream.linear.gather [hbm4b:s15+s2], $0x800, $0x38;
	[tilespmem:$0x8180] =	vst v63  }
0x33: {  	_ =	swait.ge [sflag:s25], $0x800  }
0x34: {  	[sflag:s25] =	ssyncset.done $0x0  }
0x35: {  	s16 =	rddreg [dreg:$0xb];
	[sflag:s25] =	ssyncadd.s32 $0xFFFFF800  }
0x36: {  	[tilespmem:s1], [sflag:$0x1] =	stream.linear.gather [hbm4b:s16+s2], $0x800, $0x38;
	[tilespmem:$0x8180] =	vst v63  }
0x37: {  	_ =	swait.ge [sflag:s25], $0x800  }
0x38: {  	[sflag:s25] =	ssyncset.done $0x0  }
0x39: {  	s23 =	rddreg [dreg:$0xe];
	[sflag:s25] =	ssyncadd.s32 $0xFFFFF800  }
0x3a: {  	[tilespmem:s0], [sflag:$0x1] =	stream.linear.gather [hbm4b:s23+s2], $0x800, $0x38;
	[tilespmem:$0x8180] =	vst v63  }
0x3b: {  	_ =	swait.ge [sflag:s25], $0x800  }
0x3c: {  	[sflag:s25] =	ssyncset.done $0x0  }
0x3d: {  	s6 =	simm.s32 $0x40;
	s8 =	simm.s32 $0x0;
	[sflag:s25] =	ssyncadd.s32 $0xFFFFF800  }
.LBB2_2:
0x3e: {  	p0 =	sne.s32 s6, $0x7C0;
	[tilespmem:s8+$0x7000] =	vst v0;
	s9 =	smov.u32 s6;
	s6 =	sadd.s32 $0x40, s6  }
.Ltmp0:
0x3f: {  	[tilespmem:s8+$0x7200] =	vst v1;
	(pc) =	sbr.rel @p0 .LBB2_2-.Ltmp0, $2  }
0x40: {  	_ =	sdelay $0x2  }
0x41: {  	s8 =	sshra.s32 s9, $0x2  }
0x42: {  	[tilespmem:s8+$0x7000] =	vst v0  }
0x43: {  	[tilespmem:s8+$0x7200] =	vst v1;
	s6 =	simm.s32 $0x0  }
0x44: {  	s23 =	smov.u32 s7;
	s9 =	simm.s32 $0x0;
	s8 =	simm.s32 $0x0;
	v3 =	vld [tilespmem:$0x8080]  }
.LBB2_4:
0x45: {  	s10 =	sshll.u32 s8, $0xE  }
0x46: {  	s10 =	sor.u32 s4, s10  }
0x47: {  	s10 =	sshrl.u32 s10, $0x3  }
0x48: {  	s10 =	sadd.s32 s3, s10  }
0x49: {  	[tilespmem:s6], [sflag:$0x1] =	stream.linear.gather [hbm4b:s10+s6], $0x4000, $0x38;
	[tilespmem:$0x8180] =	vst v63  }
0x4a: {  	_ =	swait.ge [sflag:s25], $0x4000  }
0x4b: {  	[sflag:s25] =	ssyncset.done $0x0  }
0x4c: {  	s11 =	simm.s32 $0x20;
	[sflag:s25] =	ssyncadd.s32 $0xFFFFC000  }
0x4d: {  	v4 =	vld [tilespmem:s11+$0xFFFFFFE0];
	_ =	sdelay $0x4  }
0x4e: {  	vm0 =	vge.f32 v4, v3  }
0x4f: {  	v5 =	vsel vm0, $0x1, v1  }
0x50: {  	(xrf0) =	vadd.scan.msk.s32 $0xffff, v5;
	_ =	sdelay $0x2  }
0x51: {  	v5 =	vmov s9  }
0x52: {  	v5 =	vadd.s32 $0xFFFFFFFF, v5  }
0x53: {  	v5 =	vbroadcast v5, $0x0  }
0x54: {  	v6, _, _ =	vpop (xrf0)  }
0x55: {  	v5 =	vadd.s32 v6, v5;
	v6 =	vxor.u32 $0x80000000, v6  }
0x56: {  	vm1 =	vlt.s32 v5, $0x1FF;
	(xrf0) =	vmax.scan.msk.u32 $0xffff, v6  }
0x57: {  	v5 =	vnsel vm1, $0x1FF, v5;
	_ =	sdelay $0x3  }
0x58: {  	s10 =	sadd.s32 $0x0, s23  }
0x59: {  	[tilespmem:v5+s24+$0x0] =	vst.idx.msk vm0, v4;
	v4 =	vor.u32 s10, v2;
	v6, _, _ =	vpop (xrf0)  }
0x5a: {  	[tilespmem:v5+s26+$0x0] =	vst.idx.msk vm0, v4;
	(v2sf) =	vpush v6, $0xF  }
0x5b: {  	v4 =	vld [tilespmem:s11+$0xFFFFFFF0];
	_ =	sdelay $0x4  }
0x5c: {  	vm0 =	vge.f32 v4, v3  }
0x5d: {  	v5 =	vsel vm0, $0x1, v1  }
0x5e: {  	(xrf0) =	vadd.scan.msk.s32 $0xffff, v5;
	_ =	sdelay $0x5  }
0x5f: {  	v5, _, _ =	vpop (xrf0)  }
0x60: {  	v6 =	vxor.u32 $0x80000000, v5;
	s12 =	spop (v2sf)  }
0x61: {  	s14 =	sadd.s32 s12, s9;
	(xrf0) =	vmax.scan.msk.u32 $0xffff, v6  }
0x62: {  	s9 =	sadd.s32 $0x80000000, s14  }
0x63: {  	p0 =	slt.s32 s9, $0x200  }
0x64: {  	s9 =	simm.s32 @!p0 $0x200  }
0x65: {  	v6 =	vmov s9  }
0x66: {  	v6 =	vadd.s32 $0xFFFFFFFF, v6  }
0x67: {  	v6 =	vbroadcast v6, $0x0;
	v7, _, _ =	vpop (xrf0)  }
0x68: {  	(v2sf) =	vpush v7, $0xF  }
0x69: {  	v5 =	vadd.s32 v5, v6  }
0x6a: {  	vm1 =	vlt.s32 v5, $0x1FF  }
0x6b: {  	v5 =	vnsel vm1, $0x1FF, v5;
	_ =	sdelay $0x3  }
0x6c: {  	s15 =	sadd.s32 $0x10, s10  }
0x6d: {  	[tilespmem:v5+s24+$0x0] =	vst.idx.msk vm0, v4;
	v4 =	vor.u32 s15, v2  }
0x6e: {  	[tilespmem:v5+s26+$0x0] =	vst.idx.msk vm0, v4  }
0x6f: {  	v4 =	vld [tilespmem:s11+$0x0];
	_ =	sdelay $0x4  }
0x70: {  	vm0 =	vge.f32 v4, v3;
	s16 =	spop (v2sf)  }
0x71: {  	s9 =	sadd.s32 s16, s9;
	v5 =	vsel vm0, $0x1, v1  }
0x72: {  	s9 =	sadd.s32 $0x80000000, s9;
	(xrf0) =	vadd.scan.msk.s32 $0xffff, v5  }
0x73: {  	p0 =	slt.s32 s9, $0x200  }
0x74: {  	s9 =	simm.s32 @!p0 $0x200  }
0x75: {  	v5 =	vmov s9  }
0x76: {  	v5 =	vadd.s32 $0xFFFFFFFF, v5  }
0x77: {  	v5 =	vbroadcast v5, $0x0  }
0x78: {  	v6, _, _ =	vpop (xrf0)  }
0x79: {  	v5 =	vadd.s32 v6, v5  }
0x7a: {  	v6 =	vxor.u32 $0x80000000, v6;
	vm1 =	vlt.s32 v5, $0x1FF  }
0x7b: {  	(xrf0) =	vmax.scan.msk.u32 $0xffff, v6;
	v5 =	vnsel vm1, $0x1FF, v5;
	_ =	sdelay $0x3  }
0x7c: {  	s13 =	sadd.s32 $0x20, s10  }
0x7d: {  	[tilespmem:v5+s24+$0x0] =	vst.idx.msk vm0, v4;
	v4 =	vor.u32 s13, v2  }
0x7e: {  	v6, _, _ =	vpop (xrf0);
	[tilespmem:v5+s26+$0x0] =	vst.idx.msk vm0, v4  }
0x7f: {  	(v2sf) =	vpush v6, $0xF;
	v4 =	vld [tilespmem:s11+$0x10];
	_ =	sdelay $0x4  }
0x80: {  	vm0 =	vge.f32 v4, v3  }
0x81: {  	v5 =	vsel vm0, $0x1, v1  }
0x82: {  	(xrf0) =	vadd.scan.msk.s32 $0xffff, v5;
	_ =	sdelay $0x5  }
0x83: {  	v5, _, _ =	vpop (xrf0)  }
0x84: {  	v6 =	vxor.u32 $0x80000000, v5  }
0x85: {  	s14 =	spop (v2sf);
	(xrf0) =	vmax.scan.msk.u32 $0xffff, v6  }
0x86: {  	s9 =	sadd.s32 s14, s9  }
0x87: {  	s11 =	sadd.s32 $0x80000000, s9  }
0x88: {  	p0 =	slt.s32 s11, $0x200  }
0x89: {  	s11 =	simm.s32 @!p0 $0x200  }
0x8a: {  	v6 =	vmov s11  }
0x8b: {  	v6 =	vadd.s32 $0xFFFFFFFF, v6;
	v7, _, _ =	vpop (xrf0)  }
0x8c: {  	v6 =	vbroadcast v6, $0x0;
	(v2sf) =	vpush v7, $0xF;
	_ =	sdelay $0x1  }
0x8d: {  	v5 =	vadd.s32 v5, v6  }
0x8e: {  	vm1 =	vlt.s32 v5, $0x1FF  }
0x8f: {  	v5 =	vnsel vm1, $0x1FF, v5;
	_ =	sdelay $0x3  }
0x90: {  	s15 =	sadd.s32 $0x30, s10  }
0x91: {  	[tilespmem:v5+s24+$0x0] =	vst.idx.msk vm0, v4;
	v4 =	vor.u32 s15, v2  }
0x92: {  	s9 =	simm.s32 $0x60;
	[tilespmem:v5+s26+$0x0] =	vst.idx.msk vm0, v4  }
0x93: {  	v4 =	vld [tilespmem:s9+$0xFFFFFFE0];
	_ =	sdelay $0x3  }
0x94: {  	s16 =	spop (v2sf)  }
0x95: {  	vm0 =	vge.f32 v4, v3;
	s10 =	sadd.s32 s16, s11  }
0x96: {  	v5 =	vsel vm0, $0x1, v1;
	s14 =	sadd.s32 $0x80000000, s10  }
0x97: {  	s11 =	simm.s32 $0x80;
	s10 =	simm.s32 $0x40;
	(xrf0) =	vadd.scan.msk.s32 $0xffff, v5;
	p1 =	slt.s32 s14, $0x200  }
.LBB2_5:
0x98: {  	p0 =	sne.s32 s11, $0x3FC0  }
0x99: {  	s14 =	simm.s32 @!p1 $0x200;
	s12 =	smov.u32 s11;
	s11 =	sadd.s32 $0x40, s11  }
0x9a: {  	v5 =	vmov s14  }
0x9b: {  	v5 =	vadd.s32 $0xFFFFFFFF, v5  }
0x9c: {  	v5 =	vbroadcast v5, $0x0  }
0x9d: {  	v6, _, _ =	vpop (xrf0)  }
0x9e: {  	v5 =	vadd.s32 v6, v5;
	v6 =	vxor.u32 $0x80000000, v6  }
0x9f: {  	vm1 =	vlt.s32 v5, $0x1FF;
	(xrf0) =	vmax.scan.msk.u32 $0xffff, v6  }
0xa0: {  	v5 =	vnsel vm1, $0x1FF, v5;
	_ =	sdelay $0x3  }
0xa1: {  	s15 =	sadd.s32 s10, s23;
	s10 =	smov.u32 s12  }
0xa2: {  	s16 =	sadd.s32 $0x10, s15;
	s13 =	sadd.s32 $0x20, s15;
	s12 =	sadd.s32 $0x30, s15;
	[tilespmem:v5+s24+$0x0] =	vst.idx.msk vm0, v4;
	v4 =	vor.u32 s15, v2;
	v6, _, _ =	vpop (xrf0)  }
0xa3: {  	[tilespmem:v5+s26+$0x0] =	vst.idx.msk vm0, v4;
	(v2sf) =	vpush v6, $0xF  }
0xa4: {  	v4 =	vld [tilespmem:s9+$0xFFFFFFF0];
	_ =	sdelay $0x4  }
0xa5: {  	vm0 =	vge.f32 v4, v3  }
0xa6: {  	v5 =	vsel vm0, $0x1, v1  }
0xa7: {  	(xrf0) =	vadd.scan.msk.s32 $0xffff, v5;
	_ =	sdelay $0x5  }
0xa8: {  	v5, _, _ =	vpop (xrf0)  }
0xa9: {  	v6 =	vxor.u32 $0x80000000, v5;
	s15 =	spop (v2sf)  }
0xaa: {  	s14 =	sadd.s32 s15, s14;
	(xrf0) =	vmax.scan.msk.u32 $0xffff, v6  }
0xab: {  	s14 =	sadd.s32 $0x80000000, s14  }
0xac: {  	p1 =	slt.s32 s14, $0x200  }
0xad: {  	s14 =	simm.s32 @!p1 $0x200  }
0xae: {  	v6 =	vmov s14  }
0xaf: {  	v6 =	vadd.s32 $0xFFFFFFFF, v6  }
0xb0: {  	v6 =	vbroadcast v6, $0x0;
	v7, _, _ =	vpop (xrf0)  }
0xb1: {  	(v2sf) =	vpush v7, $0xF  }
0xb2: {  	v5 =	vadd.s32 v5, v6  }
0xb3: {  	vm1 =	vlt.s32 v5, $0x1FF  }
0xb4: {  	v5 =	vnsel vm1, $0x1FF, v5;
	_ =	sdelay $0x4  }
0xb5: {  	[tilespmem:v5+s24+$0x0] =	vst.idx.msk vm0, v4;
	v4 =	vor.u32 s16, v2  }
0xb6: {  	[tilespmem:v5+s26+$0x0] =	vst.idx.msk vm0, v4  }
0xb7: {  	v4 =	vld [tilespmem:s9+$0x0];
	_ =	sdelay $0x4  }
0xb8: {  	vm0 =	vge.f32 v4, v3;
	s15 =	spop (v2sf)  }
0xb9: {  	s14 =	sadd.s32 s15, s14;
	v5 =	vsel vm0, $0x1, v1  }
0xba: {  	s14 =	sadd.s32 $0x80000000, s14;
	(xrf0) =	vadd.scan.msk.s32 $0xffff, v5  }
0xbb: {  	p1 =	slt.s32 s14, $0x200  }
0xbc: {  	s14 =	simm.s32 @!p1 $0x200  }
0xbd: {  	v5 =	vmov s14  }
0xbe: {  	v5 =	vadd.s32 $0xFFFFFFFF, v5  }
0xbf: {  	v5 =	vbroadcast v5, $0x0  }
0xc0: {  	v6, _, _ =	vpop (xrf0)  }
0xc1: {  	v5 =	vadd.s32 v6, v5;
	v6 =	vxor.u32 $0x80000000, v6  }
0xc2: {  	vm1 =	vlt.s32 v5, $0x1FF;
	(xrf0) =	vmax.scan.msk.u32 $0xffff, v6  }
0xc3: {  	v5 =	vnsel vm1, $0x1FF, v5;
	_ =	sdelay $0x4  }
0xc4: {  	[tilespmem:v5+s24+$0x0] =	vst.idx.msk vm0, v4;
	v4 =	vor.u32 s13, v2;
	v6, _, _ =	vpop (xrf0)  }
0xc5: {  	[tilespmem:v5+s26+$0x0] =	vst.idx.msk vm0, v4;
	(v2sf) =	vpush v6, $0xF  }
0xc6: {  	v4 =	vld [tilespmem:s9+$0x10];
	_ =	sdelay $0x4  }
0xc7: {  	vm0 =	vge.f32 v4, v3  }
0xc8: {  	v5 =	vsel vm0, $0x1, v1  }
0xc9: {  	(xrf0) =	vadd.scan.msk.s32 $0xffff, v5;
	_ =	sdelay $0x5  }
0xca: {  	v5, _, _ =	vpop (xrf0)  }
0xcb: {  	v6 =	vxor.u32 $0x80000000, v5;
	s13 =	spop (v2sf)  }
0xcc: {  	s13 =	sadd.s32 s13, s14;
	(xrf0) =	vmax.scan.msk.u32 $0xffff, v6  }
0xcd: {  	s13 =	sadd.s32 $0x80000000, s13  }
0xce: {  	p1 =	slt.s32 s13, $0x200  }
0xcf: {  	s13 =	simm.s32 @!p1 $0x200  }
0xd0: {  	v6 =	vmov s13  }
0xd1: {  	v6 =	vadd.s32 $0xFFFFFFFF, v6  }
0xd2: {  	v6 =	vbroadcast v6, $0x0;
	v7, _, _ =	vpop (xrf0)  }
0xd3: {  	(v2sf) =	vpush v7, $0xF  }
0xd4: {  	v5 =	vadd.s32 v5, v6  }
0xd5: {  	vm1 =	vlt.s32 v5, $0x1FF  }
0xd6: {  	v5 =	vnsel vm1, $0x1FF, v5;
	_ =	sdelay $0x4  }
0xd7: {  	[tilespmem:v5+s24+$0x0] =	vst.idx.msk vm0, v4;
	v4 =	vor.u32 s12, v2  }
0xd8: {  	s9 =	sadd.s32 $0x40, s9;
	[tilespmem:v5+s26+$0x0] =	vst.idx.msk vm0, v4  }
0xd9: {  	v4 =	vld [tilespmem:s9+$0xFFFFFFE0];
	_ =	sdelay $0x3  }
.Ltmp1:
0xda: {  	(pc) =	sbr.rel @p0 .LBB2_5-.Ltmp1, $4  }
0xdb: {  	vm0 =	vge.f32 v4, v3;
	s12 =	spop (v2sf)  }
0xdc: {  	v5 =	vsel vm0, $0x1, v1;
	s12 =	sadd.s32 s12, s13  }
0xdd: {  	(xrf0) =	vadd.scan.msk.s32 $0xffff, v5;
	s14 =	sadd.s32 $0x80000000, s12  }
0xde: {  	p1 =	slt.s32 s14, $0x200  }
0xdf: {  	s14 =	simm.s32 @!p1 $0x200  }
0xe0: {  	v5 =	vmov s14  }
0xe1: {  	v5 =	vadd.s32 $0xFFFFFFFF, v5  }
0xe2: {  	v5 =	vbroadcast v5, $0x0  }
0xe3: {  	v6, _, _ =	vpop (xrf0)  }
0xe4: {  	v5 =	vadd.s32 v6, v5;
	v6 =	vxor.u32 $0x80000000, v6  }
0xe5: {  	vm1 =	vlt.s32 v5, $0x1FF;
	(xrf0) =	vmax.scan.msk.u32 $0xffff, v6  }
0xe6: {  	v5 =	vnsel vm1, $0x1FF, v5;
	_ =	sdelay $0x3  }
0xe7: {  	s10 =	sadd.s32 s10, s23  }
0xe8: {  	[tilespmem:v5+s24+$0x0] =	vst.idx.msk vm0, v4;
	v4 =	vor.u32 s10, v2;
	v6, _, _ =	vpop (xrf0)  }
0xe9: {  	[tilespmem:v5+s26+$0x0] =	vst.idx.msk vm0, v4;
	(v2sf) =	vpush v6, $0xF  }
0xea: {  	v4 =	vld [tilespmem:s9+$0xFFFFFFF0];
	_ =	sdelay $0x4  }
0xeb: {  	vm10 =	vge.f32 v4, v3  }
0xec: {  	v5 =	vsel vm10, $0x1, v1  }
0xed: {  	(xrf0) =	vadd.scan.msk.s32 $0xffff, v5;
	_ =	sdelay $0x5  }
0xee: {  	v5, _, _ =	vpop (xrf0)  }
0xef: {  	v59 =	vxor.u32 $0x80000000, v5;
	s11 =	spop (v2sf)  }
0xf0: {  	s11 =	sadd.s32 s11, s14;
	(xrf0) =	vmax.scan.msk.u32 $0xffff, v59  }
0xf1: {  	s11 =	sadd.s32 $0x80000000, s11  }
0xf2: {  	p0 =	slt.s32 s11, $0x200  }
0xf3: {  	s11 =	simm.s32 @!p0 $0x200  }
0xf4: {  	v60 =	vmov s11  }
0xf5: {  	v6 =	vadd.s32 $0xFFFFFFFF, v60  }
0xf6: {  	v6 =	vbroadcast v6, $0x0;
	v7, _, _ =	vpop (xrf0)  }
0xf7: {  	(v2sf) =	vpush v7, $0xF  }
0xf8: {  	v5 =	vadd.s32 v5, v6  }
0xf9: {  	vm11 =	vlt.s32 v5, $0x1FF  }
0xfa: {  	v5 =	vnsel vm11, $0x1FF, v5;
	_ =	sdelay $0x3  }
0xfb: {  	s12 =	sadd.s32 $0x10, s10  }
0xfc: {  	[tilespmem:v5+s24+$0x0] =	vst.idx.msk vm10, v4;
	v4 =	vor.u32 s12, v2  }
0xfd: {  	[tilespmem:v5+s26+$0x0] =	vst.idx.msk vm10, v4  }
0xfe: {  	v4 =	vld [tilespmem:s9+$0x0];
	_ =	sdelay $0x4  }
0xff: {  	vm12 =	vge.f32 v4, v3;
	s13 =	spop (v2sf)  }
0x100: {  	s11 =	sadd.s32 s13, s11;
	v5 =	vsel vm12, $0x1, v1  }
0x101: {  	s11 =	sadd.s32 $0x80000000, s11;
	(xrf0) =	vadd.scan.msk.s32 $0xffff, v5  }
0x102: {  	p0 =	slt.s32 s11, $0x200  }
0x103: {  	s11 =	simm.s32 @!p0 $0x200  }
0x104: {  	v5 =	vmov s11  }
0x105: {  	v5 =	vadd.s32 $0xFFFFFFFF, v5  }
0x106: {  	v5 =	vbroadcast v5, $0x0  }
0x107: {  	v61, _, _ =	vpop (xrf0)  }
0x108: {  	v5 =	vadd.s32 v61, v5  }
0x109: {  	vm13 =	vlt.s32 v5, $0x1FF  }
0x10a: {  	v5 =	vnsel vm13, $0x1FF, v5;
	_ =	sdelay $0x3  }
0x10b: {  	s14 =	sadd.s32 $0x20, s10  }
0x10c: {  	[tilespmem:v5+s24+$0x0] =	vst.idx.msk vm12, v4;
	v4 =	vor.u32 s14, v2  }
0x10d: {  	[tilespmem:v5+s26+$0x0] =	vst.idx.msk vm12, v4  }
0x10e: {  	v4 =	vld [tilespmem:s9+$0x10];
	_ =	sdelay $0x1  }
0x10f: {  	v5 =	vxor.u32 $0x80000000, v61  }
0x110: {  	(xrf0) =	vmax.scan.msk.u32 $0xffff, v5;
	_ =	sdelay $0x1  }
0x111: {  	vm14 =	vge.f32 v4, v3  }
0x112: {  	v5 =	vsel vm14, $0x1, v1;
	_ =	sdelay $0x1  }
0x113: {  	(xrf0) =	vadd.scan.msk.s32 $0xffff, v5  }
0x114: {  	v5, _, _ =	vpop (xrf0)  }
0x115: {  	(v2sf) =	vpush v5, $0xF;
	_ =	sdelay $0x3  }
0x116: {  	v5, _, _ =	vpop (xrf0)  }
0x117: {  	v62 =	vxor.u32 $0x80000000, v5  }
0x118: {  	(xrf0) =	vmax.scan.msk.u32 $0xffff, v62;
	_ =	sdelay $0x5  }
0x119: {  	v6, _, _ =	vpop (xrf0)  }
0x11a: {  	(v2sf) =	vpush v6, $0xF;
	_ =	sdelay $0x1  }
0x11b: {  	s15 =	spop (v2sf)  }
0x11c: {  	s9 =	sadd.s32 s15, s11  }
0x11d: {  	s9 =	sadd.s32 $0x80000000, s9  }
0x11e: {  	p0 =	slt.s32 s9, $0x200  }
0x11f: {  	s9 =	simm.s32 @!p0 $0x200  }
0x120: {  	v63 =	vmov s9  }
0x121: {  	v6 =	vadd.s32 $0xFFFFFFFF, v63  }
0x122: {  	v6 =	vbroadcast v6, $0x0;
	_ =	sdelay $0x1  }
0x123: {  	v5 =	vadd.s32 v5, v6  }
0x124: {  	vm15 =	vlt.s32 v5, $0x1FF  }
0x125: {  	s8 =	sadd.s32 $0x1, s8;
	v5 =	vnsel vm15, $0x1FF, v5  }
0x126: {  	p1 =	sne.s32 s8, $0x40  }
.Ltmp2:
0x127: {  	s16 =	spop (v2sf);
	(pc) =	sbr.rel @p1 .LBB2_4-.Ltmp2, $4  }
0x128: {  	s9 =	sadd.s32 s16, s9  }
0x129: {  	s10 =	sadd.s32 $0x30, s10;
	s9 =	sadd.s32 $0x80000000, s9  }
0x12a: {  	p0 =	slt.s32 s9, $0x200;
	[tilespmem:v5+s24+$0x0] =	vst.idx.msk vm14, v4;
	v4 =	vor.u32 s10, v2  }
0x12b: {  	s23 =	sadd.s32 $0x4000, s23;
	s9 =	simm.s32 @!p0 $0x200;
	[tilespmem:v5+s26+$0x0] =	vst.idx.msk vm14, v4  }
0x12c: {  	s6 =	simm.s32 $0x0  }
0x12d: {  	v3 =	vld [tilespmem:s6+$0x7200];
	_ =	sdelay $0x4  }
0x12e: {  	v4 =	vshrl.u32 v3, $0xB;
	_ =	sdelay $0x4  }
0x12f: {  	v5 =	vld.idx.msk [tilespmem:v4+s28+$0x0], $0xffff;
	_ =	sdelay $0x4  }
0x130: {  	[tilespmem:s6+$0x7400] =	vst v5  }
0x131: {  	v5 =	vld.idx.msk [tilespmem:v4+s29+$0x0], $0xffff;
	_ =	sdelay $0x4  }
0x132: {  	[tilespmem:s6+$0x7600] =	vst v5  }
0x133: {  	v4 =	vld.idx.msk [tilespmem:v4+s30+$0x0], $0xffff  }
0x134: {  	v3 =	vand.u32 $0x7FF, v3;
	_ =	sdelay $0x3  }
0x135: {  	[tilespmem:s6+$0x7800] =	vst v4  }
0x136: {  	v4 =	vld.idx.msk [tilespmem:v3+s31+$0x0], $0xffff;
	_ =	sdelay $0x4  }
0x137: {  	[tilespmem:s6+$0x7A00] =	vst v4  }
0x138: {  	v4 =	vld.idx.msk [tilespmem:v3+s1+$0x0], $0xffff;
	_ =	sdelay $0x1  }
0x139: {  	s10 =	simm.s32 $0x10;
	s8 =	simm.s32 $0x80  }
.LBB2_8:
0x13a: {  	p0 =	sne.s32 s8, $0x7C0;
	v5 =	vld [tilespmem:s10+$0x7200];
	_ =	sdelay $0x1  }
0x13b: {  	[tilespmem:s6+$0x7C00] =	vst v4  }
0x13c: {  	v3 =	vld.idx.msk [tilespmem:v3+s0+$0x0], $0xffff;
	_ =	sdelay $0x1  }
0x13d: {  	v4 =	vshrl.u32 v5, $0xB;
	_ =	sdelay $0x3  }
0x13e: {  	[tilespmem:s6+$0x7E00] =	vst v3;
	s6 =	smov.u32 s10  }
0x13f: {  	v3 =	vld.idx.msk [tilespmem:v4+s28+$0x0], $0xffff;
	_ =	sdelay $0x5  }
0x140: {  	[tilespmem:s6+$0x7400] =	vst v3  }
0x141: {  	v3 =	vld.idx.msk [tilespmem:v4+s29+$0x0], $0xffff;
	_ =	sdelay $0x5  }
0x142: {  	[tilespmem:s6+$0x7600] =	vst v3  }
0x143: {  	v4 =	vld.idx.msk [tilespmem:v4+s30+$0x0], $0xffff;
	_ =	sdelay $0x1  }
0x144: {  	v3 =	vand.u32 $0x7FF, v5;
	_ =	sdelay $0x3  }
0x145: {  	[tilespmem:s6+$0x7800] =	vst v4  }
0x146: {  	v4 =	vld.idx.msk [tilespmem:v3+s31+$0x0], $0xffff;
	_ =	sdelay $0x5  }
.Ltmp3:
0x147: {  	[tilespmem:s6+$0x7A00] =	vst v4;
	(pc) =	sbr.rel @p0 .LBB2_8-.Ltmp3, $2  }
0x148: {  	v4 =	vld.idx.msk [tilespmem:v3+s1+$0x0], $0xffff;
	_ =	sdelay $0x2  }
0x149: {  	s10 =	sshra.s32 s8, $0x2;
	s8 =	sadd.s32 $0x40, s8  }
0x14a: {  	v5 =	vld [tilespmem:s10+$0x7200];
	_ =	sdelay $0x2  }
0x14b: {  	[tilespmem:s6+$0x7C00] =	vst v4  }
0x14c: {  	v3 =	vld.idx.msk [tilespmem:v3+s0+$0x0], $0xffff  }
0x14d: {  	v62 =	vshrl.u32 v5, $0xB;
	_ =	sdelay $0x3  }
0x14e: {  	[tilespmem:s6+$0x7E00] =	vst v3  }
0x14f: {  	v3 =	vld.idx.msk [tilespmem:v62+s28+$0x0], $0xffff;
	_ =	sdelay $0x4  }
0x150: {  	[tilespmem:s10+$0x7400] =	vst v3  }
0x151: {  	v3 =	vld.idx.msk [tilespmem:v62+s29+$0x0], $0xffff;
	_ =	sdelay $0x4  }
0x152: {  	[tilespmem:s10+$0x7600] =	vst v3  }
0x153: {  	v3 =	vld.idx.msk [tilespmem:v62+s30+$0x0], $0xffff  }
0x154: {  	v63 =	vand.u32 $0x7FF, v5;
	_ =	sdelay $0x3  }
0x155: {  	[tilespmem:s10+$0x7800] =	vst v3  }
0x156: {  	v3 =	vld.idx.msk [tilespmem:v63+s31+$0x0], $0xffff;
	_ =	sdelay $0x4  }
0x157: {  	[tilespmem:s10+$0x7A00] =	vst v3  }
0x158: {  	v3 =	vld.idx.msk [tilespmem:v63+s1+$0x0], $0xffff;
	_ =	sdelay $0x4  }
0x159: {  	[tilespmem:s10+$0x7C00] =	vst v3  }
0x15a: {  	v3 =	vld.idx.msk [tilespmem:v63+s0+$0x0], $0xffff;
	_ =	sdelay $0x4  }
0x15b: {  	s23 =	rddreg [dreg:$0xc];
	s8 =	simm.s32 $0x7400;
	[tilespmem:s10+$0x7E00] =	vst v3  }
0x15c: {  	[hbm4b:s23+s2] =	stream.linear.scatter [tilespmem:s8], [sflag:$0x1], $0x200, $0x38;
	[tilespmem:$0x8180] =	vst v63  }
0x15d: {  	_ =	swait.ge [sflag:s25], $0x200  }
0x15e: {  	[sflag:s25] =	ssyncset.done $0x0  }
0x15f: {  	s10 =	simm.s32 $0x7600;
	s8 =	rddreg [dreg:$0xd];
	[sflag:s25] =	ssyncadd.s32 $0xFFFFFE00  }
0x160: {  	[hbm4b:s8+s2] =	stream.linear.scatter [tilespmem:s10], [sflag:$0x1], $0x200, $0x38;
	[tilespmem:$0x8180] =	vst v63  }
0x161: {  	_ =	swait.ge [sflag:s25], $0x200  }
0x162: {  	[sflag:s25] =	ssyncset.done $0x0  }
0x163: {  	s12 =	simm.s32 $0x7800;
	s11 =	rddreg [dreg:$0xf];
	[sflag:s25] =	ssyncadd.s32 $0xFFFFFE00  }
0x164: {  	[hbm4b:s11+s2] =	stream.linear.scatter [tilespmem:s12], [sflag:$0x1], $0x200, $0x38;
	[tilespmem:$0x8180] =	vst v63  }
0x165: {  	_ =	swait.ge [sflag:s25], $0x200  }
0x166: {  	[sflag:s25] =	ssyncset.done $0x0  }
0x167: {  	s14 =	simm.s32 $0x7A00;
	s13 =	rddreg [dreg:$0x10];
	[sflag:s25] =	ssyncadd.s32 $0xFFFFFE00  }
0x168: {  	[hbm4b:s13+s2] =	stream.linear.scatter [tilespmem:s14], [sflag:$0x1], $0x200, $0x38;
	[tilespmem:$0x8180] =	vst v63  }
0x169: {  	_ =	swait.ge [sflag:s25], $0x200  }
0x16a: {  	[sflag:s25] =	ssyncset.done $0x0  }
0x16b: {  	s15 =	simm.s32 $0x7C00;
	[sflag:s25] =	ssyncadd.s32 $0xFFFFFE00  }
0x16c: {  	[hbm4b:s17+s2] =	stream.linear.scatter [tilespmem:s15], [sflag:$0x1], $0x200, $0x38;
	[tilespmem:$0x8180] =	vst v63  }
0x16d: {  	_ =	swait.ge [sflag:s25], $0x200  }
0x16e: {  	[sflag:s25] =	ssyncset.done $0x0  }
0x16f: {  	s16 =	simm.s32 $0x7E00;
	[sflag:s25] =	ssyncadd.s32 $0xFFFFFE00  }
0x170: {  	[hbm4b:s18+s2] =	stream.linear.scatter [tilespmem:s16], [sflag:$0x1], $0x200, $0x38;
	[tilespmem:$0x8180] =	vst v63  }
0x171: {  	_ =	swait.ge [sflag:s25], $0x200  }
0x172: {  	[sflag:s25] =	ssyncset.done $0x0  }
0x173: {  	[sflag:s25] =	ssyncadd.s32 $0xFFFFFE00  }
0x174: {  	[hbm4b:s20+s2] =	stream.linear.scatter [tilespmem:s24], [sflag:$0x1], $0x200, $0x38;
	[tilespmem:$0x8180] =	vst v63  }
0x175: {  	_ =	swait.ge [sflag:s25], $0x200  }
0x176: {  	[sflag:s25] =	ssyncset.done $0x0  }
0x177: {  	[sflag:s25] =	ssyncadd.s32 $0xFFFFFE00  }
0x178: {  	[hbm4b:s21+s2] =	stream.linear.scatter [tilespmem:s26], [sflag:$0x1], $0x200, $0x38;
	[tilespmem:$0x8180] =	vst v63  }
0x179: {  	_ =	swait.ge [sflag:s25], $0x200  }
0x17a: {  	s5 =	sadd.s32 $0x1, s5;
	[sflag:s25] =	ssyncset.done $0x0  }
0x17b: {  	p0 =	sne.s32 s5, s22;
	v3 =	vmov s9;
	[sflag:s25] =	ssyncadd.s32 $0xFFFFFE00  }
.Ltmp4:
0x17c: {  	s23 =	simm.s32 $0x8100;
	[tilespmem:$0x8100] =	vst v3;
	(pc) =	sbr.rel @p0 .LBB2_1-.Ltmp4, $4  }
0x17d: {  	[hbm4b:s19+s2] =	stream.linear.scatter [tilespmem:s23], [sflag:$0x1], $0x10, $0x38;
	[tilespmem:$0x8180] =	vst v63  }
0x17e: {  	_ =	swait.ge [sflag:s25], $0x10  }
0x17f: {  	[sflag:s25] =	ssyncset.done $0x0  }
0x180: {  	[sflag:s25] =	ssyncadd.s32 $0xFFFFFFF0  }
0x181: {  	_ =	sfence.sel $0x180000  }
0x182: {  	[bflag:$0x0] =	sbarrier.arrive $0xFFFF  }
0x183: {  	_ =	strace $0x9000004D  }
0x184: {  	s0 =	stileid.u32;
	[bflag:$0x2] =	sbarrier.arrive $0xFFFF  }
0x185: {  	p0 =	sne.s32 s0, $0x0;
	s0 =	rddreg [dreg:$0x4]  }
0x186: {  	s0 =	sadd.s32 @!p0 $0x100000, s0  }
0x187: {  	[sflag:s0] =	ssyncadd.tile.s32 @!p0 $0x1;
	_ =	shalt  }
.Lfunc_end2:
_tile_overlayer_lowered:
.L_overlay_start_2:
0x188: {  	(tag) =	ssettag $0x2  }
0x189: {  	s0 =	rddreg [dreg:$0x0];
	s2 =	stileid.u32  }
0x18a: {  	s1 =	rddreg [dreg:$0x1];
	p0 =	sne.s32 s2, $0x0  }
0x18b: {  	s3 =	rddreg [dreg:$0x2];
	[bflag:$0x3] =	sbarrier.arrive $0xFFFF;
	s2 =	simm.s32 @!p0 $0x1C01  }
0x18c: {  	[timem:s3], [sflag:s2] =	dma.local @!p0 [hbm:s0], s1  }
0x18d: {  	s0 =	simm.s32 @!p0 $0x1  }
0x18e: {  	_ =	swait.ge @!p0 [sflag:s0], s1  }
0x18f: {  	s1 =	ssub.s32 @!p0 $0x0, s1;
	[sflag:s0] =	ssyncset.done @!p0 $0x0  }
0x190: {  	[sflag:s0] =	ssyncadd.s32 @!p0 s1  }
0x191: {  	[bflag:$0x3] =	sbarrier.arrive $0xFFFF  }
0x192: {  	_ =	shalt  }

// kernel: sparse-core-data-format-call.cloned.1.call-start
scs
called_computation_lowered:
.L_overlay_start_0:
0x0: {  	s2 =	sld [smem:$0x3FD9]  }
0x1: {  	s3 =	sld [smem:$0x3FFE];
	_ =	sdelay $0x1  }
0x2: {  	s1 =	srdreg.scid  }
0x3: {  	s0 =	sand.u32 $0x1, s1  }
0x4: {  	s18 =	sshll.u32 s0, $0xA;
	s2 =	sadd.s32 s3, s2  }
0x5: {  	s2 =	sadd.s32 s2, s18  }
0x6: {  	[smem:$0x3FC3] =	sst s2  }
0x7: {  	_ = 	snop  }
0x8: {  	s2 =	sld [smem:$0x3FC9];
	(tm) =	ssettm $0x1  }
0x9: {  	s19 =	sld [smem:$0x3FFB];
	_ =	sdelay $0x3  }
0xa: {  	_ =	strace s19  }
0xb: {  	s3 =	sld [smem:$0x3FFC];
	_ =	sdelay $0x3  }
0xc: {  	_ =	strace s3  }
0xd: {  	s3 =	sld [smem:$0x3FFD];
	_ =	sdelay $0x3  }
0xe: {  	_ =	strace s3  }
0xf: {  	_ =	strace $0x8FFFFFFF  }
0x10: {  	s20 =	sld [smem:$0x3FDB];
	_ =	sdelay $0x1  }
0x11: {  	s4 =	simm.s32 $_scs_section_size  }
0x12: {  	s5 =	simm.s32 $_size__tile_overlayer_lowered;
	s6 =	simm.s32 $_tile_overlayer_lowered  }
0x13: {  	s23 =	simm.s32 $0x1BFF;
	s22 =	sshll.u32 s6, $0x1;
	s3 =	sadd.s32 s4, s20  }
0x14: {  	s7 =	simm.s32 $0x0;
	s21 =	sshll.u32 s5, $0x1;
	s5 =	sadd.s32 s22, s3  }
0x15: {  	[timem:s7], [sflag:s23] =	dma.local [hbm:s5], s21  }
0x16: {  	_ =	swait.ge [sflag:s23], s21  }
0x17: {  	s4 =	ssub.s32 $0x0, s21;
	[sflag:s23] =	ssyncset.done $0x0  }
0x18: {  	[sflag:s23] =	ssyncadd.s32 s4;
	_ =	sdelay $0x1  }
0x19: {  	s24 =	simm.s32 $0x1B8B  }
0x1a: {  	_ =	swait.ge [sflag:s24], $0x1  }
0x1b: {  	[sflag:s24] =	ssyncset.done $0x0  }
0x1c: {  	s26 =	simm.s32 $0x1B8E;
	s25 =	sld [smem:$0x3FFE];
	[sflag:s24] =	ssyncadd.s32 $0xFFFFFFFF  }
0x1d: {  	s27 =	simm.s32 $execute0_lowered;
	[smem:$0x3FD2] =	sst s26  }
0x1e: {  	s5 =	sshll.u32 s27, $0x1;
	_ =	strace $0x80000046;
	[dreg:$0x1] =	wrdreg $0xFFFFFFFF  }
0x1f: {  	s28 =	simm.s32 $_size_execute0_lowered;
	s3 =	sadd.s32 s3, s5;
	[dreg:$0x0] =	wrdreg $0x0  }
0x20: {  	s5 =	sshll.u32 s28, $0x1;
	[dreg:$0x2] =	wrdreg s3  }
0x21: {  	[dreg:$0x3] =	wrdreg s5  }
0x22: {  	[dreg:$0x4] =	wrdreg $0xC0  }
0x23: {  	_ =	task [dreg:s7], $0x5FFFF  }
0x24: {  	[dreg:$0x1] =	wrdreg $0xFFFFFFFF  }
0x25: {  	[dreg:$0x0] =	wrdreg $0x60  }
0x26: {  	[dreg:$0x2] =	wrdreg s2  }
0x27: {  	[dreg:$0x3] =	wrdreg s25  }
0x28: {  	[dreg:$0x4] =	wrdreg $0x9  }
0x29: {  	_ =	task.clear_ibuf [dreg:s7], $0x5FFFF;
	_ =	strace $0x90000046  }
0x2a: {  	s29 =	simm.s32 $0x9;
	_ =	strace $0x80000048  }
0x2b: {  	_ =	swait.ge [sflag:s29], $0x1  }
0x2c: {  	[sflag:s29] =	ssyncadd.s32 $0xFFFFFFFF  }
0x2d: {  	_ =	strace $0x90000048  }
0x2e: {  	_ =	sfence  }
0x2f: {  	s30 =	sld [smem:$0x0];
	_ =	sdelay $0x2  }
0x30: {  	s31 =	sshll.u32 s1, $0xD;
	s1 =	sshrl.u32 s1, $0x2  }
0x31: {  	s3 =	sand.u32 $0x4000, s31;
	s1 =	sadd.s32 s1, s30  }
0x32: {  	s0 =	sor.u32 s3, s0;
	s1 =	sshll.u32 s1, $0x11  }
0x33: {  	s0 =	sor.u32 s1, s0  }
0x34: {  	s0 =	sadd.s32 $0x8F2B, s0  }
0x35: {  	[sflag:s0] =	ssyncadd.remote.s32 $0x1  }
0x36: {  	_ =	sfence.sel $0xFFFF  }
0x37: {  	[dreg:$0x0] =	wrdreg $0xFFFFFFFF;
	(pc) =	sbr.abs _section_cstart, $3  }
0x38: {  	[dreg:$0x1] =	wrdreg $0xFFFFFFFF  }
0x39: {  	_ =	task.clear_ibuf [dreg:s7], $0x2FFFF;
	_ =	strace $0x9FFFFFFF  }
0x3a: {  	(tm) =	ssettm $0x7FFFFFFF  }
0x3b: {  	_ =	shalt  }
tec
execute0_lowered:
.L_overlay_start_1:
0x0: {  	(tag) =	ssettag $0x1  }
0x1: {  	s2 =	rddreg [dreg:$0x0]  }
0x2: {  	s1 =	rddreg [dreg:$0x1]  }
0x3: {  	s0 =	rddreg [dreg:$0x2];
	_ =	strace $0x80000047;
	s4 =	srdreg.scid  }
.Ltmp0:
0x4: {  	s6 =	simm.s32 $0x2;
	p0 =	por $0x0, $0x0;
	(pc) =	sbr.rel .LBB1_1-.Ltmp0, $4  }
0x5: {  	s9 =	simm.s32 $0x0;
	s3 =	sadd.s32 $0x1000, s1;
	s5 =	sshll.u32 s4, $0x4  }
0x6: {  	s1 =	stileid.u32;
	s4 =	simm.s32 $0x1;
	s5 =	sand.u32 $0x10, s5  }
0x7: {  	s7 =	simm.s32 $0x0;
	[sflag:s4] =	ssyncpa.u1 $0x0;
	s5 =	sor.u32 s1, s5  }
0x8: {  	[sflag:s6] =	ssyncpa.u1 $0x0;
	s6 =	simm.s32 $0x0;
	s8 =	smov.u32 s5  }
.LBB1_7:
0x9: {  	s11 =	sadd.s32 $0x20, s8  }
0xa: {  	p1 =	slt.u32 s7, $0x2;
	s7 =	sadd.s32 $0x1, s7;
	p2 =	sgt.s32 s11, $0x7FF  }
0xb: {  	s11 =	smov.u32 @p2 s5;
	p2 =	sne.s32 s7, $0x42  }
.Ltmp1:
0xc: {  	_ = 	snop;
	(pc) =	sbr.rel @!p2 .LBB1_8-.Ltmp1, $4  }
0xd: {  	s10 =	simm.s32 @!p1 $0x2  }
0xe: {  	_ =	swait.ge @!p1 [sflag:s10], $0x4000  }
0xf: {  	s9 =	smov.u32 s8;
	[sflag:s10] =	ssyncset.done @!p1 $0x0  }
0x10: {  	p0 =	por !p0, !p0;
	s8 =	smov.u32 s11;
	[sflag:s10] =	ssyncadd.s32 @!p1 $0xFFFFC000  }
.LBB1_1:
0x11: {  	p1 =	sgt.u32 s7, $0x3F  }
0x12: {  	s10 =	sxor.u32 @!p1 $0xFFFFFFFF, s7  }
0x13: {  	s11 =	sshll.u32 @!p1 s8, $0xB;
	s10 =	sshll.u32 @!p1 s10, $0xE  }
0x14: {  	s12 =	simm.s32 @!p1 $0x0;
	s11 =	sadd.s32 @!p1 s2, s11;
	s10 =	sand.u32 @!p1 $0x4000, s10  }
0x15: {  	[tilespmem:s10], [sflag:$0x1] =	stream.linear.gather @!p1 [hbm4b:s11+s12], $0x4000, $0x38;
	[tilespmem:$0x10000] =	vst v63  }
0x16: {  	p1 =	seq.s32 s7, $0x0  }
0x17: {  	p2 =	seq.s32 @!p1 s7, $0x41  }
0x18: {  	p1 =	por p1, p2  }
.Ltmp2:
0x19: {  	_ = 	snop;
	(pc) =	sbr.rel @p1 .LBB1_7-.Ltmp2, $1  }
0x1a: {  	_ =	sdelay $0x3  }
0x1b: {  	s10 =	simm.s32 $0x1;
	_ =	swait.ge [sflag:s4], $0x4000;
	s12 =	sshll.u32 s7, $0xE  }
0x1c: {  	s13 =	simm.s32 $0x0;
	s10 =	simm.s32 @!p0 $0x0;
	[sflag:s4] =	ssyncset.done $0x0  }
0x1d: {  	s12 =	sand.u32 $0x4000, s12;
	s11 =	sshll.u32 s10, $0xE;
	[sflag:s4] =	ssyncadd.s32 $0xFFFFC000  }
0x1e: {  	s12 =	sor.u32 $0x8000, s12;
	s10 =	sor.u32 $0x8040, s11;
	s11 =	sor.u32 $0x40, s11  }
.LBB1_3:
0x1f: {  	v0 =	vmov s11;
	_ =	sdelay $0x3  }
0x20: {  	s15 =	simm.s32 $0x0  }
0x21: {  	v6 =	vld.idx.msk [tilespmem:v0+s15+$0x30 ss:$0x1], $0xffff  }
0x22: {  	v7 =	vld.idx.msk [tilespmem:v0+s15+$0xFFFFFFC0 ss:$0x1], $0xffff  }
0x23: {  	v5 =	vld.idx.msk [tilespmem:v0+s15+$0xFFFFFFD0 ss:$0x1], $0xffff  }
0x24: {  	v4 =	vld.idx.msk [tilespmem:v0+s15+$0xFFFFFFE0 ss:$0x1], $0xffff  }
0x25: {  	v3 =	vld.idx.msk [tilespmem:v0+s15+$0xFFFFFFF0 ss:$0x1], $0xffff  }
0x26: {  	v1 =	vld.idx.msk [tilespmem:v0+s15+$0x0 ss:$0x1], $0xffff  }
0x27: {  	v2 =	vld.idx.msk [tilespmem:v0+s15+$0x10 ss:$0x1], $0xffff;
	[tilespmem:s10+$0x30] =	vst v6  }
0x28: {  	s14 =	simm.s32 $0x80;
	s16 =	simm.s32 $0x400;
	[tilespmem:s10+$0xFFFFFFC0] =	vst v7;
	v6 =	vld.idx.msk [tilespmem:v0+s15+$0x20 ss:$0x1], $0xffff;
	s15 =	smov.u32 s10  }
.LBB1_4:
0x29: {  	p1 =	sne.s32 s16, $0xE00;
	v7 =	vld.idx.msk [tilespmem:v0+s14+$0x30 ss:$0x1], $0xffff;
	[tilespmem:s15+$0xFFFFFFD0] =	vst v5  }
0x2a: {  	v8 =	vld.idx.msk [tilespmem:v0+s14+$0xFFFFFFC0 ss:$0x1], $0xffff;
	[tilespmem:s15+$0xFFFFFFE0] =	vst v4  }
0x2b: {  	v5 =	vld.idx.msk [tilespmem:v0+s14+$0xFFFFFFD0 ss:$0x1], $0xffff;
	[tilespmem:s15+$0xFFFFFFF0] =	vst v3  }
.Ltmp3:
0x2c: {  	v4 =	vld.idx.msk [tilespmem:v0+s14+$0xFFFFFFE0 ss:$0x1], $0xffff;
	[tilespmem:s15+$0x0] =	vst v1;
	(pc) =	sbr.rel @p1 .LBB1_4-.Ltmp3, $4  }
0x2d: {  	v3 =	vld.idx.msk [tilespmem:v0+s14+$0xFFFFFFF0 ss:$0x1], $0xffff;
	[tilespmem:s15+$0x10] =	vst v2  }
0x2e: {  	v1 =	vld.idx.msk [tilespmem:v0+s14+$0x0 ss:$0x1], $0xffff;
	[tilespmem:s15+$0x20] =	vst v6;
	s15 =	sadd.s32 $0x800, s15  }
0x2f: {  	v2 =	vld.idx.msk [tilespmem:v0+s14+$0x10 ss:$0x1], $0xffff;
	[tilespmem:s15+$0x30] =	vst v7  }
0x30: {  	[tilespmem:s15+$0xFFFFFFC0] =	vst v8;
	v6 =	vld.idx.msk [tilespmem:v0+s14+$0x20 ss:$0x1], $0xffff;
	s14 =	sshra.s32 s16, $0x2;
	s16 =	sadd.s32 $0x200, s16  }
0x31: {  	_ =	sdelay $0x2  }
0x32: {  	[tilespmem:s15+$0xFFFFFFD0] =	vst v5  }
0x33: {  	v56 =	vld.idx.msk [tilespmem:v0+s14+$0x30 ss:$0x1], $0xffff;
	[tilespmem:s15+$0xFFFFFFE0] =	vst v4  }
0x34: {  	v57 =	vld.idx.msk [tilespmem:v0+s14+$0xFFFFFFC0 ss:$0x1], $0xffff;
	[tilespmem:s15+$0xFFFFFFF0] =	vst v3  }
0x35: {  	v58 =	vld.idx.msk [tilespmem:v0+s14+$0xFFFFFFD0 ss:$0x1], $0xffff;
	[tilespmem:s15+$0x0] =	vst v1  }
0x36: {  	v59 =	vld.idx.msk [tilespmem:v0+s14+$0xFFFFFFE0 ss:$0x1], $0xffff;
	[tilespmem:s15+$0x10] =	vst v2  }
0x37: {  	v60 =	vld.idx.msk [tilespmem:v0+s14+$0xFFFFFFF0 ss:$0x1], $0xffff;
	s31 =	sadd.s32 $0x800, s15;
	[tilespmem:s15+$0x20] =	vst v6  }
0x38: {  	v61 =	vld.idx.msk [tilespmem:v0+s14+$0x0 ss:$0x1], $0xffff;
	[tilespmem:s31+$0x30] =	vst v56  }
0x39: {  	v62 =	vld.idx.msk [tilespmem:v0+s14+$0x10 ss:$0x1], $0xffff;
	s13 =	sadd.s32 $0x1, s13;
	[tilespmem:s31+$0xFFFFFFC0] =	vst v57  }
0x3a: {  	v63 =	vld.idx.msk [tilespmem:v0+s14+$0x20 ss:$0x1], $0xffff;
	p1 =	sne.s32 s13, $0x10;
	[tilespmem:s31+$0xFFFFFFD0] =	vst v58  }
.Ltmp4:
0x3b: {  	[tilespmem:s31+$0xFFFFFFE0] =	vst v59;
	(pc) =	sbr.rel @p1 .LBB1_3-.Ltmp4, $4  }
0x3c: {  	[tilespmem:s31+$0xFFFFFFF0] =	vst v60  }
0x3d: {  	[tilespmem:s31+$0x0] =	vst v61  }
0x3e: {  	[tilespmem:s31+$0x10] =	vst v62  }
0x3f: {  	s10 =	sadd.s32 $0x80, s10;
	s11 =	sadd.s32 $0x400, s11;
	[tilespmem:s31+$0x20] =	vst v63  }
.Ltmp5:
0x40: {  	(pc) =	sbr.rel .LBB1_7-.Ltmp5, $4  }
0x41: {  	_ = 	snop  }
0x42: {  	s9 =	sshll.u32 s9, $0xB  }
0x43: {  	s9 =	sadd.s32 s3, s9  }
0x44: {  	[hbm4b:s9+s6] =	stream.linear.scatter [tilespmem:s12], [sflag:$0x2], $0x4000, $0x38;
	[tilespmem:$0x10000] =	vst v63  }
.LBB1_8:
0x45: {  	_ =	sfence.sel $0x180000  }
0x46: {  	s2 =	simm.s32 $0x1;
	[bflag:$0x0] =	sbarrier.arrive $0xFFFF  }
0x47: {  	s31 =	simm.s32 $0x2;
	[sflag:s2] =	ssyncpa.u1 $0x1  }
0x48: {  	[sflag:s31] =	ssyncpa.u1 $0x1  }
0x49: {  	p0 =	sne.s32 s1, $0x0;
	_ =	strace $0x90000047  }
0x4a: {  	s0 =	sadd.s32 @!p0 $0x100000, s0;
	[bflag:$0x2] =	sbarrier.arrive $0xFFFF  }
0x4b: {  	[sflag:s0] =	ssyncadd.tile.s32 @!p0 $0x1;
	_ =	shalt  }
.Lfunc_end1:
_tile_overlayer_lowered:
.L_overlay_start_2:
0x4c: {  	(tag) =	ssettag $0x2  }
0x4d: {  	s0 =	rddreg [dreg:$0x0];
	s2 =	stileid.u32  }
0x4e: {  	s1 =	rddreg [dreg:$0x1];
	p0 =	sne.s32 s2, $0x0  }
0x4f: {  	s3 =	rddreg [dreg:$0x2];
	[bflag:$0x3] =	sbarrier.arrive $0xFFFF;
	s2 =	simm.s32 @!p0 $0x1C01  }
0x50: {  	[timem:s3], [sflag:s2] =	dma.local @!p0 [hbm:s0], s1  }
0x51: {  	s0 =	simm.s32 @!p0 $0x1  }
0x52: {  	_ =	swait.ge @!p0 [sflag:s0], s1  }
0x53: {  	s1 =	ssub.s32 @!p0 $0x0, s1;
	[sflag:s0] =	ssyncset.done @!p0 $0x0  }
0x54: {  	[sflag:s0] =	ssyncadd.s32 @!p0 s1  }
0x55: {  	[bflag:$0x3] =	sbarrier.arrive $0xFFFF  }
0x56: {  	_ =	shalt  }

</sc_bundles>
